<compile_context>
chip_gen: v7x
topology: tpu7x:2x2x1
jax: 0.10.2.dev20260603
libtpu: 0.0.44.dev20260713+nightly
codegen_flags: <defaults>
</compile_context>

<pallas_src>
import functools

import jax
import jax.numpy as jnp
from jax import lax
from jax.experimental import pallas as pl
from jax.experimental.pallas import tpu as pltpu
from jax.experimental.pallas import tpu_sc as plsc

EMB = 16
BATCH = 16384
NUM_CORES = 2
NUM_SUBCORES = 16
NW = NUM_CORES * NUM_SUBCORES
BPW = BATCH // NW
HALF = BPW // 2
IDXW = 128
NIDX = BPW // IDXW


def _sc_interac(x0, x1, emb1, emb2):
  mesh = plsc.VectorSubcoreMesh(core_axis_name="c", subcore_axis_name="s")

  @functools.partial(
      pl.kernel,
      mesh=mesh,
      out_type=jax.ShapeDtypeStruct((BATCH, EMB), jnp.float32),
      scratch_types=[
          pltpu.VMEM((NIDX, IDXW), jnp.int32),
          pltpu.VMEM((NIDX, IDXW), jnp.int32),
          pltpu.VMEM((HALF, EMB), jnp.float32),
          pltpu.VMEM((HALF, EMB), jnp.float32),
          pltpu.SemaphoreType.DMA,
      ],
  )
  def k(x0_hbm, x1_hbm, e1_hbm, e2_hbm, out_hbm,
        idx1_v, idx2_v, rows1_v, rows2_v, sem):
    wid = lax.axis_index("s") * NUM_CORES + lax.axis_index("c")
    base = wid * BPW

    pltpu.sync_copy(x0_hbm.at[pl.ds(wid * NIDX, NIDX)], idx1_v)
    pltpu.sync_copy(x1_hbm.at[pl.ds(wid * NIDX, NIDX)], idx2_v)

    for h in range(2):
      for c in range(2 * h, 2 * h + 2):
        def fire(g, _, c=c):
          iv1 = idx1_v[c, pl.ds(g * EMB, EMB)]
          iv2 = idx2_v[c, pl.ds(g * EMB, EMB)]
          rbase = (c - 2 * h) * IDXW + g * EMB
          for l in range(EMB):
            pltpu.async_copy(e1_hbm.at[pl.ds(iv1[l], 1)],
                             rows1_v.at[pl.ds(rbase + l, 1)], sem)
            pltpu.async_copy(e2_hbm.at[pl.ds(iv2[l], 1)],
                             rows2_v.at[pl.ds(rbase + l, 1)], sem)
          return 0
        lax.fori_loop(0, IDXW // EMB, fire, 0)

      def drain(r, _):
        pltpu.make_async_copy(
            e1_hbm.at[pl.ds(0, 1)], rows1_v.at[pl.ds(0, 1)], sem).wait()
        pltpu.make_async_copy(
            e2_hbm.at[pl.ds(0, 1)], rows2_v.at[pl.ds(0, 1)], sem).wait()
        return 0
      lax.fori_loop(0, HALF, drain, 0)

      def mul(r, _):
        rows1_v[r, :] = rows1_v[r, :] * rows2_v[r, :]
        return 0
      lax.fori_loop(0, HALF, mul, 0)

      pltpu.sync_copy(rows1_v, out_hbm.at[pl.ds(base + h * HALF, HALF)])

  return k(x0, x1, emb1, emb2)


def kernel(x, emb1, emb2):
  x0 = x[0].reshape(NW * NIDX, IDXW)
  x1 = x[1].reshape(NW * NIDX, IDXW)
  return _sc_interac(x0, x1, emb1, emb2)

# --- scband reference (transcript-rebuilt; emitter-appended) ---
"""Pipeline reference for scband-interac-1769526526675 (READ-ONLY COPY).

The authoritative reference and input builder live on the scoring server;
editing this copy changes nothing except your own understanding.
"""

import jax, jax.numpy as jnp
import numpy as np

VOCAB_FIRST = 1000000
VOCAB_SECOND = 1000000
EMB_SIZE = 16
BATCH = 16384

def setup_inputs(seed: int = 0) -> dict:
    key = jax.random.key(seed)
    k_x, k_e1, k_e2 = jax.random.split(key, 3)
    x = jax.random.randint(k_x, (2, BATCH), 0, VOCAB_FIRST, dtype=jnp.int64 if jax.config.jax_enable_x64 else jnp.int32).astype(jnp.int32)
    emb1 = jax.random.normal(k_e1, (VOCAB_FIRST, EMB_SIZE), dtype=jnp.float32) * 0.02
    emb2 = jax.random.normal(k_e2, (VOCAB_SECOND, EMB_SIZE), dtype=jnp.float32) * 0.02
    return {"x": x, "emb1": emb1, "emb2": emb2}

def reference(x, emb1, emb2):
    # Faithful translation of Interac.forward:
    #   first, second = x[0], x[1]
    #   y = emb1(first) * emb2(second)
    first = x[0]
    second = x[1]
    first_emb = jnp.take(emb1, first, axis=0)
    second_emb = jnp.take(emb2, second, axis=0)
    y = first_emb * second_emb
    return y

if __name__ == "__main__":
    import jax
    _d = setup_inputs()
    print(jax.jit(kernel)(*tuple(_d.values())))

</pallas_src>

<mosaic_0001>
#map = affine_map<(d0, d1) -> (0, 0)>
module attributes {stable_mosaic.version = 14 : i64} {
  func.func @k(%arg0: i32, %arg1: i32, %arg2: memref<128x128xi32, #tpu.memory_space<hbm>>, %arg3: memref<128x128xi32, #tpu.memory_space<hbm>>, %arg4: memref<1000000x16xf32, #tpu.memory_space<hbm>>, %arg5: memref<1000000x16xf32, #tpu.memory_space<hbm>>, %arg6: memref<16384x16xf32, #tpu.memory_space<hbm>>, %arg7: memref<4x128xi32, #tpu.memory_space<vmem>>, %arg8: memref<4x128xi32, #tpu.memory_space<vmem>>, %arg9: memref<256x16xf32, #tpu.memory_space<vmem>>, %arg10: memref<256x16xf32, #tpu.memory_space<vmem>>, %arg11: memref<!tpu.dma_semaphore, #tpu.memory_space<semaphore_mem>>) attributes {dimension_semantics = [#tpu.dimension_semantics<core_parallel>, #tpu.dimension_semantics<subcore_parallel>], iteration_bounds = array<i64: 2, 16>, scalar_prefetch = 0 : i64, scratch_operands = 5 : i64, tpu.core_type = #tpu.core_type<sc_vector_subcore>, window_params = [{transform_indices = #map}, {transform_indices = #map}, {transform_indices = #map}, {transform_indices = #map}, {transform_indices = #map}]} {
    %mul3A = arith.constant 2 : i32
    %mul3A_0 = arith.muli %arg1, %mul3A : i32
    %add3A = arith.addi %mul3A_0, %arg0 : i32
    %mul3A_1 = arith.constant 512 : i32
    %mul3A_2 = arith.muli %add3A, %mul3A_1 : i32
    %mul3A_3 = arith.constant 4 : i32
    %mul3A_4 = arith.muli %add3A, %mul3A_3 : i32
    "tpu.region"() ({
      %run_scoped3A = tpu.sem_alloc : memref<!tpu.dma_semaphore, #tpu.memory_space<semaphore_mem>>
      %dma_start3A = arith.constant 0 : i32
      %dma_start3A_66 = tpu.memref_slice %arg2[%mul3A_4, %dma_start3A] : memref<128x128xi32, #tpu.memory_space<hbm>> -> memref<4x128xi32, #tpu.memory_space<hbm>>
      %dma_start3A_67 = arith.constant 0 : i32
      %dma_start3A_68 = tpu.memref_slice %arg2[%mul3A_4, %dma_start3A_67] : memref<128x128xi32, #tpu.memory_space<hbm>> -> memref<4x128xi32, #tpu.memory_space<hbm>>
      tpu.enqueue_dma source(%dma_start3A_68 : memref<4x128xi32, #tpu.memory_space<hbm>>) target(%arg7 : memref<4x128xi32, #tpu.memory_space<vmem>>) target_semaphore(%run_scoped3A : memref<!tpu.dma_semaphore, #tpu.memory_space<semaphore_mem>>)
      %dma_wait3A = arith.constant 0 : i32
      %dma_wait3A_69 = tpu.memref_slice %arg2[%mul3A_4, %dma_wait3A] : memref<128x128xi32, #tpu.memory_space<hbm>> -> memref<4x128xi32, #tpu.memory_space<hbm>>
      %dma_wait3A_70 = arith.constant 0 : i32
      %dma_wait3A_71 = tpu.memref_slice %arg2[%mul3A_4, %dma_wait3A_70] : memref<128x128xi32, #tpu.memory_space<hbm>> -> memref<4x128xi32, #tpu.memory_space<hbm>>
      tpu.wait_dma2 semaphore(%run_scoped3A : memref<!tpu.dma_semaphore, #tpu.memory_space<semaphore_mem>>) src(%dma_wait3A_71 : memref<4x128xi32, #tpu.memory_space<hbm>>) dst(%arg7 : memref<4x128xi32, #tpu.memory_space<vmem>>)
      tpu.yield
    }) : () -> ()
    %mul3A_5 = arith.constant 4 : i32
    %mul3A_6 = arith.muli %add3A, %mul3A_5 : i32
    "tpu.region"() ({
      %run_scoped3A = tpu.sem_alloc : memref<!tpu.dma_semaphore, #tpu.memory_space<semaphore_mem>>
      %dma_start3A = arith.constant 0 : i32
      %dma_start3A_66 = tpu.memref_slice %arg3[%mul3A_6, %dma_start3A] : memref<128x128xi32, #tpu.memory_space<hbm>> -> memref<4x128xi32, #tpu.memory_space<hbm>>
      %dma_start3A_67 = arith.constant 0 : i32
      %dma_start3A_68 = tpu.memref_slice %arg3[%mul3A_6, %dma_start3A_67] : memref<128x128xi32, #tpu.memory_space<hbm>> -> memref<4x128xi32, #tpu.memory_space<hbm>>
      tpu.enqueue_dma source(%dma_start3A_68 : memref<4x128xi32, #tpu.memory_space<hbm>>) target(%arg8 : memref<4x128xi32, #tpu.memory_space<vmem>>) target_semaphore(%run_scoped3A : memref<!tpu.dma_semaphore, #tpu.memory_space<semaphore_mem>>)
      %dma_wait3A = arith.constant 0 : i32
      %dma_wait3A_69 = tpu.memref_slice %arg3[%mul3A_6, %dma_wait3A] : memref<128x128xi32, #tpu.memory_space<hbm>> -> memref<4x128xi32, #tpu.memory_space<hbm>>
      %dma_wait3A_70 = arith.constant 0 : i32
      %dma_wait3A_71 = tpu.memref_slice %arg3[%mul3A_6, %dma_wait3A_70] : memref<128x128xi32, #tpu.memory_space<hbm>> -> memref<4x128xi32, #tpu.memory_space<hbm>>
      tpu.wait_dma2 semaphore(%run_scoped3A : memref<!tpu.dma_semaphore, #tpu.memory_space<semaphore_mem>>) src(%dma_wait3A_71 : memref<4x128xi32, #tpu.memory_space<hbm>>) dst(%arg8 : memref<4x128xi32, #tpu.memory_space<vmem>>)
      tpu.yield
    }) : () -> ()
    %scan3A = arith.constant 0 : i32
    %scan3A_7 = arith.constant 0 : i32
    %scan3A_8 = arith.constant 8 : i32
    %scan3A_9 = arith.addi %scan3A_7, %scan3A_8 : i32
    %scan3A_10 = arith.constant 1 : i32
    %scan3A_11 = scf.for %scan3A_66 = %scan3A_7 to %scan3A_9 step %scan3A_10 iter_args(%scan3A_67 = %scan3A) -> (i32)  : i32 {
      %mul3A_68 = arith.constant 16 : i32
      %mul3A_69 = arith.muli %scan3A_66, %mul3A_68 : i32
      %get3A = arith.constant 0 : i32
      %get3A_70 = arith.index_cast %get3A : i32 to index
      %get3A_71 = arith.index_cast %mul3A_69 : i32 to index
      %get3A_72 = tpu.vector_load %arg7[%get3A_70, %get3A_71] {strides = array<i32>} : memref<4x128xi32, #tpu.memory_space<vmem>>, vector<1x16xi32>,
      %get3A_73 = vector.shape_cast %get3A_72 : vector<1x16xi32> to vector<16xi32>
      %mul3A_74 = arith.constant 16 : i32
      %mul3A_75 = arith.muli %scan3A_66, %mul3A_74 : i32
      %get3A_76 = arith.constant 0 : i32
      %get3A_77 = arith.index_cast %get3A_76 : i32 to index
      %get3A_78 = arith.index_cast %mul3A_75 : i32 to index
      %get3A_79 = tpu.vector_load %arg8[%get3A_77, %get3A_78] {strides = array<i32>} : memref<4x128xi32, #tpu.memory_space<vmem>>, vector<1x16xi32>,
      %get3A_80 = vector.shape_cast %get3A_79 : vector<1x16xi32> to vector<16xi32>
      %mul3A_81 = arith.constant 16 : i32
      %mul3A_82 = arith.muli %scan3A_66, %mul3A_81 : i32
      %add3A_83 = arith.constant 0 : i32
      %add3A_84 = arith.addi %add3A_83, %mul3A_82 : i32
      %slice3A = vector.extract_strided_slice %get3A_73 {offsets = [0], sizes = [1], strides = [1]} : vector<16xi32> to vector<1xi32>
      %squeeze3A = vector.extract %slice3A[0] : i32 from vector<1xi32>
      %add3A_85 = arith.constant 0 : i32
      %add3A_86 = arith.addi %add3A_84, %add3A_85 : i32
      %dma_start3A = arith.constant 0 : i32
      %dma_start3A_87 = tpu.memref_slice %arg9[%add3A_86, %dma_start3A] : memref<256x16xf32, #tpu.memory_space<vmem>> -> memref<1x16xf32, #tpu.memory_space<vmem>>
      %dma_start3A_88 = arith.constant 0 : i32
      %dma_start3A_89 = tpu.memref_slice %arg4[%squeeze3A, %dma_start3A_88] : memref<1000000x16xf32, #tpu.memory_space<hbm>> -> memref<1x16xf32, #tpu.memory_space<hbm>>
      %dma_start3A_90 = arith.constant 0 : i32
      %dma_start3A_91 = tpu.memref_slice %arg9[%add3A_86, %dma_start3A_90] : memref<256x16xf32, #tpu.memory_space<vmem>> -> memref<1x16xf32, #tpu.memory_space<vmem>>
      %dma_start3A_92 = arith.constant 0 : i32
      %dma_start3A_93 = tpu.memref_slice %arg4[%squeeze3A, %dma_start3A_92] : memref<1000000x16xf32, #tpu.memory_space<hbm>> -> memref<1x16xf32, #tpu.memory_space<hbm>>
      tpu.enqueue_dma source(%dma_start3A_93 : memref<1x16xf32, #tpu.memory_space<hbm>>) target(%dma_start3A_91 : memref<1x16xf32, #tpu.memory_space<vmem>>) target_semaphore(%arg11 : memref<!tpu.dma_semaphore, #tpu.memory_space<semaphore_mem>>)
      %slice3A_94 = vector.extract_strided_slice %get3A_80 {offsets = [0], sizes = [1], strides = [1]} : vector<16xi32> to vector<1xi32>
      %squeeze3A_95 = vector.extract %slice3A_94[0] : i32 from vector<1xi32>
      %add3A_96 = arith.constant 0 : i32
      %add3A_97 = arith.addi %add3A_84, %add3A_96 : i32
      %dma_start3A_98 = arith.constant 0 : i32
      %dma_start3A_99 = tpu.memref_slice %arg10[%add3A_97, %dma_start3A_98] : memref<256x16xf32, #tpu.memory_space<vmem>> -> memref<1x16xf32, #tpu.memory_space<vmem>>
      %dma_start3A_100 = arith.constant 0 : i32
      %dma_start3A_101 = tpu.memref_slice %arg5[%squeeze3A_95, %dma_start3A_100] : memref<1000000x16xf32, #tpu.memory_space<hbm>> -> memref<1x16xf32, #tpu.memory_space<hbm>>
      %dma_start3A_102 = arith.constant 0 : i32
      %dma_start3A_103 = tpu.memref_slice %arg10[%add3A_97, %dma_start3A_102] : memref<256x16xf32, #tpu.memory_space<vmem>> -> memref<1x16xf32, #tpu.memory_space<vmem>>
      %dma_start3A_104 = arith.constant 0 : i32
      %dma_start3A_105 = tpu.memref_slice %arg5[%squeeze3A_95, %dma_start3A_104] : memref<1000000x16xf32, #tpu.memory_space<hbm>> -> memref<1x16xf32, #tpu.memory_space<hbm>>
      tpu.enqueue_dma source(%dma_start3A_105 : memref<1x16xf32, #tpu.memory_space<hbm>>) target(%dma_start3A_103 : memref<1x16xf32, #tpu.memory_space<vmem>>) target_semaphore(%arg11 : memref<!tpu.dma_semaphore, #tpu.memory_space<semaphore_mem>>)
      %slice3A_106 = vector.extract_strided_slice %get3A_73 {offsets = [1], sizes = [1], strides = [1]} : vector<16xi32> to vector<1xi32>
      %squeeze3A_107 = vector.extract %slice3A_106[0] : i32 from vector<1xi32>
      %add3A_108 = arith.constant 1 : i32
      %add3A_109 = arith.addi %add3A_84, %add3A_108 : i32
      %dma_start3A_110 = arith.constant 0 : i32
      %dma_start3A_111 = tpu.memref_slice %arg9[%add3A_109, %dma_start3A_110] : memref<256x16xf32, #tpu.memory_space<vmem>> -> memref<1x16xf32, #tpu.memory_space<vmem>>
      %dma_start3A_112 = arith.constant 0 : i32
      %dma_start3A_113 = tpu.memref_slice %arg4[%squeeze3A_107, %dma_start3A_112] : memref<1000000x16xf32, #tpu.memory_space<hbm>> -> memref<1x16xf32, #tpu.memory_space<hbm>>
      %dma_start3A_114 = arith.constant 0 : i32
      %dma_start3A_115 = tpu.memref_slice %arg9[%add3A_109, %dma_start3A_114] : memref<256x16xf32, #tpu.memory_space<vmem>> -> memref<1x16xf32, #tpu.memory_space<vmem>>
      %dma_start3A_116 = arith.constant 0 : i32
      %dma_start3A_117 = tpu.memref_slice %arg4[%squeeze3A_107, %dma_start3A_116] : memref<1000000x16xf32, #tpu.memory_space<hbm>> -> memref<1x16xf32, #tpu.memory_space<hbm>>
      tpu.enqueue_dma source(%dma_start3A_117 : memref<1x16xf32, #tpu.memory_space<hbm>>) target(%dma_start3A_115 : memref<1x16xf32, #tpu.memory_space<vmem>>) target_semaphore(%arg11 : memref<!tpu.dma_semaphore, #tpu.memory_space<semaphore_mem>>)
      %slice3A_118 = vector.extract_strided_slice %get3A_80 {offsets = [1], sizes = [1], strides = [1]} : vector<16xi32> to vector<1xi32>
      %squeeze3A_119 = vector.extract %slice3A_118[0] : i32 from vector<1xi32>
      %add3A_120 = arith.constant 1 : i32
      %add3A_121 = arith.addi %add3A_84, %add3A_120 : i32
      %dma_start3A_122 = arith.constant 0 : i32
      %dma_start3A_123 = tpu.memref_slice %arg10[%add3A_121, %dma_start3A_122] : memref<256x16xf32, #tpu.memory_space<vmem>> -> memref<1x16xf32, #tpu.memory_space<vmem>>
      %dma_start3A_124 = arith.constant 0 : i32
      %dma_start3A_125 = tpu.memref_slice %arg5[%squeeze3A_119, %dma_start3A_124] : memref<1000000x16xf32, #tpu.memory_space<hbm>> -> memref<1x16xf32, #tpu.memory_space<hbm>>
      %dma_start3A_126 = arith.constant 0 : i32
      %dma_start3A_127 = tpu.memref_slice %arg10[%add3A_121, %dma_start3A_126] : memref<256x16xf32, #tpu.memory_space<vmem>> -> memref<1x16xf32, #tpu.memory_space<vmem>>
      %dma_start3A_128 = arith.constant 0 : i32
      %dma_start3A_129 = tpu.memref_slice %arg5[%squeeze3A_119, %dma_start3A_128] : memref<1000000x16xf32, #tpu.memory_space<hbm>> -> memref<1x16xf32, #tpu.memory_space<hbm>>
      tpu.enqueue_dma source(%dma_start3A_129 : memref<1x16xf32, #tpu.memory_space<hbm>>) target(%dma_start3A_127 : memref<1x16xf32, #tpu.memory_space<vmem>>) target_semaphore(%arg11 : memref<!tpu.dma_semaphore, #tpu.memory_space<semaphore_mem>>)
      %slice3A_130 = vector.extract_strided_slice %get3A_73 {offsets = [2], sizes = [1], strides = [1]} : vector<16xi32> to vector<1xi32>
      %squeeze3A_131 = vector.extract %slice3A_130[0] : i32 from vector<1xi32>
      %add3A_132 = arith.constant 2 : i32
      %add3A_133 = arith.addi %add3A_84, %add3A_132 : i32
      %dma_start3A_134 = arith.constant 0 : i32
      %dma_start3A_135 = tpu.memref_slice %arg9[%add3A_133, %dma_start3A_134] : memref<256x16xf32, #tpu.memory_space<vmem>> -> memref<1x16xf32, #tpu.memory_space<vmem>>
      %dma_start3A_136 = arith.constant 0 : i32
      %dma_start3A_137 = tpu.memref_slice %arg4[%squeeze3A_131, %dma_start3A_136] : memref<1000000x16xf32, #tpu.memory_space<hbm>> -> memref<1x16xf32, #tpu.memory_space<hbm>>
      %dma_start3A_138 = arith.constant 0 : i32
      %dma_start3A_139 = tpu.memref_slice %arg9[%add3A_133, %dma_start3A_138] : memref<256x16xf32, #tpu.memory_space<vmem>> -> memref<1x16xf32, #tpu.memory_space<vmem>>
      %dma_start3A_140 = arith.constant 0 : i32
      %dma_start3A_141 = tpu.memref_slice %arg4[%squeeze3A_131, %dma_start3A_140] : memref<1000000x16xf32, #tpu.memory_space<hbm>> -> memref<1x16xf32, #tpu.memory_space<hbm>>
      tpu.enqueue_dma source(%dma_start3A_141 : memref<1x16xf32, #tpu.memory_space<hbm>>) target(%dma_start3A_139 : memref<1x16xf32, #tpu.memory_space<vmem>>) target_semaphore(%arg11 : memref<!tpu.dma_semaphore, #tpu.memory_space<semaphore_mem>>)
      %slice3A_142 = vector.extract_strided_slice %get3A_80 {offsets = [2], sizes = [1], strides = [1]} : vector<16xi32> to vector<1xi32>
      %squeeze3A_143 = vector.extract %slice3A_142[0] : i32 from vector<1xi32>
      %add3A_144 = arith.constant 2 : i32
      %add3A_145 = arith.addi %add3A_84, %add3A_144 : i32
      %dma_start3A_146 = arith.constant 0 : i32
      %dma_start3A_147 = tpu.memref_slice %arg10[%add3A_145, %dma_start3A_146] : memref<256x16xf32, #tpu.memory_space<vmem>> -> memref<1x16xf32, #tpu.memory_space<vmem>>
      %dma_start3A_148 = arith.constant 0 : i32
      %dma_start3A_149 = tpu.memref_slice %arg5[%squeeze3A_143, %dma_start3A_148] : memref<1000000x16xf32, #tpu.memory_space<hbm>> -> memref<1x16xf32, #tpu.memory_space<hbm>>
      %dma_start3A_150 = arith.constant 0 : i32
      %dma_start3A_151 = tpu.memref_slice %arg10[%add3A_145, %dma_start3A_150] : memref<256x16xf32, #tpu.memory_space<vmem>> -> memref<1x16xf32, #tpu.memory_space<vmem>>
      %dma_start3A_152 = arith.constant 0 : i32
      %dma_start3A_153 = tpu.memref_slice %arg5[%squeeze3A_143, %dma_start3A_152] : memref<1000000x16xf32, #tpu.memory_space<hbm>> -> memref<1x16xf32, #tpu.memory_space<hbm>>
      tpu.enqueue_dma source(%dma_start3A_153 : memref<1x16xf32, #tpu.memory_space<hbm>>) target(%dma_start3A_151 : memref<1x16xf32, #tpu.memory_space<vmem>>) target_semaphore(%arg11 : memref<!tpu.dma_semaphore, #tpu.memory_space<semaphore_mem>>)
      %slice3A_154 = vector.extract_strided_slice %get3A_73 {offsets = [3], sizes = [1], strides = [1]} : vector<16xi32> to vector<1xi32>
      %squeeze3A_155 = vector.extract %slice3A_154[0] : i32 from vector<1xi32>
      %add3A_156 = arith.constant 3 : i32
      %add3A_157 = arith.addi %add3A_84, %add3A_156 : i32
      %dma_start3A_158 = arith.constant 0 : i32
      %dma_start3A_159 = tpu.memref_slice %arg9[%add3A_157, %dma_start3A_158] : memref<256x16xf32, #tpu.memory_space<vmem>> -> memref<1x16xf32, #tpu.memory_space<vmem>>
      %dma_start3A_160 = arith.constant 0 : i32
      %dma_start3A_161 = tpu.memref_slice %arg4[%squeeze3A_155, %dma_start3A_160] : memref<1000000x16xf32, #tpu.memory_space<hbm>> -> memref<1x16xf32, #tpu.memory_space<hbm>>
      %dma_start3A_162 = arith.constant 0 : i32
      %dma_start3A_163 = tpu.memref_slice %arg9[%add3A_157, %dma_start3A_162] : memref<256x16xf32, #tpu.memory_space<vmem>> -> memref<1x16xf32, #tpu.memory_space<vmem>>
      %dma_start3A_164 = arith.constant 0 : i32
      %dma_start3A_165 = tpu.memref_slice %arg4[%squeeze3A_155, %dma_start3A_164] : memref<1000000x16xf32, #tpu.memory_space<hbm>> -> memref<1x16xf32, #tpu.memory_space<hbm>>
      tpu.enqueue_dma source(%dma_start3A_165 : memref<1x16xf32, #tpu.memory_space<hbm>>) target(%dma_start3A_163 : memref<1x16xf32, #tpu.memory_space<vmem>>) target_semaphore(%arg11 : memref<!tpu.dma_semaphore, #tpu.memory_space<semaphore_mem>>)
      %slice3A_166 = vector.extract_strided_slice %get3A_80 {offsets = [3], sizes = [1], strides = [1]} : vector<16xi32> to vector<1xi32>
      %squeeze3A_167 = vector.extract %slice3A_166[0] : i32 from vector<1xi32>
      %add3A_168 = arith.constant 3 : i32
      %add3A_169 = arith.addi %add3A_84, %add3A_168 : i32
      %dma_start3A_170 = arith.constant 0 : i32
      %dma_start3A_171 = tpu.memref_slice %arg10[%add3A_169, %dma_start3A_170] : memref<256x16xf32, #tpu.memory_space<vmem>> -> memref<1x16xf32, #tpu.memory_space<vmem>>
      %dma_start3A_172 = arith.constant 0 : i32
      %dma_start3A_173 = tpu.memref_slice %arg5[%squeeze3A_167, %dma_start3A_172] : memref<1000000x16xf32, #tpu.memory_space<hbm>> -> memref<1x16xf32, #tpu.memory_space<hbm>>
      %dma_start3A_174 = arith.constant 0 : i32
      %dma_start3A_175 = tpu.memref_slice %arg10[%add3A_169, %dma_start3A_174] : memref<256x16xf32, #tpu.memory_space<vmem>> -> memref<1x16xf32, #tpu.memory_space<vmem>>
      %dma_start3A_176 = arith.constant 0 : i32
      %dma_start3A_177 = tpu.memref_slice %arg5[%squeeze3A_167, %dma_start3A_176] : memref<1000000x16xf32, #tpu.memory_space<hbm>> -> memref<1x16xf32, #tpu.memory_space<hbm>>
      tpu.enqueue_dma source(%dma_start3A_177 : memref<1x16xf32, #tpu.memory_space<hbm>>) target(%dma_start3A_175 : memref<1x16xf32, #tpu.memory_space<vmem>>) target_semaphore(%arg11 : memref<!tpu.dma_semaphore, #tpu.memory_space<semaphore_mem>>)
      %slice3A_178 = vector.extract_strided_slice %get3A_73 {offsets = [4], sizes = [1], strides = [1]} : vector<16xi32> to vector<1xi32>
      %squeeze3A_179 = vector.extract %slice3A_178[0] : i32 from vector<1xi32>
      %add3A_180 = arith.constant 4 : i32
      %add3A_181 = arith.addi %add3A_84, %add3A_180 : i32
      %dma_start3A_182 = arith.constant 0 : i32
      %dma_start3A_183 = tpu.memref_slice %arg9[%add3A_181, %dma_start3A_182] : memref<256x16xf32, #tpu.memory_space<vmem>> -> memref<1x16xf32, #tpu.memory_space<vmem>>
      %dma_start3A_184 = arith.constant 0 : i32
      %dma_start3A_185 = tpu.memref_slice %arg4[%squeeze3A_179, %dma_start3A_184] : memref<1000000x16xf32, #tpu.memory_space<hbm>> -> memref<1x16xf32, #tpu.memory_space<hbm>>
      %dma_start3A_186 = arith.constant 0 : i32
      %dma_start3A_187 = tpu.memref_slice %arg9[%add3A_181, %dma_start3A_186] : memref<256x16xf32, #tpu.memory_space<vmem>> -> memref<1x16xf32, #tpu.memory_space<vmem>>
      %dma_start3A_188 = arith.constant 0 : i32
      %dma_start3A_189 = tpu.memref_slice %arg4[%squeeze3A_179, %dma_start3A_188] : memref<1000000x16xf32, #tpu.memory_space<hbm>> -> memref<1x16xf32, #tpu.memory_space<hbm>>
      tpu.enqueue_dma source(%dma_start3A_189 : memref<1x16xf32, #tpu.memory_space<hbm>>) target(%dma_start3A_187 : memref<1x16xf32, #tpu.memory_space<vmem>>) target_semaphore(%arg11 : memref<!tpu.dma_semaphore, #tpu.memory_space<semaphore_mem>>)
      %slice3A_190 = vector.extract_strided_slice %get3A_80 {offsets = [4], sizes = [1], strides = [1]} : vector<16xi32> to vector<1xi32>
      %squeeze3A_191 = vector.extract %slice3A_190[0] : i32 from vector<1xi32>
      %add3A_192 = arith.constant 4 : i32
      %add3A_193 = arith.addi %add3A_84, %add3A_192 : i32
      %dma_start3A_194 = arith.constant 0 : i32
      %dma_start3A_195 = tpu.memref_slice %arg10[%add3A_193, %dma_start3A_194] : memref<256x16xf32, #tpu.memory_space<vmem>> -> memref<1x16xf32, #tpu.memory_space<vmem>>
      %dma_start3A_196 = arith.constant 0 : i32
      %dma_start3A_197 = tpu.memref_slice %arg5[%squeeze3A_191, %dma_start3A_196] : memref<1000000x16xf32, #tpu.memory_space<hbm>> -> memref<1x16xf32, #tpu.memory_space<hbm>>
      %dma_start3A_198 = arith.constant 0 : i32
      %dma_start3A_199 = tpu.memref_slice %arg10[%add3A_193, %dma_start3A_198] : memref<256x16xf32, #tpu.memory_space<vmem>> -> memref<1x16xf32, #tpu.memory_space<vmem>>
      %dma_start3A_200 = arith.constant 0 : i32
      %dma_start3A_201 = tpu.memref_slice %arg5[%squeeze3A_191, %dma_start3A_200] : memref<1000000x16xf32, #tpu.memory_space<hbm>> -> memref<1x16xf32, #tpu.memory_space<hbm>>
      tpu.enqueue_dma source(%dma_start3A_201 : memref<1x16xf32, #tpu.memory_space<hbm>>) target(%dma_start3A_199 : memref<1x16xf32, #tpu.memory_space<vmem>>) target_semaphore(%arg11 : memref<!tpu.dma_semaphore, #tpu.memory_space<semaphore_mem>>)
      %slice3A_202 = vector.extract_strided_slice %get3A_73 {offsets = [5], sizes = [1], strides = [1]} : vector<16xi32> to vector<1xi32>
      %squeeze3A_203 = vector.extract %slice3A_202[0] : i32 from vector<1xi32>
      %add3A_204 = arith.constant 5 : i32
      %add3A_205 = arith.addi %add3A_84, %add3A_204 : i32
      %dma_start3A_206 = arith.constant 0 : i32
      %dma_start3A_207 = tpu.memref_slice %arg9[%add3A_205, %dma_start3A_206] : memref<256x16xf32, #tpu.memory_space<vmem>> -> memref<1x16xf32, #tpu.memory_space<vmem>>
      %dma_start3A_208 = arith.constant 0 : i32
      %dma_start3A_209 = tpu.memref_slice %arg4[%squeeze3A_203, %dma_start3A_208] : memref<1000000x16xf32, #tpu.memory_space<hbm>> -> memref<1x16xf32, #tpu.memory_space<hbm>>
      %dma_start3A_210 = arith.constant 0 : i32
      %dma_start3A_211 = tpu.memref_slice %arg9[%add3A_205, %dma_start3A_210] : memref<256x16xf32, #tpu.memory_space<vmem>> -> memref<1x16xf32, #tpu.memory_space<vmem>>
      %dma_start3A_212 = arith.constant 0 : i32
      %dma_start3A_213 = tpu.memref_slice %arg4[%squeeze3A_203, %dma_start3A_212] : memref<1000000x16xf32, #tpu.memory_space<hbm>> -> memref<1x16xf32, #tpu.memory_space<hbm>>
      tpu.enqueue_dma source(%dma_start3A_213 : memref<1x16xf32, #tpu.memory_space<hbm>>) target(%dma_start3A_211 : memref<1x16xf32, #tpu.memory_space<vmem>>) target_semaphore(%arg11 : memref<!tpu.dma_semaphore, #tpu.memory_space<semaphore_mem>>)
      %slice3A_214 = vector.extract_strided_slice %get3A_80 {offsets = [5], sizes = [1], strides = [1]} : vector<16xi32> to vector<1xi32>
      %squeeze3A_215 = vector.extract %slice3A_214[0] : i32 from vector<1xi32>
      %add3A_216 = arith.constant 5 : i32
      %add3A_217 = arith.addi %add3A_84, %add3A_216 : i32
      %dma_start3A_218 = arith.constant 0 : i32
      %dma_start3A_219 = tpu.memref_slice %arg10[%add3A_217, %dma_start3A_218] : memref<256x16xf32, #tpu.memory_space<vmem>> -> memref<1x16xf32, #tpu.memory_space<vmem>>
      %dma_start3A_220 = arith.constant 0 : i32
      %dma_start3A_221 = tpu.memref_slice %arg5[%squeeze3A_215, %dma_start3A_220] : memref<1000000x16xf32, #tpu.memory_space<hbm>> -> memref<1x16xf32, #tpu.memory_space<hbm>>
      %dma_start3A_222 = arith.constant 0 : i32
      %dma_start3A_223 = tpu.memref_slice %arg10[%add3A_217, %dma_start3A_222] : memref<256x16xf32, #tpu.memory_space<vmem>> -> memref<1x16xf32, #tpu.memory_space<vmem>>
      %dma_start3A_224 = arith.constant 0 : i32
      %dma_start3A_225 = tpu.memref_slice %arg5[%squeeze3A_215, %dma_start3A_224] : memref<1000000x16xf32, #tpu.memory_space<hbm>> -> memref<1x16xf32, #tpu.memory_space<hbm>>
      tpu.enqueue_dma source(%dma_start3A_225 : memref<1x16xf32, #tpu.memory_space<hbm>>) target(%dma_start3A_223 : memref<1x16xf32, #tpu.memory_space<vmem>>) target_semaphore(%arg11 : memref<!tpu.dma_semaphore, #tpu.memory_space<semaphore_mem>>)
      %slice3A_226 = vector.extract_strided_slice %get3A_73 {offsets = [6], sizes = [1], strides = [1]} : vector<16xi32> to vector<1xi32>
      %squeeze3A_227 = vector.extract %slice3A_226[0] : i32 from vector<1xi32>
      %add3A_228 = arith.constant 6 : i32
      %add3A_229 = arith.addi %add3A_84, %add3A_228 : i32
      %dma_start3A_230 = arith.constant 0 : i32
      %dma_start3A_231 = tpu.memref_slice %arg9[%add3A_229, %dma_start3A_230] : memref<256x16xf32, #tpu.memory_space<vmem>> -> memref<1x16xf32, #tpu.memory_space<vmem>>
      %dma_start3A_232 = arith.constant 0 : i32
      %dma_start3A_233 = tpu.memref_slice %arg4[%squeeze3A_227, %dma_start3A_232] : memref<1000000x16xf32, #tpu.memory_space<hbm>> -> memref<1x16xf32, #tpu.memory_space<hbm>>
      %dma_start3A_234 = arith.constant 0 : i32
      %dma_start3A_235 = tpu.memref_slice %arg9[%add3A_229, %dma_start3A_234] : memref<256x16xf32, #tpu.memory_space<vmem>> -> memref<1x16xf32, #tpu.memory_space<vmem>>
      %dma_start3A_236 = arith.constant 0 : i32
      %dma_start3A_237 = tpu.memref_slice %arg4[%squeeze3A_227, %dma_start3A_236] : memref<1000000x16xf32, #tpu.memory_space<hbm>> -> memref<1x16xf32, #tpu.memory_space<hbm>>
      tpu.enqueue_dma source(%dma_start3A_237 : memref<1x16xf32, #tpu.memory_space<hbm>>) target(%dma_start3A_235 : memref<1x16xf32, #tpu.memory_space<vmem>>) target_semaphore(%arg11 : memref<!tpu.dma_semaphore, #tpu.memory_space<semaphore_mem>>)
      %slice3A_238 = vector.extract_strided_slice %get3A_80 {offsets = [6], sizes = [1], strides = [1]} : vector<16xi32> to vector<1xi32>
      %squeeze3A_239 = vector.extract %slice3A_238[0] : i32 from vector<1xi32>
      %add3A_240 = arith.constant 6 : i32
      %add3A_241 = arith.addi %add3A_84, %add3A_240 : i32
      %dma_start3A_242 = arith.constant 0 : i32
      %dma_start3A_243 = tpu.memref_slice %arg10[%add3A_241, %dma_start3A_242] : memref<256x16xf32, #tpu.memory_space<vmem>> -> memref<1x16xf32, #tpu.memory_space<vmem>>
      %dma_start3A_244 = arith.constant 0 : i32
      %dma_start3A_245 = tpu.memref_slice %arg5[%squeeze3A_239, %dma_start3A_244] : memref<1000000x16xf32, #tpu.memory_space<hbm>> -> memref<1x16xf32, #tpu.memory_space<hbm>>
      %dma_start3A_246 = arith.constant 0 : i32
      %dma_start3A_247 = tpu.memref_slice %arg10[%add3A_241, %dma_start3A_246] : memref<256x16xf32, #tpu.memory_space<vmem>> -> memref<1x16xf32, #tpu.memory_space<vmem>>
      %dma_start3A_248 = arith.constant 0 : i32
      %dma_start3A_249 = tpu.memref_slice %arg5[%squeeze3A_239, %dma_start3A_248] : memref<1000000x16xf32, #tpu.memory_space<hbm>> -> memref<1x16xf32, #tpu.memory_space<hbm>>
      tpu.enqueue_dma source(%dma_start3A_249 : memref<1x16xf32, #tpu.memory_space<hbm>>) target(%dma_start3A_247 : memref<1x16xf32, #tpu.memory_space<vmem>>) target_semaphore(%arg11 : memref<!tpu.dma_semaphore, #tpu.memory_space<semaphore_mem>>)
      %slice3A_250 = vector.extract_strided_slice %get3A_73 {offsets = [7], sizes = [1], strides = [1]} : vector<16xi32> to vector<1xi32>
      %squeeze3A_251 = vector.extract %slice3A_250[0] : i32 from vector<1xi32>
      %add3A_252 = arith.constant 7 : i32
      %add3A_253 = arith.addi %add3A_84, %add3A_252 : i32
      %dma_start3A_254 = arith.constant 0 : i32
      %dma_start3A_255 = tpu.memref_slice %arg9[%add3A_253, %dma_start3A_254] : memref<256x16xf32, #tpu.memory_space<vmem>> -> memref<1x16xf32, #tpu.memory_space<vmem>>
      %dma_start3A_256 = arith.constant 0 : i32
      %dma_start3A_257 = tpu.memref_slice %arg4[%squeeze3A_251, %dma_start3A_256] : memref<1000000x16xf32, #tpu.memory_space<hbm>> -> memref<1x16xf32, #tpu.memory_space<hbm>>
      %dma_start3A_258 = arith.constant 0 : i32
      %dma_start3A_259 = tpu.memref_slice %arg9[%add3A_253, %dma_start3A_258] : memref<256x16xf32, #tpu.memory_space<vmem>> -> memref<1x16xf32, #tpu.memory_space<vmem>>
      %dma_start3A_260 = arith.constant 0 : i32
      %dma_start3A_261 = tpu.memref_slice %arg4[%squeeze3A_251, %dma_start3A_260] : memref<1000000x16xf32, #tpu.memory_space<hbm>> -> memref<1x16xf32, #tpu.memory_space<hbm>>
      tpu.enqueue_dma source(%dma_start3A_261 : memref<1x16xf32, #tpu.memory_space<hbm>>) target(%dma_start3A_259 : memref<1x16xf32, #tpu.memory_space<vmem>>) target_semaphore(%arg11 : memref<!tpu.dma_semaphore, #tpu.memory_space<semaphore_mem>>)
      %slice3A_262 = vector.extract_strided_slice %get3A_80 {offsets = [7], sizes = [1], strides = [1]} : vector<16xi32> to vector<1xi32>
      %squeeze3A_263 = vector.extract %slice3A_262[0] : i32 from vector<1xi32>
      %add3A_264 = arith.constant 7 : i32
      %add3A_265 = arith.addi %add3A_84, %add3A_264 : i32
      %dma_start3A_266 = arith.constant 0 : i32
      %dma_start3A_267 = tpu.memref_slice %arg10[%add3A_265, %dma_start3A_266] : memref<256x16xf32, #tpu.memory_space<vmem>> -> memref<1x16xf32, #tpu.memory_space<vmem>>
      %dma_start3A_268 = arith.constant 0 : i32
      %dma_start3A_269 = tpu.memref_slice %arg5[%squeeze3A_263, %dma_start3A_268] : memref<1000000x16xf32, #tpu.memory_space<hbm>> -> memref<1x16xf32, #tpu.memory_space<hbm>>
      %dma_start3A_270 = arith.constant 0 : i32
      %dma_start3A_271 = tpu.memref_slice %arg10[%add3A_265, %dma_start3A_270] : memref<256x16xf32, #tpu.memory_space<vmem>> -> memref<1x16xf32, #tpu.memory_space<vmem>>
      %dma_start3A_272 = arith.constant 0 : i32
      %dma_start3A_273 = tpu.memref_slice %arg5[%squeeze3A_263, %dma_start3A_272] : memref<1000000x16xf32, #tpu.memory_space<hbm>> -> memref<1x16xf32, #tpu.memory_space<hbm>>
      tpu.enqueue_dma source(%dma_start3A_273 : memref<1x16xf32, #tpu.memory_space<hbm>>) target(%dma_start3A_271 : memref<1x16xf32, #tpu.memory_space<vmem>>) target_semaphore(%arg11 : memref<!tpu.dma_semaphore, #tpu.memory_space<semaphore_mem>>)
      %slice3A_274 = vector.extract_strided_slice %get3A_73 {offsets = [8], sizes = [1], strides = [1]} : vector<16xi32> to vector<1xi32>
      %squeeze3A_275 = vector.extract %slice3A_274[0] : i32 from vector<1xi32>
      %add3A_276 = arith.constant 8 : i32
      %add3A_277 = arith.addi %add3A_84, %add3A_276 : i32
      %dma_start3A_278 = arith.constant 0 : i32
      %dma_start3A_279 = tpu.memref_slice %arg9[%add3A_277, %dma_start3A_278] : memref<256x16xf32, #tpu.memory_space<vmem>> -> memref<1x16xf32, #tpu.memory_space<vmem>>
      %dma_start3A_280 = arith.constant 0 : i32
      %dma_start3A_281 = tpu.memref_slice %arg4[%squeeze3A_275, %dma_start3A_280] : memref<1000000x16xf32, #tpu.memory_space<hbm>> -> memref<1x16xf32, #tpu.memory_space<hbm>>
      %dma_start3A_282 = arith.constant 0 : i32
      %dma_start3A_283 = tpu.memref_slice %arg9[%add3A_277, %dma_start3A_282] : memref<256x16xf32, #tpu.memory_space<vmem>> -> memref<1x16xf32, #tpu.memory_space<vmem>>
      %dma_start3A_284 = arith.constant 0 : i32
      %dma_start3A_285 = tpu.memref_slice %arg4[%squeeze3A_275, %dma_start3A_284] : memref<1000000x16xf32, #tpu.memory_space<hbm>> -> memref<1x16xf32, #tpu.memory_space<hbm>>
      tpu.enqueue_dma source(%dma_start3A_285 : memref<1x16xf32, #tpu.memory_space<hbm>>) target(%dma_start3A_283 : memref<1x16xf32, #tpu.memory_space<vmem>>) target_semaphore(%arg11 : memref<!tpu.dma_semaphore, #tpu.memory_space<semaphore_mem>>)
      %slice3A_286 = vector.extract_strided_slice %get3A_80 {offsets = [8], sizes = [1], strides = [1]} : vector<16xi32> to vector<1xi32>
      %squeeze3A_287 = vector.extract %slice3A_286[0] : i32 from vector<1xi32>
      %add3A_288 = arith.constant 8 : i32
      %add3A_289 = arith.addi %add3A_84, %add3A_288 : i32
      %dma_start3A_290 = arith.constant 0 : i32
      %dma_start3A_291 = tpu.memref_slice %arg10[%add3A_289, %dma_start3A_290] : memref<256x16xf32, #tpu.memory_space<vmem>> -> memref<1x16xf32, #tpu.memory_space<vmem>>
      %dma_start3A_292 = arith.constant 0 : i32
      %dma_start3A_293 = tpu.memref_slice %arg5[%squeeze3A_287, %dma_start3A_292] : memref<1000000x16xf32, #tpu.memory_space<hbm>> -> memref<1x16xf32, #tpu.memory_space<hbm>>
      %dma_start3A_294 = arith.constant 0 : i32
      %dma_start3A_295 = tpu.memref_slice %arg10[%add3A_289, %dma_start3A_294] : memref<256x16xf32, #tpu.memory_space<vmem>> -> memref<1x16xf32, #tpu.memory_space<vmem>>
      %dma_start3A_296 = arith.constant 0 : i32
      %dma_start3A_297 = tpu.memref_slice %arg5[%squeeze3A_287, %dma_start3A_296] : memref<1000000x16xf32, #tpu.memory_space<hbm>> -> memref<1x16xf32, #tpu.memory_space<hbm>>
      tpu.enqueue_dma source(%dma_start3A_297 : memref<1x16xf32, #tpu.memory_space<hbm>>) target(%dma_start3A_295 : memref<1x16xf32, #tpu.memory_space<vmem>>) target_semaphore(%arg11 : memref<!tpu.dma_semaphore, #tpu.memory_space<semaphore_mem>>)
      %slice3A_298 = vector.extract_strided_slice %get3A_73 {offsets = [9], sizes = [1], strides = [1]} : vector<16xi32> to vector<1xi32>
      %squeeze3A_299 = vector.extract %slice3A_298[0] : i32 from vector<1xi32>
      %add3A_300 = arith.constant 9 : i32
      %add3A_301 = arith.addi %add3A_84, %add3A_300 : i32
      %dma_start3A_302 = arith.constant 0 : i32
      %dma_start3A_303 = tpu.memref_slice %arg9[%add3A_301, %dma_start3A_302] : memref<256x16xf32, #tpu.memory_space<vmem>> -> memref<1x16xf32, #tpu.memory_space<vmem>>
      %dma_start3A_304 = arith.constant 0 : i32
      %dma_start3A_305 = tpu.memref_slice %arg4[%squeeze3A_299, %dma_start3A_304] : memref<1000000x16xf32, #tpu.memory_space<hbm>> -> memref<1x16xf32, #tpu.memory_space<hbm>>
      %dma_start3A_306 = arith.constant 0 : i32
      %dma_start3A_307 = tpu.memref_slice %arg9[%add3A_301, %dma_start3A_306] : memref<256x16xf32, #tpu.memory_space<vmem>> -> memref<1x16xf32, #tpu.memory_space<vmem>>
      %dma_start3A_308 = arith.constant 0 : i32
      %dma_start3A_309 = tpu.memref_slice %arg4[%squeeze3A_299, %dma_start3A_308] : memref<1000000x16xf32, #tpu.memory_space<hbm>> -> memref<1x16xf32, #tpu.memory_space<hbm>>
      tpu.enqueue_dma source(%dma_start3A_309 : memref<1x16xf32, #tpu.memory_space<hbm>>) target(%dma_start3A_307 : memref<1x16xf32, #tpu.memory_space<vmem>>) target_semaphore(%arg11 : memref<!tpu.dma_semaphore, #tpu.memory_space<semaphore_mem>>)
      %slice3A_310 = vector.extract_strided_slice %get3A_80 {offsets = [9], sizes = [1], strides = [1]} : vector<16xi32> to vector<1xi32>
      %squeeze3A_311 = vector.extract %slice3A_310[0] : i32 from vector<1xi32>
      %add3A_312 = arith.constant 9 : i32
      %add3A_313 = arith.addi %add3A_84, %add3A_312 : i32
      %dma_start3A_314 = arith.constant 0 : i32
      %dma_start3A_315 = tpu.memref_slice %arg10[%add3A_313, %dma_start3A_314] : memref<256x16xf32, #tpu.memory_space<vmem>> -> memref<1x16xf32, #tpu.memory_space<vmem>>
      %dma_start3A_316 = arith.constant 0 : i32
      %dma_start3A_317 = tpu.memref_slice %arg5[%squeeze3A_311, %dma_start3A_316] : memref<1000000x16xf32, #tpu.memory_space<hbm>> -> memref<1x16xf32, #tpu.memory_space<hbm>>
      %dma_start3A_318 = arith.constant 0 : i32
      %dma_start3A_319 = tpu.memref_slice %arg10[%add3A_313, %dma_start3A_318] : memref<256x16xf32, #tpu.memory_space<vmem>> -> memref<1x16xf32, #tpu.memory_space<vmem>>
      %dma_start3A_320 = arith.constant 0 : i32
      %dma_start3A_321 = tpu.memref_slice %arg5[%squeeze3A_311, %dma_start3A_320] : memref<1000000x16xf32, #tpu.memory_space<hbm>> -> memref<1x16xf32, #tpu.memory_space<hbm>>
      tpu.enqueue_dma source(%dma_start3A_321 : memref<1x16xf32, #tpu.memory_space<hbm>>) target(%dma_start3A_319 : memref<1x16xf32, #tpu.memory_space<vmem>>) target_semaphore(%arg11 : memref<!tpu.dma_semaphore, #tpu.memory_space<semaphore_mem>>)
      %slice3A_322 = vector.extract_strided_slice %get3A_73 {offsets = [10], sizes = [1], strides = [1]} : vector<16xi32> to vector<1xi32>
      %squeeze3A_323 = vector.extract %slice3A_322[0] : i32 from vector<1xi32>
      %add3A_324 = arith.constant 10 : i32
      %add3A_325 = arith.addi %add3A_84, %add3A_324 : i32
      %dma_start3A_326 = arith.constant 0 : i32
      %dma_start3A_327 = tpu.memref_slice %arg9[%add3A_325, %dma_start3A_326] : memref<256x16xf32, #tpu.memory_space<vmem>> -> memref<1x16xf32, #tpu.memory_space<vmem>>
      %dma_start3A_328 = arith.constant 0 : i32
      %dma_start3A_329 = tpu.memref_slice %arg4[%squeeze3A_323, %dma_start3A_328] : memref<1000000x16xf32, #tpu.memory_space<hbm>> -> memref<1x16xf32, #tpu.memory_space<hbm>>
      %dma_start3A_330 = arith.constant 0 : i32
      %dma_start3A_331 = tpu.memref_slice %arg9[%add3A_325, %dma_start3A_330] : memref<256x16xf32, #tpu.memory_space<vmem>> -> memref<1x16xf32, #tpu.memory_space<vmem>>
      %dma_start3A_332 = arith.constant 0 : i32
      %dma_start3A_333 = tpu.memref_slice %arg4[%squeeze3A_323, %dma_start3A_332] : memref<1000000x16xf32, #tpu.memory_space<hbm>> -> memref<1x16xf32, #tpu.memory_space<hbm>>
      tpu.enqueue_dma source(%dma_start3A_333 : memref<1x16xf32, #tpu.memory_space<hbm>>) target(%dma_start3A_331 : memref<1x16xf32, #tpu.memory_space<vmem>>) target_semaphore(%arg11 : memref<!tpu.dma_semaphore, #tpu.memory_space<semaphore_mem>>)
      %slice3A_334 = vector.extract_strided_slice %get3A_80 {offsets = [10], sizes = [1], strides = [1]} : vector<16xi32> to vector<1xi32>
      %squeeze3A_335 = vector.extract %slice3A_334[0] : i32 from vector<1xi32>
      %add3A_336 = arith.constant 10 : i32
      %add3A_337 = arith.addi %add3A_84, %add3A_336 : i32
      %dma_start3A_338 = arith.constant 0 : i32
      %dma_start3A_339 = tpu.memref_slice %arg10[%add3A_337, %dma_start3A_338] : memref<256x16xf32, #tpu.memory_space<vmem>> -> memref<1x16xf32, #tpu.memory_space<vmem>>
      %dma_start3A_340 = arith.constant 0 : i32
      %dma_start3A_341 = tpu.memref_slice %arg5[%squeeze3A_335, %dma_start3A_340] : memref<1000000x16xf32, #tpu.memory_space<hbm>> -> memref<1x16xf32, #tpu.memory_space<hbm>>
      %dma_start3A_342 = arith.constant 0 : i32
      %dma_start3A_343 = tpu.memref_slice %arg10[%add3A_337, %dma_start3A_342] : memref<256x16xf32, #tpu.memory_space<vmem>> -> memref<1x16xf32, #tpu.memory_space<vmem>>
      %dma_start3A_344 = arith.constant 0 : i32
      %dma_start3A_345 = tpu.memref_slice %arg5[%squeeze3A_335, %dma_start3A_344] : memref<1000000x16xf32, #tpu.memory_space<hbm>> -> memref<1x16xf32, #tpu.memory_space<hbm>>
      tpu.enqueue_dma source(%dma_start3A_345 : memref<1x16xf32, #tpu.memory_space<hbm>>) target(%dma_start3A_343 : memref<1x16xf32, #tpu.memory_space<vmem>>) target_semaphore(%arg11 : memref<!tpu.dma_semaphore, #tpu.memory_space<semaphore_mem>>)
      %slice3A_346 = vector.extract_strided_slice %get3A_73 {offsets = [11], sizes = [1], strides = [1]} : vector<16xi32> to vector<1xi32>
      %squeeze3A_347 = vector.extract %slice3A_346[0] : i32 from vector<1xi32>
      %add3A_348 = arith.constant 11 : i32
      %add3A_349 = arith.addi %add3A_84, %add3A_348 : i32
      %dma_start3A_350 = arith.constant 0 : i32
      %dma_start3A_351 = tpu.memref_slice %arg9[%add3A_349, %dma_start3A_350] : memref<256x16xf32, #tpu.memory_space<vmem>> -> memref<1x16xf32, #tpu.memory_space<vmem>>
      %dma_start3A_352 = arith.constant 0 : i32
      %dma_start3A_353 = tpu.memref_slice %arg4[%squeeze3A_347, %dma_start3A_352] : memref<1000000x16xf32, #tpu.memory_space<hbm>> -> memref<1x16xf32, #tpu.memory_space<hbm>>
      %dma_start3A_354 = arith.constant 0 : i32
      %dma_start3A_355 = tpu.memref_slice %arg9[%add3A_349, %dma_start3A_354] : memref<256x16xf32, #tpu.memory_space<vmem>> -> memref<1x16xf32, #tpu.memory_space<vmem>>
      %dma_start3A_356 = arith.constant 0 : i32
      %dma_start3A_357 = tpu.memref_slice %arg4[%squeeze3A_347, %dma_start3A_356] : memref<1000000x16xf32, #tpu.memory_space<hbm>> -> memref<1x16xf32, #tpu.memory_space<hbm>>
      tpu.enqueue_dma source(%dma_start3A_357 : memref<1x16xf32, #tpu.memory_space<hbm>>) target(%dma_start3A_355 : memref<1x16xf32, #tpu.memory_space<vmem>>) target_semaphore(%arg11 : memref<!tpu.dma_semaphore, #tpu.memory_space<semaphore_mem>>)
      %slice3A_358 = vector.extract_strided_slice %get3A_80 {offsets = [11], sizes = [1], strides = [1]} : vector<16xi32> to vector<1xi32>
      %squeeze3A_359 = vector.extract %slice3A_358[0] : i32 from vector<1xi32>
      %add3A_360 = arith.constant 11 : i32
      %add3A_361 = arith.addi %add3A_84, %add3A_360 : i32
      %dma_start3A_362 = arith.constant 0 : i32
      %dma_start3A_363 = tpu.memref_slice %arg10[%add3A_361, %dma_start3A_362] : memref<256x16xf32, #tpu.memory_space<vmem>> -> memref<1x16xf32, #tpu.memory_space<vmem>>
      %dma_start3A_364 = arith.constant 0 : i32
      %dma_start3A_365 = tpu.memref_slice %arg5[%squeeze3A_359, %dma_start3A_364] : memref<1000000x16xf32, #tpu.memory_space<hbm>> -> memref<1x16xf32, #tpu.memory_space<hbm>>
      %dma_start3A_366 = arith.constant 0 : i32
      %dma_start3A_367 = tpu.memref_slice %arg10[%add3A_361, %dma_start3A_366] : memref<256x16xf32, #tpu.memory_space<vmem>> -> memref<1x16xf32, #tpu.memory_space<vmem>>
      %dma_start3A_368 = arith.constant 0 : i32
      %dma_start3A_369 = tpu.memref_slice %arg5[%squeeze3A_359, %dma_start3A_368] : memref<1000000x16xf32, #tpu.memory_space<hbm>> -> memref<1x16xf32, #tpu.memory_space<hbm>>
      tpu.enqueue_dma source(%dma_start3A_369 : memref<1x16xf32, #tpu.memory_space<hbm>>) target(%dma_start3A_367 : memref<1x16xf32, #tpu.memory_space<vmem>>) target_semaphore(%arg11 : memref<!tpu.dma_semaphore, #tpu.memory_space<semaphore_mem>>)
      %slice3A_370 = vector.extract_strided_slice %get3A_73 {offsets = [12], sizes = [1], strides = [1]} : vector<16xi32> to vector<1xi32>
      %squeeze3A_371 = vector.extract %slice3A_370[0] : i32 from vector<1xi32>
      %add3A_372 = arith.constant 12 : i32
      %add3A_373 = arith.addi %add3A_84, %add3A_372 : i32
      %dma_start3A_374 = arith.constant 0 : i32
      %dma_start3A_375 = tpu.memref_slice %arg9[%add3A_373, %dma_start3A_374] : memref<256x16xf32, #tpu.memory_space<vmem>> -> memref<1x16xf32, #tpu.memory_space<vmem>>
      %dma_start3A_376 = arith.constant 0 : i32
      %dma_start3A_377 = tpu.memref_slice %arg4[%squeeze3A_371, %dma_start3A_376] : memref<1000000x16xf32, #tpu.memory_space<hbm>> -> memref<1x16xf32, #tpu.memory_space<hbm>>
      %dma_start3A_378 = arith.constant 0 : i32
      %dma_start3A_379 = tpu.memref_slice %arg9[%add3A_373, %dma_start3A_378] : memref<256x16xf32, #tpu.memory_space<vmem>> -> memref<1x16xf32, #tpu.memory_space<vmem>>
      %dma_start3A_380 = arith.constant 0 : i32
      %dma_start3A_381 = tpu.memref_slice %arg4[%squeeze3A_371, %dma_start3A_380] : memref<1000000x16xf32, #tpu.memory_space<hbm>> -> memref<1x16xf32, #tpu.memory_space<hbm>>
      tpu.enqueue_dma source(%dma_start3A_381 : memref<1x16xf32, #tpu.memory_space<hbm>>) target(%dma_start3A_379 : memref<1x16xf32, #tpu.memory_space<vmem>>) target_semaphore(%arg11 : memref<!tpu.dma_semaphore, #tpu.memory_space<semaphore_mem>>)
      %slice3A_382 = vector.extract_strided_slice %get3A_80 {offsets = [12], sizes = [1], strides = [1]} : vector<16xi32> to vector<1xi32>
      %squeeze3A_383 = vector.extract %slice3A_382[0] : i32 from vector<1xi32>
      %add3A_384 = arith.constant 12 : i32
      %add3A_385 = arith.addi %add3A_84, %add3A_384 : i32
      %dma_start3A_386 = arith.constant 0 : i32
      %dma_start3A_387 = tpu.memref_slice %arg10[%add3A_385, %dma_start3A_386] : memref<256x16xf32, #tpu.memory_space<vmem>> -> memref<1x16xf32, #tpu.memory_space<vmem>>
      %dma_start3A_388 = arith.constant 0 : i32
      %dma_start3A_389 = tpu.memref_slice %arg5[%squeeze3A_383, %dma_start3A_388] : memref<1000000x16xf32, #tpu.memory_space<hbm>> -> memref<1x16xf32, #tpu.memory_space<hbm>>
      %dma_start3A_390 = arith.constant 0 : i32
      %dma_start3A_391 = tpu.memref_slice %arg10[%add3A_385, %dma_start3A_390] : memref<256x16xf32, #tpu.memory_space<vmem>> -> memref<1x16xf32, #tpu.memory_space<vmem>>
      %dma_start3A_392 = arith.constant 0 : i32
      %dma_start3A_393 = tpu.memref_slice %arg5[%squeeze3A_383, %dma_start3A_392] : memref<1000000x16xf32, #tpu.memory_space<hbm>> -> memref<1x16xf32, #tpu.memory_space<hbm>>
      tpu.enqueue_dma source(%dma_start3A_393 : memref<1x16xf32, #tpu.memory_space<hbm>>) target(%dma_start3A_391 : memref<1x16xf32, #tpu.memory_space<vmem>>) target_semaphore(%arg11 : memref<!tpu.dma_semaphore, #tpu.memory_space<semaphore_mem>>)
      %slice3A_394 = vector.extract_strided_slice %get3A_73 {offsets = [13], sizes = [1], strides = [1]} : vector<16xi32> to vector<1xi32>
      %squeeze3A_395 = vector.extract %slice3A_394[0] : i32 from vector<1xi32>
      %add3A_396 = arith.constant 13 : i32
      %add3A_397 = arith.addi %add3A_84, %add3A_396 : i32
      %dma_start3A_398 = arith.constant 0 : i32
      %dma_start3A_399 = tpu.memref_slice %arg9[%add3A_397, %dma_start3A_398] : memref<256x16xf32, #tpu.memory_space<vmem>> -> memref<1x16xf32, #tpu.memory_space<vmem>>
      %dma_start3A_400 = arith.constant 0 : i32
      %dma_start3A_401 = tpu.memref_slice %arg4[%squeeze3A_395, %dma_start3A_400] : memref<1000000x16xf32, #tpu.memory_space<hbm>> -> memref<1x16xf32, #tpu.memory_space<hbm>>
      %dma_start3A_402 = arith.constant 0 : i32
      %dma_start3A_403 = tpu.memref_slice %arg9[%add3A_397, %dma_start3A_402] : memref<256x16xf32, #tpu.memory_space<vmem>> -> memref<1x16xf32, #tpu.memory_space<vmem>>
      %dma_start3A_404 = arith.constant 0 : i32
      %dma_start3A_405 = tpu.memref_slice %arg4[%squeeze3A_395, %dma_start3A_404] : memref<1000000x16xf32, #tpu.memory_space<hbm>> -> memref<1x16xf32, #tpu.memory_space<hbm>>
      tpu.enqueue_dma source(%dma_start3A_405 : memref<1x16xf32, #tpu.memory_space<hbm>>) target(%dma_start3A_403 : memref<1x16xf32, #tpu.memory_space<vmem>>) target_semaphore(%arg11 : memref<!tpu.dma_semaphore, #tpu.memory_space<semaphore_mem>>)
      %slice3A_406 = vector.extract_strided_slice %get3A_80 {offsets = [13], sizes = [1], strides = [1]} : vector<16xi32> to vector<1xi32>
      %squeeze3A_407 = vector.extract %slice3A_406[0] : i32 from vector<1xi32>
      %add3A_408 = arith.constant 13 : i32
      %add3A_409 = arith.addi %add3A_84, %add3A_408 : i32
      %dma_start3A_410 = arith.constant 0 : i32
      %dma_start3A_411 = tpu.memref_slice %arg10[%add3A_409, %dma_start3A_410] : memref<256x16xf32, #tpu.memory_space<vmem>> -> memref<1x16xf32, #tpu.memory_space<vmem>>
      %dma_start3A_412 = arith.constant 0 : i32
      %dma_start3A_413 = tpu.memref_slice %arg5[%squeeze3A_407, %dma_start3A_412] : memref<1000000x16xf32, #tpu.memory_space<hbm>> -> memref<1x16xf32, #tpu.memory_space<hbm>>
      %dma_start3A_414 = arith.constant 0 : i32
      %dma_start3A_415 = tpu.memref_slice %arg10[%add3A_409, %dma_start3A_414] : memref<256x16xf32, #tpu.memory_space<vmem>> -> memref<1x16xf32, #tpu.memory_space<vmem>>
      %dma_start3A_416 = arith.constant 0 : i32
      %dma_start3A_417 = tpu.memref_slice %arg5[%squeeze3A_407, %dma_start3A_416] : memref<1000000x16xf32, #tpu.memory_space<hbm>> -> memref<1x16xf32, #tpu.memory_space<hbm>>
      tpu.enqueue_dma source(%dma_start3A_417 : memref<1x16xf32, #tpu.memory_space<hbm>>) target(%dma_start3A_415 : memref<1x16xf32, #tpu.memory_space<vmem>>) target_semaphore(%arg11 : memref<!tpu.dma_semaphore, #tpu.memory_space<semaphore_mem>>)
      %slice3A_418 = vector.extract_strided_slice %get3A_73 {offsets = [14], sizes = [1], strides = [1]} : vector<16xi32> to vector<1xi32>
      %squeeze3A_419 = vector.extract %slice3A_418[0] : i32 from vector<1xi32>
      %add3A_420 = arith.constant 14 : i32
      %add3A_421 = arith.addi %add3A_84, %add3A_420 : i32
      %dma_start3A_422 = arith.constant 0 : i32
      %dma_start3A_423 = tpu.memref_slice %arg9[%add3A_421, %dma_start3A_422] : memref<256x16xf32, #tpu.memory_space<vmem>> -> memref<1x16xf32, #tpu.memory_space<vmem>>
      %dma_start3A_424 = arith.constant 0 : i32
      %dma_start3A_425 = tpu.memref_slice %arg4[%squeeze3A_419, %dma_start3A_424] : memref<1000000x16xf32, #tpu.memory_space<hbm>> -> memref<1x16xf32, #tpu.memory_space<hbm>>
      %dma_start3A_426 = arith.constant 0 : i32
      %dma_start3A_427 = tpu.memref_slice %arg9[%add3A_421, %dma_start3A_426] : memref<256x16xf32, #tpu.memory_space<vmem>> -> memref<1x16xf32, #tpu.memory_space<vmem>>
      %dma_start3A_428 = arith.constant 0 : i32
      %dma_start3A_429 = tpu.memref_slice %arg4[%squeeze3A_419, %dma_start3A_428] : memref<1000000x16xf32, #tpu.memory_space<hbm>> -> memref<1x16xf32, #tpu.memory_space<hbm>>
      tpu.enqueue_dma source(%dma_start3A_429 : memref<1x16xf32, #tpu.memory_space<hbm>>) target(%dma_start3A_427 : memref<1x16xf32, #tpu.memory_space<vmem>>) target_semaphore(%arg11 : memref<!tpu.dma_semaphore, #tpu.memory_space<semaphore_mem>>)
      %slice3A_430 = vector.extract_strided_slice %get3A_80 {offsets = [14], sizes = [1], strides = [1]} : vector<16xi32> to vector<1xi32>
      %squeeze3A_431 = vector.extract %slice3A_430[0] : i32 from vector<1xi32>
      %add3A_432 = arith.constant 14 : i32
      %add3A_433 = arith.addi %add3A_84, %add3A_432 : i32
      %dma_start3A_434 = arith.constant 0 : i32
      %dma_start3A_435 = tpu.memref_slice %arg10[%add3A_433, %dma_start3A_434] : memref<256x16xf32, #tpu.memory_space<vmem>> -> memref<1x16xf32, #tpu.memory_space<vmem>>
      %dma_start3A_436 = arith.constant 0 : i32
      %dma_start3A_437 = tpu.memref_slice %arg5[%squeeze3A_431, %dma_start3A_436] : memref<1000000x16xf32, #tpu.memory_space<hbm>> -> memref<1x16xf32, #tpu.memory_space<hbm>>
      %dma_start3A_438 = arith.constant 0 : i32
      %dma_start3A_439 = tpu.memref_slice %arg10[%add3A_433, %dma_start3A_438] : memref<256x16xf32, #tpu.memory_space<vmem>> -> memref<1x16xf32, #tpu.memory_space<vmem>>
      %dma_start3A_440 = arith.constant 0 : i32
      %dma_start3A_441 = tpu.memref_slice %arg5[%squeeze3A_431, %dma_start3A_440] : memref<1000000x16xf32, #tpu.memory_space<hbm>> -> memref<1x16xf32, #tpu.memory_space<hbm>>
      tpu.enqueue_dma source(%dma_start3A_441 : memref<1x16xf32, #tpu.memory_space<hbm>>) target(%dma_start3A_439 : memref<1x16xf32, #tpu.memory_space<vmem>>) target_semaphore(%arg11 : memref<!tpu.dma_semaphore, #tpu.memory_space<semaphore_mem>>)
      %slice3A_442 = vector.extract_strided_slice %get3A_73 {offsets = [15], sizes = [1], strides = [1]} : vector<16xi32> to vector<1xi32>
      %squeeze3A_443 = vector.extract %slice3A_442[0] : i32 from vector<1xi32>
      %add3A_444 = arith.constant 15 : i32
      %add3A_445 = arith.addi %add3A_84, %add3A_444 : i32
      %dma_start3A_446 = arith.constant 0 : i32
      %dma_start3A_447 = tpu.memref_slice %arg9[%add3A_445, %dma_start3A_446] : memref<256x16xf32, #tpu.memory_space<vmem>> -> memref<1x16xf32, #tpu.memory_space<vmem>>
      %dma_start3A_448 = arith.constant 0 : i32
      %dma_start3A_449 = tpu.memref_slice %arg4[%squeeze3A_443, %dma_start3A_448] : memref<1000000x16xf32, #tpu.memory_space<hbm>> -> memref<1x16xf32, #tpu.memory_space<hbm>>
      %dma_start3A_450 = arith.constant 0 : i32
      %dma_start3A_451 = tpu.memref_slice %arg9[%add3A_445, %dma_start3A_450] : memref<256x16xf32, #tpu.memory_space<vmem>> -> memref<1x16xf32, #tpu.memory_space<vmem>>
      %dma_start3A_452 = arith.constant 0 : i32
      %dma_start3A_453 = tpu.memref_slice %arg4[%squeeze3A_443, %dma_start3A_452] : memref<1000000x16xf32, #tpu.memory_space<hbm>> -> memref<1x16xf32, #tpu.memory_space<hbm>>
      tpu.enqueue_dma source(%dma_start3A_453 : memref<1x16xf32, #tpu.memory_space<hbm>>) target(%dma_start3A_451 : memref<1x16xf32, #tpu.memory_space<vmem>>) target_semaphore(%arg11 : memref<!tpu.dma_semaphore, #tpu.memory_space<semaphore_mem>>)
      %slice3A_454 = vector.extract_strided_slice %get3A_80 {offsets = [15], sizes = [1], strides = [1]} : vector<16xi32> to vector<1xi32>
      %squeeze3A_455 = vector.extract %slice3A_454[0] : i32 from vector<1xi32>
      %add3A_456 = arith.constant 15 : i32
      %add3A_457 = arith.addi %add3A_84, %add3A_456 : i32
      %dma_start3A_458 = arith.constant 0 : i32
      %dma_start3A_459 = tpu.memref_slice %arg10[%add3A_457, %dma_start3A_458] : memref<256x16xf32, #tpu.memory_space<vmem>> -> memref<1x16xf32, #tpu.memory_space<vmem>>
      %dma_start3A_460 = arith.constant 0 : i32
      %dma_start3A_461 = tpu.memref_slice %arg5[%squeeze3A_455, %dma_start3A_460] : memref<1000000x16xf32, #tpu.memory_space<hbm>> -> memref<1x16xf32, #tpu.memory_space<hbm>>
      %dma_start3A_462 = arith.constant 0 : i32
      %dma_start3A_463 = tpu.memref_slice %arg10[%add3A_457, %dma_start3A_462] : memref<256x16xf32, #tpu.memory_space<vmem>> -> memref<1x16xf32, #tpu.memory_space<vmem>>
      %dma_start3A_464 = arith.constant 0 : i32
      %dma_start3A_465 = tpu.memref_slice %arg5[%squeeze3A_455, %dma_start3A_464] : memref<1000000x16xf32, #tpu.memory_space<hbm>> -> memref<1x16xf32, #tpu.memory_space<hbm>>
      tpu.enqueue_dma source(%dma_start3A_465 : memref<1x16xf32, #tpu.memory_space<hbm>>) target(%dma_start3A_463 : memref<1x16xf32, #tpu.memory_space<vmem>>) target_semaphore(%arg11 : memref<!tpu.dma_semaphore, #tpu.memory_space<semaphore_mem>>)
      %scan3A_466 = arith.constant 0 : i32
      scf.yield %scan3A_466 : i32
    }
    %scan3A_12 = arith.constant 8 : i32
    %scan3A_13 = arith.constant 0 : i32
    %scan3A_14 = arith.constant 0 : i32
    %scan3A_15 = arith.constant 8 : i32
    %scan3A_16 = arith.addi %scan3A_14, %scan3A_15 : i32
    %scan3A_17 = arith.constant 1 : i32
    %scan3A_18 = scf.for %scan3A_66 = %scan3A_14 to %scan3A_16 step %scan3A_17 iter_args(%scan3A_67 = %scan3A_13) -> (i32)  : i32 {
      %mul3A_68 = arith.constant 16 : i32
      %mul3A_69 = arith.muli %scan3A_66, %mul3A_68 : i32
      %get3A = arith.constant 1 : i32
      %get3A_70 = arith.index_cast %get3A : i32 to index
      %get3A_71 = arith.index_cast %mul3A_69 : i32 to index
      %get3A_72 = tpu.vector_load %arg7[%get3A_70, %get3A_71] {strides = array<i32>} : memref<4x128xi32, #tpu.memory_space<vmem>>, vector<1x16xi32>,
      %get3A_73 = vector.shape_cast %get3A_72 : vector<1x16xi32> to vector<16xi32>
      %mul3A_74 = arith.constant 16 : i32
      %mul3A_75 = arith.muli %scan3A_66, %mul3A_74 : i32
      %get3A_76 = arith.constant 1 : i32
      %get3A_77 = arith.index_cast %get3A_76 : i32 to index
      %get3A_78 = arith.index_cast %mul3A_75 : i32 to index
      %get3A_79 = tpu.vector_load %arg8[%get3A_77, %get3A_78] {strides = array<i32>} : memref<4x128xi32, #tpu.memory_space<vmem>>, vector<1x16xi32>,
      %get3A_80 = vector.shape_cast %get3A_79 : vector<1x16xi32> to vector<16xi32>
      %mul3A_81 = arith.constant 16 : i32
      %mul3A_82 = arith.muli %scan3A_66, %mul3A_81 : i32
      %add3A_83 = arith.constant 128 : i32
      %add3A_84 = arith.addi %add3A_83, %mul3A_82 : i32
      %slice3A = vector.extract_strided_slice %get3A_73 {offsets = [0], sizes = [1], strides = [1]} : vector<16xi32> to vector<1xi32>
      %squeeze3A = vector.extract %slice3A[0] : i32 from vector<1xi32>
      %add3A_85 = arith.constant 0 : i32
      %add3A_86 = arith.addi %add3A_84, %add3A_85 : i32
      %dma_start3A = arith.constant 0 : i32
      %dma_start3A_87 = tpu.memref_slice %arg9[%add3A_86, %dma_start3A] : memref<256x16xf32, #tpu.memory_space<vmem>> -> memref<1x16xf32, #tpu.memory_space<vmem>>
      %dma_start3A_88 = arith.constant 0 : i32
      %dma_start3A_89 = tpu.memref_slice %arg4[%squeeze3A, %dma_start3A_88] : memref<1000000x16xf32, #tpu.memory_space<hbm>> -> memref<1x16xf32, #tpu.memory_space<hbm>>
      %dma_start3A_90 = arith.constant 0 : i32
      %dma_start3A_91 = tpu.memref_slice %arg9[%add3A_86, %dma_start3A_90] : memref<256x16xf32, #tpu.memory_space<vmem>> -> memref<1x16xf32, #tpu.memory_space<vmem>>
      %dma_start3A_92 = arith.constant 0 : i32
      %dma_start3A_93 = tpu.memref_slice %arg4[%squeeze3A, %dma_start3A_92] : memref<1000000x16xf32, #tpu.memory_space<hbm>> -> memref<1x16xf32, #tpu.memory_space<hbm>>
      tpu.enqueue_dma source(%dma_start3A_93 : memref<1x16xf32, #tpu.memory_space<hbm>>) target(%dma_start3A_91 : memref<1x16xf32, #tpu.memory_space<vmem>>) target_semaphore(%arg11 : memref<!tpu.dma_semaphore, #tpu.memory_space<semaphore_mem>>)
      %slice3A_94 = vector.extract_strided_slice %get3A_80 {offsets = [0], sizes = [1], strides = [1]} : vector<16xi32> to vector<1xi32>
      %squeeze3A_95 = vector.extract %slice3A_94[0] : i32 from vector<1xi32>
      %add3A_96 = arith.constant 0 : i32
      %add3A_97 = arith.addi %add3A_84, %add3A_96 : i32
      %dma_start3A_98 = arith.constant 0 : i32
      %dma_start3A_99 = tpu.memref_slice %arg10[%add3A_97, %dma_start3A_98] : memref<256x16xf32, #tpu.memory_space<vmem>> -> memref<1x16xf32, #tpu.memory_space<vmem>>
      %dma_start3A_100 = arith.constant 0 : i32
      %dma_start3A_101 = tpu.memref_slice %arg5[%squeeze3A_95, %dma_start3A_100] : memref<1000000x16xf32, #tpu.memory_space<hbm>> -> memref<1x16xf32, #tpu.memory_space<hbm>>
      %dma_start3A_102 = arith.constant 0 : i32
      %dma_start3A_103 = tpu.memref_slice %arg10[%add3A_97, %dma_start3A_102] : memref<256x16xf32, #tpu.memory_space<vmem>> -> memref<1x16xf32, #tpu.memory_space<vmem>>
      %dma_start3A_104 = arith.constant 0 : i32
      %dma_start3A_105 = tpu.memref_slice %arg5[%squeeze3A_95, %dma_start3A_104] : memref<1000000x16xf32, #tpu.memory_space<hbm>> -> memref<1x16xf32, #tpu.memory_space<hbm>>
      tpu.enqueue_dma source(%dma_start3A_105 : memref<1x16xf32, #tpu.memory_space<hbm>>) target(%dma_start3A_103 : memref<1x16xf32, #tpu.memory_space<vmem>>) target_semaphore(%arg11 : memref<!tpu.dma_semaphore, #tpu.memory_space<semaphore_mem>>)
      %slice3A_106 = vector.extract_strided_slice %get3A_73 {offsets = [1], sizes = [1], strides = [1]} : vector<16xi32> to vector<1xi32>
      %squeeze3A_107 = vector.extract %slice3A_106[0] : i32 from vector<1xi32>
      %add3A_108 = arith.constant 1 : i32
      %add3A_109 = arith.addi %add3A_84, %add3A_108 : i32
      %dma_start3A_110 = arith.constant 0 : i32
      %dma_start3A_111 = tpu.memref_slice %arg9[%add3A_109, %dma_start3A_110] : memref<256x16xf32, #tpu.memory_space<vmem>> -> memref<1x16xf32, #tpu.memory_space<vmem>>
      %dma_start3A_112 = arith.constant 0 : i32
      %dma_start3A_113 = tpu.memref_slice %arg4[%squeeze3A_107, %dma_start3A_112] : memref<1000000x16xf32, #tpu.memory_space<hbm>> -> memref<1x16xf32, #tpu.memory_space<hbm>>
      %dma_start3A_114 = arith.constant 0 : i32
      %dma_start3A_115 = tpu.memref_slice %arg9[%add3A_109, %dma_start3A_114] : memref<256x16xf32, #tpu.memory_space<vmem>> -> memref<1x16xf32, #tpu.memory_space<vmem>>
      %dma_start3A_116 = arith.constant 0 : i32
      %dma_start3A_117 = tpu.memref_slice %arg4[%squeeze3A_107, %dma_start3A_116] : memref<1000000x16xf32, #tpu.memory_space<hbm>> -> memref<1x16xf32, #tpu.memory_space<hbm>>
      tpu.enqueue_dma source(%dma_start3A_117 : memref<1x16xf32, #tpu.memory_space<hbm>>) target(%dma_start3A_115 : memref<1x16xf32, #tpu.memory_space<vmem>>) target_semaphore(%arg11 : memref<!tpu.dma_semaphore, #tpu.memory_space<semaphore_mem>>)
      %slice3A_118 = vector.extract_strided_slice %get3A_80 {offsets = [1], sizes = [1], strides = [1]} : vector<16xi32> to vector<1xi32>
      %squeeze3A_119 = vector.extract %slice3A_118[0] : i32 from vector<1xi32>
      %add3A_120 = arith.constant 1 : i32
      %add3A_121 = arith.addi %add3A_84, %add3A_120 : i32
      %dma_start3A_122 = arith.constant 0 : i32
      %dma_start3A_123 = tpu.memref_slice %arg10[%add3A_121, %dma_start3A_122] : memref<256x16xf32, #tpu.memory_space<vmem>> -> memref<1x16xf32, #tpu.memory_space<vmem>>
      %dma_start3A_124 = arith.constant 0 : i32
      %dma_start3A_125 = tpu.memref_slice %arg5[%squeeze3A_119, %dma_start3A_124] : memref<1000000x16xf32, #tpu.memory_space<hbm>> -> memref<1x16xf32, #tpu.memory_space<hbm>>
      %dma_start3A_126 = arith.constant 0 : i32
      %dma_start3A_127 = tpu.memref_slice %arg10[%add3A_121, %dma_start3A_126] : memref<256x16xf32, #tpu.memory_space<vmem>> -> memref<1x16xf32, #tpu.memory_space<vmem>>
      %dma_start3A_128 = arith.constant 0 : i32
      %dma_start3A_129 = tpu.memref_slice %arg5[%squeeze3A_119, %dma_start3A_128] : memref<1000000x16xf32, #tpu.memory_space<hbm>> -> memref<1x16xf32, #tpu.memory_space<hbm>>
      tpu.enqueue_dma source(%dma_start3A_129 : memref<1x16xf32, #tpu.memory_space<hbm>>) target(%dma_start3A_127 : memref<1x16xf32, #tpu.memory_space<vmem>>) target_semaphore(%arg11 : memref<!tpu.dma_semaphore, #tpu.memory_space<semaphore_mem>>)
      %slice3A_130 = vector.extract_strided_slice %get3A_73 {offsets = [2], sizes = [1], strides = [1]} : vector<16xi32> to vector<1xi32>
      %squeeze3A_131 = vector.extract %slice3A_130[0] : i32 from vector<1xi32>
      %add3A_132 = arith.constant 2 : i32
      %add3A_133 = arith.addi %add3A_84, %add3A_132 : i32
      %dma_start3A_134 = arith.constant 0 : i32
      %dma_start3A_135 = tpu.memref_slice %arg9[%add3A_133, %dma_start3A_134] : memref<256x16xf32, #tpu.memory_space<vmem>> -> memref<1x16xf32, #tpu.memory_space<vmem>>
      %dma_start3A_136 = arith.constant 0 : i32
      %dma_start3A_137 = tpu.memref_slice %arg4[%squeeze3A_131, %dma_start3A_136] : memref<1000000x16xf32, #tpu.memory_space<hbm>> -> memref<1x16xf32, #tpu.memory_space<hbm>>
      %dma_start3A_138 = arith.constant 0 : i32
      %dma_start3A_139 = tpu.memref_slice %arg9[%add3A_133, %dma_start3A_138] : memref<256x16xf32, #tpu.memory_space<vmem>> -> memref<1x16xf32, #tpu.memory_space<vmem>>
      %dma_start3A_140 = arith.constant 0 : i32
      %dma_start3A_141 = tpu.memref_slice %arg4[%squeeze3A_131, %dma_start3A_140] : memref<1000000x16xf32, #tpu.memory_space<hbm>> -> memref<1x16xf32, #tpu.memory_space<hbm>>
      tpu.enqueue_dma source(%dma_start3A_141 : memref<1x16xf32, #tpu.memory_space<hbm>>) target(%dma_start3A_139 : memref<1x16xf32, #tpu.memory_space<vmem>>) target_semaphore(%arg11 : memref<!tpu.dma_semaphore, #tpu.memory_space<semaphore_mem>>)
      %slice3A_142 = vector.extract_strided_slice %get3A_80 {offsets = [2], sizes = [1], strides = [1]} : vector<16xi32> to vector<1xi32>
      %squeeze3A_143 = vector.extract %slice3A_142[0] : i32 from vector<1xi32>
      %add3A_144 = arith.constant 2 : i32
      %add3A_145 = arith.addi %add3A_84, %add3A_144 : i32
      %dma_start3A_146 = arith.constant 0 : i32
      %dma_start3A_147 = tpu.memref_slice %arg10[%add3A_145, %dma_start3A_146] : memref<256x16xf32, #tpu.memory_space<vmem>> -> memref<1x16xf32, #tpu.memory_space<vmem>>
      %dma_start3A_148 = arith.constant 0 : i32
      %dma_start3A_149 = tpu.memref_slice %arg5[%squeeze3A_143, %dma_start3A_148] : memref<1000000x16xf32, #tpu.memory_space<hbm>> -> memref<1x16xf32, #tpu.memory_space<hbm>>
      %dma_start3A_150 = arith.constant 0 : i32
      %dma_start3A_151 = tpu.memref_slice %arg10[%add3A_145, %dma_start3A_150] : memref<256x16xf32, #tpu.memory_space<vmem>> -> memref<1x16xf32, #tpu.memory_space<vmem>>
      %dma_start3A_152 = arith.constant 0 : i32
      %dma_start3A_153 = tpu.memref_slice %arg5[%squeeze3A_143, %dma_start3A_152] : memref<1000000x16xf32, #tpu.memory_space<hbm>> -> memref<1x16xf32, #tpu.memory_space<hbm>>
      tpu.enqueue_dma source(%dma_start3A_153 : memref<1x16xf32, #tpu.memory_space<hbm>>) target(%dma_start3A_151 : memref<1x16xf32, #tpu.memory_space<vmem>>) target_semaphore(%arg11 : memref<!tpu.dma_semaphore, #tpu.memory_space<semaphore_mem>>)
      %slice3A_154 = vector.extract_strided_slice %get3A_73 {offsets = [3], sizes = [1], strides = [1]} : vector<16xi32> to vector<1xi32>
      %squeeze3A_155 = vector.extract %slice3A_154[0] : i32 from vector<1xi32>
      %add3A_156 = arith.constant 3 : i32
      %add3A_157 = arith.addi %add3A_84, %add3A_156 : i32
      %dma_start3A_158 = arith.constant 0 : i32
      %dma_start3A_159 = tpu.memref_slice %arg9[%add3A_157, %dma_start3A_158] : memref<256x16xf32, #tpu.memory_space<vmem>> -> memref<1x16xf32, #tpu.memory_space<vmem>>
      %dma_start3A_160 = arith.constant 0 : i32
      %dma_start3A_161 = tpu.memref_slice %arg4[%squeeze3A_155, %dma_start3A_160] : memref<1000000x16xf32, #tpu.memory_space<hbm>> -> memref<1x16xf32, #tpu.memory_space<hbm>>
      %dma_start3A_162 = arith.constant 0 : i32
      %dma_start3A_163 = tpu.memref_slice %arg9[%add3A_157, %dma_start3A_162] : memref<256x16xf32, #tpu.memory_space<vmem>> -> memref<1x16xf32, #tpu.memory_space<vmem>>
      %dma_start3A_164 = arith.constant 0 : i32
      %dma_start3A_165 = tpu.memref_slice %arg4[%squeeze3A_155, %dma_start3A_164] : memref<1000000x16xf32, #tpu.memory_space<hbm>> -> memref<1x16xf32, #tpu.memory_space<hbm>>
      tpu.enqueue_dma source(%dma_start3A_165 : memref<1x16xf32, #tpu.memory_space<hbm>>) target(%dma_start3A_163 : memref<1x16xf32, #tpu.memory_space<vmem>>) target_semaphore(%arg11 : memref<!tpu.dma_semaphore, #tpu.memory_space<semaphore_mem>>)
      %slice3A_166 = vector.extract_strided_slice %get3A_80 {offsets = [3], sizes = [1], strides = [1]} : vector<16xi32> to vector<1xi32>
      %squeeze3A_167 = vector.extract %slice3A_166[0] : i32 from vector<1xi32>
      %add3A_168 = arith.constant 3 : i32
      %add3A_169 = arith.addi %add3A_84, %add3A_168 : i32
      %dma_start3A_170 = arith.constant 0 : i32
      %dma_start3A_171 = tpu.memref_slice %arg10[%add3A_169, %dma_start3A_170] : memref<256x16xf32, #tpu.memory_space<vmem>> -> memref<1x16xf32, #tpu.memory_space<vmem>>
      %dma_start3A_172 = arith.constant 0 : i32
      %dma_start3A_173 = tpu.memref_slice %arg5[%squeeze3A_167, %dma_start3A_172] : memref<1000000x16xf32, #tpu.memory_space<hbm>> -> memref<1x16xf32, #tpu.memory_space<hbm>>
      %dma_start3A_174 = arith.constant 0 : i32
      %dma_start3A_175 = tpu.memref_slice %arg10[%add3A_169, %dma_start3A_174] : memref<256x16xf32, #tpu.memory_space<vmem>> -> memref<1x16xf32, #tpu.memory_space<vmem>>
      %dma_start3A_176 = arith.constant 0 : i32
      %dma_start3A_177 = tpu.memref_slice %arg5[%squeeze3A_167, %dma_start3A_176] : memref<1000000x16xf32, #tpu.memory_space<hbm>> -> memref<1x16xf32, #tpu.memory_space<hbm>>
      tpu.enqueue_dma source(%dma_start3A_177 : memref<1x16xf32, #tpu.memory_space<hbm>>) target(%dma_start3A_175 : memref<1x16xf32, #tpu.memory_space<vmem>>) target_semaphore(%arg11 : memref<!tpu.dma_semaphore, #tpu.memory_space<semaphore_mem>>)
      %slice3A_178 = vector.extract_strided_slice %get3A_73 {offsets = [4], sizes = [1], strides = [1]} : vector<16xi32> to vector<1xi32>
      %squeeze3A_179 = vector.extract %slice3A_178[0] : i32 from vector<1xi32>
      %add3A_180 = arith.constant 4 : i32
      %add3A_181 = arith.addi %add3A_84, %add3A_180 : i32
      %dma_start3A_182 = arith.constant 0 : i32
      %dma_start3A_183 = tpu.memref_slice %arg9[%add3A_181, %dma_start3A_182] : memref<256x16xf32, #tpu.memory_space<vmem>> -> memref<1x16xf32, #tpu.memory_space<vmem>>
      %dma_start3A_184 = arith.constant 0 : i32
      %dma_start3A_185 = tpu.memref_slice %arg4[%squeeze3A_179, %dma_start3A_184] : memref<1000000x16xf32, #tpu.memory_space<hbm>> -> memref<1x16xf32, #tpu.memory_space<hbm>>
      %dma_start3A_186 = arith.constant 0 : i32
      %dma_start3A_187 = tpu.memref_slice %arg9[%add3A_181, %dma_start3A_186] : memref<256x16xf32, #tpu.memory_space<vmem>> -> memref<1x16xf32, #tpu.memory_space<vmem>>
      %dma_start3A_188 = arith.constant 0 : i32
      %dma_start3A_189 = tpu.memref_slice %arg4[%squeeze3A_179, %dma_start3A_188] : memref<1000000x16xf32, #tpu.memory_space<hbm>> -> memref<1x16xf32, #tpu.memory_space<hbm>>
      tpu.enqueue_dma source(%dma_start3A_189 : memref<1x16xf32, #tpu.memory_space<hbm>>) target(%dma_start3A_187 : memref<1x16xf32, #tpu.memory_space<vmem>>) target_semaphore(%arg11 : memref<!tpu.dma_semaphore, #tpu.memory_space<semaphore_mem>>)
      %slice3A_190 = vector.extract_strided_slice %get3A_80 {offsets = [4], sizes = [1], strides = [1]} : vector<16xi32> to vector<1xi32>
      %squeeze3A_191 = vector.extract %slice3A_190[0] : i32 from vector<1xi32>
      %add3A_192 = arith.constant 4 : i32
      %add3A_193 = arith.addi %add3A_84, %add3A_192 : i32
      %dma_start3A_194 = arith.constant 0 : i32
      %dma_start3A_195 = tpu.memref_slice %arg10[%add3A_193, %dma_start3A_194] : memref<256x16xf32, #tpu.memory_space<vmem>> -> memref<1x16xf32, #tpu.memory_space<vmem>>
      %dma_start3A_196 = arith.constant 0 : i32
      %dma_start3A_197 = tpu.memref_slice %arg5[%squeeze3A_191, %dma_start3A_196] : memref<1000000x16xf32, #tpu.memory_space<hbm>> -> memref<1x16xf32, #tpu.memory_space<hbm>>
      %dma_start3A_198 = arith.constant 0 : i32
      %dma_start3A_199 = tpu.memref_slice %arg10[%add3A_193, %dma_start3A_198] : memref<256x16xf32, #tpu.memory_space<vmem>> -> memref<1x16xf32, #tpu.memory_space<vmem>>
      %dma_start3A_200 = arith.constant 0 : i32
      %dma_start3A_201 = tpu.memref_slice %arg5[%squeeze3A_191, %dma_start3A_200] : memref<1000000x16xf32, #tpu.memory_space<hbm>> -> memref<1x16xf32, #tpu.memory_space<hbm>>
      tpu.enqueue_dma source(%dma_start3A_201 : memref<1x16xf32, #tpu.memory_space<hbm>>) target(%dma_start3A_199 : memref<1x16xf32, #tpu.memory_space<vmem>>) target_semaphore(%arg11 : memref<!tpu.dma_semaphore, #tpu.memory_space<semaphore_mem>>)
      %slice3A_202 = vector.extract_strided_slice %get3A_73 {offsets = [5], sizes = [1], strides = [1]} : vector<16xi32> to vector<1xi32>
      %squeeze3A_203 = vector.extract %slice3A_202[0] : i32 from vector<1xi32>
      %add3A_204 = arith.constant 5 : i32
      %add3A_205 = arith.addi %add3A_84, %add3A_204 : i32
      %dma_start3A_206 = arith.constant 0 : i32
      %dma_start3A_207 = tpu.memref_slice %arg9[%add3A_205, %dma_start3A_206] : memref<256x16xf32, #tpu.memory_space<vmem>> -> memref<1x16xf32, #tpu.memory_space<vmem>>
      %dma_start3A_208 = arith.constant 0 : i32
      %dma_start3A_209 = tpu.memref_slice %arg4[%squeeze3A_203, %dma_start3A_208] : memref<1000000x16xf32, #tpu.memory_space<hbm>> -> memref<1x16xf32, #tpu.memory_space<hbm>>
      %dma_start3A_210 = arith.constant 0 : i32
      %dma_start3A_211 = tpu.memref_slice %arg9[%add3A_205, %dma_start3A_210] : memref<256x16xf32, #tpu.memory_space<vmem>> -> memref<1x16xf32, #tpu.memory_space<vmem>>
      %dma_start3A_212 = arith.constant 0 : i32
      %dma_start3A_213 = tpu.memref_slice %arg4[%squeeze3A_203, %dma_start3A_212] : memref<1000000x16xf32, #tpu.memory_space<hbm>> -> memref<1x16xf32, #tpu.memory_space<hbm>>
      tpu.enqueue_dma source(%dma_start3A_213 : memref<1x16xf32, #tpu.memory_space<hbm>>) target(%dma_start3A_211 : memref<1x16xf32, #tpu.memory_space<vmem>>) target_semaphore(%arg11 : memref<!tpu.dma_semaphore, #tpu.memory_space<semaphore_mem>>)
      %slice3A_214 = vector.extract_strided_slice %get3A_80 {offsets = [5], sizes = [1], strides = [1]} : vector<16xi32> to vector<1xi32>
      %squeeze3A_215 = vector.extract %slice3A_214[0] : i32 from vector<1xi32>
      %add3A_216 = arith.constant 5 : i32
      %add3A_217 = arith.addi %add3A_84, %add3A_216 : i32
      %dma_start3A_218 = arith.constant 0 : i32
      %dma_start3A_219 = tpu.memref_slice %arg10[%add3A_217, %dma_start3A_218] : memref<256x16xf32, #tpu.memory_space<vmem>> -> memref<1x16xf32, #tpu.memory_space<vmem>>
      %dma_start3A_220 = arith.constant 0 : i32
      %dma_start3A_221 = tpu.memref_slice %arg5[%squeeze3A_215, %dma_start3A_220] : memref<1000000x16xf32, #tpu.memory_space<hbm>> -> memref<1x16xf32, #tpu.memory_space<hbm>>
      %dma_start3A_222 = arith.constant 0 : i32
      %dma_start3A_223 = tpu.memref_slice %arg10[%add3A_217, %dma_start3A_222] : memref<256x16xf32, #tpu.memory_space<vmem>> -> memref<1x16xf32, #tpu.memory_space<vmem>>
      %dma_start3A_224 = arith.constant 0 : i32
      %dma_start3A_225 = tpu.memref_slice %arg5[%squeeze3A_215, %dma_start3A_224] : memref<1000000x16xf32, #tpu.memory_space<hbm>> -> memref<1x16xf32, #tpu.memory_space<hbm>>
      tpu.enqueue_dma source(%dma_start3A_225 : memref<1x16xf32, #tpu.memory_space<hbm>>) target(%dma_start3A_223 : memref<1x16xf32, #tpu.memory_space<vmem>>) target_semaphore(%arg11 : memref<!tpu.dma_semaphore, #tpu.memory_space<semaphore_mem>>)
      %slice3A_226 = vector.extract_strided_slice %get3A_73 {offsets = [6], sizes = [1], strides = [1]} : vector<16xi32> to vector<1xi32>
      %squeeze3A_227 = vector.extract %slice3A_226[0] : i32 from vector<1xi32>
      %add3A_228 = arith.constant 6 : i32
      %add3A_229 = arith.addi %add3A_84, %add3A_228 : i32
      %dma_start3A_230 = arith.constant 0 : i32
      %dma_start3A_231 = tpu.memref_slice %arg9[%add3A_229, %dma_start3A_230] : memref<256x16xf32, #tpu.memory_space<vmem>> -> memref<1x16xf32, #tpu.memory_space<vmem>>
      %dma_start3A_232 = arith.constant 0 : i32
      %dma_start3A_233 = tpu.memref_slice %arg4[%squeeze3A_227, %dma_start3A_232] : memref<1000000x16xf32, #tpu.memory_space<hbm>> -> memref<1x16xf32, #tpu.memory_space<hbm>>
      %dma_start3A_234 = arith.constant 0 : i32
      %dma_start3A_235 = tpu.memref_slice %arg9[%add3A_229, %dma_start3A_234] : memref<256x16xf32, #tpu.memory_space<vmem>> -> memref<1x16xf32, #tpu.memory_space<vmem>>
      %dma_start3A_236 = arith.constant 0 : i32
      %dma_start3A_237 = tpu.memref_slice %arg4[%squeeze3A_227, %dma_start3A_236] : memref<1000000x16xf32, #tpu.memory_space<hbm>> -> memref<1x16xf32, #tpu.memory_space<hbm>>
      tpu.enqueue_dma source(%dma_start3A_237 : memref<1x16xf32, #tpu.memory_space<hbm>>) target(%dma_start3A_235 : memref<1x16xf32, #tpu.memory_space<vmem>>) target_semaphore(%arg11 : memref<!tpu.dma_semaphore, #tpu.memory_space<semaphore_mem>>)
      %slice3A_238 = vector.extract_strided_slice %get3A_80 {offsets = [6], sizes = [1], strides = [1]} : vector<16xi32> to vector<1xi32>
      %squeeze3A_239 = vector.extract %slice3A_238[0] : i32 from vector<1xi32>
      %add3A_240 = arith.constant 6 : i32
      %add3A_241 = arith.addi %add3A_84, %add3A_240 : i32
      %dma_start3A_242 = arith.constant 0 : i32
      %dma_start3A_243 = tpu.memref_slice %arg10[%add3A_241, %dma_start3A_242] : memref<256x16xf32, #tpu.memory_space<vmem>> -> memref<1x16xf32, #tpu.memory_space<vmem>>
      %dma_start3A_244 = arith.constant 0 : i32
      %dma_start3A_245 = tpu.memref_slice %arg5[%squeeze3A_239, %dma_start3A_244] : memref<1000000x16xf32, #tpu.memory_space<hbm>> -> memref<1x16xf32, #tpu.memory_space<hbm>>
      %dma_start3A_246 = arith.constant 0 : i32
      %dma_start3A_247 = tpu.memref_slice %arg10[%add3A_241, %dma_start3A_246] : memref<256x16xf32, #tpu.memory_space<vmem>> -> memref<1x16xf32, #tpu.memory_space<vmem>>
      %dma_start3A_248 = arith.constant 0 : i32
      %dma_start3A_249 = tpu.memref_slice %arg5[%squeeze3A_239, %dma_start3A_248] : memref<1000000x16xf32, #tpu.memory_space<hbm>> -> memref<1x16xf32, #tpu.memory_space<hbm>>
      tpu.enqueue_dma source(%dma_start3A_249 : memref<1x16xf32, #tpu.memory_space<hbm>>) target(%dma_start3A_247 : memref<1x16xf32, #tpu.memory_space<vmem>>) target_semaphore(%arg11 : memref<!tpu.dma_semaphore, #tpu.memory_space<semaphore_mem>>)
      %slice3A_250 = vector.extract_strided_slice %get3A_73 {offsets = [7], sizes = [1], strides = [1]} : vector<16xi32> to vector<1xi32>
      %squeeze3A_251 = vector.extract %slice3A_250[0] : i32 from vector<1xi32>
      %add3A_252 = arith.constant 7 : i32
      %add3A_253 = arith.addi %add3A_84, %add3A_252 : i32
      %dma_start3A_254 = arith.constant 0 : i32
      %dma_start3A_255 = tpu.memref_slice %arg9[%add3A_253, %dma_start3A_254] : memref<256x16xf32, #tpu.memory_space<vmem>> -> memref<1x16xf32, #tpu.memory_space<vmem>>
      %dma_start3A_256 = arith.constant 0 : i32
      %dma_start3A_257 = tpu.memref_slice %arg4[%squeeze3A_251, %dma_start3A_256] : memref<1000000x16xf32, #tpu.memory_space<hbm>> -> memref<1x16xf32, #tpu.memory_space<hbm>>
      %dma_start3A_258 = arith.constant 0 : i32
      %dma_start3A_259 = tpu.memref_slice %arg9[%add3A_253, %dma_start3A_258] : memref<256x16xf32, #tpu.memory_space<vmem>> -> memref<1x16xf32, #tpu.memory_space<vmem>>
      %dma_start3A_260 = arith.constant 0 : i32
      %dma_start3A_261 = tpu.memref_slice %arg4[%squeeze3A_251, %dma_start3A_260] : memref<1000000x16xf32, #tpu.memory_space<hbm>> -> memref<1x16xf32, #tpu.memory_space<hbm>>
      tpu.enqueue_dma source(%dma_start3A_261 : memref<1x16xf32, #tpu.memory_space<hbm>>) target(%dma_start3A_259 : memref<1x16xf32, #tpu.memory_space<vmem>>) target_semaphore(%arg11 : memref<!tpu.dma_semaphore, #tpu.memory_space<semaphore_mem>>)
      %slice3A_262 = vector.extract_strided_slice %get3A_80 {offsets = [7], sizes = [1], strides = [1]} : vector<16xi32> to vector<1xi32>
      %squeeze3A_263 = vector.extract %slice3A_262[0] : i32 from vector<1xi32>
      %add3A_264 = arith.constant 7 : i32
      %add3A_265 = arith.addi %add3A_84, %add3A_264 : i32
      %dma_start3A_266 = arith.constant 0 : i32
      %dma_start3A_267 = tpu.memref_slice %arg10[%add3A_265, %dma_start3A_266] : memref<256x16xf32, #tpu.memory_space<vmem>> -> memref<1x16xf32, #tpu.memory_space<vmem>>
      %dma_start3A_268 = arith.constant 0 : i32
      %dma_start3A_269 = tpu.memref_slice %arg5[%squeeze3A_263, %dma_start3A_268] : memref<1000000x16xf32, #tpu.memory_space<hbm>> -> memref<1x16xf32, #tpu.memory_space<hbm>>
      %dma_start3A_270 = arith.constant 0 : i32
      %dma_start3A_271 = tpu.memref_slice %arg10[%add3A_265, %dma_start3A_270] : memref<256x16xf32, #tpu.memory_space<vmem>> -> memref<1x16xf32, #tpu.memory_space<vmem>>
      %dma_start3A_272 = arith.constant 0 : i32
      %dma_start3A_273 = tpu.memref_slice %arg5[%squeeze3A_263, %dma_start3A_272] : memref<1000000x16xf32, #tpu.memory_space<hbm>> -> memref<1x16xf32, #tpu.memory_space<hbm>>
      tpu.enqueue_dma source(%dma_start3A_273 : memref<1x16xf32, #tpu.memory_space<hbm>>) target(%dma_start3A_271 : memref<1x16xf32, #tpu.memory_space<vmem>>) target_semaphore(%arg11 : memref<!tpu.dma_semaphore, #tpu.memory_space<semaphore_mem>>)
      %slice3A_274 = vector.extract_strided_slice %get3A_73 {offsets = [8], sizes = [1], strides = [1]} : vector<16xi32> to vector<1xi32>
      %squeeze3A_275 = vector.extract %slice3A_274[0] : i32 from vector<1xi32>
      %add3A_276 = arith.constant 8 : i32
      %add3A_277 = arith.addi %add3A_84, %add3A_276 : i32
      %dma_start3A_278 = arith.constant 0 : i32
      %dma_start3A_279 = tpu.memref_slice %arg9[%add3A_277, %dma_start3A_278] : memref<256x16xf32, #tpu.memory_space<vmem>> -> memref<1x16xf32, #tpu.memory_space<vmem>>
      %dma_start3A_280 = arith.constant 0 : i32
      %dma_start3A_281 = tpu.memref_slice %arg4[%squeeze3A_275, %dma_start3A_280] : memref<1000000x16xf32, #tpu.memory_space<hbm>> -> memref<1x16xf32, #tpu.memory_space<hbm>>
      %dma_start3A_282 = arith.constant 0 : i32
      %dma_start3A_283 = tpu.memref_slice %arg9[%add3A_277, %dma_start3A_282] : memref<256x16xf32, #tpu.memory_space<vmem>> -> memref<1x16xf32, #tpu.memory_space<vmem>>
      %dma_start3A_284 = arith.constant 0 : i32
      %dma_start3A_285 = tpu.memref_slice %arg4[%squeeze3A_275, %dma_start3A_284] : memref<1000000x16xf32, #tpu.memory_space<hbm>> -> memref<1x16xf32, #tpu.memory_space<hbm>>
      tpu.enqueue_dma source(%dma_start3A_285 : memref<1x16xf32, #tpu.memory_space<hbm>>) target(%dma_start3A_283 : memref<1x16xf32, #tpu.memory_space<vmem>>) target_semaphore(%arg11 : memref<!tpu.dma_semaphore, #tpu.memory_space<semaphore_mem>>)
      %slice3A_286 = vector.extract_strided_slice %get3A_80 {offsets = [8], sizes = [1], strides = [1]} : vector<16xi32> to vector<1xi32>
      %squeeze3A_287 = vector.extract %slice3A_286[0] : i32 from vector<1xi32>
      %add3A_288 = arith.constant 8 : i32
      %add3A_289 = arith.addi %add3A_84, %add3A_288 : i32
      %dma_start3A_290 = arith.constant 0 : i32
      %dma_start3A_291 = tpu.memref_slice %arg10[%add3A_289, %dma_start3A_290] : memref<256x16xf32, #tpu.memory_space<vmem>> -> memref<1x16xf32, #tpu.memory_space<vmem>>
      %dma_start3A_292 = arith.constant 0 : i32
      %dma_start3A_293 = tpu.memref_slice %arg5[%squeeze3A_287, %dma_start3A_292] : memref<1000000x16xf32, #tpu.memory_space<hbm>> -> memref<1x16xf32, #tpu.memory_space<hbm>>
      %dma_start3A_294 = arith.constant 0 : i32
      %dma_start3A_295 = tpu.memref_slice %arg10[%add3A_289, %dma_start3A_294] : memref<256x16xf32, #tpu.memory_space<vmem>> -> memref<1x16xf32, #tpu.memory_space<vmem>>
      %dma_start3A_296 = arith.constant 0 : i32
      %dma_start3A_297 = tpu.memref_slice %arg5[%squeeze3A_287, %dma_start3A_296] : memref<1000000x16xf32, #tpu.memory_space<hbm>> -> memref<1x16xf32, #tpu.memory_space<hbm>>
      tpu.enqueue_dma source(%dma_start3A_297 : memref<1x16xf32, #tpu.memory_space<hbm>>) target(%dma_start3A_295 : memref<1x16xf32, #tpu.memory_space<vmem>>) target_semaphore(%arg11 : memref<!tpu.dma_semaphore, #tpu.memory_space<semaphore_mem>>)
      %slice3A_298 = vector.extract_strided_slice %get3A_73 {offsets = [9], sizes = [1], strides = [1]} : vector<16xi32> to vector<1xi32>
      %squeeze3A_299 = vector.extract %slice3A_298[0] : i32 from vector<1xi32>
      %add3A_300 = arith.constant 9 : i32
      %add3A_301 = arith.addi %add3A_84, %add3A_300 : i32
      %dma_start3A_302 = arith.constant 0 : i32
      %dma_start3A_303 = tpu.memref_slice %arg9[%add3A_301, %dma_start3A_302] : memref<256x16xf32, #tpu.memory_space<vmem>> -> memref<1x16xf32, #tpu.memory_space<vmem>>
      %dma_start3A_304 = arith.constant 0 : i32
      %dma_start3A_305 = tpu.memref_slice %arg4[%squeeze3A_299, %dma_start3A_304] : memref<1000000x16xf32, #tpu.memory_space<hbm>> -> memref<1x16xf32, #tpu.memory_space<hbm>>
      %dma_start3A_306 = arith.constant 0 : i32
      %dma_start3A_307 = tpu.memref_slice %arg9[%add3A_301, %dma_start3A_306] : memref<256x16xf32, #tpu.memory_space<vmem>> -> memref<1x16xf32, #tpu.memory_space<vmem>>
      %dma_start3A_308 = arith.constant 0 : i32
      %dma_start3A_309 = tpu.memref_slice %arg4[%squeeze3A_299, %dma_start3A_308] : memref<1000000x16xf32, #tpu.memory_space<hbm>> -> memref<1x16xf32, #tpu.memory_space<hbm>>
      tpu.enqueue_dma source(%dma_start3A_309 : memref<1x16xf32, #tpu.memory_space<hbm>>) target(%dma_start3A_307 : memref<1x16xf32, #tpu.memory_space<vmem>>) target_semaphore(%arg11 : memref<!tpu.dma_semaphore, #tpu.memory_space<semaphore_mem>>)
      %slice3A_310 = vector.extract_strided_slice %get3A_80 {offsets = [9], sizes = [1], strides = [1]} : vector<16xi32> to vector<1xi32>
      %squeeze3A_311 = vector.extract %slice3A_310[0] : i32 from vector<1xi32>
      %add3A_312 = arith.constant 9 : i32
      %add3A_313 = arith.addi %add3A_84, %add3A_312 : i32
      %dma_start3A_314 = arith.constant 0 : i32
      %dma_start3A_315 = tpu.memref_slice %arg10[%add3A_313, %dma_start3A_314] : memref<256x16xf32, #tpu.memory_space<vmem>> -> memref<1x16xf32, #tpu.memory_space<vmem>>
      %dma_start3A_316 = arith.constant 0 : i32
      %dma_start3A_317 = tpu.memref_slice %arg5[%squeeze3A_311, %dma_start3A_316] : memref<1000000x16xf32, #tpu.memory_space<hbm>> -> memref<1x16xf32, #tpu.memory_space<hbm>>
      %dma_start3A_318 = arith.constant 0 : i32
      %dma_start3A_319 = tpu.memref_slice %arg10[%add3A_313, %dma_start3A_318] : memref<256x16xf32, #tpu.memory_space<vmem>> -> memref<1x16xf32, #tpu.memory_space<vmem>>
      %dma_start3A_320 = arith.constant 0 : i32
      %dma_start3A_321 = tpu.memref_slice %arg5[%squeeze3A_311, %dma_start3A_320] : memref<1000000x16xf32, #tpu.memory_space<hbm>> -> memref<1x16xf32, #tpu.memory_space<hbm>>
      tpu.enqueue_dma source(%dma_start3A_321 : memref<1x16xf32, #tpu.memory_space<hbm>>) target(%dma_start3A_319 : memref<1x16xf32, #tpu.memory_space<vmem>>) target_semaphore(%arg11 : memref<!tpu.dma_semaphore, #tpu.memory_space<semaphore_mem>>)
      %slice3A_322 = vector.extract_strided_slice %get3A_73 {offsets = [10], sizes = [1], strides = [1]} : vector<16xi32> to vector<1xi32>
      %squeeze3A_323 = vector.extract %slice3A_322[0] : i32 from vector<1xi32>
      %add3A_324 = arith.constant 10 : i32
      %add3A_325 = arith.addi %add3A_84, %add3A_324 : i32
      %dma_start3A_326 = arith.constant 0 : i32
      %dma_start3A_327 = tpu.memref_slice %arg9[%add3A_325, %dma_start3A_326] : memref<256x16xf32, #tpu.memory_space<vmem>> -> memref<1x16xf32, #tpu.memory_space<vmem>>
      %dma_start3A_328 = arith.constant 0 : i32
      %dma_start3A_329 = tpu.memref_slice %arg4[%squeeze3A_323, %dma_start3A_328] : memref<1000000x16xf32, #tpu.memory_space<hbm>> -> memref<1x16xf32, #tpu.memory_space<hbm>>
      %dma_start3A_330 = arith.constant 0 : i32
      %dma_start3A_331 = tpu.memref_slice %arg9[%add3A_325, %dma_start3A_330] : memref<256x16xf32, #tpu.memory_space<vmem>> -> memref<1x16xf32, #tpu.memory_space<vmem>>
      %dma_start3A_332 = arith.constant 0 : i32
      %dma_start3A_333 = tpu.memref_slice %arg4[%squeeze3A_323, %dma_start3A_332] : memref<1000000x16xf32, #tpu.memory_space<hbm>> -> memref<1x16xf32, #tpu.memory_space<hbm>>
      tpu.enqueue_dma source(%dma_start3A_333 : memref<1x16xf32, #tpu.memory_space<hbm>>) target(%dma_start3A_331 : memref<1x16xf32, #tpu.memory_space<vmem>>) target_semaphore(%arg11 : memref<!tpu.dma_semaphore, #tpu.memory_space<semaphore_mem>>)
      %slice3A_334 = vector.extract_strided_slice %get3A_80 {offsets = [10], sizes = [1], strides = [1]} : vector<16xi32> to vector<1xi32>
      %squeeze3A_335 = vector.extract %slice3A_334[0] : i32 from vector<1xi32>
      %add3A_336 = arith.constant 10 : i32
      %add3A_337 = arith.addi %add3A_84, %add3A_336 : i32
      %dma_start3A_338 = arith.constant 0 : i32
      %dma_start3A_339 = tpu.memref_slice %arg10[%add3A_337, %dma_start3A_338] : memref<256x16xf32, #tpu.memory_space<vmem>> -> memref<1x16xf32, #tpu.memory_space<vmem>>
      %dma_start3A_340 = arith.constant 0 : i32
      %dma_start3A_341 = tpu.memref_slice %arg5[%squeeze3A_335, %dma_start3A_340] : memref<1000000x16xf32, #tpu.memory_space<hbm>> -> memref<1x16xf32, #tpu.memory_space<hbm>>
      %dma_start3A_342 = arith.constant 0 : i32
      %dma_start3A_343 = tpu.memref_slice %arg10[%add3A_337, %dma_start3A_342] : memref<256x16xf32, #tpu.memory_space<vmem>> -> memref<1x16xf32, #tpu.memory_space<vmem>>
      %dma_start3A_344 = arith.constant 0 : i32
      %dma_start3A_345 = tpu.memref_slice %arg5[%squeeze3A_335, %dma_start3A_344] : memref<1000000x16xf32, #tpu.memory_space<hbm>> -> memref<1x16xf32, #tpu.memory_space<hbm>>
      tpu.enqueue_dma source(%dma_start3A_345 : memref<1x16xf32, #tpu.memory_space<hbm>>) target(%dma_start3A_343 : memref<1x16xf32, #tpu.memory_space<vmem>>) target_semaphore(%arg11 : memref<!tpu.dma_semaphore, #tpu.memory_space<semaphore_mem>>)
      %slice3A_346 = vector.extract_strided_slice %get3A_73 {offsets = [11], sizes = [1], strides = [1]} : vector<16xi32> to vector<1xi32>
      %squeeze3A_347 = vector.extract %slice3A_346[0] : i32 from vector<1xi32>
      %add3A_348 = arith.constant 11 : i32
      %add3A_349 = arith.addi %add3A_84, %add3A_348 : i32
      %dma_start3A_350 = arith.constant 0 : i32
      %dma_start3A_351 = tpu.memref_slice %arg9[%add3A_349, %dma_start3A_350] : memref<256x16xf32, #tpu.memory_space<vmem>> -> memref<1x16xf32, #tpu.memory_space<vmem>>
      %dma_start3A_352 = arith.constant 0 : i32
      %dma_start3A_353 = tpu.memref_slice %arg4[%squeeze3A_347, %dma_start3A_352] : memref<1000000x16xf32, #tpu.memory_space<hbm>> -> memref<1x16xf32, #tpu.memory_space<hbm>>
      %dma_start3A_354 = arith.constant 0 : i32
      %dma_start3A_355 = tpu.memref_slice %arg9[%add3A_349, %dma_start3A_354] : memref<256x16xf32, #tpu.memory_space<vmem>> -> memref<1x16xf32, #tpu.memory_space<vmem>>
      %dma_start3A_356 = arith.constant 0 : i32
      %dma_start3A_357 = tpu.memref_slice %arg4[%squeeze3A_347, %dma_start3A_356] : memref<1000000x16xf32, #tpu.memory_space<hbm>> -> memref<1x16xf32, #tpu.memory_space<hbm>>
      tpu.enqueue_dma source(%dma_start3A_357 : memref<1x16xf32, #tpu.memory_space<hbm>>) target(%dma_start3A_355 : memref<1x16xf32, #tpu.memory_space<vmem>>) target_semaphore(%arg11 : memref<!tpu.dma_semaphore, #tpu.memory_space<semaphore_mem>>)
      %slice3A_358 = vector.extract_strided_slice %get3A_80 {offsets = [11], sizes = [1], strides = [1]} : vector<16xi32> to vector<1xi32>
      %squeeze3A_359 = vector.extract %slice3A_358[0] : i32 from vector<1xi32>
      %add3A_360 = arith.constant 11 : i32
      %add3A_361 = arith.addi %add3A_84, %add3A_360 : i32
      %dma_start3A_362 = arith.constant 0 : i32
      %dma_start3A_363 = tpu.memref_slice %arg10[%add3A_361, %dma_start3A_362] : memref<256x16xf32, #tpu.memory_space<vmem>> -> memref<1x16xf32, #tpu.memory_space<vmem>>
      %dma_start3A_364 = arith.constant 0 : i32
      %dma_start3A_365 = tpu.memref_slice %arg5[%squeeze3A_359, %dma_start3A_364] : memref<1000000x16xf32, #tpu.memory_space<hbm>> -> memref<1x16xf32, #tpu.memory_space<hbm>>
      %dma_start3A_366 = arith.constant 0 : i32
      %dma_start3A_367 = tpu.memref_slice %arg10[%add3A_361, %dma_start3A_366] : memref<256x16xf32, #tpu.memory_space<vmem>> -> memref<1x16xf32, #tpu.memory_space<vmem>>
      %dma_start3A_368 = arith.constant 0 : i32
      %dma_start3A_369 = tpu.memref_slice %arg5[%squeeze3A_359, %dma_start3A_368] : memref<1000000x16xf32, #tpu.memory_space<hbm>> -> memref<1x16xf32, #tpu.memory_space<hbm>>
      tpu.enqueue_dma source(%dma_start3A_369 : memref<1x16xf32, #tpu.memory_space<hbm>>) target(%dma_start3A_367 : memref<1x16xf32, #tpu.memory_space<vmem>>) target_semaphore(%arg11 : memref<!tpu.dma_semaphore, #tpu.memory_space<semaphore_mem>>)
      %slice3A_370 = vector.extract_strided_slice %get3A_73 {offsets = [12], sizes = [1], strides = [1]} : vector<16xi32> to vector<1xi32>
      %squeeze3A_371 = vector.extract %slice3A_370[0] : i32 from vector<1xi32>
      %add3A_372 = arith.constant 12 : i32
      %add3A_373 = arith.addi %add3A_84, %add3A_372 : i32
      %dma_start3A_374 = arith.constant 0 : i32
      %dma_start3A_375 = tpu.memref_slice %arg9[%add3A_373, %dma_start3A_374] : memref<256x16xf32, #tpu.memory_space<vmem>> -> memref<1x16xf32, #tpu.memory_space<vmem>>
      %dma_start3A_376 = arith.constant 0 : i32
      %dma_start3A_377 = tpu.memref_slice %arg4[%squeeze3A_371, %dma_start3A_376] : memref<1000000x16xf32, #tpu.memory_space<hbm>> -> memref<1x16xf32, #tpu.memory_space<hbm>>
      %dma_start3A_378 = arith.constant 0 : i32
      %dma_start3A_379 = tpu.memref_slice %arg9[%add3A_373, %dma_start3A_378] : memref<256x16xf32, #tpu.memory_space<vmem>> -> memref<1x16xf32, #tpu.memory_space<vmem>>
      %dma_start3A_380 = arith.constant 0 : i32
      %dma_start3A_381 = tpu.memref_slice %arg4[%squeeze3A_371, %dma_start3A_380] : memref<1000000x16xf32, #tpu.memory_space<hbm>> -> memref<1x16xf32, #tpu.memory_space<hbm>>
      tpu.enqueue_dma source(%dma_start3A_381 : memref<1x16xf32, #tpu.memory_space<hbm>>) target(%dma_start3A_379 : memref<1x16xf32, #tpu.memory_space<vmem>>) target_semaphore(%arg11 : memref<!tpu.dma_semaphore, #tpu.memory_space<semaphore_mem>>)
      %slice3A_382 = vector.extract_strided_slice %get3A_80 {offsets = [12], sizes = [1], strides = [1]} : vector<16xi32> to vector<1xi32>
      %squeeze3A_383 = vector.extract %slice3A_382[0] : i32 from vector<1xi32>
      %add3A_384 = arith.constant 12 : i32
      %add3A_385 = arith.addi %add3A_84, %add3A_384 : i32
      %dma_start3A_386 = arith.constant 0 : i32
      %dma_start3A_387 = tpu.memref_slice %arg10[%add3A_385, %dma_start3A_386] : memref<256x16xf32, #tpu.memory_space<vmem>> -> memref<1x16xf32, #tpu.memory_space<vmem>>
      %dma_start3A_388 = arith.constant 0 : i32
      %dma_start3A_389 = tpu.memref_slice %arg5[%squeeze3A_383, %dma_start3A_388] : memref<1000000x16xf32, #tpu.memory_space<hbm>> -> memref<1x16xf32, #tpu.memory_space<hbm>>
      %dma_start3A_390 = arith.constant 0 : i32
      %dma_start3A_391 = tpu.memref_slice %arg10[%add3A_385, %dma_start3A_390] : memref<256x16xf32, #tpu.memory_space<vmem>> -> memref<1x16xf32, #tpu.memory_space<vmem>>
      %dma_start3A_392 = arith.constant 0 : i32
      %dma_start3A_393 = tpu.memref_slice %arg5[%squeeze3A_383, %dma_start3A_392] : memref<1000000x16xf32, #tpu.memory_space<hbm>> -> memref<1x16xf32, #tpu.memory_space<hbm>>
      tpu.enqueue_dma source(%dma_start3A_393 : memref<1x16xf32, #tpu.memory_space<hbm>>) target(%dma_start3A_391 : memref<1x16xf32, #tpu.memory_space<vmem>>) target_semaphore(%arg11 : memref<!tpu.dma_semaphore, #tpu.memory_space<semaphore_mem>>)
      %slice3A_394 = vector.extract_strided_slice %get3A_73 {offsets = [13], sizes = [1], strides = [1]} : vector<16xi32> to vector<1xi32>
      %squeeze3A_395 = vector.extract %slice3A_394[0] : i32 from vector<1xi32>
      %add3A_396 = arith.constant 13 : i32
      %add3A_397 = arith.addi %add3A_84, %add3A_396 : i32
      %dma_start3A_398 = arith.constant 0 : i32
      %dma_start3A_399 = tpu.memref_slice %arg9[%add3A_397, %dma_start3A_398] : memref<256x16xf32, #tpu.memory_space<vmem>> -> memref<1x16xf32, #tpu.memory_space<vmem>>
      %dma_start3A_400 = arith.constant 0 : i32
      %dma_start3A_401 = tpu.memref_slice %arg4[%squeeze3A_395, %dma_start3A_400] : memref<1000000x16xf32, #tpu.memory_space<hbm>> -> memref<1x16xf32, #tpu.memory_space<hbm>>
      %dma_start3A_402 = arith.constant 0 : i32
      %dma_start3A_403 = tpu.memref_slice %arg9[%add3A_397, %dma_start3A_402] : memref<256x16xf32, #tpu.memory_space<vmem>> -> memref<1x16xf32, #tpu.memory_space<vmem>>
      %dma_start3A_404 = arith.constant 0 : i32
      %dma_start3A_405 = tpu.memref_slice %arg4[%squeeze3A_395, %dma_start3A_404] : memref<1000000x16xf32, #tpu.memory_space<hbm>> -> memref<1x16xf32, #tpu.memory_space<hbm>>
      tpu.enqueue_dma source(%dma_start3A_405 : memref<1x16xf32, #tpu.memory_space<hbm>>) target(%dma_start3A_403 : memref<1x16xf32, #tpu.memory_space<vmem>>) target_semaphore(%arg11 : memref<!tpu.dma_semaphore, #tpu.memory_space<semaphore_mem>>)
      %slice3A_406 = vector.extract_strided_slice %get3A_80 {offsets = [13], sizes = [1], strides = [1]} : vector<16xi32> to vector<1xi32>
      %squeeze3A_407 = vector.extract %slice3A_406[0] : i32 from vector<1xi32>
      %add3A_408 = arith.constant 13 : i32
      %add3A_409 = arith.addi %add3A_84, %add3A_408 : i32
      %dma_start3A_410 = arith.constant 0 : i32
      %dma_start3A_411 = tpu.memref_slice %arg10[%add3A_409, %dma_start3A_410] : memref<256x16xf32, #tpu.memory_space<vmem>> -> memref<1x16xf32, #tpu.memory_space<vmem>>
      %dma_start3A_412 = arith.constant 0 : i32
      %dma_start3A_413 = tpu.memref_slice %arg5[%squeeze3A_407, %dma_start3A_412] : memref<1000000x16xf32, #tpu.memory_space<hbm>> -> memref<1x16xf32, #tpu.memory_space<hbm>>
      %dma_start3A_414 = arith.constant 0 : i32
      %dma_start3A_415 = tpu.memref_slice %arg10[%add3A_409, %dma_start3A_414] : memref<256x16xf32, #tpu.memory_space<vmem>> -> memref<1x16xf32, #tpu.memory_space<vmem>>
      %dma_start3A_416 = arith.constant 0 : i32
      %dma_start3A_417 = tpu.memref_slice %arg5[%squeeze3A_407, %dma_start3A_416] : memref<1000000x16xf32, #tpu.memory_space<hbm>> -> memref<1x16xf32, #tpu.memory_space<hbm>>
      tpu.enqueue_dma source(%dma_start3A_417 : memref<1x16xf32, #tpu.memory_space<hbm>>) target(%dma_start3A_415 : memref<1x16xf32, #tpu.memory_space<vmem>>) target_semaphore(%arg11 : memref<!tpu.dma_semaphore, #tpu.memory_space<semaphore_mem>>)
      %slice3A_418 = vector.extract_strided_slice %get3A_73 {offsets = [14], sizes = [1], strides = [1]} : vector<16xi32> to vector<1xi32>
      %squeeze3A_419 = vector.extract %slice3A_418[0] : i32 from vector<1xi32>
      %add3A_420 = arith.constant 14 : i32
      %add3A_421 = arith.addi %add3A_84, %add3A_420 : i32
      %dma_start3A_422 = arith.constant 0 : i32
      %dma_start3A_423 = tpu.memref_slice %arg9[%add3A_421, %dma_start3A_422] : memref<256x16xf32, #tpu.memory_space<vmem>> -> memref<1x16xf32, #tpu.memory_space<vmem>>
      %dma_start3A_424 = arith.constant 0 : i32
      %dma_start3A_425 = tpu.memref_slice %arg4[%squeeze3A_419, %dma_start3A_424] : memref<1000000x16xf32, #tpu.memory_space<hbm>> -> memref<1x16xf32, #tpu.memory_space<hbm>>
      %dma_start3A_426 = arith.constant 0 : i32
      %dma_start3A_427 = tpu.memref_slice %arg9[%add3A_421, %dma_start3A_426] : memref<256x16xf32, #tpu.memory_space<vmem>> -> memref<1x16xf32, #tpu.memory_space<vmem>>
      %dma_start3A_428 = arith.constant 0 : i32
      %dma_start3A_429 = tpu.memref_slice %arg4[%squeeze3A_419, %dma_start3A_428] : memref<1000000x16xf32, #tpu.memory_space<hbm>> -> memref<1x16xf32, #tpu.memory_space<hbm>>
      tpu.enqueue_dma source(%dma_start3A_429 : memref<1x16xf32, #tpu.memory_space<hbm>>) target(%dma_start3A_427 : memref<1x16xf32, #tpu.memory_space<vmem>>) target_semaphore(%arg11 : memref<!tpu.dma_semaphore, #tpu.memory_space<semaphore_mem>>)
      %slice3A_430 = vector.extract_strided_slice %get3A_80 {offsets = [14], sizes = [1], strides = [1]} : vector<16xi32> to vector<1xi32>
      %squeeze3A_431 = vector.extract %slice3A_430[0] : i32 from vector<1xi32>
      %add3A_432 = arith.constant 14 : i32
      %add3A_433 = arith.addi %add3A_84, %add3A_432 : i32
      %dma_start3A_434 = arith.constant 0 : i32
      %dma_start3A_435 = tpu.memref_slice %arg10[%add3A_433, %dma_start3A_434] : memref<256x16xf32, #tpu.memory_space<vmem>> -> memref<1x16xf32, #tpu.memory_space<vmem>>
      %dma_start3A_436 = arith.constant 0 : i32
      %dma_start3A_437 = tpu.memref_slice %arg5[%squeeze3A_431, %dma_start3A_436] : memref<1000000x16xf32, #tpu.memory_space<hbm>> -> memref<1x16xf32, #tpu.memory_space<hbm>>
      %dma_start3A_438 = arith.constant 0 : i32
      %dma_start3A_439 = tpu.memref_slice %arg10[%add3A_433, %dma_start3A_438] : memref<256x16xf32, #tpu.memory_space<vmem>> -> memref<1x16xf32, #tpu.memory_space<vmem>>
      %dma_start3A_440 = arith.constant 0 : i32
      %dma_start3A_441 = tpu.memref_slice %arg5[%squeeze3A_431, %dma_start3A_440] : memref<1000000x16xf32, #tpu.memory_space<hbm>> -> memref<1x16xf32, #tpu.memory_space<hbm>>
      tpu.enqueue_dma source(%dma_start3A_441 : memref<1x16xf32, #tpu.memory_space<hbm>>) target(%dma_start3A_439 : memref<1x16xf32, #tpu.memory_space<vmem>>) target_semaphore(%arg11 : memref<!tpu.dma_semaphore, #tpu.memory_space<semaphore_mem>>)
      %slice3A_442 = vector.extract_strided_slice %get3A_73 {offsets = [15], sizes = [1], strides = [1]} : vector<16xi32> to vector<1xi32>
      %squeeze3A_443 = vector.extract %slice3A_442[0] : i32 from vector<1xi32>
      %add3A_444 = arith.constant 15 : i32
      %add3A_445 = arith.addi %add3A_84, %add3A_444 : i32
      %dma_start3A_446 = arith.constant 0 : i32
      %dma_start3A_447 = tpu.memref_slice %arg9[%add3A_445, %dma_start3A_446] : memref<256x16xf32, #tpu.memory_space<vmem>> -> memref<1x16xf32, #tpu.memory_space<vmem>>
      %dma_start3A_448 = arith.constant 0 : i32
      %dma_start3A_449 = tpu.memref_slice %arg4[%squeeze3A_443, %dma_start3A_448] : memref<1000000x16xf32, #tpu.memory_space<hbm>> -> memref<1x16xf32, #tpu.memory_space<hbm>>
      %dma_start3A_450 = arith.constant 0 : i32
      %dma_start3A_451 = tpu.memref_slice %arg9[%add3A_445, %dma_start3A_450] : memref<256x16xf32, #tpu.memory_space<vmem>> -> memref<1x16xf32, #tpu.memory_space<vmem>>
      %dma_start3A_452 = arith.constant 0 : i32
      %dma_start3A_453 = tpu.memref_slice %arg4[%squeeze3A_443, %dma_start3A_452] : memref<1000000x16xf32, #tpu.memory_space<hbm>> -> memref<1x16xf32, #tpu.memory_space<hbm>>
      tpu.enqueue_dma source(%dma_start3A_453 : memref<1x16xf32, #tpu.memory_space<hbm>>) target(%dma_start3A_451 : memref<1x16xf32, #tpu.memory_space<vmem>>) target_semaphore(%arg11 : memref<!tpu.dma_semaphore, #tpu.memory_space<semaphore_mem>>)
      %slice3A_454 = vector.extract_strided_slice %get3A_80 {offsets = [15], sizes = [1], strides = [1]} : vector<16xi32> to vector<1xi32>
      %squeeze3A_455 = vector.extract %slice3A_454[0] : i32 from vector<1xi32>
      %add3A_456 = arith.constant 15 : i32
      %add3A_457 = arith.addi %add3A_84, %add3A_456 : i32
      %dma_start3A_458 = arith.constant 0 : i32
      %dma_start3A_459 = tpu.memref_slice %arg10[%add3A_457, %dma_start3A_458] : memref<256x16xf32, #tpu.memory_space<vmem>> -> memref<1x16xf32, #tpu.memory_space<vmem>>
      %dma_start3A_460 = arith.constant 0 : i32
      %dma_start3A_461 = tpu.memref_slice %arg5[%squeeze3A_455, %dma_start3A_460] : memref<1000000x16xf32, #tpu.memory_space<hbm>> -> memref<1x16xf32, #tpu.memory_space<hbm>>
      %dma_start3A_462 = arith.constant 0 : i32
      %dma_start3A_463 = tpu.memref_slice %arg10[%add3A_457, %dma_start3A_462] : memref<256x16xf32, #tpu.memory_space<vmem>> -> memref<1x16xf32, #tpu.memory_space<vmem>>
      %dma_start3A_464 = arith.constant 0 : i32
      %dma_start3A_465 = tpu.memref_slice %arg5[%squeeze3A_455, %dma_start3A_464] : memref<1000000x16xf32, #tpu.memory_space<hbm>> -> memref<1x16xf32, #tpu.memory_space<hbm>>
      tpu.enqueue_dma source(%dma_start3A_465 : memref<1x16xf32, #tpu.memory_space<hbm>>) target(%dma_start3A_463 : memref<1x16xf32, #tpu.memory_space<vmem>>) target_semaphore(%arg11 : memref<!tpu.dma_semaphore, #tpu.memory_space<semaphore_mem>>)
      %scan3A_466 = arith.constant 0 : i32
      scf.yield %scan3A_466 : i32
    }
    %scan3A_19 = arith.constant 8 : i32
    %scan3A_20 = arith.constant 0 : i32
    %scan3A_21 = arith.constant 0 : i32
    %scan3A_22 = arith.constant 256 : i32
    %scan3A_23 = arith.addi %scan3A_21, %scan3A_22 : i32
    %scan3A_24 = arith.constant 1 : i32
    %scan3A_25 = scf.for %scan3A_66 = %scan3A_21 to %scan3A_23 step %scan3A_24 iter_args(%scan3A_67 = %scan3A_20) -> (i32)  : i32 {
      %dma_wait3A = arith.constant 0 : i32
      %dma_wait3A_68 = arith.constant 0 : i32
      %dma_wait3A_69 = tpu.memref_slice %arg9[%dma_wait3A, %dma_wait3A_68] : memref<256x16xf32, #tpu.memory_space<vmem>> -> memref<1x16xf32, #tpu.memory_space<vmem>>
      %dma_wait3A_70 = arith.constant 0 : i32
      %dma_wait3A_71 = arith.constant 0 : i32
      %dma_wait3A_72 = tpu.memref_slice %arg4[%dma_wait3A_70, %dma_wait3A_71] : memref<1000000x16xf32, #tpu.memory_space<hbm>> -> memref<1x16xf32, #tpu.memory_space<hbm>>
      %dma_wait3A_73 = arith.constant 0 : i32
      %dma_wait3A_74 = arith.constant 0 : i32
      %dma_wait3A_75 = tpu.memref_slice %arg9[%dma_wait3A_73, %dma_wait3A_74] : memref<256x16xf32, #tpu.memory_space<vmem>> -> memref<1x16xf32, #tpu.memory_space<vmem>>
      %dma_wait3A_76 = arith.constant 0 : i32
      %dma_wait3A_77 = arith.constant 0 : i32
      %dma_wait3A_78 = tpu.memref_slice %arg4[%dma_wait3A_76, %dma_wait3A_77] : memref<1000000x16xf32, #tpu.memory_space<hbm>> -> memref<1x16xf32, #tpu.memory_space<hbm>>
      tpu.wait_dma2 semaphore(%arg11 : memref<!tpu.dma_semaphore, #tpu.memory_space<semaphore_mem>>) src(%dma_wait3A_78 : memref<1x16xf32, #tpu.memory_space<hbm>>) dst(%dma_wait3A_75 : memref<1x16xf32, #tpu.memory_space<vmem>>)
      %dma_wait3A_79 = arith.constant 0 : i32
      %dma_wait3A_80 = arith.constant 0 : i32
      %dma_wait3A_81 = tpu.memref_slice %arg10[%dma_wait3A_79, %dma_wait3A_80] : memref<256x16xf32, #tpu.memory_space<vmem>> -> memref<1x16xf32, #tpu.memory_space<vmem>>
      %dma_wait3A_82 = arith.constant 0 : i32
      %dma_wait3A_83 = arith.constant 0 : i32
      %dma_wait3A_84 = tpu.memref_slice %arg5[%dma_wait3A_82, %dma_wait3A_83] : memref<1000000x16xf32, #tpu.memory_space<hbm>> -> memref<1x16xf32, #tpu.memory_space<hbm>>
      %dma_wait3A_85 = arith.constant 0 : i32
      %dma_wait3A_86 = arith.constant 0 : i32
      %dma_wait3A_87 = tpu.memref_slice %arg10[%dma_wait3A_85, %dma_wait3A_86] : memref<256x16xf32, #tpu.memory_space<vmem>> -> memref<1x16xf32, #tpu.memory_space<vmem>>
      %dma_wait3A_88 = arith.constant 0 : i32
      %dma_wait3A_89 = arith.constant 0 : i32
      %dma_wait3A_90 = tpu.memref_slice %arg5[%dma_wait3A_88, %dma_wait3A_89] : memref<1000000x16xf32, #tpu.memory_space<hbm>> -> memref<1x16xf32, #tpu.memory_space<hbm>>
      tpu.wait_dma2 semaphore(%arg11 : memref<!tpu.dma_semaphore, #tpu.memory_space<semaphore_mem>>) src(%dma_wait3A_90 : memref<1x16xf32, #tpu.memory_space<hbm>>) dst(%dma_wait3A_87 : memref<1x16xf32, #tpu.memory_space<vmem>>)
      %scan3A_91 = arith.constant 0 : i32
      scf.yield %scan3A_91 : i32
    }
    %scan3A_26 = arith.constant 256 : i32
    %scan3A_27 = arith.constant 0 : i32
    %scan3A_28 = arith.constant 0 : i32
    %scan3A_29 = arith.constant 256 : i32
    %scan3A_30 = arith.addi %scan3A_28, %scan3A_29 : i32
    %scan3A_31 = arith.constant 1 : i32
    %scan3A_32 = scf.for %scan3A_66 = %scan3A_28 to %scan3A_30 step %scan3A_31 iter_args(%scan3A_67 = %scan3A_27) -> (i32)  : i32 {
      %get3A = arith.index_cast %scan3A_66 : i32 to index
      %get3A_68 = arith.constant 0 : index
      %get3A_69 = tpu.vector_load %arg9[%get3A, %get3A_68] {strides = array<i32>} : memref<256x16xf32, #tpu.memory_space<vmem>>, vector<1x16xf32>,
      %get3A_70 = vector.shape_cast %get3A_69 : vector<1x16xf32> to vector<16xf32>
      %get3A_71 = arith.index_cast %scan3A_66 : i32 to index
      %get3A_72 = arith.constant 0 : index
      %get3A_73 = tpu.vector_load %arg10[%get3A_71, %get3A_72] {strides = array<i32>} : memref<256x16xf32, #tpu.memory_space<vmem>>, vector<1x16xf32>,
      %get3A_74 = vector.shape_cast %get3A_73 : vector<1x16xf32> to vector<16xf32>
      %mul3A_75 = arith.mulf %get3A_70, %get3A_74 : vector<16xf32>
      %swap3A = arith.index_cast %scan3A_66 : i32 to index
      %swap3A_76 = arith.constant 0 : index
      %swap3A_77 = tpu.vector_load %arg9[%swap3A, %swap3A_76] {strides = array<i32>} : memref<256x16xf32, #tpu.memory_space<vmem>>, vector<1x16xf32>,
      %swap3A_78 = vector.shape_cast %swap3A_77 : vector<1x16xf32> to vector<16xf32>
      %swap3A_79 = vector.shape_cast %mul3A_75 : vector<16xf32> to vector<1x16xf32>
      tpu.vector_store %arg9[%swap3A, %swap3A_76], %swap3A_79 {strides = array<i32>} : memref<256x16xf32, #tpu.memory_space<vmem>>, vector<1x16xf32>,
      %scan3A_80 = arith.constant 0 : i32
      scf.yield %scan3A_80 : i32
    }
    %scan3A_33 = arith.constant 256 : i32
    %add3A_34 = arith.constant 0 : i32
    %add3A_35 = arith.addi %mul3A_2, %add3A_34 : i32
    "tpu.region"() ({
      %run_scoped3A = tpu.sem_alloc : memref<!tpu.dma_semaphore, #tpu.memory_space<semaphore_mem>>
      %dma_start3A = arith.constant 0 : i32
      %dma_start3A_66 = tpu.memref_slice %arg6[%add3A_35, %dma_start3A] : memref<16384x16xf32, #tpu.memory_space<hbm>> -> memref<256x16xf32, #tpu.memory_space<hbm>>
      %dma_start3A_67 = arith.constant 0 : i32
      %dma_start3A_68 = tpu.memref_slice %arg6[%add3A_35, %dma_start3A_67] : memref<16384x16xf32, #tpu.memory_space<hbm>> -> memref<256x16xf32, #tpu.memory_space<hbm>>
      tpu.enqueue_dma source(%arg9 : memref<256x16xf32, #tpu.memory_space<vmem>>) target(%dma_start3A_68 : memref<256x16xf32, #tpu.memory_space<hbm>>) target_semaphore(%run_scoped3A : memref<!tpu.dma_semaphore, #tpu.memory_space<semaphore_mem>>)
      %dma_wait3A = arith.constant 0 : i32
      %dma_wait3A_69 = tpu.memref_slice %arg6[%add3A_35, %dma_wait3A] : memref<16384x16xf32, #tpu.memory_space<hbm>> -> memref<256x16xf32, #tpu.memory_space<hbm>>
      %dma_wait3A_70 = arith.constant 0 : i32
      %dma_wait3A_71 = tpu.memref_slice %arg6[%add3A_35, %dma_wait3A_70] : memref<16384x16xf32, #tpu.memory_space<hbm>> -> memref<256x16xf32, #tpu.memory_space<hbm>>
      tpu.wait_dma2 semaphore(%run_scoped3A : memref<!tpu.dma_semaphore, #tpu.memory_space<semaphore_mem>>) src(%arg9 : memref<256x16xf32, #tpu.memory_space<vmem>>) dst(%dma_wait3A_71 : memref<256x16xf32, #tpu.memory_space<hbm>>)
      tpu.yield
    }) : () -> ()
    %scan3A_36 = arith.constant 0 : i32
    %scan3A_37 = arith.constant 0 : i32
    %scan3A_38 = arith.constant 8 : i32
    %scan3A_39 = arith.addi %scan3A_37, %scan3A_38 : i32
    %scan3A_40 = arith.constant 1 : i32
    %scan3A_41 = scf.for %scan3A_66 = %scan3A_37 to %scan3A_39 step %scan3A_40 iter_args(%scan3A_67 = %scan3A_36) -> (i32)  : i32 {
      %mul3A_68 = arith.constant 16 : i32
      %mul3A_69 = arith.muli %scan3A_66, %mul3A_68 : i32
      %get3A = arith.constant 2 : i32
      %get3A_70 = arith.index_cast %get3A : i32 to index
      %get3A_71 = arith.index_cast %mul3A_69 : i32 to index
      %get3A_72 = tpu.vector_load %arg7[%get3A_70, %get3A_71] {strides = array<i32>} : memref<4x128xi32, #tpu.memory_space<vmem>>, vector<1x16xi32>,
      %get3A_73 = vector.shape_cast %get3A_72 : vector<1x16xi32> to vector<16xi32>
      %mul3A_74 = arith.constant 16 : i32
      %mul3A_75 = arith.muli %scan3A_66, %mul3A_74 : i32
      %get3A_76 = arith.constant 2 : i32
      %get3A_77 = arith.index_cast %get3A_76 : i32 to index
      %get3A_78 = arith.index_cast %mul3A_75 : i32 to index
      %get3A_79 = tpu.vector_load %arg8[%get3A_77, %get3A_78] {strides = array<i32>} : memref<4x128xi32, #tpu.memory_space<vmem>>, vector<1x16xi32>,
      %get3A_80 = vector.shape_cast %get3A_79 : vector<1x16xi32> to vector<16xi32>
      %mul3A_81 = arith.constant 16 : i32
      %mul3A_82 = arith.muli %scan3A_66, %mul3A_81 : i32
      %add3A_83 = arith.constant 0 : i32
      %add3A_84 = arith.addi %add3A_83, %mul3A_82 : i32
      %slice3A = vector.extract_strided_slice %get3A_73 {offsets = [0], sizes = [1], strides = [1]} : vector<16xi32> to vector<1xi32>
      %squeeze3A = vector.extract %slice3A[0] : i32 from vector<1xi32>
      %add3A_85 = arith.constant 0 : i32
      %add3A_86 = arith.addi %add3A_84, %add3A_85 : i32
      %dma_start3A = arith.constant 0 : i32
      %dma_start3A_87 = tpu.memref_slice %arg9[%add3A_86, %dma_start3A] : memref<256x16xf32, #tpu.memory_space<vmem>> -> memref<1x16xf32, #tpu.memory_space<vmem>>
      %dma_start3A_88 = arith.constant 0 : i32
      %dma_start3A_89 = tpu.memref_slice %arg4[%squeeze3A, %dma_start3A_88] : memref<1000000x16xf32, #tpu.memory_space<hbm>> -> memref<1x16xf32, #tpu.memory_space<hbm>>
      %dma_start3A_90 = arith.constant 0 : i32
      %dma_start3A_91 = tpu.memref_slice %arg9[%add3A_86, %dma_start3A_90] : memref<256x16xf32, #tpu.memory_space<vmem>> -> memref<1x16xf32, #tpu.memory_space<vmem>>
      %dma_start3A_92 = arith.constant 0 : i32
      %dma_start3A_93 = tpu.memref_slice %arg4[%squeeze3A, %dma_start3A_92] : memref<1000000x16xf32, #tpu.memory_space<hbm>> -> memref<1x16xf32, #tpu.memory_space<hbm>>
      tpu.enqueue_dma source(%dma_start3A_93 : memref<1x16xf32, #tpu.memory_space<hbm>>) target(%dma_start3A_91 : memref<1x16xf32, #tpu.memory_space<vmem>>) target_semaphore(%arg11 : memref<!tpu.dma_semaphore, #tpu.memory_space<semaphore_mem>>)
      %slice3A_94 = vector.extract_strided_slice %get3A_80 {offsets = [0], sizes = [1], strides = [1]} : vector<16xi32> to vector<1xi32>
      %squeeze3A_95 = vector.extract %slice3A_94[0] : i32 from vector<1xi32>
      %add3A_96 = arith.constant 0 : i32
      %add3A_97 = arith.addi %add3A_84, %add3A_96 : i32
      %dma_start3A_98 = arith.constant 0 : i32
      %dma_start3A_99 = tpu.memref_slice %arg10[%add3A_97, %dma_start3A_98] : memref<256x16xf32, #tpu.memory_space<vmem>> -> memref<1x16xf32, #tpu.memory_space<vmem>>
      %dma_start3A_100 = arith.constant 0 : i32
      %dma_start3A_101 = tpu.memref_slice %arg5[%squeeze3A_95, %dma_start3A_100] : memref<1000000x16xf32, #tpu.memory_space<hbm>> -> memref<1x16xf32, #tpu.memory_space<hbm>>
      %dma_start3A_102 = arith.constant 0 : i32
      %dma_start3A_103 = tpu.memref_slice %arg10[%add3A_97, %dma_start3A_102] : memref<256x16xf32, #tpu.memory_space<vmem>> -> memref<1x16xf32, #tpu.memory_space<vmem>>
      %dma_start3A_104 = arith.constant 0 : i32
      %dma_start3A_105 = tpu.memref_slice %arg5[%squeeze3A_95, %dma_start3A_104] : memref<1000000x16xf32, #tpu.memory_space<hbm>> -> memref<1x16xf32, #tpu.memory_space<hbm>>
      tpu.enqueue_dma source(%dma_start3A_105 : memref<1x16xf32, #tpu.memory_space<hbm>>) target(%dma_start3A_103 : memref<1x16xf32, #tpu.memory_space<vmem>>) target_semaphore(%arg11 : memref<!tpu.dma_semaphore, #tpu.memory_space<semaphore_mem>>)
      %slice3A_106 = vector.extract_strided_slice %get3A_73 {offsets = [1], sizes = [1], strides = [1]} : vector<16xi32> to vector<1xi32>
      %squeeze3A_107 = vector.extract %slice3A_106[0] : i32 from vector<1xi32>
      %add3A_108 = arith.constant 1 : i32
      %add3A_109 = arith.addi %add3A_84, %add3A_108 : i32
      %dma_start3A_110 = arith.constant 0 : i32
      %dma_start3A_111 = tpu.memref_slice %arg9[%add3A_109, %dma_start3A_110] : memref<256x16xf32, #tpu.memory_space<vmem>> -> memref<1x16xf32, #tpu.memory_space<vmem>>
      %dma_start3A_112 = arith.constant 0 : i32
      %dma_start3A_113 = tpu.memref_slice %arg4[%squeeze3A_107, %dma_start3A_112] : memref<1000000x16xf32, #tpu.memory_space<hbm>> -> memref<1x16xf32, #tpu.memory_space<hbm>>
      %dma_start3A_114 = arith.constant 0 : i32
      %dma_start3A_115 = tpu.memref_slice %arg9[%add3A_109, %dma_start3A_114] : memref<256x16xf32, #tpu.memory_space<vmem>> -> memref<1x16xf32, #tpu.memory_space<vmem>>
      %dma_start3A_116 = arith.constant 0 : i32
      %dma_start3A_117 = tpu.memref_slice %arg4[%squeeze3A_107, %dma_start3A_116] : memref<1000000x16xf32, #tpu.memory_space<hbm>> -> memref<1x16xf32, #tpu.memory_space<hbm>>
      tpu.enqueue_dma source(%dma_start3A_117 : memref<1x16xf32, #tpu.memory_space<hbm>>) target(%dma_start3A_115 : memref<1x16xf32, #tpu.memory_space<vmem>>) target_semaphore(%arg11 : memref<!tpu.dma_semaphore, #tpu.memory_space<semaphore_mem>>)
      %slice3A_118 = vector.extract_strided_slice %get3A_80 {offsets = [1], sizes = [1], strides = [1]} : vector<16xi32> to vector<1xi32>
      %squeeze3A_119 = vector.extract %slice3A_118[0] : i32 from vector<1xi32>
      %add3A_120 = arith.constant 1 : i32
      %add3A_121 = arith.addi %add3A_84, %add3A_120 : i32
      %dma_start3A_122 = arith.constant 0 : i32
      %dma_start3A_123 = tpu.memref_slice %arg10[%add3A_121, %dma_start3A_122] : memref<256x16xf32, #tpu.memory_space<vmem>> -> memref<1x16xf32, #tpu.memory_space<vmem>>
      %dma_start3A_124 = arith.constant 0 : i32
      %dma_start3A_125 = tpu.memref_slice %arg5[%squeeze3A_119, %dma_start3A_124] : memref<1000000x16xf32, #tpu.memory_space<hbm>> -> memref<1x16xf32, #tpu.memory_space<hbm>>
      %dma_start3A_126 = arith.constant 0 : i32
      %dma_start3A_127 = tpu.memref_slice %arg10[%add3A_121, %dma_start3A_126] : memref<256x16xf32, #tpu.memory_space<vmem>> -> memref<1x16xf32, #tpu.memory_space<vmem>>
      %dma_start3A_128 = arith.constant 0 : i32
      %dma_start3A_129 = tpu.memref_slice %arg5[%squeeze3A_119, %dma_start3A_128] : memref<1000000x16xf32, #tpu.memory_space<hbm>> -> memref<1x16xf32, #tpu.memory_space<hbm>>
      tpu.enqueue_dma source(%dma_start3A_129 : memref<1x16xf32, #tpu.memory_space<hbm>>) target(%dma_start3A_127 : memref<1x16xf32, #tpu.memory_space<vmem>>) target_semaphore(%arg11 : memref<!tpu.dma_semaphore, #tpu.memory_space<semaphore_mem>>)
      %slice3A_130 = vector.extract_strided_slice %get3A_73 {offsets = [2], sizes = [1], strides = [1]} : vector<16xi32> to vector<1xi32>
      %squeeze3A_131 = vector.extract %slice3A_130[0] : i32 from vector<1xi32>
      %add3A_132 = arith.constant 2 : i32
      %add3A_133 = arith.addi %add3A_84, %add3A_132 : i32
      %dma_start3A_134 = arith.constant 0 : i32
      %dma_start3A_135 = tpu.memref_slice %arg9[%add3A_133, %dma_start3A_134] : memref<256x16xf32, #tpu.memory_space<vmem>> -> memref<1x16xf32, #tpu.memory_space<vmem>>
      %dma_start3A_136 = arith.constant 0 : i32
      %dma_start3A_137 = tpu.memref_slice %arg4[%squeeze3A_131, %dma_start3A_136] : memref<1000000x16xf32, #tpu.memory_space<hbm>> -> memref<1x16xf32, #tpu.memory_space<hbm>>
      %dma_start3A_138 = arith.constant 0 : i32
      %dma_start3A_139 = tpu.memref_slice %arg9[%add3A_133, %dma_start3A_138] : memref<256x16xf32, #tpu.memory_space<vmem>> -> memref<1x16xf32, #tpu.memory_space<vmem>>
      %dma_start3A_140 = arith.constant 0 : i32
      %dma_start3A_141 = tpu.memref_slice %arg4[%squeeze3A_131, %dma_start3A_140] : memref<1000000x16xf32, #tpu.memory_space<hbm>> -> memref<1x16xf32, #tpu.memory_space<hbm>>
      tpu.enqueue_dma source(%dma_start3A_141 : memref<1x16xf32, #tpu.memory_space<hbm>>) target(%dma_start3A_139 : memref<1x16xf32, #tpu.memory_space<vmem>>) target_semaphore(%arg11 : memref<!tpu.dma_semaphore, #tpu.memory_space<semaphore_mem>>)
      %slice3A_142 = vector.extract_strided_slice %get3A_80 {offsets = [2], sizes = [1], strides = [1]} : vector<16xi32> to vector<1xi32>
      %squeeze3A_143 = vector.extract %slice3A_142[0] : i32 from vector<1xi32>
      %add3A_144 = arith.constant 2 : i32
      %add3A_145 = arith.addi %add3A_84, %add3A_144 : i32
      %dma_start3A_146 = arith.constant 0 : i32
      %dma_start3A_147 = tpu.memref_slice %arg10[%add3A_145, %dma_start3A_146] : memref<256x16xf32, #tpu.memory_space<vmem>> -> memref<1x16xf32, #tpu.memory_space<vmem>>
      %dma_start3A_148 = arith.constant 0 : i32
      %dma_start3A_149 = tpu.memref_slice %arg5[%squeeze3A_143, %dma_start3A_148] : memref<1000000x16xf32, #tpu.memory_space<hbm>> -> memref<1x16xf32, #tpu.memory_space<hbm>>
      %dma_start3A_150 = arith.constant 0 : i32
      %dma_start3A_151 = tpu.memref_slice %arg10[%add3A_145, %dma_start3A_150] : memref<256x16xf32, #tpu.memory_space<vmem>> -> memref<1x16xf32, #tpu.memory_space<vmem>>
      %dma_start3A_152 = arith.constant 0 : i32
      %dma_start3A_153 = tpu.memref_slice %arg5[%squeeze3A_143, %dma_start3A_152] : memref<1000000x16xf32, #tpu.memory_space<hbm>> -> memref<1x16xf32, #tpu.memory_space<hbm>>
      tpu.enqueue_dma source(%dma_start3A_153 : memref<1x16xf32, #tpu.memory_space<hbm>>) target(%dma_start3A_151 : memref<1x16xf32, #tpu.memory_space<vmem>>) target_semaphore(%arg11 : memref<!tpu.dma_semaphore, #tpu.memory_space<semaphore_mem>>)
      %slice3A_154 = vector.extract_strided_slice %get3A_73 {offsets = [3], sizes = [1], strides = [1]} : vector<16xi32> to vector<1xi32>
      %squeeze3A_155 = vector.extract %slice3A_154[0] : i32 from vector<1xi32>
      %add3A_156 = arith.constant 3 : i32
      %add3A_157 = arith.addi %add3A_84, %add3A_156 : i32
      %dma_start3A_158 = arith.constant 0 : i32
      %dma_start3A_159 = tpu.memref_slice %arg9[%add3A_157, %dma_start3A_158] : memref<256x16xf32, #tpu.memory_space<vmem>> -> memref<1x16xf32, #tpu.memory_space<vmem>>
      %dma_start3A_160 = arith.constant 0 : i32
      %dma_start3A_161 = tpu.memref_slice %arg4[%squeeze3A_155, %dma_start3A_160] : memref<1000000x16xf32, #tpu.memory_space<hbm>> -> memref<1x16xf32, #tpu.memory_space<hbm>>
      %dma_start3A_162 = arith.constant 0 : i32
      %dma_start3A_163 = tpu.memref_slice %arg9[%add3A_157, %dma_start3A_162] : memref<256x16xf32, #tpu.memory_space<vmem>> -> memref<1x16xf32, #tpu.memory_space<vmem>>
      %dma_start3A_164 = arith.constant 0 : i32
      %dma_start3A_165 = tpu.memref_slice %arg4[%squeeze3A_155, %dma_start3A_164] : memref<1000000x16xf32, #tpu.memory_space<hbm>> -> memref<1x16xf32, #tpu.memory_space<hbm>>
      tpu.enqueue_dma source(%dma_start3A_165 : memref<1x16xf32, #tpu.memory_space<hbm>>) target(%dma_start3A_163 : memref<1x16xf32, #tpu.memory_space<vmem>>) target_semaphore(%arg11 : memref<!tpu.dma_semaphore, #tpu.memory_space<semaphore_mem>>)
      %slice3A_166 = vector.extract_strided_slice %get3A_80 {offsets = [3], sizes = [1], strides = [1]} : vector<16xi32> to vector<1xi32>
      %squeeze3A_167 = vector.extract %slice3A_166[0] : i32 from vector<1xi32>
      %add3A_168 = arith.constant 3 : i32
      %add3A_169 = arith.addi %add3A_84, %add3A_168 : i32
      %dma_start3A_170 = arith.constant 0 : i32
      %dma_start3A_171 = tpu.memref_slice %arg10[%add3A_169, %dma_start3A_170] : memref<256x16xf32, #tpu.memory_space<vmem>> -> memref<1x16xf32, #tpu.memory_space<vmem>>
      %dma_start3A_172 = arith.constant 0 : i32
      %dma_start3A_173 = tpu.memref_slice %arg5[%squeeze3A_167, %dma_start3A_172] : memref<1000000x16xf32, #tpu.memory_space<hbm>> -> memref<1x16xf32, #tpu.memory_space<hbm>>
      %dma_start3A_174 = arith.constant 0 : i32
      %dma_start3A_175 = tpu.memref_slice %arg10[%add3A_169, %dma_start3A_174] : memref<256x16xf32, #tpu.memory_space<vmem>> -> memref<1x16xf32, #tpu.memory_space<vmem>>
      %dma_start3A_176 = arith.constant 0 : i32
      %dma_start3A_177 = tpu.memref_slice %arg5[%squeeze3A_167, %dma_start3A_176] : memref<1000000x16xf32, #tpu.memory_space<hbm>> -> memref<1x16xf32, #tpu.memory_space<hbm>>
      tpu.enqueue_dma source(%dma_start3A_177 : memref<1x16xf32, #tpu.memory_space<hbm>>) target(%dma_start3A_175 : memref<1x16xf32, #tpu.memory_space<vmem>>) target_semaphore(%arg11 : memref<!tpu.dma_semaphore, #tpu.memory_space<semaphore_mem>>)
      %slice3A_178 = vector.extract_strided_slice %get3A_73 {offsets = [4], sizes = [1], strides = [1]} : vector<16xi32> to vector<1xi32>
      %squeeze3A_179 = vector.extract %slice3A_178[0] : i32 from vector<1xi32>
      %add3A_180 = arith.constant 4 : i32
      %add3A_181 = arith.addi %add3A_84, %add3A_180 : i32
      %dma_start3A_182 = arith.constant 0 : i32
      %dma_start3A_183 = tpu.memref_slice %arg9[%add3A_181, %dma_start3A_182] : memref<256x16xf32, #tpu.memory_space<vmem>> -> memref<1x16xf32, #tpu.memory_space<vmem>>
      %dma_start3A_184 = arith.constant 0 : i32
      %dma_start3A_185 = tpu.memref_slice %arg4[%squeeze3A_179, %dma_start3A_184] : memref<1000000x16xf32, #tpu.memory_space<hbm>> -> memref<1x16xf32, #tpu.memory_space<hbm>>
      %dma_start3A_186 = arith.constant 0 : i32
      %dma_start3A_187 = tpu.memref_slice %arg9[%add3A_181, %dma_start3A_186] : memref<256x16xf32, #tpu.memory_space<vmem>> -> memref<1x16xf32, #tpu.memory_space<vmem>>
      %dma_start3A_188 = arith.constant 0 : i32
      %dma_start3A_189 = tpu.memref_slice %arg4[%squeeze3A_179, %dma_start3A_188] : memref<1000000x16xf32, #tpu.memory_space<hbm>> -> memref<1x16xf32, #tpu.memory_space<hbm>>
      tpu.enqueue_dma source(%dma_start3A_189 : memref<1x16xf32, #tpu.memory_space<hbm>>) target(%dma_start3A_187 : memref<1x16xf32, #tpu.memory_space<vmem>>) target_semaphore(%arg11 : memref<!tpu.dma_semaphore, #tpu.memory_space<semaphore_mem>>)
      %slice3A_190 = vector.extract_strided_slice %get3A_80 {offsets = [4], sizes = [1], strides = [1]} : vector<16xi32> to vector<1xi32>
      %squeeze3A_191 = vector.extract %slice3A_190[0] : i32 from vector<1xi32>
      %add3A_192 = arith.constant 4 : i32
      %add3A_193 = arith.addi %add3A_84, %add3A_192 : i32
      %dma_start3A_194 = arith.constant 0 : i32
      %dma_start3A_195 = tpu.memref_slice %arg10[%add3A_193, %dma_start3A_194] : memref<256x16xf32, #tpu.memory_space<vmem>> -> memref<1x16xf32, #tpu.memory_space<vmem>>
      %dma_start3A_196 = arith.constant 0 : i32
      %dma_start3A_197 = tpu.memref_slice %arg5[%squeeze3A_191, %dma_start3A_196] : memref<1000000x16xf32, #tpu.memory_space<hbm>> -> memref<1x16xf32, #tpu.memory_space<hbm>>
      %dma_start3A_198 = arith.constant 0 : i32
      %dma_start3A_199 = tpu.memref_slice %arg10[%add3A_193, %dma_start3A_198] : memref<256x16xf32, #tpu.memory_space<vmem>> -> memref<1x16xf32, #tpu.memory_space<vmem>>
      %dma_start3A_200 = arith.constant 0 : i32
      %dma_start3A_201 = tpu.memref_slice %arg5[%squeeze3A_191, %dma_start3A_200] : memref<1000000x16xf32, #tpu.memory_space<hbm>> -> memref<1x16xf32, #tpu.memory_space<hbm>>
      tpu.enqueue_dma source(%dma_start3A_201 : memref<1x16xf32, #tpu.memory_space<hbm>>) target(%dma_start3A_199 : memref<1x16xf32, #tpu.memory_space<vmem>>) target_semaphore(%arg11 : memref<!tpu.dma_semaphore, #tpu.memory_space<semaphore_mem>>)
      %slice3A_202 = vector.extract_strided_slice %get3A_73 {offsets = [5], sizes = [1], strides = [1]} : vector<16xi32> to vector<1xi32>
      %squeeze3A_203 = vector.extract %slice3A_202[0] : i32 from vector<1xi32>
      %add3A_204 = arith.constant 5 : i32
      %add3A_205 = arith.addi %add3A_84, %add3A_204 : i32
      %dma_start3A_206 = arith.constant 0 : i32
      %dma_start3A_207 = tpu.memref_slice %arg9[%add3A_205, %dma_start3A_206] : memref<256x16xf32, #tpu.memory_space<vmem>> -> memref<1x16xf32, #tpu.memory_space<vmem>>
      %dma_start3A_208 = arith.constant 0 : i32
      %dma_start3A_209 = tpu.memref_slice %arg4[%squeeze3A_203, %dma_start3A_208] : memref<1000000x16xf32, #tpu.memory_space<hbm>> -> memref<1x16xf32, #tpu.memory_space<hbm>>
      %dma_start3A_210 = arith.constant 0 : i32
      %dma_start3A_211 = tpu.memref_slice %arg9[%add3A_205, %dma_start3A_210] : memref<256x16xf32, #tpu.memory_space<vmem>> -> memref<1x16xf32, #tpu.memory_space<vmem>>
      %dma_start3A_212 = arith.constant 0 : i32
      %dma_start3A_213 = tpu.memref_slice %arg4[%squeeze3A_203, %dma_start3A_212] : memref<1000000x16xf32, #tpu.memory_space<hbm>> -> memref<1x16xf32, #tpu.memory_space<hbm>>
      tpu.enqueue_dma source(%dma_start3A_213 : memref<1x16xf32, #tpu.memory_space<hbm>>) target(%dma_start3A_211 : memref<1x16xf32, #tpu.memory_space<vmem>>) target_semaphore(%arg11 : memref<!tpu.dma_semaphore, #tpu.memory_space<semaphore_mem>>)
      %slice3A_214 = vector.extract_strided_slice %get3A_80 {offsets = [5], sizes = [1], strides = [1]} : vector<16xi32> to vector<1xi32>
      %squeeze3A_215 = vector.extract %slice3A_214[0] : i32 from vector<1xi32>
      %add3A_216 = arith.constant 5 : i32
      %add3A_217 = arith.addi %add3A_84, %add3A_216 : i32
      %dma_start3A_218 = arith.constant 0 : i32
      %dma_start3A_219 = tpu.memref_slice %arg10[%add3A_217, %dma_start3A_218] : memref<256x16xf32, #tpu.memory_space<vmem>> -> memref<1x16xf32, #tpu.memory_space<vmem>>
      %dma_start3A_220 = arith.constant 0 : i32
      %dma_start3A_221 = tpu.memref_slice %arg5[%squeeze3A_215, %dma_start3A_220] : memref<1000000x16xf32, #tpu.memory_space<hbm>> -> memref<1x16xf32, #tpu.memory_space<hbm>>
      %dma_start3A_222 = arith.constant 0 : i32
      %dma_start3A_223 = tpu.memref_slice %arg10[%add3A_217, %dma_start3A_222] : memref<256x16xf32, #tpu.memory_space<vmem>> -> memref<1x16xf32, #tpu.memory_space<vmem>>
      %dma_start3A_224 = arith.constant 0 : i32
      %dma_start3A_225 = tpu.memref_slice %arg5[%squeeze3A_215, %dma_start3A_224] : memref<1000000x16xf32, #tpu.memory_space<hbm>> -> memref<1x16xf32, #tpu.memory_space<hbm>>
      tpu.enqueue_dma source(%dma_start3A_225 : memref<1x16xf32, #tpu.memory_space<hbm>>) target(%dma_start3A_223 : memref<1x16xf32, #tpu.memory_space<vmem>>) target_semaphore(%arg11 : memref<!tpu.dma_semaphore, #tpu.memory_space<semaphore_mem>>)
      %slice3A_226 = vector.extract_strided_slice %get3A_73 {offsets = [6], sizes = [1], strides = [1]} : vector<16xi32> to vector<1xi32>
      %squeeze3A_227 = vector.extract %slice3A_226[0] : i32 from vector<1xi32>
      %add3A_228 = arith.constant 6 : i32
      %add3A_229 = arith.addi %add3A_84, %add3A_228 : i32
      %dma_start3A_230 = arith.constant 0 : i32
      %dma_start3A_231 = tpu.memref_slice %arg9[%add3A_229, %dma_start3A_230] : memref<256x16xf32, #tpu.memory_space<vmem>> -> memref<1x16xf32, #tpu.memory_space<vmem>>
      %dma_start3A_232 = arith.constant 0 : i32
      %dma_start3A_233 = tpu.memref_slice %arg4[%squeeze3A_227, %dma_start3A_232] : memref<1000000x16xf32, #tpu.memory_space<hbm>> -> memref<1x16xf32, #tpu.memory_space<hbm>>
      %dma_start3A_234 = arith.constant 0 : i32
      %dma_start3A_235 = tpu.memref_slice %arg9[%add3A_229, %dma_start3A_234] : memref<256x16xf32, #tpu.memory_space<vmem>> -> memref<1x16xf32, #tpu.memory_space<vmem>>
      %dma_start3A_236 = arith.constant 0 : i32
      %dma_start3A_237 = tpu.memref_slice %arg4[%squeeze3A_227, %dma_start3A_236] : memref<1000000x16xf32, #tpu.memory_space<hbm>> -> memref<1x16xf32, #tpu.memory_space<hbm>>
      tpu.enqueue_dma source(%dma_start3A_237 : memref<1x16xf32, #tpu.memory_space<hbm>>) target(%dma_start3A_235 : memref<1x16xf32, #tpu.memory_space<vmem>>) target_semaphore(%arg11 : memref<!tpu.dma_semaphore, #tpu.memory_space<semaphore_mem>>)
      %slice3A_238 = vector.extract_strided_slice %get3A_80 {offsets = [6], sizes = [1], strides = [1]} : vector<16xi32> to vector<1xi32>
      %squeeze3A_239 = vector.extract %slice3A_238[0] : i32 from vector<1xi32>
      %add3A_240 = arith.constant 6 : i32
      %add3A_241 = arith.addi %add3A_84, %add3A_240 : i32
      %dma_start3A_242 = arith.constant 0 : i32
      %dma_start3A_243 = tpu.memref_slice %arg10[%add3A_241, %dma_start3A_242] : memref<256x16xf32, #tpu.memory_space<vmem>> -> memref<1x16xf32, #tpu.memory_space<vmem>>
      %dma_start3A_244 = arith.constant 0 : i32
      %dma_start3A_245 = tpu.memref_slice %arg5[%squeeze3A_239, %dma_start3A_244] : memref<1000000x16xf32, #tpu.memory_space<hbm>> -> memref<1x16xf32, #tpu.memory_space<hbm>>
      %dma_start3A_246 = arith.constant 0 : i32
      %dma_start3A_247 = tpu.memref_slice %arg10[%add3A_241, %dma_start3A_246] : memref<256x16xf32, #tpu.memory_space<vmem>> -> memref<1x16xf32, #tpu.memory_space<vmem>>
      %dma_start3A_248 = arith.constant 0 : i32
      %dma_start3A_249 = tpu.memref_slice %arg5[%squeeze3A_239, %dma_start3A_248] : memref<1000000x16xf32, #tpu.memory_space<hbm>> -> memref<1x16xf32, #tpu.memory_space<hbm>>
      tpu.enqueue_dma source(%dma_start3A_249 : memref<1x16xf32, #tpu.memory_space<hbm>>) target(%dma_start3A_247 : memref<1x16xf32, #tpu.memory_space<vmem>>) target_semaphore(%arg11 : memref<!tpu.dma_semaphore, #tpu.memory_space<semaphore_mem>>)
      %slice3A_250 = vector.extract_strided_slice %get3A_73 {offsets = [7], sizes = [1], strides = [1]} : vector<16xi32> to vector<1xi32>
      %squeeze3A_251 = vector.extract %slice3A_250[0] : i32 from vector<1xi32>
      %add3A_252 = arith.constant 7 : i32
      %add3A_253 = arith.addi %add3A_84, %add3A_252 : i32
      %dma_start3A_254 = arith.constant 0 : i32
      %dma_start3A_255 = tpu.memref_slice %arg9[%add3A_253, %dma_start3A_254] : memref<256x16xf32, #tpu.memory_space<vmem>> -> memref<1x16xf32, #tpu.memory_space<vmem>>
      %dma_start3A_256 = arith.constant 0 : i32
      %dma_start3A_257 = tpu.memref_slice %arg4[%squeeze3A_251, %dma_start3A_256] : memref<1000000x16xf32, #tpu.memory_space<hbm>> -> memref<1x16xf32, #tpu.memory_space<hbm>>
      %dma_start3A_258 = arith.constant 0 : i32
      %dma_start3A_259 = tpu.memref_slice %arg9[%add3A_253, %dma_start3A_258] : memref<256x16xf32, #tpu.memory_space<vmem>> -> memref<1x16xf32, #tpu.memory_space<vmem>>
      %dma_start3A_260 = arith.constant 0 : i32
      %dma_start3A_261 = tpu.memref_slice %arg4[%squeeze3A_251, %dma_start3A_260] : memref<1000000x16xf32, #tpu.memory_space<hbm>> -> memref<1x16xf32, #tpu.memory_space<hbm>>
      tpu.enqueue_dma source(%dma_start3A_261 : memref<1x16xf32, #tpu.memory_space<hbm>>) target(%dma_start3A_259 : memref<1x16xf32, #tpu.memory_space<vmem>>) target_semaphore(%arg11 : memref<!tpu.dma_semaphore, #tpu.memory_space<semaphore_mem>>)
      %slice3A_262 = vector.extract_strided_slice %get3A_80 {offsets = [7], sizes = [1], strides = [1]} : vector<16xi32> to vector<1xi32>
      %squeeze3A_263 = vector.extract %slice3A_262[0] : i32 from vector<1xi32>
      %add3A_264 = arith.constant 7 : i32
      %add3A_265 = arith.addi %add3A_84, %add3A_264 : i32
      %dma_start3A_266 = arith.constant 0 : i32
      %dma_start3A_267 = tpu.memref_slice %arg10[%add3A_265, %dma_start3A_266] : memref<256x16xf32, #tpu.memory_space<vmem>> -> memref<1x16xf32, #tpu.memory_space<vmem>>
      %dma_start3A_268 = arith.constant 0 : i32
      %dma_start3A_269 = tpu.memref_slice %arg5[%squeeze3A_263, %dma_start3A_268] : memref<1000000x16xf32, #tpu.memory_space<hbm>> -> memref<1x16xf32, #tpu.memory_space<hbm>>
      %dma_start3A_270 = arith.constant 0 : i32
      %dma_start3A_271 = tpu.memref_slice %arg10[%add3A_265, %dma_start3A_270] : memref<256x16xf32, #tpu.memory_space<vmem>> -> memref<1x16xf32, #tpu.memory_space<vmem>>
      %dma_start3A_272 = arith.constant 0 : i32
      %dma_start3A_273 = tpu.memref_slice %arg5[%squeeze3A_263, %dma_start3A_272] : memref<1000000x16xf32, #tpu.memory_space<hbm>> -> memref<1x16xf32, #tpu.memory_space<hbm>>
      tpu.enqueue_dma source(%dma_start3A_273 : memref<1x16xf32, #tpu.memory_space<hbm>>) target(%dma_start3A_271 : memref<1x16xf32, #tpu.memory_space<vmem>>) target_semaphore(%arg11 : memref<!tpu.dma_semaphore, #tpu.memory_space<semaphore_mem>>)
      %slice3A_274 = vector.extract_strided_slice %get3A_73 {offsets = [8], sizes = [1], strides = [1]} : vector<16xi32> to vector<1xi32>
      %squeeze3A_275 = vector.extract %slice3A_274[0] : i32 from vector<1xi32>
      %add3A_276 = arith.constant 8 : i32
      %add3A_277 = arith.addi %add3A_84, %add3A_276 : i32
      %dma_start3A_278 = arith.constant 0 : i32
      %dma_start3A_279 = tpu.memref_slice %arg9[%add3A_277, %dma_start3A_278] : memref<256x16xf32, #tpu.memory_space<vmem>> -> memref<1x16xf32, #tpu.memory_space<vmem>>
      %dma_start3A_280 = arith.constant 0 : i32
      %dma_start3A_281 = tpu.memref_slice %arg4[%squeeze3A_275, %dma_start3A_280] : memref<1000000x16xf32, #tpu.memory_space<hbm>> -> memref<1x16xf32, #tpu.memory_space<hbm>>
      %dma_start3A_282 = arith.constant 0 : i32
      %dma_start3A_283 = tpu.memref_slice %arg9[%add3A_277, %dma_start3A_282] : memref<256x16xf32, #tpu.memory_space<vmem>> -> memref<1x16xf32, #tpu.memory_space<vmem>>
      %dma_start3A_284 = arith.constant 0 : i32
      %dma_start3A_285 = tpu.memref_slice %arg4[%squeeze3A_275, %dma_start3A_284] : memref<1000000x16xf32, #tpu.memory_space<hbm>> -> memref<1x16xf32, #tpu.memory_space<hbm>>
      tpu.enqueue_dma source(%dma_start3A_285 : memref<1x16xf32, #tpu.memory_space<hbm>>) target(%dma_start3A_283 : memref<1x16xf32, #tpu.memory_space<vmem>>) target_semaphore(%arg11 : memref<!tpu.dma_semaphore, #tpu.memory_space<semaphore_mem>>)
      %slice3A_286 = vector.extract_strided_slice %get3A_80 {offsets = [8], sizes = [1], strides = [1]} : vector<16xi32> to vector<1xi32>
      %squeeze3A_287 = vector.extract %slice3A_286[0] : i32 from vector<1xi32>
      %add3A_288 = arith.constant 8 : i32
      %add3A_289 = arith.addi %add3A_84, %add3A_288 : i32
      %dma_start3A_290 = arith.constant 0 : i32
      %dma_start3A_291 = tpu.memref_slice %arg10[%add3A_289, %dma_start3A_290] : memref<256x16xf32, #tpu.memory_space<vmem>> -> memref<1x16xf32, #tpu.memory_space<vmem>>
      %dma_start3A_292 = arith.constant 0 : i32
      %dma_start3A_293 = tpu.memref_slice %arg5[%squeeze3A_287, %dma_start3A_292] : memref<1000000x16xf32, #tpu.memory_space<hbm>> -> memref<1x16xf32, #tpu.memory_space<hbm>>
      %dma_start3A_294 = arith.constant 0 : i32
      %dma_start3A_295 = tpu.memref_slice %arg10[%add3A_289, %dma_start3A_294] : memref<256x16xf32, #tpu.memory_space<vmem>> -> memref<1x16xf32, #tpu.memory_space<vmem>>
      %dma_start3A_296 = arith.constant 0 : i32
      %dma_start3A_297 = tpu.memref_slice %arg5[%squeeze3A_287, %dma_start3A_296] : memref<1000000x16xf32, #tpu.memory_space<hbm>> -> memref<1x16xf32, #tpu.memory_space<hbm>>
      tpu.enqueue_dma source(%dma_start3A_297 : memref<1x16xf32, #tpu.memory_space<hbm>>) target(%dma_start3A_295 : memref<1x16xf32, #tpu.memory_space<vmem>>) target_semaphore(%arg11 : memref<!tpu.dma_semaphore, #tpu.memory_space<semaphore_mem>>)
      %slice3A_298 = vector.extract_strided_slice %get3A_73 {offsets = [9], sizes = [1], strides = [1]} : vector<16xi32> to vector<1xi32>
      %squeeze3A_299 = vector.extract %slice3A_298[0] : i32 from vector<1xi32>
      %add3A_300 = arith.constant 9 : i32
      %add3A_301 = arith.addi %add3A_84, %add3A_300 : i32
      %dma_start3A_302 = arith.constant 0 : i32
      %dma_start3A_303 = tpu.memref_slice %arg9[%add3A_301, %dma_start3A_302] : memref<256x16xf32, #tpu.memory_space<vmem>> -> memref<1x16xf32, #tpu.memory_space<vmem>>
      %dma_start3A_304 = arith.constant 0 : i32
      %dma_start3A_305 = tpu.memref_slice %arg4[%squeeze3A_299, %dma_start3A_304] : memref<1000000x16xf32, #tpu.memory_space<hbm>> -> memref<1x16xf32, #tpu.memory_space<hbm>>
      %dma_start3A_306 = arith.constant 0 : i32
      %dma_start3A_307 = tpu.memref_slice %arg9[%add3A_301, %dma_start3A_306] : memref<256x16xf32, #tpu.memory_space<vmem>> -> memref<1x16xf32, #tpu.memory_space<vmem>>
      %dma_start3A_308 = arith.constant 0 : i32
      %dma_start3A_309 = tpu.memref_slice %arg4[%squeeze3A_299, %dma_start3A_308] : memref<1000000x16xf32, #tpu.memory_space<hbm>> -> memref<1x16xf32, #tpu.memory_space<hbm>>
      tpu.enqueue_dma source(%dma_start3A_309 : memref<1x16xf32, #tpu.memory_space<hbm>>) target(%dma_start3A_307 : memref<1x16xf32, #tpu.memory_space<vmem>>) target_semaphore(%arg11 : memref<!tpu.dma_semaphore, #tpu.memory_space<semaphore_mem>>)
      %slice3A_310 = vector.extract_strided_slice %get3A_80 {offsets = [9], sizes = [1], strides = [1]} : vector<16xi32> to vector<1xi32>
      %squeeze3A_311 = vector.extract %slice3A_310[0] : i32 from vector<1xi32>
      %add3A_312 = arith.constant 9 : i32
      %add3A_313 = arith.addi %add3A_84, %add3A_312 : i32
      %dma_start3A_314 = arith.constant 0 : i32
      %dma_start3A_315 = tpu.memref_slice %arg10[%add3A_313, %dma_start3A_314] : memref<256x16xf32, #tpu.memory_space<vmem>> -> memref<1x16xf32, #tpu.memory_space<vmem>>
      %dma_start3A_316 = arith.constant 0 : i32
      %dma_start3A_317 = tpu.memref_slice %arg5[%squeeze3A_311, %dma_start3A_316] : memref<1000000x16xf32, #tpu.memory_space<hbm>> -> memref<1x16xf32, #tpu.memory_space<hbm>>
      %dma_start3A_318 = arith.constant 0 : i32
      %dma_start3A_319 = tpu.memref_slice %arg10[%add3A_313, %dma_start3A_318] : memref<256x16xf32, #tpu.memory_space<vmem>> -> memref<1x16xf32, #tpu.memory_space<vmem>>
      %dma_start3A_320 = arith.constant 0 : i32
      %dma_start3A_321 = tpu.memref_slice %arg5[%squeeze3A_311, %dma_start3A_320] : memref<1000000x16xf32, #tpu.memory_space<hbm>> -> memref<1x16xf32, #tpu.memory_space<hbm>>
      tpu.enqueue_dma source(%dma_start3A_321 : memref<1x16xf32, #tpu.memory_space<hbm>>) target(%dma_start3A_319 : memref<1x16xf32, #tpu.memory_space<vmem>>) target_semaphore(%arg11 : memref<!tpu.dma_semaphore, #tpu.memory_space<semaphore_mem>>)
      %slice3A_322 = vector.extract_strided_slice %get3A_73 {offsets = [10], sizes = [1], strides = [1]} : vector<16xi32> to vector<1xi32>
      %squeeze3A_323 = vector.extract %slice3A_322[0] : i32 from vector<1xi32>
      %add3A_324 = arith.constant 10 : i32
      %add3A_325 = arith.addi %add3A_84, %add3A_324 : i32
      %dma_start3A_326 = arith.constant 0 : i32
      %dma_start3A_327 = tpu.memref_slice %arg9[%add3A_325, %dma_start3A_326] : memref<256x16xf32, #tpu.memory_space<vmem>> -> memref<1x16xf32, #tpu.memory_space<vmem>>
      %dma_start3A_328 = arith.constant 0 : i32
      %dma_start3A_329 = tpu.memref_slice %arg4[%squeeze3A_323, %dma_start3A_328] : memref<1000000x16xf32, #tpu.memory_space<hbm>> -> memref<1x16xf32, #tpu.memory_space<hbm>>
      %dma_start3A_330 = arith.constant 0 : i32
      %dma_start3A_331 = tpu.memref_slice %arg9[%add3A_325, %dma_start3A_330] : memref<256x16xf32, #tpu.memory_space<vmem>> -> memref<1x16xf32, #tpu.memory_space<vmem>>
      %dma_start3A_332 = arith.constant 0 : i32
      %dma_start3A_333 = tpu.memref_slice %arg4[%squeeze3A_323, %dma_start3A_332] : memref<1000000x16xf32, #tpu.memory_space<hbm>> -> memref<1x16xf32, #tpu.memory_space<hbm>>
      tpu.enqueue_dma source(%dma_start3A_333 : memref<1x16xf32, #tpu.memory_space<hbm>>) target(%dma_start3A_331 : memref<1x16xf32, #tpu.memory_space<vmem>>) target_semaphore(%arg11 : memref<!tpu.dma_semaphore, #tpu.memory_space<semaphore_mem>>)
      %slice3A_334 = vector.extract_strided_slice %get3A_80 {offsets = [10], sizes = [1], strides = [1]} : vector<16xi32> to vector<1xi32>
      %squeeze3A_335 = vector.extract %slice3A_334[0] : i32 from vector<1xi32>
      %add3A_336 = arith.constant 10 : i32
      %add3A_337 = arith.addi %add3A_84, %add3A_336 : i32
      %dma_start3A_338 = arith.constant 0 : i32
      %dma_start3A_339 = tpu.memref_slice %arg10[%add3A_337, %dma_start3A_338] : memref<256x16xf32, #tpu.memory_space<vmem>> -> memref<1x16xf32, #tpu.memory_space<vmem>>
      %dma_start3A_340 = arith.constant 0 : i32
      %dma_start3A_341 = tpu.memref_slice %arg5[%squeeze3A_335, %dma_start3A_340] : memref<1000000x16xf32, #tpu.memory_space<hbm>> -> memref<1x16xf32, #tpu.memory_space<hbm>>
      %dma_start3A_342 = arith.constant 0 : i32
      %dma_start3A_343 = tpu.memref_slice %arg10[%add3A_337, %dma_start3A_342] : memref<256x16xf32, #tpu.memory_space<vmem>> -> memref<1x16xf32, #tpu.memory_space<vmem>>
      %dma_start3A_344 = arith.constant 0 : i32
      %dma_start3A_345 = tpu.memref_slice %arg5[%squeeze3A_335, %dma_start3A_344] : memref<1000000x16xf32, #tpu.memory_space<hbm>> -> memref<1x16xf32, #tpu.memory_space<hbm>>
      tpu.enqueue_dma source(%dma_start3A_345 : memref<1x16xf32, #tpu.memory_space<hbm>>) target(%dma_start3A_343 : memref<1x16xf32, #tpu.memory_space<vmem>>) target_semaphore(%arg11 : memref<!tpu.dma_semaphore, #tpu.memory_space<semaphore_mem>>)
      %slice3A_346 = vector.extract_strided_slice %get3A_73 {offsets = [11], sizes = [1], strides = [1]} : vector<16xi32> to vector<1xi32>
      %squeeze3A_347 = vector.extract %slice3A_346[0] : i32 from vector<1xi32>
      %add3A_348 = arith.constant 11 : i32
      %add3A_349 = arith.addi %add3A_84, %add3A_348 : i32
      %dma_start3A_350 = arith.constant 0 : i32
      %dma_start3A_351 = tpu.memref_slice %arg9[%add3A_349, %dma_start3A_350] : memref<256x16xf32, #tpu.memory_space<vmem>> -> memref<1x16xf32, #tpu.memory_space<vmem>>
      %dma_start3A_352 = arith.constant 0 : i32
      %dma_start3A_353 = tpu.memref_slice %arg4[%squeeze3A_347, %dma_start3A_352] : memref<1000000x16xf32, #tpu.memory_space<hbm>> -> memref<1x16xf32, #tpu.memory_space<hbm>>
      %dma_start3A_354 = arith.constant 0 : i32
      %dma_start3A_355 = tpu.memref_slice %arg9[%add3A_349, %dma_start3A_354] : memref<256x16xf32, #tpu.memory_space<vmem>> -> memref<1x16xf32, #tpu.memory_space<vmem>>
      %dma_start3A_356 = arith.constant 0 : i32
      %dma_start3A_357 = tpu.memref_slice %arg4[%squeeze3A_347, %dma_start3A_356] : memref<1000000x16xf32, #tpu.memory_space<hbm>> -> memref<1x16xf32, #tpu.memory_space<hbm>>
      tpu.enqueue_dma source(%dma_start3A_357 : memref<1x16xf32, #tpu.memory_space<hbm>>) target(%dma_start3A_355 : memref<1x16xf32, #tpu.memory_space<vmem>>) target_semaphore(%arg11 : memref<!tpu.dma_semaphore, #tpu.memory_space<semaphore_mem>>)
      %slice3A_358 = vector.extract_strided_slice %get3A_80 {offsets = [11], sizes = [1], strides = [1]} : vector<16xi32> to vector<1xi32>
      %squeeze3A_359 = vector.extract %slice3A_358[0] : i32 from vector<1xi32>
      %add3A_360 = arith.constant 11 : i32
      %add3A_361 = arith.addi %add3A_84, %add3A_360 : i32
      %dma_start3A_362 = arith.constant 0 : i32
      %dma_start3A_363 = tpu.memref_slice %arg10[%add3A_361, %dma_start3A_362] : memref<256x16xf32, #tpu.memory_space<vmem>> -> memref<1x16xf32, #tpu.memory_space<vmem>>
      %dma_start3A_364 = arith.constant 0 : i32
      %dma_start3A_365 = tpu.memref_slice %arg5[%squeeze3A_359, %dma_start3A_364] : memref<1000000x16xf32, #tpu.memory_space<hbm>> -> memref<1x16xf32, #tpu.memory_space<hbm>>
      %dma_start3A_366 = arith.constant 0 : i32
      %dma_start3A_367 = tpu.memref_slice %arg10[%add3A_361, %dma_start3A_366] : memref<256x16xf32, #tpu.memory_space<vmem>> -> memref<1x16xf32, #tpu.memory_space<vmem>>
      %dma_start3A_368 = arith.constant 0 : i32
      %dma_start3A_369 = tpu.memref_slice %arg5[%squeeze3A_359, %dma_start3A_368] : memref<1000000x16xf32, #tpu.memory_space<hbm>> -> memref<1x16xf32, #tpu.memory_space<hbm>>
      tpu.enqueue_dma source(%dma_start3A_369 : memref<1x16xf32, #tpu.memory_space<hbm>>) target(%dma_start3A_367 : memref<1x16xf32, #tpu.memory_space<vmem>>) target_semaphore(%arg11 : memref<!tpu.dma_semaphore, #tpu.memory_space<semaphore_mem>>)
      %slice3A_370 = vector.extract_strided_slice %get3A_73 {offsets = [12], sizes = [1], strides = [1]} : vector<16xi32> to vector<1xi32>
      %squeeze3A_371 = vector.extract %slice3A_370[0] : i32 from vector<1xi32>
      %add3A_372 = arith.constant 12 : i32
      %add3A_373 = arith.addi %add3A_84, %add3A_372 : i32
      %dma_start3A_374 = arith.constant 0 : i32
      %dma_start3A_375 = tpu.memref_slice %arg9[%add3A_373, %dma_start3A_374] : memref<256x16xf32, #tpu.memory_space<vmem>> -> memref<1x16xf32, #tpu.memory_space<vmem>>
      %dma_start3A_376 = arith.constant 0 : i32
      %dma_start3A_377 = tpu.memref_slice %arg4[%squeeze3A_371, %dma_start3A_376] : memref<1000000x16xf32, #tpu.memory_space<hbm>> -> memref<1x16xf32, #tpu.memory_space<hbm>>
      %dma_start3A_378 = arith.constant 0 : i32
      %dma_start3A_379 = tpu.memref_slice %arg9[%add3A_373, %dma_start3A_378] : memref<256x16xf32, #tpu.memory_space<vmem>> -> memref<1x16xf32, #tpu.memory_space<vmem>>
      %dma_start3A_380 = arith.constant 0 : i32
      %dma_start3A_381 = tpu.memref_slice %arg4[%squeeze3A_371, %dma_start3A_380] : memref<1000000x16xf32, #tpu.memory_space<hbm>> -> memref<1x16xf32, #tpu.memory_space<hbm>>
      tpu.enqueue_dma source(%dma_start3A_381 : memref<1x16xf32, #tpu.memory_space<hbm>>) target(%dma_start3A_379 : memref<1x16xf32, #tpu.memory_space<vmem>>) target_semaphore(%arg11 : memref<!tpu.dma_semaphore, #tpu.memory_space<semaphore_mem>>)
      %slice3A_382 = vector.extract_strided_slice %get3A_80 {offsets = [12], sizes = [1], strides = [1]} : vector<16xi32> to vector<1xi32>
      %squeeze3A_383 = vector.extract %slice3A_382[0] : i32 from vector<1xi32>
      %add3A_384 = arith.constant 12 : i32
      %add3A_385 = arith.addi %add3A_84, %add3A_384 : i32
      %dma_start3A_386 = arith.constant 0 : i32
      %dma_start3A_387 = tpu.memref_slice %arg10[%add3A_385, %dma_start3A_386] : memref<256x16xf32, #tpu.memory_space<vmem>> -> memref<1x16xf32, #tpu.memory_space<vmem>>
      %dma_start3A_388 = arith.constant 0 : i32
      %dma_start3A_389 = tpu.memref_slice %arg5[%squeeze3A_383, %dma_start3A_388] : memref<1000000x16xf32, #tpu.memory_space<hbm>> -> memref<1x16xf32, #tpu.memory_space<hbm>>
      %dma_start3A_390 = arith.constant 0 : i32
      %dma_start3A_391 = tpu.memref_slice %arg10[%add3A_385, %dma_start3A_390] : memref<256x16xf32, #tpu.memory_space<vmem>> -> memref<1x16xf32, #tpu.memory_space<vmem>>
      %dma_start3A_392 = arith.constant 0 : i32
      %dma_start3A_393 = tpu.memref_slice %arg5[%squeeze3A_383, %dma_start3A_392] : memref<1000000x16xf32, #tpu.memory_space<hbm>> -> memref<1x16xf32, #tpu.memory_space<hbm>>
      tpu.enqueue_dma source(%dma_start3A_393 : memref<1x16xf32, #tpu.memory_space<hbm>>) target(%dma_start3A_391 : memref<1x16xf32, #tpu.memory_space<vmem>>) target_semaphore(%arg11 : memref<!tpu.dma_semaphore, #tpu.memory_space<semaphore_mem>>)
      %slice3A_394 = vector.extract_strided_slice %get3A_73 {offsets = [13], sizes = [1], strides = [1]} : vector<16xi32> to vector<1xi32>
      %squeeze3A_395 = vector.extract %slice3A_394[0] : i32 from vector<1xi32>
      %add3A_396 = arith.constant 13 : i32
      %add3A_397 = arith.addi %add3A_84, %add3A_396 : i32
      %dma_start3A_398 = arith.constant 0 : i32
      %dma_start3A_399 = tpu.memref_slice %arg9[%add3A_397, %dma_start3A_398] : memref<256x16xf32, #tpu.memory_space<vmem>> -> memref<1x16xf32, #tpu.memory_space<vmem>>
      %dma_start3A_400 = arith.constant 0 : i32
      %dma_start3A_401 = tpu.memref_slice %arg4[%squeeze3A_395, %dma_start3A_400] : memref<1000000x16xf32, #tpu.memory_space<hbm>> -> memref<1x16xf32, #tpu.memory_space<hbm>>
      %dma_start3A_402 = arith.constant 0 : i32
      %dma_start3A_403 = tpu.memref_slice %arg9[%add3A_397, %dma_start3A_402] : memref<256x16xf32, #tpu.memory_space<vmem>> -> memref<1x16xf32, #tpu.memory_space<vmem>>
      %dma_start3A_404 = arith.constant 0 : i32
      %dma_start3A_405 = tpu.memref_slice %arg4[%squeeze3A_395, %dma_start3A_404] : memref<1000000x16xf32, #tpu.memory_space<hbm>> -> memref<1x16xf32, #tpu.memory_space<hbm>>
      tpu.enqueue_dma source(%dma_start3A_405 : memref<1x16xf32, #tpu.memory_space<hbm>>) target(%dma_start3A_403 : memref<1x16xf32, #tpu.memory_space<vmem>>) target_semaphore(%arg11 : memref<!tpu.dma_semaphore, #tpu.memory_space<semaphore_mem>>)
      %slice3A_406 = vector.extract_strided_slice %get3A_80 {offsets = [13], sizes = [1], strides = [1]} : vector<16xi32> to vector<1xi32>
      %squeeze3A_407 = vector.extract %slice3A_406[0] : i32 from vector<1xi32>
      %add3A_408 = arith.constant 13 : i32
      %add3A_409 = arith.addi %add3A_84, %add3A_408 : i32
      %dma_start3A_410 = arith.constant 0 : i32
      %dma_start3A_411 = tpu.memref_slice %arg10[%add3A_409, %dma_start3A_410] : memref<256x16xf32, #tpu.memory_space<vmem>> -> memref<1x16xf32, #tpu.memory_space<vmem>>
      %dma_start3A_412 = arith.constant 0 : i32
      %dma_start3A_413 = tpu.memref_slice %arg5[%squeeze3A_407, %dma_start3A_412] : memref<1000000x16xf32, #tpu.memory_space<hbm>> -> memref<1x16xf32, #tpu.memory_space<hbm>>
      %dma_start3A_414 = arith.constant 0 : i32
      %dma_start3A_415 = tpu.memref_slice %arg10[%add3A_409, %dma_start3A_414] : memref<256x16xf32, #tpu.memory_space<vmem>> -> memref<1x16xf32, #tpu.memory_space<vmem>>
      %dma_start3A_416 = arith.constant 0 : i32
      %dma_start3A_417 = tpu.memref_slice %arg5[%squeeze3A_407, %dma_start3A_416] : memref<1000000x16xf32, #tpu.memory_space<hbm>> -> memref<1x16xf32, #tpu.memory_space<hbm>>
      tpu.enqueue_dma source(%dma_start3A_417 : memref<1x16xf32, #tpu.memory_space<hbm>>) target(%dma_start3A_415 : memref<1x16xf32, #tpu.memory_space<vmem>>) target_semaphore(%arg11 : memref<!tpu.dma_semaphore, #tpu.memory_space<semaphore_mem>>)
      %slice3A_418 = vector.extract_strided_slice %get3A_73 {offsets = [14], sizes = [1], strides = [1]} : vector<16xi32> to vector<1xi32>
      %squeeze3A_419 = vector.extract %slice3A_418[0] : i32 from vector<1xi32>
      %add3A_420 = arith.constant 14 : i32
      %add3A_421 = arith.addi %add3A_84, %add3A_420 : i32
      %dma_start3A_422 = arith.constant 0 : i32
      %dma_start3A_423 = tpu.memref_slice %arg9[%add3A_421, %dma_start3A_422] : memref<256x16xf32, #tpu.memory_space<vmem>> -> memref<1x16xf32, #tpu.memory_space<vmem>>
      %dma_start3A_424 = arith.constant 0 : i32
      %dma_start3A_425 = tpu.memref_slice %arg4[%squeeze3A_419, %dma_start3A_424] : memref<1000000x16xf32, #tpu.memory_space<hbm>> -> memref<1x16xf32, #tpu.memory_space<hbm>>
      %dma_start3A_426 = arith.constant 0 : i32
      %dma_start3A_427 = tpu.memref_slice %arg9[%add3A_421, %dma_start3A_426] : memref<256x16xf32, #tpu.memory_space<vmem>> -> memref<1x16xf32, #tpu.memory_space<vmem>>
      %dma_start3A_428 = arith.constant 0 : i32
      %dma_start3A_429 = tpu.memref_slice %arg4[%squeeze3A_419, %dma_start3A_428] : memref<1000000x16xf32, #tpu.memory_space<hbm>> -> memref<1x16xf32, #tpu.memory_space<hbm>>
      tpu.enqueue_dma source(%dma_start3A_429 : memref<1x16xf32, #tpu.memory_space<hbm>>) target(%dma_start3A_427 : memref<1x16xf32, #tpu.memory_space<vmem>>) target_semaphore(%arg11 : memref<!tpu.dma_semaphore, #tpu.memory_space<semaphore_mem>>)
      %slice3A_430 = vector.extract_strided_slice %get3A_80 {offsets = [14], sizes = [1], strides = [1]} : vector<16xi32> to vector<1xi32>
      %squeeze3A_431 = vector.extract %slice3A_430[0] : i32 from vector<1xi32>
      %add3A_432 = arith.constant 14 : i32
      %add3A_433 = arith.addi %add3A_84, %add3A_432 : i32
      %dma_start3A_434 = arith.constant 0 : i32
      %dma_start3A_435 = tpu.memref_slice %arg10[%add3A_433, %dma_start3A_434] : memref<256x16xf32, #tpu.memory_space<vmem>> -> memref<1x16xf32, #tpu.memory_space<vmem>>
      %dma_start3A_436 = arith.constant 0 : i32
      %dma_start3A_437 = tpu.memref_slice %arg5[%squeeze3A_431, %dma_start3A_436] : memref<1000000x16xf32, #tpu.memory_space<hbm>> -> memref<1x16xf32, #tpu.memory_space<hbm>>
      %dma_start3A_438 = arith.constant 0 : i32
      %dma_start3A_439 = tpu.memref_slice %arg10[%add3A_433, %dma_start3A_438] : memref<256x16xf32, #tpu.memory_space<vmem>> -> memref<1x16xf32, #tpu.memory_space<vmem>>
      %dma_start3A_440 = arith.constant 0 : i32
      %dma_start3A_441 = tpu.memref_slice %arg5[%squeeze3A_431, %dma_start3A_440] : memref<1000000x16xf32, #tpu.memory_space<hbm>> -> memref<1x16xf32, #tpu.memory_space<hbm>>
      tpu.enqueue_dma source(%dma_start3A_441 : memref<1x16xf32, #tpu.memory_space<hbm>>) target(%dma_start3A_439 : memref<1x16xf32, #tpu.memory_space<vmem>>) target_semaphore(%arg11 : memref<!tpu.dma_semaphore, #tpu.memory_space<semaphore_mem>>)
      %slice3A_442 = vector.extract_strided_slice %get3A_73 {offsets = [15], sizes = [1], strides = [1]} : vector<16xi32> to vector<1xi32>
      %squeeze3A_443 = vector.extract %slice3A_442[0] : i32 from vector<1xi32>
      %add3A_444 = arith.constant 15 : i32
      %add3A_445 = arith.addi %add3A_84, %add3A_444 : i32
      %dma_start3A_446 = arith.constant 0 : i32
      %dma_start3A_447 = tpu.memref_slice %arg9[%add3A_445, %dma_start3A_446] : memref<256x16xf32, #tpu.memory_space<vmem>> -> memref<1x16xf32, #tpu.memory_space<vmem>>
      %dma_start3A_448 = arith.constant 0 : i32
      %dma_start3A_449 = tpu.memref_slice %arg4[%squeeze3A_443, %dma_start3A_448] : memref<1000000x16xf32, #tpu.memory_space<hbm>> -> memref<1x16xf32, #tpu.memory_space<hbm>>
      %dma_start3A_450 = arith.constant 0 : i32
      %dma_start3A_451 = tpu.memref_slice %arg9[%add3A_445, %dma_start3A_450] : memref<256x16xf32, #tpu.memory_space<vmem>> -> memref<1x16xf32, #tpu.memory_space<vmem>>
      %dma_start3A_452 = arith.constant 0 : i32
      %dma_start3A_453 = tpu.memref_slice %arg4[%squeeze3A_443, %dma_start3A_452] : memref<1000000x16xf32, #tpu.memory_space<hbm>> -> memref<1x16xf32, #tpu.memory_space<hbm>>
      tpu.enqueue_dma source(%dma_start3A_453 : memref<1x16xf32, #tpu.memory_space<hbm>>) target(%dma_start3A_451 : memref<1x16xf32, #tpu.memory_space<vmem>>) target_semaphore(%arg11 : memref<!tpu.dma_semaphore, #tpu.memory_space<semaphore_mem>>)
      %slice3A_454 = vector.extract_strided_slice %get3A_80 {offsets = [15], sizes = [1], strides = [1]} : vector<16xi32> to vector<1xi32>
      %squeeze3A_455 = vector.extract %slice3A_454[0] : i32 from vector<1xi32>
      %add3A_456 = arith.constant 15 : i32
      %add3A_457 = arith.addi %add3A_84, %add3A_456 : i32
      %dma_start3A_458 = arith.constant 0 : i32
      %dma_start3A_459 = tpu.memref_slice %arg10[%add3A_457, %dma_start3A_458] : memref<256x16xf32, #tpu.memory_space<vmem>> -> memref<1x16xf32, #tpu.memory_space<vmem>>
      %dma_start3A_460 = arith.constant 0 : i32
      %dma_start3A_461 = tpu.memref_slice %arg5[%squeeze3A_455, %dma_start3A_460] : memref<1000000x16xf32, #tpu.memory_space<hbm>> -> memref<1x16xf32, #tpu.memory_space<hbm>>
      %dma_start3A_462 = arith.constant 0 : i32
      %dma_start3A_463 = tpu.memref_slice %arg10[%add3A_457, %dma_start3A_462] : memref<256x16xf32, #tpu.memory_space<vmem>> -> memref<1x16xf32, #tpu.memory_space<vmem>>
      %dma_start3A_464 = arith.constant 0 : i32
      %dma_start3A_465 = tpu.memref_slice %arg5[%squeeze3A_455, %dma_start3A_464] : memref<1000000x16xf32, #tpu.memory_space<hbm>> -> memref<1x16xf32, #tpu.memory_space<hbm>>
      tpu.enqueue_dma source(%dma_start3A_465 : memref<1x16xf32, #tpu.memory_space<hbm>>) target(%dma_start3A_463 : memref<1x16xf32, #tpu.memory_space<vmem>>) target_semaphore(%arg11 : memref<!tpu.dma_semaphore, #tpu.memory_space<semaphore_mem>>)
      %scan3A_466 = arith.constant 0 : i32
      scf.yield %scan3A_466 : i32
    }
    %scan3A_42 = arith.constant 8 : i32
    %scan3A_43 = arith.constant 0 : i32
    %scan3A_44 = arith.constant 0 : i32
    %scan3A_45 = arith.constant 8 : i32
    %scan3A_46 = arith.addi %scan3A_44, %scan3A_45 : i32
    %scan3A_47 = arith.constant 1 : i32
    %scan3A_48 = scf.for %scan3A_66 = %scan3A_44 to %scan3A_46 step %scan3A_47 iter_args(%scan3A_67 = %scan3A_43) -> (i32)  : i32 {
      %mul3A_68 = arith.constant 16 : i32
      %mul3A_69 = arith.muli %scan3A_66, %mul3A_68 : i32
      %get3A = arith.constant 3 : i32
      %get3A_70 = arith.index_cast %get3A : i32 to index
      %get3A_71 = arith.index_cast %mul3A_69 : i32 to index
      %get3A_72 = tpu.vector_load %arg7[%get3A_70, %get3A_71] {strides = array<i32>} : memref<4x128xi32, #tpu.memory_space<vmem>>, vector<1x16xi32>,
      %get3A_73 = vector.shape_cast %get3A_72 : vector<1x16xi32> to vector<16xi32>
      %mul3A_74 = arith.constant 16 : i32
      %mul3A_75 = arith.muli %scan3A_66, %mul3A_74 : i32
      %get3A_76 = arith.constant 3 : i32
      %get3A_77 = arith.index_cast %get3A_76 : i32 to index
      %get3A_78 = arith.index_cast %mul3A_75 : i32 to index
      %get3A_79 = tpu.vector_load %arg8[%get3A_77, %get3A_78] {strides = array<i32>} : memref<4x128xi32, #tpu.memory_space<vmem>>, vector<1x16xi32>,
      %get3A_80 = vector.shape_cast %get3A_79 : vector<1x16xi32> to vector<16xi32>
      %mul3A_81 = arith.constant 16 : i32
      %mul3A_82 = arith.muli %scan3A_66, %mul3A_81 : i32
      %add3A_83 = arith.constant 128 : i32
      %add3A_84 = arith.addi %add3A_83, %mul3A_82 : i32
      %slice3A = vector.extract_strided_slice %get3A_73 {offsets = [0], sizes = [1], strides = [1]} : vector<16xi32> to vector<1xi32>
      %squeeze3A = vector.extract %slice3A[0] : i32 from vector<1xi32>
      %add3A_85 = arith.constant 0 : i32
      %add3A_86 = arith.addi %add3A_84, %add3A_85 : i32
      %dma_start3A = arith.constant 0 : i32
      %dma_start3A_87 = tpu.memref_slice %arg9[%add3A_86, %dma_start3A] : memref<256x16xf32, #tpu.memory_space<vmem>> -> memref<1x16xf32, #tpu.memory_space<vmem>>
      %dma_start3A_88 = arith.constant 0 : i32
      %dma_start3A_89 = tpu.memref_slice %arg4[%squeeze3A, %dma_start3A_88] : memref<1000000x16xf32, #tpu.memory_space<hbm>> -> memref<1x16xf32, #tpu.memory_space<hbm>>
      %dma_start3A_90 = arith.constant 0 : i32
      %dma_start3A_91 = tpu.memref_slice %arg9[%add3A_86, %dma_start3A_90] : memref<256x16xf32, #tpu.memory_space<vmem>> -> memref<1x16xf32, #tpu.memory_space<vmem>>
      %dma_start3A_92 = arith.constant 0 : i32
      %dma_start3A_93 = tpu.memref_slice %arg4[%squeeze3A, %dma_start3A_92] : memref<1000000x16xf32, #tpu.memory_space<hbm>> -> memref<1x16xf32, #tpu.memory_space<hbm>>
      tpu.enqueue_dma source(%dma_start3A_93 : memref<1x16xf32, #tpu.memory_space<hbm>>) target(%dma_start3A_91 : memref<1x16xf32, #tpu.memory_space<vmem>>) target_semaphore(%arg11 : memref<!tpu.dma_semaphore, #tpu.memory_space<semaphore_mem>>)
      %slice3A_94 = vector.extract_strided_slice %get3A_80 {offsets = [0], sizes = [1], strides = [1]} : vector<16xi32> to vector<1xi32>
      %squeeze3A_95 = vector.extract %slice3A_94[0] : i32 from vector<1xi32>
      %add3A_96 = arith.constant 0 : i32
      %add3A_97 = arith.addi %add3A_84, %add3A_96 : i32
      %dma_start3A_98 = arith.constant 0 : i32
      %dma_start3A_99 = tpu.memref_slice %arg10[%add3A_97, %dma_start3A_98] : memref<256x16xf32, #tpu.memory_space<vmem>> -> memref<1x16xf32, #tpu.memory_space<vmem>>
      %dma_start3A_100 = arith.constant 0 : i32
      %dma_start3A_101 = tpu.memref_slice %arg5[%squeeze3A_95, %dma_start3A_100] : memref<1000000x16xf32, #tpu.memory_space<hbm>> -> memref<1x16xf32, #tpu.memory_space<hbm>>
      %dma_start3A_102 = arith.constant 0 : i32
      %dma_start3A_103 = tpu.memref_slice %arg10[%add3A_97, %dma_start3A_102] : memref<256x16xf32, #tpu.memory_space<vmem>> -> memref<1x16xf32, #tpu.memory_space<vmem>>
      %dma_start3A_104 = arith.constant 0 : i32
      %dma_start3A_105 = tpu.memref_slice %arg5[%squeeze3A_95, %dma_start3A_104] : memref<1000000x16xf32, #tpu.memory_space<hbm>> -> memref<1x16xf32, #tpu.memory_space<hbm>>
      tpu.enqueue_dma source(%dma_start3A_105 : memref<1x16xf32, #tpu.memory_space<hbm>>) target(%dma_start3A_103 : memref<1x16xf32, #tpu.memory_space<vmem>>) target_semaphore(%arg11 : memref<!tpu.dma_semaphore, #tpu.memory_space<semaphore_mem>>)
      %slice3A_106 = vector.extract_strided_slice %get3A_73 {offsets = [1], sizes = [1], strides = [1]} : vector<16xi32> to vector<1xi32>
      %squeeze3A_107 = vector.extract %slice3A_106[0] : i32 from vector<1xi32>
      %add3A_108 = arith.constant 1 : i32
      %add3A_109 = arith.addi %add3A_84, %add3A_108 : i32
      %dma_start3A_110 = arith.constant 0 : i32
      %dma_start3A_111 = tpu.memref_slice %arg9[%add3A_109, %dma_start3A_110] : memref<256x16xf32, #tpu.memory_space<vmem>> -> memref<1x16xf32, #tpu.memory_space<vmem>>
      %dma_start3A_112 = arith.constant 0 : i32
      %dma_start3A_113 = tpu.memref_slice %arg4[%squeeze3A_107, %dma_start3A_112] : memref<1000000x16xf32, #tpu.memory_space<hbm>> -> memref<1x16xf32, #tpu.memory_space<hbm>>
      %dma_start3A_114 = arith.constant 0 : i32
      %dma_start3A_115 = tpu.memref_slice %arg9[%add3A_109, %dma_start3A_114] : memref<256x16xf32, #tpu.memory_space<vmem>> -> memref<1x16xf32, #tpu.memory_space<vmem>>
      %dma_start3A_116 = arith.constant 0 : i32
      %dma_start3A_117 = tpu.memref_slice %arg4[%squeeze3A_107, %dma_start3A_116] : memref<1000000x16xf32, #tpu.memory_space<hbm>> -> memref<1x16xf32, #tpu.memory_space<hbm>>
      tpu.enqueue_dma source(%dma_start3A_117 : memref<1x16xf32, #tpu.memory_space<hbm>>) target(%dma_start3A_115 : memref<1x16xf32, #tpu.memory_space<vmem>>) target_semaphore(%arg11 : memref<!tpu.dma_semaphore, #tpu.memory_space<semaphore_mem>>)
      %slice3A_118 = vector.extract_strided_slice %get3A_80 {offsets = [1], sizes = [1], strides = [1]} : vector<16xi32> to vector<1xi32>
      %squeeze3A_119 = vector.extract %slice3A_118[0] : i32 from vector<1xi32>
      %add3A_120 = arith.constant 1 : i32
      %add3A_121 = arith.addi %add3A_84, %add3A_120 : i32
      %dma_start3A_122 = arith.constant 0 : i32
      %dma_start3A_123 = tpu.memref_slice %arg10[%add3A_121, %dma_start3A_122] : memref<256x16xf32, #tpu.memory_space<vmem>> -> memref<1x16xf32, #tpu.memory_space<vmem>>
      %dma_start3A_124 = arith.constant 0 : i32
      %dma_start3A_125 = tpu.memref_slice %arg5[%squeeze3A_119, %dma_start3A_124] : memref<1000000x16xf32, #tpu.memory_space<hbm>> -> memref<1x16xf32, #tpu.memory_space<hbm>>
      %dma_start3A_126 = arith.constant 0 : i32
      %dma_start3A_127 = tpu.memref_slice %arg10[%add3A_121, %dma_start3A_126] : memref<256x16xf32, #tpu.memory_space<vmem>> -> memref<1x16xf32, #tpu.memory_space<vmem>>
      %dma_start3A_128 = arith.constant 0 : i32
      %dma_start3A_129 = tpu.memref_slice %arg5[%squeeze3A_119, %dma_start3A_128] : memref<1000000x16xf32, #tpu.memory_space<hbm>> -> memref<1x16xf32, #tpu.memory_space<hbm>>
      tpu.enqueue_dma source(%dma_start3A_129 : memref<1x16xf32, #tpu.memory_space<hbm>>) target(%dma_start3A_127 : memref<1x16xf32, #tpu.memory_space<vmem>>) target_semaphore(%arg11 : memref<!tpu.dma_semaphore, #tpu.memory_space<semaphore_mem>>)
      %slice3A_130 = vector.extract_strided_slice %get3A_73 {offsets = [2], sizes = [1], strides = [1]} : vector<16xi32> to vector<1xi32>
      %squeeze3A_131 = vector.extract %slice3A_130[0] : i32 from vector<1xi32>
      %add3A_132 = arith.constant 2 : i32
      %add3A_133 = arith.addi %add3A_84, %add3A_132 : i32
      %dma_start3A_134 = arith.constant 0 : i32
      %dma_start3A_135 = tpu.memref_slice %arg9[%add3A_133, %dma_start3A_134] : memref<256x16xf32, #tpu.memory_space<vmem>> -> memref<1x16xf32, #tpu.memory_space<vmem>>
      %dma_start3A_136 = arith.constant 0 : i32
      %dma_start3A_137 = tpu.memref_slice %arg4[%squeeze3A_131, %dma_start3A_136] : memref<1000000x16xf32, #tpu.memory_space<hbm>> -> memref<1x16xf32, #tpu.memory_space<hbm>>
      %dma_start3A_138 = arith.constant 0 : i32
      %dma_start3A_139 = tpu.memref_slice %arg9[%add3A_133, %dma_start3A_138] : memref<256x16xf32, #tpu.memory_space<vmem>> -> memref<1x16xf32, #tpu.memory_space<vmem>>
      %dma_start3A_140 = arith.constant 0 : i32
      %dma_start3A_141 = tpu.memref_slice %arg4[%squeeze3A_131, %dma_start3A_140] : memref<1000000x16xf32, #tpu.memory_space<hbm>> -> memref<1x16xf32, #tpu.memory_space<hbm>>
      tpu.enqueue_dma source(%dma_start3A_141 : memref<1x16xf32, #tpu.memory_space<hbm>>) target(%dma_start3A_139 : memref<1x16xf32, #tpu.memory_space<vmem>>) target_semaphore(%arg11 : memref<!tpu.dma_semaphore, #tpu.memory_space<semaphore_mem>>)
      %slice3A_142 = vector.extract_strided_slice %get3A_80 {offsets = [2], sizes = [1], strides = [1]} : vector<16xi32> to vector<1xi32>
      %squeeze3A_143 = vector.extract %slice3A_142[0] : i32 from vector<1xi32>
      %add3A_144 = arith.constant 2 : i32
      %add3A_145 = arith.addi %add3A_84, %add3A_144 : i32
      %dma_start3A_146 = arith.constant 0 : i32
      %dma_start3A_147 = tpu.memref_slice %arg10[%add3A_145, %dma_start3A_146] : memref<256x16xf32, #tpu.memory_space<vmem>> -> memref<1x16xf32, #tpu.memory_space<vmem>>
      %dma_start3A_148 = arith.constant 0 : i32
      %dma_start3A_149 = tpu.memref_slice %arg5[%squeeze3A_143, %dma_start3A_148] : memref<1000000x16xf32, #tpu.memory_space<hbm>> -> memref<1x16xf32, #tpu.memory_space<hbm>>
      %dma_start3A_150 = arith.constant 0 : i32
      %dma_start3A_151 = tpu.memref_slice %arg10[%add3A_145, %dma_start3A_150] : memref<256x16xf32, #tpu.memory_space<vmem>> -> memref<1x16xf32, #tpu.memory_space<vmem>>
      %dma_start3A_152 = arith.constant 0 : i32
      %dma_start3A_153 = tpu.memref_slice %arg5[%squeeze3A_143, %dma_start3A_152] : memref<1000000x16xf32, #tpu.memory_space<hbm>> -> memref<1x16xf32, #tpu.memory_space<hbm>>
      tpu.enqueue_dma source(%dma_start3A_153 : memref<1x16xf32, #tpu.memory_space<hbm>>) target(%dma_start3A_151 : memref<1x16xf32, #tpu.memory_space<vmem>>) target_semaphore(%arg11 : memref<!tpu.dma_semaphore, #tpu.memory_space<semaphore_mem>>)
      %slice3A_154 = vector.extract_strided_slice %get3A_73 {offsets = [3], sizes = [1], strides = [1]} : vector<16xi32> to vector<1xi32>
      %squeeze3A_155 = vector.extract %slice3A_154[0] : i32 from vector<1xi32>
      %add3A_156 = arith.constant 3 : i32
      %add3A_157 = arith.addi %add3A_84, %add3A_156 : i32
      %dma_start3A_158 = arith.constant 0 : i32
      %dma_start3A_159 = tpu.memref_slice %arg9[%add3A_157, %dma_start3A_158] : memref<256x16xf32, #tpu.memory_space<vmem>> -> memref<1x16xf32, #tpu.memory_space<vmem>>
      %dma_start3A_160 = arith.constant 0 : i32
      %dma_start3A_161 = tpu.memref_slice %arg4[%squeeze3A_155, %dma_start3A_160] : memref<1000000x16xf32, #tpu.memory_space<hbm>> -> memref<1x16xf32, #tpu.memory_space<hbm>>
      %dma_start3A_162 = arith.constant 0 : i32
      %dma_start3A_163 = tpu.memref_slice %arg9[%add3A_157, %dma_start3A_162] : memref<256x16xf32, #tpu.memory_space<vmem>> -> memref<1x16xf32, #tpu.memory_space<vmem>>
      %dma_start3A_164 = arith.constant 0 : i32
      %dma_start3A_165 = tpu.memref_slice %arg4[%squeeze3A_155, %dma_start3A_164] : memref<1000000x16xf32, #tpu.memory_space<hbm>> -> memref<1x16xf32, #tpu.memory_space<hbm>>
      tpu.enqueue_dma source(%dma_start3A_165 : memref<1x16xf32, #tpu.memory_space<hbm>>) target(%dma_start3A_163 : memref<1x16xf32, #tpu.memory_space<vmem>>) target_semaphore(%arg11 : memref<!tpu.dma_semaphore, #tpu.memory_space<semaphore_mem>>)
      %slice3A_166 = vector.extract_strided_slice %get3A_80 {offsets = [3], sizes = [1], strides = [1]} : vector<16xi32> to vector<1xi32>
      %squeeze3A_167 = vector.extract %slice3A_166[0] : i32 from vector<1xi32>
      %add3A_168 = arith.constant 3 : i32
      %add3A_169 = arith.addi %add3A_84, %add3A_168 : i32
      %dma_start3A_170 = arith.constant 0 : i32
      %dma_start3A_171 = tpu.memref_slice %arg10[%add3A_169, %dma_start3A_170] : memref<256x16xf32, #tpu.memory_space<vmem>> -> memref<1x16xf32, #tpu.memory_space<vmem>>
      %dma_start3A_172 = arith.constant 0 : i32
      %dma_start3A_173 = tpu.memref_slice %arg5[%squeeze3A_167, %dma_start3A_172] : memref<1000000x16xf32, #tpu.memory_space<hbm>> -> memref<1x16xf32, #tpu.memory_space<hbm>>
      %dma_start3A_174 = arith.constant 0 : i32
      %dma_start3A_175 = tpu.memref_slice %arg10[%add3A_169, %dma_start3A_174] : memref<256x16xf32, #tpu.memory_space<vmem>> -> memref<1x16xf32, #tpu.memory_space<vmem>>
      %dma_start3A_176 = arith.constant 0 : i32
      %dma_start3A_177 = tpu.memref_slice %arg5[%squeeze3A_167, %dma_start3A_176] : memref<1000000x16xf32, #tpu.memory_space<hbm>> -> memref<1x16xf32, #tpu.memory_space<hbm>>
      tpu.enqueue_dma source(%dma_start3A_177 : memref<1x16xf32, #tpu.memory_space<hbm>>) target(%dma_start3A_175 : memref<1x16xf32, #tpu.memory_space<vmem>>) target_semaphore(%arg11 : memref<!tpu.dma_semaphore, #tpu.memory_space<semaphore_mem>>)
      %slice3A_178 = vector.extract_strided_slice %get3A_73 {offsets = [4], sizes = [1], strides = [1]} : vector<16xi32> to vector<1xi32>
      %squeeze3A_179 = vector.extract %slice3A_178[0] : i32 from vector<1xi32>
      %add3A_180 = arith.constant 4 : i32
      %add3A_181 = arith.addi %add3A_84, %add3A_180 : i32
      %dma_start3A_182 = arith.constant 0 : i32
      %dma_start3A_183 = tpu.memref_slice %arg9[%add3A_181, %dma_start3A_182] : memref<256x16xf32, #tpu.memory_space<vmem>> -> memref<1x16xf32, #tpu.memory_space<vmem>>
      %dma_start3A_184 = arith.constant 0 : i32
      %dma_start3A_185 = tpu.memref_slice %arg4[%squeeze3A_179, %dma_start3A_184] : memref<1000000x16xf32, #tpu.memory_space<hbm>> -> memref<1x16xf32, #tpu.memory_space<hbm>>
      %dma_start3A_186 = arith.constant 0 : i32
      %dma_start3A_187 = tpu.memref_slice %arg9[%add3A_181, %dma_start3A_186] : memref<256x16xf32, #tpu.memory_space<vmem>> -> memref<1x16xf32, #tpu.memory_space<vmem>>
      %dma_start3A_188 = arith.constant 0 : i32
      %dma_start3A_189 = tpu.memref_slice %arg4[%squeeze3A_179, %dma_start3A_188] : memref<1000000x16xf32, #tpu.memory_space<hbm>> -> memref<1x16xf32, #tpu.memory_space<hbm>>
      tpu.enqueue_dma source(%dma_start3A_189 : memref<1x16xf32, #tpu.memory_space<hbm>>) target(%dma_start3A_187 : memref<1x16xf32, #tpu.memory_space<vmem>>) target_semaphore(%arg11 : memref<!tpu.dma_semaphore, #tpu.memory_space<semaphore_mem>>)
      %slice3A_190 = vector.extract_strided_slice %get3A_80 {offsets = [4], sizes = [1], strides = [1]} : vector<16xi32> to vector<1xi32>
      %squeeze3A_191 = vector.extract %slice3A_190[0] : i32 from vector<1xi32>
      %add3A_192 = arith.constant 4 : i32
      %add3A_193 = arith.addi %add3A_84, %add3A_192 : i32
      %dma_start3A_194 = arith.constant 0 : i32
      %dma_start3A_195 = tpu.memref_slice %arg10[%add3A_193, %dma_start3A_194] : memref<256x16xf32, #tpu.memory_space<vmem>> -> memref<1x16xf32, #tpu.memory_space<vmem>>
      %dma_start3A_196 = arith.constant 0 : i32
      %dma_start3A_197 = tpu.memref_slice %arg5[%squeeze3A_191, %dma_start3A_196] : memref<1000000x16xf32, #tpu.memory_space<hbm>> -> memref<1x16xf32, #tpu.memory_space<hbm>>
      %dma_start3A_198 = arith.constant 0 : i32
      %dma_start3A_199 = tpu.memref_slice %arg10[%add3A_193, %dma_start3A_198] : memref<256x16xf32, #tpu.memory_space<vmem>> -> memref<1x16xf32, #tpu.memory_space<vmem>>
      %dma_start3A_200 = arith.constant 0 : i32
      %dma_start3A_201 = tpu.memref_slice %arg5[%squeeze3A_191, %dma_start3A_200] : memref<1000000x16xf32, #tpu.memory_space<hbm>> -> memref<1x16xf32, #tpu.memory_space<hbm>>
      tpu.enqueue_dma source(%dma_start3A_201 : memref<1x16xf32, #tpu.memory_space<hbm>>) target(%dma_start3A_199 : memref<1x16xf32, #tpu.memory_space<vmem>>) target_semaphore(%arg11 : memref<!tpu.dma_semaphore, #tpu.memory_space<semaphore_mem>>)
      %slice3A_202 = vector.extract_strided_slice %get3A_73 {offsets = [5], sizes = [1], strides = [1]} : vector<16xi32> to vector<1xi32>
      %squeeze3A_203 = vector.extract %slice3A_202[0] : i32 from vector<1xi32>
      %add3A_204 = arith.constant 5 : i32
      %add3A_205 = arith.addi %add3A_84, %add3A_204 : i32
      %dma_start3A_206 = arith.constant 0 : i32
      %dma_start3A_207 = tpu.memref_slice %arg9[%add3A_205, %dma_start3A_206] : memref<256x16xf32, #tpu.memory_space<vmem>> -> memref<1x16xf32, #tpu.memory_space<vmem>>
      %dma_start3A_208 = arith.constant 0 : i32
      %dma_start3A_209 = tpu.memref_slice %arg4[%squeeze3A_203, %dma_start3A_208] : memref<1000000x16xf32, #tpu.memory_space<hbm>> -> memref<1x16xf32, #tpu.memory_space<hbm>>
      %dma_start3A_210 = arith.constant 0 : i32
      %dma_start3A_211 = tpu.memref_slice %arg9[%add3A_205, %dma_start3A_210] : memref<256x16xf32, #tpu.memory_space<vmem>> -> memref<1x16xf32, #tpu.memory_space<vmem>>
      %dma_start3A_212 = arith.constant 0 : i32
      %dma_start3A_213 = tpu.memref_slice %arg4[%squeeze3A_203, %dma_start3A_212] : memref<1000000x16xf32, #tpu.memory_space<hbm>> -> memref<1x16xf32, #tpu.memory_space<hbm>>
      tpu.enqueue_dma source(%dma_start3A_213 : memref<1x16xf32, #tpu.memory_space<hbm>>) target(%dma_start3A_211 : memref<1x16xf32, #tpu.memory_space<vmem>>) target_semaphore(%arg11 : memref<!tpu.dma_semaphore, #tpu.memory_space<semaphore_mem>>)
      %slice3A_214 = vector.extract_strided_slice %get3A_80 {offsets = [5], sizes = [1], strides = [1]} : vector<16xi32> to vector<1xi32>
      %squeeze3A_215 = vector.extract %slice3A_214[0] : i32 from vector<1xi32>
      %add3A_216 = arith.constant 5 : i32
      %add3A_217 = arith.addi %add3A_84, %add3A_216 : i32
      %dma_start3A_218 = arith.constant 0 : i32
      %dma_start3A_219 = tpu.memref_slice %arg10[%add3A_217, %dma_start3A_218] : memref<256x16xf32, #tpu.memory_space<vmem>> -> memref<1x16xf32, #tpu.memory_space<vmem>>
      %dma_start3A_220 = arith.constant 0 : i32
      %dma_start3A_221 = tpu.memref_slice %arg5[%squeeze3A_215, %dma_start3A_220] : memref<1000000x16xf32, #tpu.memory_space<hbm>> -> memref<1x16xf32, #tpu.memory_space<hbm>>
      %dma_start3A_222 = arith.constant 0 : i32
      %dma_start3A_223 = tpu.memref_slice %arg10[%add3A_217, %dma_start3A_222] : memref<256x16xf32, #tpu.memory_space<vmem>> -> memref<1x16xf32, #tpu.memory_space<vmem>>
      %dma_start3A_224 = arith.constant 0 : i32
      %dma_start3A_225 = tpu.memref_slice %arg5[%squeeze3A_215, %dma_start3A_224] : memref<1000000x16xf32, #tpu.memory_space<hbm>> -> memref<1x16xf32, #tpu.memory_space<hbm>>
      tpu.enqueue_dma source(%dma_start3A_225 : memref<1x16xf32, #tpu.memory_space<hbm>>) target(%dma_start3A_223 : memref<1x16xf32, #tpu.memory_space<vmem>>) target_semaphore(%arg11 : memref<!tpu.dma_semaphore, #tpu.memory_space<semaphore_mem>>)
      %slice3A_226 = vector.extract_strided_slice %get3A_73 {offsets = [6], sizes = [1], strides = [1]} : vector<16xi32> to vector<1xi32>
      %squeeze3A_227 = vector.extract %slice3A_226[0] : i32 from vector<1xi32>
      %add3A_228 = arith.constant 6 : i32
      %add3A_229 = arith.addi %add3A_84, %add3A_228 : i32
      %dma_start3A_230 = arith.constant 0 : i32
      %dma_start3A_231 = tpu.memref_slice %arg9[%add3A_229, %dma_start3A_230] : memref<256x16xf32, #tpu.memory_space<vmem>> -> memref<1x16xf32, #tpu.memory_space<vmem>>
      %dma_start3A_232 = arith.constant 0 : i32
      %dma_start3A_233 = tpu.memref_slice %arg4[%squeeze3A_227, %dma_start3A_232] : memref<1000000x16xf32, #tpu.memory_space<hbm>> -> memref<1x16xf32, #tpu.memory_space<hbm>>
      %dma_start3A_234 = arith.constant 0 : i32
      %dma_start3A_235 = tpu.memref_slice %arg9[%add3A_229, %dma_start3A_234] : memref<256x16xf32, #tpu.memory_space<vmem>> -> memref<1x16xf32, #tpu.memory_space<vmem>>
      %dma_start3A_236 = arith.constant 0 : i32
      %dma_start3A_237 = tpu.memref_slice %arg4[%squeeze3A_227, %dma_start3A_236] : memref<1000000x16xf32, #tpu.memory_space<hbm>> -> memref<1x16xf32, #tpu.memory_space<hbm>>
      tpu.enqueue_dma source(%dma_start3A_237 : memref<1x16xf32, #tpu.memory_space<hbm>>) target(%dma_start3A_235 : memref<1x16xf32, #tpu.memory_space<vmem>>) target_semaphore(%arg11 : memref<!tpu.dma_semaphore, #tpu.memory_space<semaphore_mem>>)
      %slice3A_238 = vector.extract_strided_slice %get3A_80 {offsets = [6], sizes = [1], strides = [1]} : vector<16xi32> to vector<1xi32>
      %squeeze3A_239 = vector.extract %slice3A_238[0] : i32 from vector<1xi32>
      %add3A_240 = arith.constant 6 : i32
      %add3A_241 = arith.addi %add3A_84, %add3A_240 : i32
      %dma_start3A_242 = arith.constant 0 : i32
      %dma_start3A_243 = tpu.memref_slice %arg10[%add3A_241, %dma_start3A_242] : memref<256x16xf32, #tpu.memory_space<vmem>> -> memref<1x16xf32, #tpu.memory_space<vmem>>
      %dma_start3A_244 = arith.constant 0 : i32
      %dma_start3A_245 = tpu.memref_slice %arg5[%squeeze3A_239, %dma_start3A_244] : memref<1000000x16xf32, #tpu.memory_space<hbm>> -> memref<1x16xf32, #tpu.memory_space<hbm>>
      %dma_start3A_246 = arith.constant 0 : i32
      %dma_start3A_247 = tpu.memref_slice %arg10[%add3A_241, %dma_start3A_246] : memref<256x16xf32, #tpu.memory_space<vmem>> -> memref<1x16xf32, #tpu.memory_space<vmem>>
      %dma_start3A_248 = arith.constant 0 : i32
      %dma_start3A_249 = tpu.memref_slice %arg5[%squeeze3A_239, %dma_start3A_248] : memref<1000000x16xf32, #tpu.memory_space<hbm>> -> memref<1x16xf32, #tpu.memory_space<hbm>>
      tpu.enqueue_dma source(%dma_start3A_249 : memref<1x16xf32, #tpu.memory_space<hbm>>) target(%dma_start3A_247 : memref<1x16xf32, #tpu.memory_space<vmem>>) target_semaphore(%arg11 : memref<!tpu.dma_semaphore, #tpu.memory_space<semaphore_mem>>)
      %slice3A_250 = vector.extract_strided_slice %get3A_73 {offsets = [7], sizes = [1], strides = [1]} : vector<16xi32> to vector<1xi32>
      %squeeze3A_251 = vector.extract %slice3A_250[0] : i32 from vector<1xi32>
      %add3A_252 = arith.constant 7 : i32
      %add3A_253 = arith.addi %add3A_84, %add3A_252 : i32
      %dma_start3A_254 = arith.constant 0 : i32
      %dma_start3A_255 = tpu.memref_slice %arg9[%add3A_253, %dma_start3A_254] : memref<256x16xf32, #tpu.memory_space<vmem>> -> memref<1x16xf32, #tpu.memory_space<vmem>>
      %dma_start3A_256 = arith.constant 0 : i32
      %dma_start3A_257 = tpu.memref_slice %arg4[%squeeze3A_251, %dma_start3A_256] : memref<1000000x16xf32, #tpu.memory_space<hbm>> -> memref<1x16xf32, #tpu.memory_space<hbm>>
      %dma_start3A_258 = arith.constant 0 : i32
      %dma_start3A_259 = tpu.memref_slice %arg9[%add3A_253, %dma_start3A_258] : memref<256x16xf32, #tpu.memory_space<vmem>> -> memref<1x16xf32, #tpu.memory_space<vmem>>
      %dma_start3A_260 = arith.constant 0 : i32
      %dma_start3A_261 = tpu.memref_slice %arg4[%squeeze3A_251, %dma_start3A_260] : memref<1000000x16xf32, #tpu.memory_space<hbm>> -> memref<1x16xf32, #tpu.memory_space<hbm>>
      tpu.enqueue_dma source(%dma_start3A_261 : memref<1x16xf32, #tpu.memory_space<hbm>>) target(%dma_start3A_259 : memref<1x16xf32, #tpu.memory_space<vmem>>) target_semaphore(%arg11 : memref<!tpu.dma_semaphore, #tpu.memory_space<semaphore_mem>>)
      %slice3A_262 = vector.extract_strided_slice %get3A_80 {offsets = [7], sizes = [1], strides = [1]} : vector<16xi32> to vector<1xi32>
      %squeeze3A_263 = vector.extract %slice3A_262[0] : i32 from vector<1xi32>
      %add3A_264 = arith.constant 7 : i32
      %add3A_265 = arith.addi %add3A_84, %add3A_264 : i32
      %dma_start3A_266 = arith.constant 0 : i32
      %dma_start3A_267 = tpu.memref_slice %arg10[%add3A_265, %dma_start3A_266] : memref<256x16xf32, #tpu.memory_space<vmem>> -> memref<1x16xf32, #tpu.memory_space<vmem>>
      %dma_start3A_268 = arith.constant 0 : i32
      %dma_start3A_269 = tpu.memref_slice %arg5[%squeeze3A_263, %dma_start3A_268] : memref<1000000x16xf32, #tpu.memory_space<hbm>> -> memref<1x16xf32, #tpu.memory_space<hbm>>
      %dma_start3A_270 = arith.constant 0 : i32
      %dma_start3A_271 = tpu.memref_slice %arg10[%add3A_265, %dma_start3A_270] : memref<256x16xf32, #tpu.memory_space<vmem>> -> memref<1x16xf32, #tpu.memory_space<vmem>>
      %dma_start3A_272 = arith.constant 0 : i32
      %dma_start3A_273 = tpu.memref_slice %arg5[%squeeze3A_263, %dma_start3A_272] : memref<1000000x16xf32, #tpu.memory_space<hbm>> -> memref<1x16xf32, #tpu.memory_space<hbm>>
      tpu.enqueue_dma source(%dma_start3A_273 : memref<1x16xf32, #tpu.memory_space<hbm>>) target(%dma_start3A_271 : memref<1x16xf32, #tpu.memory_space<vmem>>) target_semaphore(%arg11 : memref<!tpu.dma_semaphore, #tpu.memory_space<semaphore_mem>>)
      %slice3A_274 = vector.extract_strided_slice %get3A_73 {offsets = [8], sizes = [1], strides = [1]} : vector<16xi32> to vector<1xi32>
      %squeeze3A_275 = vector.extract %slice3A_274[0] : i32 from vector<1xi32>
      %add3A_276 = arith.constant 8 : i32
      %add3A_277 = arith.addi %add3A_84, %add3A_276 : i32
      %dma_start3A_278 = arith.constant 0 : i32
      %dma_start3A_279 = tpu.memref_slice %arg9[%add3A_277, %dma_start3A_278] : memref<256x16xf32, #tpu.memory_space<vmem>> -> memref<1x16xf32, #tpu.memory_space<vmem>>
      %dma_start3A_280 = arith.constant 0 : i32
      %dma_start3A_281 = tpu.memref_slice %arg4[%squeeze3A_275, %dma_start3A_280] : memref<1000000x16xf32, #tpu.memory_space<hbm>> -> memref<1x16xf32, #tpu.memory_space<hbm>>
      %dma_start3A_282 = arith.constant 0 : i32
      %dma_start3A_283 = tpu.memref_slice %arg9[%add3A_277, %dma_start3A_282] : memref<256x16xf32, #tpu.memory_space<vmem>> -> memref<1x16xf32, #tpu.memory_space<vmem>>
      %dma_start3A_284 = arith.constant 0 : i32
      %dma_start3A_285 = tpu.memref_slice %arg4[%squeeze3A_275, %dma_start3A_284] : memref<1000000x16xf32, #tpu.memory_space<hbm>> -> memref<1x16xf32, #tpu.memory_space<hbm>>
      tpu.enqueue_dma source(%dma_start3A_285 : memref<1x16xf32, #tpu.memory_space<hbm>>) target(%dma_start3A_283 : memref<1x16xf32, #tpu.memory_space<vmem>>) target_semaphore(%arg11 : memref<!tpu.dma_semaphore, #tpu.memory_space<semaphore_mem>>)
      %slice3A_286 = vector.extract_strided_slice %get3A_80 {offsets = [8], sizes = [1], strides = [1]} : vector<16xi32> to vector<1xi32>
      %squeeze3A_287 = vector.extract %slice3A_286[0] : i32 from vector<1xi32>
      %add3A_288 = arith.constant 8 : i32
      %add3A_289 = arith.addi %add3A_84, %add3A_288 : i32
      %dma_start3A_290 = arith.constant 0 : i32
      %dma_start3A_291 = tpu.memref_slice %arg10[%add3A_289, %dma_start3A_290] : memref<256x16xf32, #tpu.memory_space<vmem>> -> memref<1x16xf32, #tpu.memory_space<vmem>>
      %dma_start3A_292 = arith.constant 0 : i32
      %dma_start3A_293 = tpu.memref_slice %arg5[%squeeze3A_287, %dma_start3A_292] : memref<1000000x16xf32, #tpu.memory_space<hbm>> -> memref<1x16xf32, #tpu.memory_space<hbm>>
      %dma_start3A_294 = arith.constant 0 : i32
      %dma_start3A_295 = tpu.memref_slice %arg10[%add3A_289, %dma_start3A_294] : memref<256x16xf32, #tpu.memory_space<vmem>> -> memref<1x16xf32, #tpu.memory_space<vmem>>
      %dma_start3A_296 = arith.constant 0 : i32
      %dma_start3A_297 = tpu.memref_slice %arg5[%squeeze3A_287, %dma_start3A_296] : memref<1000000x16xf32, #tpu.memory_space<hbm>> -> memref<1x16xf32, #tpu.memory_space<hbm>>
      tpu.enqueue_dma source(%dma_start3A_297 : memref<1x16xf32, #tpu.memory_space<hbm>>) target(%dma_start3A_295 : memref<1x16xf32, #tpu.memory_space<vmem>>) target_semaphore(%arg11 : memref<!tpu.dma_semaphore, #tpu.memory_space<semaphore_mem>>)
      %slice3A_298 = vector.extract_strided_slice %get3A_73 {offsets = [9], sizes = [1], strides = [1]} : vector<16xi32> to vector<1xi32>
      %squeeze3A_299 = vector.extract %slice3A_298[0] : i32 from vector<1xi32>
      %add3A_300 = arith.constant 9 : i32
      %add3A_301 = arith.addi %add3A_84, %add3A_300 : i32
      %dma_start3A_302 = arith.constant 0 : i32
      %dma_start3A_303 = tpu.memref_slice %arg9[%add3A_301, %dma_start3A_302] : memref<256x16xf32, #tpu.memory_space<vmem>> -> memref<1x16xf32, #tpu.memory_space<vmem>>
      %dma_start3A_304 = arith.constant 0 : i32
      %dma_start3A_305 = tpu.memref_slice %arg4[%squeeze3A_299, %dma_start3A_304] : memref<1000000x16xf32, #tpu.memory_space<hbm>> -> memref<1x16xf32, #tpu.memory_space<hbm>>
      %dma_start3A_306 = arith.constant 0 : i32
      %dma_start3A_307 = tpu.memref_slice %arg9[%add3A_301, %dma_start3A_306] : memref<256x16xf32, #tpu.memory_space<vmem>> -> memref<1x16xf32, #tpu.memory_space<vmem>>
      %dma_start3A_308 = arith.constant 0 : i32
      %dma_start3A_309 = tpu.memref_slice %arg4[%squeeze3A_299, %dma_start3A_308] : memref<1000000x16xf32, #tpu.memory_space<hbm>> -> memref<1x16xf32, #tpu.memory_space<hbm>>
      tpu.enqueue_dma source(%dma_start3A_309 : memref<1x16xf32, #tpu.memory_space<hbm>>) target(%dma_start3A_307 : memref<1x16xf32, #tpu.memory_space<vmem>>) target_semaphore(%arg11 : memref<!tpu.dma_semaphore, #tpu.memory_space<semaphore_mem>>)
      %slice3A_310 = vector.extract_strided_slice %get3A_80 {offsets = [9], sizes = [1], strides = [1]} : vector<16xi32> to vector<1xi32>
      %squeeze3A_311 = vector.extract %slice3A_310[0] : i32 from vector<1xi32>
      %add3A_312 = arith.constant 9 : i32
      %add3A_313 = arith.addi %add3A_84, %add3A_312 : i32
      %dma_start3A_314 = arith.constant 0 : i32
      %dma_start3A_315 = tpu.memref_slice %arg10[%add3A_313, %dma_start3A_314] : memref<256x16xf32, #tpu.memory_space<vmem>> -> memref<1x16xf32, #tpu.memory_space<vmem>>
      %dma_start3A_316 = arith.constant 0 : i32
      %dma_start3A_317 = tpu.memref_slice %arg5[%squeeze3A_311, %dma_start3A_316] : memref<1000000x16xf32, #tpu.memory_space<hbm>> -> memref<1x16xf32, #tpu.memory_space<hbm>>
      %dma_start3A_318 = arith.constant 0 : i32
      %dma_start3A_319 = tpu.memref_slice %arg10[%add3A_313, %dma_start3A_318] : memref<256x16xf32, #tpu.memory_space<vmem>> -> memref<1x16xf32, #tpu.memory_space<vmem>>
      %dma_start3A_320 = arith.constant 0 : i32
      %dma_start3A_321 = tpu.memref_slice %arg5[%squeeze3A_311, %dma_start3A_320] : memref<1000000x16xf32, #tpu.memory_space<hbm>> -> memref<1x16xf32, #tpu.memory_space<hbm>>
      tpu.enqueue_dma source(%dma_start3A_321 : memref<1x16xf32, #tpu.memory_space<hbm>>) target(%dma_start3A_319 : memref<1x16xf32, #tpu.memory_space<vmem>>) target_semaphore(%arg11 : memref<!tpu.dma_semaphore, #tpu.memory_space<semaphore_mem>>)
      %slice3A_322 = vector.extract_strided_slice %get3A_73 {offsets = [10], sizes = [1], strides = [1]} : vector<16xi32> to vector<1xi32>
      %squeeze3A_323 = vector.extract %slice3A_322[0] : i32 from vector<1xi32>
      %add3A_324 = arith.constant 10 : i32
      %add3A_325 = arith.addi %add3A_84, %add3A_324 : i32
      %dma_start3A_326 = arith.constant 0 : i32
      %dma_start3A_327 = tpu.memref_slice %arg9[%add3A_325, %dma_start3A_326] : memref<256x16xf32, #tpu.memory_space<vmem>> -> memref<1x16xf32, #tpu.memory_space<vmem>>
      %dma_start3A_328 = arith.constant 0 : i32
      %dma_start3A_329 = tpu.memref_slice %arg4[%squeeze3A_323, %dma_start3A_328] : memref<1000000x16xf32, #tpu.memory_space<hbm>> -> memref<1x16xf32, #tpu.memory_space<hbm>>
      %dma_start3A_330 = arith.constant 0 : i32
      %dma_start3A_331 = tpu.memref_slice %arg9[%add3A_325, %dma_start3A_330] : memref<256x16xf32, #tpu.memory_space<vmem>> -> memref<1x16xf32, #tpu.memory_space<vmem>>
      %dma_start3A_332 = arith.constant 0 : i32
      %dma_start3A_333 = tpu.memref_slice %arg4[%squeeze3A_323, %dma_start3A_332] : memref<1000000x16xf32, #tpu.memory_space<hbm>> -> memref<1x16xf32, #tpu.memory_space<hbm>>
      tpu.enqueue_dma source(%dma_start3A_333 : memref<1x16xf32, #tpu.memory_space<hbm>>) target(%dma_start3A_331 : memref<1x16xf32, #tpu.memory_space<vmem>>) target_semaphore(%arg11 : memref<!tpu.dma_semaphore, #tpu.memory_space<semaphore_mem>>)
      %slice3A_334 = vector.extract_strided_slice %get3A_80 {offsets = [10], sizes = [1], strides = [1]} : vector<16xi32> to vector<1xi32>
      %squeeze3A_335 = vector.extract %slice3A_334[0] : i32 from vector<1xi32>
      %add3A_336 = arith.constant 10 : i32
      %add3A_337 = arith.addi %add3A_84, %add3A_336 : i32
      %dma_start3A_338 = arith.constant 0 : i32
      %dma_start3A_339 = tpu.memref_slice %arg10[%add3A_337, %dma_start3A_338] : memref<256x16xf32, #tpu.memory_space<vmem>> -> memref<1x16xf32, #tpu.memory_space<vmem>>
      %dma_start3A_340 = arith.constant 0 : i32
      %dma_start3A_341 = tpu.memref_slice %arg5[%squeeze3A_335, %dma_start3A_340] : memref<1000000x16xf32, #tpu.memory_space<hbm>> -> memref<1x16xf32, #tpu.memory_space<hbm>>
      %dma_start3A_342 = arith.constant 0 : i32
      %dma_start3A_343 = tpu.memref_slice %arg10[%add3A_337, %dma_start3A_342] : memref<256x16xf32, #tpu.memory_space<vmem>> -> memref<1x16xf32, #tpu.memory_space<vmem>>
      %dma_start3A_344 = arith.constant 0 : i32
      %dma_start3A_345 = tpu.memref_slice %arg5[%squeeze3A_335, %dma_start3A_344] : memref<1000000x16xf32, #tpu.memory_space<hbm>> -> memref<1x16xf32, #tpu.memory_space<hbm>>
      tpu.enqueue_dma source(%dma_start3A_345 : memref<1x16xf32, #tpu.memory_space<hbm>>) target(%dma_start3A_343 : memref<1x16xf32, #tpu.memory_space<vmem>>) target_semaphore(%arg11 : memref<!tpu.dma_semaphore, #tpu.memory_space<semaphore_mem>>)
      %slice3A_346 = vector.extract_strided_slice %get3A_73 {offsets = [11], sizes = [1], strides = [1]} : vector<16xi32> to vector<1xi32>
      %squeeze3A_347 = vector.extract %slice3A_346[0] : i32 from vector<1xi32>
      %add3A_348 = arith.constant 11 : i32
      %add3A_349 = arith.addi %add3A_84, %add3A_348 : i32
      %dma_start3A_350 = arith.constant 0 : i32
      %dma_start3A_351 = tpu.memref_slice %arg9[%add3A_349, %dma_start3A_350] : memref<256x16xf32, #tpu.memory_space<vmem>> -> memref<1x16xf32, #tpu.memory_space<vmem>>
      %dma_start3A_352 = arith.constant 0 : i32
      %dma_start3A_353 = tpu.memref_slice %arg4[%squeeze3A_347, %dma_start3A_352] : memref<1000000x16xf32, #tpu.memory_space<hbm>> -> memref<1x16xf32, #tpu.memory_space<hbm>>
      %dma_start3A_354 = arith.constant 0 : i32
      %dma_start3A_355 = tpu.memref_slice %arg9[%add3A_349, %dma_start3A_354] : memref<256x16xf32, #tpu.memory_space<vmem>> -> memref<1x16xf32, #tpu.memory_space<vmem>>
      %dma_start3A_356 = arith.constant 0 : i32
      %dma_start3A_357 = tpu.memref_slice %arg4[%squeeze3A_347, %dma_start3A_356] : memref<1000000x16xf32, #tpu.memory_space<hbm>> -> memref<1x16xf32, #tpu.memory_space<hbm>>
      tpu.enqueue_dma source(%dma_start3A_357 : memref<1x16xf32, #tpu.memory_space<hbm>>) target(%dma_start3A_355 : memref<1x16xf32, #tpu.memory_space<vmem>>) target_semaphore(%arg11 : memref<!tpu.dma_semaphore, #tpu.memory_space<semaphore_mem>>)
      %slice3A_358 = vector.extract_strided_slice %get3A_80 {offsets = [11], sizes = [1], strides = [1]} : vector<16xi32> to vector<1xi32>
      %squeeze3A_359 = vector.extract %slice3A_358[0] : i32 from vector<1xi32>
      %add3A_360 = arith.constant 11 : i32
      %add3A_361 = arith.addi %add3A_84, %add3A_360 : i32
      %dma_start3A_362 = arith.constant 0 : i32
      %dma_start3A_363 = tpu.memref_slice %arg10[%add3A_361, %dma_start3A_362] : memref<256x16xf32, #tpu.memory_space<vmem>> -> memref<1x16xf32, #tpu.memory_space<vmem>>
      %dma_start3A_364 = arith.constant 0 : i32
      %dma_start3A_365 = tpu.memref_slice %arg5[%squeeze3A_359, %dma_start3A_364] : memref<1000000x16xf32, #tpu.memory_space<hbm>> -> memref<1x16xf32, #tpu.memory_space<hbm>>
      %dma_start3A_366 = arith.constant 0 : i32
      %dma_start3A_367 = tpu.memref_slice %arg10[%add3A_361, %dma_start3A_366] : memref<256x16xf32, #tpu.memory_space<vmem>> -> memref<1x16xf32, #tpu.memory_space<vmem>>
      %dma_start3A_368 = arith.constant 0 : i32
      %dma_start3A_369 = tpu.memref_slice %arg5[%squeeze3A_359, %dma_start3A_368] : memref<1000000x16xf32, #tpu.memory_space<hbm>> -> memref<1x16xf32, #tpu.memory_space<hbm>>
      tpu.enqueue_dma source(%dma_start3A_369 : memref<1x16xf32, #tpu.memory_space<hbm>>) target(%dma_start3A_367 : memref<1x16xf32, #tpu.memory_space<vmem>>) target_semaphore(%arg11 : memref<!tpu.dma_semaphore, #tpu.memory_space<semaphore_mem>>)
      %slice3A_370 = vector.extract_strided_slice %get3A_73 {offsets = [12], sizes = [1], strides = [1]} : vector<16xi32> to vector<1xi32>
      %squeeze3A_371 = vector.extract %slice3A_370[0] : i32 from vector<1xi32>
      %add3A_372 = arith.constant 12 : i32
      %add3A_373 = arith.addi %add3A_84, %add3A_372 : i32
      %dma_start3A_374 = arith.constant 0 : i32
      %dma_start3A_375 = tpu.memref_slice %arg9[%add3A_373, %dma_start3A_374] : memref<256x16xf32, #tpu.memory_space<vmem>> -> memref<1x16xf32, #tpu.memory_space<vmem>>
      %dma_start3A_376 = arith.constant 0 : i32
      %dma_start3A_377 = tpu.memref_slice %arg4[%squeeze3A_371, %dma_start3A_376] : memref<1000000x16xf32, #tpu.memory_space<hbm>> -> memref<1x16xf32, #tpu.memory_space<hbm>>
      %dma_start3A_378 = arith.constant 0 : i32
      %dma_start3A_379 = tpu.memref_slice %arg9[%add3A_373, %dma_start3A_378] : memref<256x16xf32, #tpu.memory_space<vmem>> -> memref<1x16xf32, #tpu.memory_space<vmem>>
      %dma_start3A_380 = arith.constant 0 : i32
      %dma_start3A_381 = tpu.memref_slice %arg4[%squeeze3A_371, %dma_start3A_380] : memref<1000000x16xf32, #tpu.memory_space<hbm>> -> memref<1x16xf32, #tpu.memory_space<hbm>>
      tpu.enqueue_dma source(%dma_start3A_381 : memref<1x16xf32, #tpu.memory_space<hbm>>) target(%dma_start3A_379 : memref<1x16xf32, #tpu.memory_space<vmem>>) target_semaphore(%arg11 : memref<!tpu.dma_semaphore, #tpu.memory_space<semaphore_mem>>)
      %slice3A_382 = vector.extract_strided_slice %get3A_80 {offsets = [12], sizes = [1], strides = [1]} : vector<16xi32> to vector<1xi32>
      %squeeze3A_383 = vector.extract %slice3A_382[0] : i32 from vector<1xi32>
      %add3A_384 = arith.constant 12 : i32
      %add3A_385 = arith.addi %add3A_84, %add3A_384 : i32
      %dma_start3A_386 = arith.constant 0 : i32
      %dma_start3A_387 = tpu.memref_slice %arg10[%add3A_385, %dma_start3A_386] : memref<256x16xf32, #tpu.memory_space<vmem>> -> memref<1x16xf32, #tpu.memory_space<vmem>>
      %dma_start3A_388 = arith.constant 0 : i32
      %dma_start3A_389 = tpu.memref_slice %arg5[%squeeze3A_383, %dma_start3A_388] : memref<1000000x16xf32, #tpu.memory_space<hbm>> -> memref<1x16xf32, #tpu.memory_space<hbm>>
      %dma_start3A_390 = arith.constant 0 : i32
      %dma_start3A_391 = tpu.memref_slice %arg10[%add3A_385, %dma_start3A_390] : memref<256x16xf32, #tpu.memory_space<vmem>> -> memref<1x16xf32, #tpu.memory_space<vmem>>
      %dma_start3A_392 = arith.constant 0 : i32
      %dma_start3A_393 = tpu.memref_slice %arg5[%squeeze3A_383, %dma_start3A_392] : memref<1000000x16xf32, #tpu.memory_space<hbm>> -> memref<1x16xf32, #tpu.memory_space<hbm>>
      tpu.enqueue_dma source(%dma_start3A_393 : memref<1x16xf32, #tpu.memory_space<hbm>>) target(%dma_start3A_391 : memref<1x16xf32, #tpu.memory_space<vmem>>) target_semaphore(%arg11 : memref<!tpu.dma_semaphore, #tpu.memory_space<semaphore_mem>>)
      %slice3A_394 = vector.extract_strided_slice %get3A_73 {offsets = [13], sizes = [1], strides = [1]} : vector<16xi32> to vector<1xi32>
      %squeeze3A_395 = vector.extract %slice3A_394[0] : i32 from vector<1xi32>
      %add3A_396 = arith.constant 13 : i32
      %add3A_397 = arith.addi %add3A_84, %add3A_396 : i32
      %dma_start3A_398 = arith.constant 0 : i32
      %dma_start3A_399 = tpu.memref_slice %arg9[%add3A_397, %dma_start3A_398] : memref<256x16xf32, #tpu.memory_space<vmem>> -> memref<1x16xf32, #tpu.memory_space<vmem>>
      %dma_start3A_400 = arith.constant 0 : i32
      %dma_start3A_401 = tpu.memref_slice %arg4[%squeeze3A_395, %dma_start3A_400] : memref<1000000x16xf32, #tpu.memory_space<hbm>> -> memref<1x16xf32, #tpu.memory_space<hbm>>
      %dma_start3A_402 = arith.constant 0 : i32
      %dma_start3A_403 = tpu.memref_slice %arg9[%add3A_397, %dma_start3A_402] : memref<256x16xf32, #tpu.memory_space<vmem>> -> memref<1x16xf32, #tpu.memory_space<vmem>>
      %dma_start3A_404 = arith.constant 0 : i32
      %dma_start3A_405 = tpu.memref_slice %arg4[%squeeze3A_395, %dma_start3A_404] : memref<1000000x16xf32, #tpu.memory_space<hbm>> -> memref<1x16xf32, #tpu.memory_space<hbm>>
      tpu.enqueue_dma source(%dma_start3A_405 : memref<1x16xf32, #tpu.memory_space<hbm>>) target(%dma_start3A_403 : memref<1x16xf32, #tpu.memory_space<vmem>>) target_semaphore(%arg11 : memref<!tpu.dma_semaphore, #tpu.memory_space<semaphore_mem>>)
      %slice3A_406 = vector.extract_strided_slice %get3A_80 {offsets = [13], sizes = [1], strides = [1]} : vector<16xi32> to vector<1xi32>
      %squeeze3A_407 = vector.extract %slice3A_406[0] : i32 from vector<1xi32>
      %add3A_408 = arith.constant 13 : i32
      %add3A_409 = arith.addi %add3A_84, %add3A_408 : i32
      %dma_start3A_410 = arith.constant 0 : i32
      %dma_start3A_411 = tpu.memref_slice %arg10[%add3A_409, %dma_start3A_410] : memref<256x16xf32, #tpu.memory_space<vmem>> -> memref<1x16xf32, #tpu.memory_space<vmem>>
      %dma_start3A_412 = arith.constant 0 : i32
      %dma_start3A_413 = tpu.memref_slice %arg5[%squeeze3A_407, %dma_start3A_412] : memref<1000000x16xf32, #tpu.memory_space<hbm>> -> memref<1x16xf32, #tpu.memory_space<hbm>>
      %dma_start3A_414 = arith.constant 0 : i32
      %dma_start3A_415 = tpu.memref_slice %arg10[%add3A_409, %dma_start3A_414] : memref<256x16xf32, #tpu.memory_space<vmem>> -> memref<1x16xf32, #tpu.memory_space<vmem>>
      %dma_start3A_416 = arith.constant 0 : i32
      %dma_start3A_417 = tpu.memref_slice %arg5[%squeeze3A_407, %dma_start3A_416] : memref<1000000x16xf32, #tpu.memory_space<hbm>> -> memref<1x16xf32, #tpu.memory_space<hbm>>
      tpu.enqueue_dma source(%dma_start3A_417 : memref<1x16xf32, #tpu.memory_space<hbm>>) target(%dma_start3A_415 : memref<1x16xf32, #tpu.memory_space<vmem>>) target_semaphore(%arg11 : memref<!tpu.dma_semaphore, #tpu.memory_space<semaphore_mem>>)
      %slice3A_418 = vector.extract_strided_slice %get3A_73 {offsets = [14], sizes = [1], strides = [1]} : vector<16xi32> to vector<1xi32>
      %squeeze3A_419 = vector.extract %slice3A_418[0] : i32 from vector<1xi32>
      %add3A_420 = arith.constant 14 : i32
      %add3A_421 = arith.addi %add3A_84, %add3A_420 : i32
      %dma_start3A_422 = arith.constant 0 : i32
      %dma_start3A_423 = tpu.memref_slice %arg9[%add3A_421, %dma_start3A_422] : memref<256x16xf32, #tpu.memory_space<vmem>> -> memref<1x16xf32, #tpu.memory_space<vmem>>
      %dma_start3A_424 = arith.constant 0 : i32
      %dma_start3A_425 = tpu.memref_slice %arg4[%squeeze3A_419, %dma_start3A_424] : memref<1000000x16xf32, #tpu.memory_space<hbm>> -> memref<1x16xf32, #tpu.memory_space<hbm>>
      %dma_start3A_426 = arith.constant 0 : i32
      %dma_start3A_427 = tpu.memref_slice %arg9[%add3A_421, %dma_start3A_426] : memref<256x16xf32, #tpu.memory_space<vmem>> -> memref<1x16xf32, #tpu.memory_space<vmem>>
      %dma_start3A_428 = arith.constant 0 : i32
      %dma_start3A_429 = tpu.memref_slice %arg4[%squeeze3A_419, %dma_start3A_428] : memref<1000000x16xf32, #tpu.memory_space<hbm>> -> memref<1x16xf32, #tpu.memory_space<hbm>>
      tpu.enqueue_dma source(%dma_start3A_429 : memref<1x16xf32, #tpu.memory_space<hbm>>) target(%dma_start3A_427 : memref<1x16xf32, #tpu.memory_space<vmem>>) target_semaphore(%arg11 : memref<!tpu.dma_semaphore, #tpu.memory_space<semaphore_mem>>)
      %slice3A_430 = vector.extract_strided_slice %get3A_80 {offsets = [14], sizes = [1], strides = [1]} : vector<16xi32> to vector<1xi32>
      %squeeze3A_431 = vector.extract %slice3A_430[0] : i32 from vector<1xi32>
      %add3A_432 = arith.constant 14 : i32
      %add3A_433 = arith.addi %add3A_84, %add3A_432 : i32
      %dma_start3A_434 = arith.constant 0 : i32
      %dma_start3A_435 = tpu.memref_slice %arg10[%add3A_433, %dma_start3A_434] : memref<256x16xf32, #tpu.memory_space<vmem>> -> memref<1x16xf32, #tpu.memory_space<vmem>>
      %dma_start3A_436 = arith.constant 0 : i32
      %dma_start3A_437 = tpu.memref_slice %arg5[%squeeze3A_431, %dma_start3A_436] : memref<1000000x16xf32, #tpu.memory_space<hbm>> -> memref<1x16xf32, #tpu.memory_space<hbm>>
      %dma_start3A_438 = arith.constant 0 : i32
      %dma_start3A_439 = tpu.memref_slice %arg10[%add3A_433, %dma_start3A_438] : memref<256x16xf32, #tpu.memory_space<vmem>> -> memref<1x16xf32, #tpu.memory_space<vmem>>
      %dma_start3A_440 = arith.constant 0 : i32
      %dma_start3A_441 = tpu.memref_slice %arg5[%squeeze3A_431, %dma_start3A_440] : memref<1000000x16xf32, #tpu.memory_space<hbm>> -> memref<1x16xf32, #tpu.memory_space<hbm>>
      tpu.enqueue_dma source(%dma_start3A_441 : memref<1x16xf32, #tpu.memory_space<hbm>>) target(%dma_start3A_439 : memref<1x16xf32, #tpu.memory_space<vmem>>) target_semaphore(%arg11 : memref<!tpu.dma_semaphore, #tpu.memory_space<semaphore_mem>>)
      %slice3A_442 = vector.extract_strided_slice %get3A_73 {offsets = [15], sizes = [1], strides = [1]} : vector<16xi32> to vector<1xi32>
      %squeeze3A_443 = vector.extract %slice3A_442[0] : i32 from vector<1xi32>
      %add3A_444 = arith.constant 15 : i32
      %add3A_445 = arith.addi %add3A_84, %add3A_444 : i32
      %dma_start3A_446 = arith.constant 0 : i32
      %dma_start3A_447 = tpu.memref_slice %arg9[%add3A_445, %dma_start3A_446] : memref<256x16xf32, #tpu.memory_space<vmem>> -> memref<1x16xf32, #tpu.memory_space<vmem>>
      %dma_start3A_448 = arith.constant 0 : i32
      %dma_start3A_449 = tpu.memref_slice %arg4[%squeeze3A_443, %dma_start3A_448] : memref<1000000x16xf32, #tpu.memory_space<hbm>> -> memref<1x16xf32, #tpu.memory_space<hbm>>
      %dma_start3A_450 = arith.constant 0 : i32
      %dma_start3A_451 = tpu.memref_slice %arg9[%add3A_445, %dma_start3A_450] : memref<256x16xf32, #tpu.memory_space<vmem>> -> memref<1x16xf32, #tpu.memory_space<vmem>>
      %dma_start3A_452 = arith.constant 0 : i32
      %dma_start3A_453 = tpu.memref_slice %arg4[%squeeze3A_443, %dma_start3A_452] : memref<1000000x16xf32, #tpu.memory_space<hbm>> -> memref<1x16xf32, #tpu.memory_space<hbm>>
      tpu.enqueue_dma source(%dma_start3A_453 : memref<1x16xf32, #tpu.memory_space<hbm>>) target(%dma_start3A_451 : memref<1x16xf32, #tpu.memory_space<vmem>>) target_semaphore(%arg11 : memref<!tpu.dma_semaphore, #tpu.memory_space<semaphore_mem>>)
      %slice3A_454 = vector.extract_strided_slice %get3A_80 {offsets = [15], sizes = [1], strides = [1]} : vector<16xi32> to vector<1xi32>
      %squeeze3A_455 = vector.extract %slice3A_454[0] : i32 from vector<1xi32>
      %add3A_456 = arith.constant 15 : i32
      %add3A_457 = arith.addi %add3A_84, %add3A_456 : i32
      %dma_start3A_458 = arith.constant 0 : i32
      %dma_start3A_459 = tpu.memref_slice %arg10[%add3A_457, %dma_start3A_458] : memref<256x16xf32, #tpu.memory_space<vmem>> -> memref<1x16xf32, #tpu.memory_space<vmem>>
      %dma_start3A_460 = arith.constant 0 : i32
      %dma_start3A_461 = tpu.memref_slice %arg5[%squeeze3A_455, %dma_start3A_460] : memref<1000000x16xf32, #tpu.memory_space<hbm>> -> memref<1x16xf32, #tpu.memory_space<hbm>>
      %dma_start3A_462 = arith.constant 0 : i32
      %dma_start3A_463 = tpu.memref_slice %arg10[%add3A_457, %dma_start3A_462] : memref<256x16xf32, #tpu.memory_space<vmem>> -> memref<1x16xf32, #tpu.memory_space<vmem>>
      %dma_start3A_464 = arith.constant 0 : i32
      %dma_start3A_465 = tpu.memref_slice %arg5[%squeeze3A_455, %dma_start3A_464] : memref<1000000x16xf32, #tpu.memory_space<hbm>> -> memref<1x16xf32, #tpu.memory_space<hbm>>
      tpu.enqueue_dma source(%dma_start3A_465 : memref<1x16xf32, #tpu.memory_space<hbm>>) target(%dma_start3A_463 : memref<1x16xf32, #tpu.memory_space<vmem>>) target_semaphore(%arg11 : memref<!tpu.dma_semaphore, #tpu.memory_space<semaphore_mem>>)
      %scan3A_466 = arith.constant 0 : i32
      scf.yield %scan3A_466 : i32
    }
    %scan3A_49 = arith.constant 8 : i32
    %scan3A_50 = arith.constant 0 : i32
    %scan3A_51 = arith.constant 0 : i32
    %scan3A_52 = arith.constant 256 : i32
    %scan3A_53 = arith.addi %scan3A_51, %scan3A_52 : i32
    %scan3A_54 = arith.constant 1 : i32
    %scan3A_55 = scf.for %scan3A_66 = %scan3A_51 to %scan3A_53 step %scan3A_54 iter_args(%scan3A_67 = %scan3A_50) -> (i32)  : i32 {
      %dma_wait3A = arith.constant 0 : i32
      %dma_wait3A_68 = arith.constant 0 : i32
      %dma_wait3A_69 = tpu.memref_slice %arg9[%dma_wait3A, %dma_wait3A_68] : memref<256x16xf32, #tpu.memory_space<vmem>> -> memref<1x16xf32, #tpu.memory_space<vmem>>
      %dma_wait3A_70 = arith.constant 0 : i32
      %dma_wait3A_71 = arith.constant 0 : i32
      %dma_wait3A_72 = tpu.memref_slice %arg4[%dma_wait3A_70, %dma_wait3A_71] : memref<1000000x16xf32, #tpu.memory_space<hbm>> -> memref<1x16xf32, #tpu.memory_space<hbm>>
      %dma_wait3A_73 = arith.constant 0 : i32
      %dma_wait3A_74 = arith.constant 0 : i32
      %dma_wait3A_75 = tpu.memref_slice %arg9[%dma_wait3A_73, %dma_wait3A_74] : memref<256x16xf32, #tpu.memory_space<vmem>> -> memref<1x16xf32, #tpu.memory_space<vmem>>
      %dma_wait3A_76 = arith.constant 0 : i32
      %dma_wait3A_77 = arith.constant 0 : i32
      %dma_wait3A_78 = tpu.memref_slice %arg4[%dma_wait3A_76, %dma_wait3A_77] : memref<1000000x16xf32, #tpu.memory_space<hbm>> -> memref<1x16xf32, #tpu.memory_space<hbm>>
      tpu.wait_dma2 semaphore(%arg11 : memref<!tpu.dma_semaphore, #tpu.memory_space<semaphore_mem>>) src(%dma_wait3A_78 : memref<1x16xf32, #tpu.memory_space<hbm>>) dst(%dma_wait3A_75 : memref<1x16xf32, #tpu.memory_space<vmem>>)
      %dma_wait3A_79 = arith.constant 0 : i32
      %dma_wait3A_80 = arith.constant 0 : i32
      %dma_wait3A_81 = tpu.memref_slice %arg10[%dma_wait3A_79, %dma_wait3A_80] : memref<256x16xf32, #tpu.memory_space<vmem>> -> memref<1x16xf32, #tpu.memory_space<vmem>>
      %dma_wait3A_82 = arith.constant 0 : i32
      %dma_wait3A_83 = arith.constant 0 : i32
      %dma_wait3A_84 = tpu.memref_slice %arg5[%dma_wait3A_82, %dma_wait3A_83] : memref<1000000x16xf32, #tpu.memory_space<hbm>> -> memref<1x16xf32, #tpu.memory_space<hbm>>
      %dma_wait3A_85 = arith.constant 0 : i32
      %dma_wait3A_86 = arith.constant 0 : i32
      %dma_wait3A_87 = tpu.memref_slice %arg10[%dma_wait3A_85, %dma_wait3A_86] : memref<256x16xf32, #tpu.memory_space<vmem>> -> memref<1x16xf32, #tpu.memory_space<vmem>>
      %dma_wait3A_88 = arith.constant 0 : i32
      %dma_wait3A_89 = arith.constant 0 : i32
      %dma_wait3A_90 = tpu.memref_slice %arg5[%dma_wait3A_88, %dma_wait3A_89] : memref<1000000x16xf32, #tpu.memory_space<hbm>> -> memref<1x16xf32, #tpu.memory_space<hbm>>
      tpu.wait_dma2 semaphore(%arg11 : memref<!tpu.dma_semaphore, #tpu.memory_space<semaphore_mem>>) src(%dma_wait3A_90 : memref<1x16xf32, #tpu.memory_space<hbm>>) dst(%dma_wait3A_87 : memref<1x16xf32, #tpu.memory_space<vmem>>)
      %scan3A_91 = arith.constant 0 : i32
      scf.yield %scan3A_91 : i32
    }
    %scan3A_56 = arith.constant 256 : i32
    %scan3A_57 = arith.constant 0 : i32
    %scan3A_58 = arith.constant 0 : i32
    %scan3A_59 = arith.constant 256 : i32
    %scan3A_60 = arith.addi %scan3A_58, %scan3A_59 : i32
    %scan3A_61 = arith.constant 1 : i32
    %scan3A_62 = scf.for %scan3A_66 = %scan3A_58 to %scan3A_60 step %scan3A_61 iter_args(%scan3A_67 = %scan3A_57) -> (i32)  : i32 {
      %get3A = arith.index_cast %scan3A_66 : i32 to index
      %get3A_68 = arith.constant 0 : index
      %get3A_69 = tpu.vector_load %arg9[%get3A, %get3A_68] {strides = array<i32>} : memref<256x16xf32, #tpu.memory_space<vmem>>, vector<1x16xf32>,
      %get3A_70 = vector.shape_cast %get3A_69 : vector<1x16xf32> to vector<16xf32>
      %get3A_71 = arith.index_cast %scan3A_66 : i32 to index
      %get3A_72 = arith.constant 0 : index
      %get3A_73 = tpu.vector_load %arg10[%get3A_71, %get3A_72] {strides = array<i32>} : memref<256x16xf32, #tpu.memory_space<vmem>>, vector<1x16xf32>,
      %get3A_74 = vector.shape_cast %get3A_73 : vector<1x16xf32> to vector<16xf32>
      %mul3A_75 = arith.mulf %get3A_70, %get3A_74 : vector<16xf32>
      %swap3A = arith.index_cast %scan3A_66 : i32 to index
      %swap3A_76 = arith.constant 0 : index
      %swap3A_77 = tpu.vector_load %arg9[%swap3A, %swap3A_76] {strides = array<i32>} : memref<256x16xf32, #tpu.memory_space<vmem>>, vector<1x16xf32>,
      %swap3A_78 = vector.shape_cast %swap3A_77 : vector<1x16xf32> to vector<16xf32>
      %swap3A_79 = vector.shape_cast %mul3A_75 : vector<16xf32> to vector<1x16xf32>
      tpu.vector_store %arg9[%swap3A, %swap3A_76], %swap3A_79 {strides = array<i32>} : memref<256x16xf32, #tpu.memory_space<vmem>>, vector<1x16xf32>,
      %scan3A_80 = arith.constant 0 : i32
      scf.yield %scan3A_80 : i32
    }
    %scan3A_63 = arith.constant 256 : i32
    %add3A_64 = arith.constant 256 : i32
    %add3A_65 = arith.addi %mul3A_2, %add3A_64 : i32
    "tpu.region"() ({
      %run_scoped3A = tpu.sem_alloc : memref<!tpu.dma_semaphore, #tpu.memory_space<semaphore_mem>>
      %dma_start3A = arith.constant 0 : i32
      %dma_start3A_66 = tpu.memref_slice %arg6[%add3A_65, %dma_start3A] : memref<16384x16xf32, #tpu.memory_space<hbm>> -> memref<256x16xf32, #tpu.memory_space<hbm>>
      %dma_start3A_67 = arith.constant 0 : i32
      %dma_start3A_68 = tpu.memref_slice %arg6[%add3A_65, %dma_start3A_67] : memref<16384x16xf32, #tpu.memory_space<hbm>> -> memref<256x16xf32, #tpu.memory_space<hbm>>
      tpu.enqueue_dma source(%arg9 : memref<256x16xf32, #tpu.memory_space<vmem>>) target(%dma_start3A_68 : memref<256x16xf32, #tpu.memory_space<hbm>>) target_semaphore(%run_scoped3A : memref<!tpu.dma_semaphore, #tpu.memory_space<semaphore_mem>>)
      %dma_wait3A = arith.constant 0 : i32
      %dma_wait3A_69 = tpu.memref_slice %arg6[%add3A_65, %dma_wait3A] : memref<16384x16xf32, #tpu.memory_space<hbm>> -> memref<256x16xf32, #tpu.memory_space<hbm>>
      %dma_wait3A_70 = arith.constant 0 : i32
      %dma_wait3A_71 = tpu.memref_slice %arg6[%add3A_65, %dma_wait3A_70] : memref<16384x16xf32, #tpu.memory_space<hbm>> -> memref<256x16xf32, #tpu.memory_space<hbm>>
      tpu.wait_dma2 semaphore(%run_scoped3A : memref<!tpu.dma_semaphore, #tpu.memory_space<semaphore_mem>>) src(%arg9 : memref<256x16xf32, #tpu.memory_space<vmem>>) dst(%dma_wait3A_71 : memref<256x16xf32, #tpu.memory_space<hbm>>)
      tpu.yield
    }) : () -> ()
    return
  }
}

</mosaic_0001>

<sc_bundles>
// kernel: kernel.3.cloned.1.call-start
scs
__scs_entry_jumppad:
0x0: {  	(pc) =	sbr.rel $0x88, $3  }
0x1: {  	(tag) =	ssettag $0x0;
	lr =	simm.s32 $0x1  }
0x2: {  	[smem:$0x3F9E] =	sst lr;
	_ =	strace $0xD0000000  }
0x3: {  	_ = 	snop  }
0x4: {  	_ = 	snop  }
0x5: {  	_ = 	snop  }
0x6: {  	_ = 	snop  }
0x7: {  	_ = 	snop  }
__scs_overlays_trampoline_lowered:
0x8: {  	[smem:$0x3FAD] =	sst s0  }
0x9: {  	[smem:$0x3FAE] =	sst s1  }
0xa: {  	[smem:$0x3FAF] =	sst s2  }
0xb: {  	[smem:$0x3FB0] =	sst s3  }
0xc: {  	[smem:$0x3FB1] =	sst s4  }
0xd: {  	[smem:$0x3FB2] =	sst s5  }
0xe: {  	[smem:$0x3FB3] =	sst s6  }
0xf: {  	[smem:$0x3FB4] =	sst s7  }
0x10: {  	[smem:$0x3FB5] =	sst s8  }
0x11: {  	[smem:$0x3FB6] =	sst s9;
	s0 =	simm.s32 @!p0 $0x0  }
0x12: {  	s1 =	sld [smem:$0x3F9C];
	s0 =	simm.s32 @p0 $0x1  }
0x13: {  	[smem:$0x3FB7] =	sst s0;
	s0 =	simm.s32 @!p1 $0x0  }
0x14: {  	s2 =	sld [smem:$0x3F9B];
	s0 =	simm.s32 @p1 $0x1  }
0x15: {  	[smem:$0x3FB8] =	sst s0;
	s0 =	simm.s32 @!p2 $0x0  }
0x16: {  	s3 =	sld [smem:$0x3FDB];
	s0 =	simm.s32 @p2 $0x1  }
0x17: {  	s4 =	simm.s32 $0x1BF5;
	[smem:$0x3FBA] =	sst s0  }
0x18: {  	s0 =	sld [smem:$0x3F9D];
	_ =	swait.ge [sflag:s4], $0x0  }
0x19: {  	s7 =	sld [smem:$0x3F9E]  }
0x1a: {  	s8 =	sadd.s32 $0xFFFFE003, lr  }
0x1b: {  	s9 =	sadd.s32 $0xFFFFFEF7, lr;
	s5 =	simm.s32 $0xFFFFFFFF;
	p2 =	slt.u32 s8, $0xFFFFF086  }
0x1c: {  	p1 =	slt.u32 s9, $0xF7A;
	s5 =	simm.s32 @!p2 $0x0  }
0x1d: {  	s5 =	simm.s32 @p1 $0x1;
	p0 =	seq.s32 s7, s2  }
0x1e: {  	s7 =	smul.u32 @!p0 $0xF7A, s2;
	p2 =	seq.s32 @!p0 s5, $0x0  }
0x1f: {  	s9 =	smul.u32 $0xF7A, s1;
	s8 =	simm.s32 @!p0 $0x1BF5;
	p2 =	por !p2, p0  }
0x20: {  	[sflag:s8] =	ssyncset.s32 @!p0 $0xFFFFF086;
	s6 =	sadd.s32 @!p0 s3, s7;
	s7 =	simm.s32 @!p0 $0x108  }
0x21: {  	s3 =	sadd.s32 s3, s9;
	s6 =	sadd.s32 @!p0 $0x88, s6;
	s7 =	simm.s32 @p2 $0x1082  }
0x22: {  	[simem:s7], [sflag:s8] =	dma.local @!p0 [hbm:s6], $0xF7A  }
0x23: {  	s9 =	sor.u32 $0xD0000000, s2;
	s6 =	simm.s32 $0x108;
	_ =	swait.ge @!p0 [sflag:s8], $0x0  }
0x24: {  	s3 =	sadd.s32 $0x88, s3;
	s6 =	simm.s32 @!p1 $0x1082;
	[sflag:s4] =	ssyncset.s32 $0xFFFFF086  }
0x25: {  	[simem:s6], [sflag:s4] =	dma.local [hbm:s3], $0xF7A  }
0x26: {  	[smem:$0x3F9E] =	sst s1;
	(tag) =	ssettag s2;
	_ =	strace s9  }
0x27: {  	s1 =	sld [smem:$0x3FAE]  }
0x28: {  	s2 =	sld [smem:$0x3FAF]  }
0x29: {  	s4 =	sld [smem:$0x3FB1]  }
0x2a: {  	p0 =	seq.s32 s5, $0x0;
	s5 =	sld [smem:$0x3FB2]  }
0x2b: {  	s6 =	sld [smem:$0x3FB3]  }
0x2c: {  	s7 =	sld [smem:$0x3FB4]  }
0x2d: {  	s3 =	simm.s32 $0x108;
	s8 =	sld [smem:$0x3FB5]  }
0x2e: {  	s3 =	simm.s32 @!p0 $0x1082;
	s9 =	sld [smem:$0x3FB6]  }
0x2f: {  	lr =	sadd.s32 s0, s3;
	s0 =	sld [smem:$0x3FAD]  }
0x30: {  	s3 =	sld [smem:$0x3FB0]  }
0x31: {  	[smem:$0x3FB9] =	sst s10  }
0x32: {  	s10 =	sld [smem:$0x3FB7];
	_ =	sdelay $0x3  }
0x33: {  	p0 =	seq.s32 s10, $0x1;
	s10 =	sld [smem:$0x3FB9];
	_ =	sdelay $0x3  }
0x34: {  	[smem:$0x3FB9] =	sst s10  }
0x35: {  	s10 =	sld [smem:$0x3FB8];
	_ =	sdelay $0x3  }
0x36: {  	p1 =	seq.s32 s10, $0x1;
	s10 =	sld [smem:$0x3FB9];
	_ =	sdelay $0x3  }
0x37: {  	[smem:$0x3FB9] =	sst s10  }
0x38: {  	s10 =	sld [smem:$0x3FBA]  }
0x39: {  	_ = 	snop;
	(pc) =	sbr.ind lr, $3  }
0x3a: {  	_ = 	snop  }
0x3b: {  	_ = 	snop  }
0x3c: {  	p2 =	seq.s32 s10, $0x1;
	s10 =	sld [smem:$0x3FB9]  }
0x3d: {  	_ =	shalt  }
0x3e: {  	_ =	shalt  }
0x3f: {  	_ =	shalt  }
0x40: {  	_ =	shalt  }
0x41: {  	_ =	shalt  }
0x42: {  	_ =	shalt  }
0x43: {  	_ =	shalt  }
0x44: {  	_ =	shalt  }
0x45: {  	_ =	shalt  }
0x46: {  	_ =	shalt  }
0x47: {  	_ =	shalt  }
0x48: {  	_ =	shalt  }
0x49: {  	_ =	shalt  }
0x4a: {  	_ =	shalt  }
0x4b: {  	_ =	shalt  }
0x4c: {  	_ =	shalt  }
0x4d: {  	_ =	shalt  }
0x4e: {  	_ =	shalt  }
0x4f: {  	_ =	shalt  }
0x50: {  	_ =	shalt  }
0x51: {  	_ =	shalt  }
0x52: {  	_ =	shalt  }
0x53: {  	_ =	shalt  }
0x54: {  	_ =	shalt  }
0x55: {  	_ =	shalt  }
0x56: {  	_ =	shalt  }
0x57: {  	_ =	shalt  }
0x58: {  	_ =	shalt  }
0x59: {  	_ =	shalt  }
0x5a: {  	_ =	shalt  }
0x5b: {  	_ =	shalt  }
0x5c: {  	_ =	shalt  }
0x5d: {  	_ =	shalt  }
0x5e: {  	_ =	shalt  }
0x5f: {  	_ =	shalt  }
0x60: {  	_ =	shalt  }
0x61: {  	_ =	shalt  }
0x62: {  	_ =	shalt  }
0x63: {  	_ =	shalt  }
0x64: {  	_ =	shalt  }
0x65: {  	_ =	shalt  }
0x66: {  	_ =	shalt  }
0x67: {  	_ =	shalt  }
0x68: {  	_ =	shalt  }
0x69: {  	_ =	shalt  }
0x6a: {  	_ =	shalt  }
0x6b: {  	_ =	shalt  }
0x6c: {  	_ =	shalt  }
0x6d: {  	_ =	shalt  }
0x6e: {  	_ =	shalt  }
0x6f: {  	_ =	shalt  }
0x70: {  	_ =	shalt  }
0x71: {  	_ =	shalt  }
0x72: {  	_ =	shalt  }
0x73: {  	_ =	shalt  }
0x74: {  	_ =	shalt  }
0x75: {  	_ =	shalt  }
0x76: {  	_ =	shalt  }
0x77: {  	_ =	shalt  }
0x78: {  	_ =	shalt  }
0x79: {  	_ =	shalt  }
0x7a: {  	_ =	shalt  }
0x7b: {  	_ =	shalt  }
0x7c: {  	_ =	shalt  }
0x7d: {  	_ =	shalt  }
0x7e: {  	_ =	shalt  }
0x7f: {  	_ =	shalt  }
0x80: {  	_ =	shalt  }
0x81: {  	_ =	shalt  }
0x82: {  	_ =	shalt  }
0x83: {  	_ =	shalt  }
0x84: {  	_ =	shalt  }
0x85: {  	_ =	shalt  }
0x86: {  	_ =	shalt  }
0x87: {  	_ =	shalt  }
.Lfunc_end0:
.L_simem_size_0:
called_computation_lowered:
.L_overlay_start_0:
0x88: {  	s2 =	sld [smem:$0x3FD9]  }
0x89: {  	s3 =	sld [smem:$0x3FFE];
	_ =	sdelay $0x1  }
0x8a: {  	s1 =	srdreg.scid  }
0x8b: {  	s0 =	sand.u32 $0x1, s1  }
0x8c: {  	s17 =	sshll.u32 s0, $0xA;
	s2 =	sadd.s32 s3, s2  }
0x8d: {  	s2 =	sadd.s32 s2, s17  }
0x8e: {  	[smem:$0x3FC5] =	sst s2  }
0x8f: {  	_ = 	snop  }
0x90: {  	s2 =	sld [smem:$0x3FD0];
	(tm) =	ssettm $0x1  }
0x91: {  	s18 =	sld [smem:$0x3FFB];
	_ =	sdelay $0x3  }
0x92: {  	_ =	strace s18  }
0x93: {  	s3 =	sld [smem:$0x3FFC];
	_ =	sdelay $0x3  }
0x94: {  	_ =	strace s3  }
0x95: {  	s3 =	sld [smem:$0x3FFD];
	_ =	sdelay $0x3  }
0x96: {  	_ =	strace s3  }
0x97: {  	_ =	strace $0x8FFFFFFF  }
0x98: {  	s19 =	sld [smem:$0x3FDB];
	_ =	sdelay $0x1  }
0x99: {  	s4 =	simm.s32 $_scs_section_size  }
0x9a: {  	s5 =	simm.s32 $_size__tile_overlayer_lowered;
	s6 =	simm.s32 $_tile_overlayer_lowered  }
0x9b: {  	s22 =	simm.s32 $0x1BFF;
	s21 =	sshll.u32 s6, $0x1;
	s3 =	sadd.s32 s4, s19  }
0x9c: {  	s7 =	simm.s32 $0x0;
	s20 =	sshll.u32 s5, $0x1;
	s5 =	sadd.s32 s21, s3  }
0x9d: {  	[timem:s7], [sflag:s22] =	dma.local [hbm:s5], s20  }
0x9e: {  	_ =	swait.ge [sflag:s22], s20  }
0x9f: {  	s4 =	ssub.s32 $0x0, s20;
	[sflag:s22] =	ssyncset.done $0x0  }
0xa0: {  	[sflag:s22] =	ssyncadd.s32 s4;
	_ =	sdelay $0x1  }
0xa1: {  	s23 =	simm.s32 $0x1B8B  }
0xa2: {  	_ =	swait.ge [sflag:s23], $0x1  }
0xa3: {  	[sflag:s23] =	ssyncset.done $0x0  }
0xa4: {  	s25 =	simm.s32 $0x1B8E;
	s24 =	sld [smem:$0x3FFE];
	[sflag:s23] =	ssyncadd.s32 $0xFFFFFFFF  }
0xa5: {  	s26 =	simm.s32 $execute0_lowered;
	[smem:$0x3FD2] =	sst s25  }
0xa6: {  	s5 =	sshll.u32 s26, $0x1;
	_ =	strace $0x80000046;
	[dreg:$0x1] =	wrdreg $0xFFFFFFFF  }
0xa7: {  	s28 =	simm.s32 $_size_execute0_lowered;
	s3 =	sadd.s32 s3, s5;
	[dreg:$0x0] =	wrdreg $0x0  }
0xa8: {  	s5 =	sshll.u32 s28, $0x1;
	[dreg:$0x2] =	wrdreg s3  }
0xa9: {  	[dreg:$0x3] =	wrdreg s5  }
0xaa: {  	[dreg:$0x4] =	wrdreg $0xC0  }
0xab: {  	_ =	task [dreg:s7], $0x5FFFF  }
0xac: {  	[dreg:$0x1] =	wrdreg $0xFFFFFFFF  }
0xad: {  	[dreg:$0x0] =	wrdreg $0x60  }
0xae: {  	[dreg:$0x2] =	wrdreg s24  }
0xaf: {  	[dreg:$0x3] =	wrdreg s2  }
0xb0: {  	[dreg:$0x4] =	wrdreg $0x9  }
0xb1: {  	_ =	task.clear_ibuf [dreg:s7], $0x5FFFF;
	_ =	strace $0x90000046  }
0xb2: {  	s29 =	simm.s32 $0x9;
	_ =	strace $0x80000048  }
0xb3: {  	_ =	swait.ge [sflag:s29], $0x1  }
0xb4: {  	[sflag:s29] =	ssyncadd.s32 $0xFFFFFFFF  }
0xb5: {  	_ =	strace $0x90000048  }
0xb6: {  	_ =	sfence  }
0xb7: {  	s30 =	sld [smem:$0x0];
	_ =	sdelay $0x2  }
0xb8: {  	s31 =	sshll.u32 s1, $0xD;
	s1 =	sshrl.u32 s1, $0x2  }
0xb9: {  	s3 =	sand.u32 $0x4000, s31;
	s1 =	sadd.s32 s1, s30  }
0xba: {  	s0 =	sor.u32 s3, s0;
	s1 =	sshll.u32 s1, $0x11  }
0xbb: {  	s0 =	sor.u32 s1, s0  }
0xbc: {  	s0 =	sadd.s32 $0x8F2B, s0  }
0xbd: {  	[sflag:s0] =	ssyncadd.remote.s32 $0x1  }
0xbe: {  	_ =	sfence.sel $0xFFFF  }
0xbf: {  	[dreg:$0x0] =	wrdreg $0xFFFFFFFF;
	(pc) =	sbr.abs _section_cstart, $3  }
0xc0: {  	[dreg:$0x1] =	wrdreg $0xFFFFFFFF  }
0xc1: {  	_ =	task.clear_ibuf [dreg:s7], $0x2FFFF;
	_ =	strace $0x9FFFFFFF  }
0xc2: {  	(tm) =	ssettm $0x7FFFFFFF  }
0xc3: {  	_ =	shalt  }
tec
execute0_lowered:
.L_overlay_start_1:
0x0: {  	(tag) =	ssettag $0x1  }
0x1: {  	s0 =	rddreg [dreg:$0x0]  }
0x2: {  	s1 =	rddreg [dreg:$0x1]  }
0x3: {  	s2 =	srdreg.scid;
	s7 =	stileid.u32  }
0x4: {  	s3 =	sand.u32 $0x1, s2;
	s2 =	simm.s32 $0x0;
	s4 =	sshll.u32 s7, $0x7  }
0x5: {  	s26 =	sshll.u32 s7, $0xE;
	s5 =	sshll.u32 s3, $0x6;
	[smem:$0x7FF] =	sst s2  }
0x6: {  	s28 =	sshll.u32 s3, $0xD;
	s8 =	ssub.s32 $0x2, s3;
	s3 =	sadd.s32 $0xE00, s0  }
0x7: {  	s5 =	sor.u32 s5, s4;
	_ =	strace $0x80000047;
	s7 =	sor.u32 s28, s26  }
0x8: {  	s4 =	sadd.s32 $0xF43200, s0;
	s6 =	sadd.s32 s5, s0;
	s1 =	sadd.s32 s1, s5  }
0x9: {  	s0 =	sadd.s32 s7, s0;
	s6 =	sadd.s32 $0x600, s6;
	[smem:$0x7FA] =	sst s1  }
0xa: {  	s9 =	sshrl.u32 s8, $0x1;
	s30 =	sadd.s32 $0x1E85600, s0;
	[smem:$0x7F9] =	sst s6  }
0xb: {  	s29 =	ssub.s32 s8, s9;
	s0 =	sadd.s32 $0x1E86600, s0;
	[smem:$0x7FB] =	sst s30  }
0xc: {  	s31 =	smax.u32 s29, $0x1;
	[smem:$0x7FC] =	sst s0  }
0xd: {  	s5 =	simm.s32 $0x2;
	s1 =	simm.s32 $0x0;
	[smem:$0x7FD] =	sst s31  }
.LBB2_1:
0xe: {  	s0 =	sld [smem:$0x7F9];
	_ =	sdelay $0x1  }
0xf: {  	[smem:$0x7F8] =	sst s1  }
0x10: {  	[tilespmem:s2], [sflag:$0x2] =	stream.linear.gather [hbm4b:s0+s2], $0x200, $0x38;
	[tilespmem:$0x10400] =	vst v63  }
0x11: {  	_ =	swait.ge [sflag:s5], $0x200  }
0x12: {  	s20 =	sld [smem:$0x7FA]  }
0x13: {  	[sflag:s5] =	ssyncset.done $0x0  }
0x14: {  	s19 =	simm.s32 $0x200;
	[sflag:s5] =	ssyncadd.s32 $0xFFFFFE00  }
0x15: {  	[tilespmem:s19], [sflag:$0x2] =	stream.linear.gather [hbm4b:s20+s2], $0x200, $0x38;
	[tilespmem:$0x10400] =	vst v63  }
0x16: {  	_ =	swait.ge [sflag:s5], $0x200  }
0x17: {  	[sflag:s5] =	ssyncset.done $0x0  }
0x18: {  	[sflag:s5] =	ssyncadd.s32 $0xFFFFFE00  }
0x19: {  	v0 =	vld [tilespmem:s2+$0x0];
	_ =	sdelay $0x1  }
0x1a: {  	v1 =	vld [tilespmem:s19+$0x0];
	_ =	sdelay $0x2  }
0x1b: {  	v0 =	vshll.u32 v0, $0x4  }
0x1c: {  	(v2sf) =	vpush v0, $0x0  }
0x1d: {  	v1 =	vshll.u32 v1, $0x4  }
0x1e: {  	(v2sf) =	vpush v1, $0x0  }
0x1f: {  	(v2sf) =	vpush v0, $0x1;
	_ =	sdelay $0x1  }
0x20: {  	(v2sf) =	vpush v1, $0x1;
	_ =	sdelay $0x1  }
0x21: {  	(v2sf) =	vpush v0, $0x2;
	_ =	sdelay $0x1  }
0x22: {  	(v2sf) =	vpush v1, $0x2;
	_ =	sdelay $0x1  }
0x23: {  	s15 =	simm.s32 $0x2000;
	s14 =	simm.s32 $0x0;
	(v2sf) =	vpush v0, $0x3  }
0x24: {  	s21 =	simm.s32 $0x8400;
	s6 =	simm.s32 $0x680;
	s1 =	simm.s32 $0x880  }
0x25: {  	s7 =	simm.s32 $0x400;
	s8 =	simm.s32 $0x600;
	s10 =	simm.s32 $0x580  }
0x26: {  	s11 =	simm.s32 $0x8580;
	s13 =	simm.s32 $0x8A00;
	s25 =	simm.s32 $0x480  }
0x27: {  	s29 =	simm.s32 $0x8480;
	s31 =	simm.s32 $0x500;
	s9 =	spop (v2sf);
	(v2sf) =	vpush v1, $0x3  }
0x28: {  	s17 =	simm.s32 $0x8500;
	s0 =	simm.s32 $0x8900;
	s20 =	simm.s32 $0x8600  }
0x29: {  	s5 =	simm.s32 $0x8980;
	s9 =	sand.u32 $0x1FFFFFF0, s9;
	s12 =	spop (v2sf)  }
0x2a: {  	(v2sf) =	vpush v0, $0x4;
	s9 =	sadd.s32 s3, s9;
	s22 =	sand.u32 $0x1FFFFFF0, s12;
	s23 =	spop (v2sf)  }
0x2b: {  	(v2sf) =	vpush v1, $0x4;
	[tilespmem:s7], [sflag:$0x1] =	stream.linear.gather [hbm4b:s9+s2], $0x80, $0x38;
	[tilespmem:$0x10400] =	vst v63  }
0x2c: {  	s7 =	sadd.s32 s4, s22;
	s9 =	sand.u32 $0x1FFFFFF0, s23;
	s24 =	spop (v2sf)  }
0x2d: {  	(v2sf) =	vpush v0, $0x5;
	[tilespmem:s21], [sflag:$0x1] =	stream.linear.gather [hbm4b:s7+s2], $0x80, $0x38;
	[tilespmem:$0x10400] =	vst v63  }
0x2e: {  	s26 =	sadd.s32 s3, s9;
	s28 =	sand.u32 $0x1FFFFFF0, s24;
	s30 =	spop (v2sf)  }
0x2f: {  	(v2sf) =	vpush v1, $0x5;
	[tilespmem:s25], [sflag:$0x1] =	stream.linear.gather [hbm4b:s26+s2], $0x80, $0x38;
	[tilespmem:$0x10400] =	vst v63  }
0x30: {  	s9 =	sadd.s32 s4, s28;
	s7 =	sand.u32 $0x1FFFFFF0, s30;
	s12 =	spop (v2sf)  }
0x31: {  	(v2sf) =	vpush v0, $0x6;
	[tilespmem:s29], [sflag:$0x1] =	stream.linear.gather [hbm4b:s9+s2], $0x80, $0x38;
	[tilespmem:$0x10400] =	vst v63  }
0x32: {  	s7 =	sadd.s32 s3, s7;
	s16 =	spop (v2sf);
	s9 =	sand.u32 $0x1FFFFFF0, s12  }
0x33: {  	(v2sf) =	vpush v1, $0x6;
	[tilespmem:s31], [sflag:$0x1] =	stream.linear.gather [hbm4b:s7+s2], $0x80, $0x38;
	[tilespmem:$0x10400] =	vst v63  }
0x34: {  	s24 =	simm.s32 $0x8680;
	s19 =	sand.u32 $0x1FFFFFF0, s16;
	s18 =	sadd.s32 s4, s9  }
0x35: {  	[tilespmem:s17], [sflag:$0x1] =	stream.linear.gather [hbm4b:s18+s2], $0x80, $0x38;
	[tilespmem:$0x10400] =	vst v63  }
0x36: {  	s25 =	simm.s32 $0x700;
	s9 =	sadd.s32 s3, s19;
	s21 =	spop (v2sf)  }
0x37: {  	(v2sf) =	vpush v0, $0x7;
	[tilespmem:s10], [sflag:$0x1] =	stream.linear.gather [hbm4b:s9+s2], $0x80, $0x38;
	[tilespmem:$0x10400] =	vst v63  }
0x38: {  	s16 =	simm.s32 $0x8A80;
	s12 =	simm.s32 $0xA80;
	s7 =	sand.u32 $0x1FFFFFF0, s21  }
0x39: {  	s19 =	simm.s32 $0x780;
	(v2sf) =	vpush v1, $0x7;
	s22 =	spop (v2sf);
	s7 =	sadd.s32 s4, s7  }
0x3a: {  	s9 =	sand.u32 $0x1FFFFFF0, s22;
	s23 =	spop (v2sf);
	s22 =	simm.s32 $0x8780  }
0x3b: {  	[tilespmem:s11], [sflag:$0x1] =	stream.linear.gather [hbm4b:s7+s2], $0x80, $0x38;
	[tilespmem:$0x10400] =	vst v63  }
0x3c: {  	(v2sf) =	vpush v0, $0x8;
	s9 =	sadd.s32 s3, s9;
	s10 =	sand.u32 $0x1FFFFFF0, s23;
	s26 =	spop (v2sf)  }
0x3d: {  	(v2sf) =	vpush v1, $0x8;
	[tilespmem:s8], [sflag:$0x1] =	stream.linear.gather [hbm4b:s9+s2], $0x80, $0x38;
	[tilespmem:$0x10400] =	vst v63  }
0x3e: {  	s10 =	sadd.s32 s4, s10;
	s28 =	spop (v2sf);
	s9 =	sand.u32 $0x1FFFFFF0, s26  }
0x3f: {  	(v2sf) =	vpush v0, $0x9;
	[tilespmem:s20], [sflag:$0x1] =	stream.linear.gather [hbm4b:s10+s2], $0x80, $0x38;
	[tilespmem:$0x10400] =	vst v63  }
0x40: {  	s29 =	spop (v2sf);
	(v2sf) =	vpush v1, $0x9;
	s9 =	sadd.s32 s3, s9;
	s10 =	sand.u32 $0x1FFFFFF0, s28  }
0x41: {  	[tilespmem:s6], [sflag:$0x1] =	stream.linear.gather [hbm4b:s9+s2], $0x80, $0x38;
	[tilespmem:$0x10400] =	vst v63  }
0x42: {  	s31 =	sand.u32 $0x1FFFFFF0, s29;
	s11 =	spop (v2sf);
	(v2sf) =	vpush v0, $0xA;
	s30 =	sadd.s32 s4, s10  }
0x43: {  	[tilespmem:s24], [sflag:$0x1] =	stream.linear.gather [hbm4b:s30+s2], $0x80, $0x38;
	[tilespmem:$0x10400] =	vst v63  }
0x44: {  	s8 =	simm.s32 $0x8880;
	(v2sf) =	vpush v1, $0xA;
	s7 =	sand.u32 $0x1FFFFFF0, s11;
	s9 =	sadd.s32 s3, s31  }
0x45: {  	[tilespmem:s25], [sflag:$0x1] =	stream.linear.gather [hbm4b:s9+s2], $0x80, $0x38;
	[tilespmem:$0x10400] =	vst v63  }
0x46: {  	s10 =	simm.s32 $0x8700;
	s7 =	sadd.s32 s4, s7;
	s17 =	spop (v2sf)  }
0x47: {  	[tilespmem:s10], [sflag:$0x1] =	stream.linear.gather [hbm4b:s7+s2], $0x80, $0x38;
	[tilespmem:$0x10400] =	vst v63  }
0x48: {  	s28 =	simm.s32 $0x8800;
	(v2sf) =	vpush v0, $0xB;
	s9 =	sand.u32 $0x1FFFFFF0, s17;
	s18 =	spop (v2sf)  }
0x49: {  	s31 =	simm.s32 $0x900;
	s20 =	sadd.s32 s3, s9;
	s21 =	sand.u32 $0x1FFFFFF0, s18  }
0x4a: {  	(v2sf) =	vpush v1, $0xB;
	[tilespmem:s19], [sflag:$0x1] =	stream.linear.gather [hbm4b:s20+s2], $0x80, $0x38;
	[tilespmem:$0x10400] =	vst v63  }
0x4b: {  	s24 =	simm.s32 $0x800;
	s23 =	spop (v2sf);
	s9 =	sadd.s32 s4, s21  }
0x4c: {  	s7 =	sand.u32 $0x1FFFFFF0, s23;
	s25 =	spop (v2sf);
	s23 =	simm.s32 $0xA00  }
0x4d: {  	(v2sf) =	vpush v0, $0xC;
	[tilespmem:s22], [sflag:$0x1] =	stream.linear.gather [hbm4b:s9+s2], $0x80, $0x38;
	[tilespmem:$0x10400] =	vst v63  }
0x4e: {  	s7 =	sadd.s32 s3, s7;
	s26 =	spop (v2sf);
	s9 =	sand.u32 $0x1FFFFFF0, s25  }
0x4f: {  	(v2sf) =	vpush v1, $0xC;
	s30 =	sand.u32 $0x1FFFFFF0, s26;
	s10 =	spop (v2sf);
	s26 =	simm.s32 $0x980  }
0x50: {  	[tilespmem:s24], [sflag:$0x1] =	stream.linear.gather [hbm4b:s7+s2], $0x80, $0x38;
	[tilespmem:$0x10400] =	vst v63  }
0x51: {  	s29 =	sadd.s32 s4, s9;
	s9 =	sadd.s32 s3, s30;
	s17 =	spop (v2sf)  }
0x52: {  	[tilespmem:s28], [sflag:$0x1] =	stream.linear.gather [hbm4b:s29+s2], $0x80, $0x38;
	[tilespmem:$0x10400] =	vst v63  }
0x53: {  	s11 =	sand.u32 $0x1FFFFFF0, s10;
	s7 =	sand.u32 $0x1FFFFFF0, s17;
	s18 =	spop (v2sf)  }
0x54: {  	[tilespmem:s1], [sflag:$0x1] =	stream.linear.gather [hbm4b:s9+s2], $0x80, $0x38;
	[tilespmem:$0x10400] =	vst v63  }
0x55: {  	s19 =	sadd.s32 s3, s7;
	s20 =	sand.u32 $0x1FFFFFF0, s18;
	s1 =	sadd.s32 s4, s11  }
0x56: {  	[tilespmem:s8], [sflag:$0x1] =	stream.linear.gather [hbm4b:s1+s2], $0x80, $0x38;
	[tilespmem:$0x10400] =	vst v63  }
0x57: {  	s22 =	sadd.s32 s4, s20;
	s20 =	simm.s32 $0x10;
	s21 =	spop (v2sf)  }
0x58: {  	[tilespmem:s31], [sflag:$0x1] =	stream.linear.gather [hbm4b:s19+s2], $0x80, $0x38;
	[tilespmem:$0x10400] =	vst v63  }
0x59: {  	s19 =	simm.s32 $0x0;
	s24 =	sand.u32 $0x1FFFFFF0, s21;
	s25 =	spop (v2sf)  }
0x5a: {  	(v2sf) =	vpush v0, $0xD;
	[tilespmem:s0], [sflag:$0x1] =	stream.linear.gather [hbm4b:s22+s2], $0x80, $0x38;
	[tilespmem:$0x10400] =	vst v63  }
0x5b: {  	(v2sf) =	vpush v1, $0xD;
	s21 =	simm.s32 $0x210;
	s28 =	sadd.s32 s3, s24;
	s29 =	sand.u32 $0x1FFFFFF0, s25  }
0x5c: {  	(v2sf) =	vpush v0, $0xE;
	s24 =	simm.s32 $0xB00;
	s22 =	simm.s32 $0x8B00;
	s31 =	spop (v2sf)  }
0x5d: {  	(v2sf) =	vpush v1, $0xE;
	[tilespmem:s26], [sflag:$0x1] =	stream.linear.gather [hbm4b:s28+s2], $0x80, $0x38;
	[tilespmem:$0x10400] =	vst v63  }
0x5e: {  	s30 =	sadd.s32 s4, s29;
	(v2sf) =	vpush v0, $0xF;
	s0 =	sand.u32 $0x1FFFFFF0, s31;
	s1 =	spop (v2sf)  }
0x5f: {  	(v2sf) =	vpush v1, $0xF;
	[tilespmem:s5], [sflag:$0x1] =	stream.linear.gather [hbm4b:s30+s2], $0x80, $0x38;
	[tilespmem:$0x10400] =	vst v63  }
.LBB2_2:
0x60: {  	_ =	sdelay $0x4  }
0x61: {  	s0 =	sadd.s32 s3, s0;
	s1 =	sand.u32 $0x1FFFFFF0, s1  }
0x62: {  	[tilespmem:s23], [sflag:$0x1] =	stream.linear.gather [hbm4b:s0+s19], $0x80, $0x38;
	[tilespmem:$0x10400] =	vst v63  }
0x63: {  	s1 =	sadd.s32 s4, s1  }
0x64: {  	[tilespmem:s13], [sflag:$0x1] =	stream.linear.gather [hbm4b:s1+s19], $0x80, $0x38;
	[tilespmem:$0x10400] =	vst v63  }
0x65: {  	s5 =	spop (v2sf)  }
0x66: {  	s6 =	sand.u32 $0x1FFFFFF0, s5;
	s7 =	spop (v2sf)  }
0x67: {  	s8 =	sadd.s32 s3, s6;
	s9 =	sand.u32 $0x1FFFFFF0, s7;
	s10 =	spop (v2sf)  }
0x68: {  	[tilespmem:s12], [sflag:$0x1] =	stream.linear.gather [hbm4b:s8+s19], $0x80, $0x38;
	[tilespmem:$0x10400] =	vst v63  }
0x69: {  	s11 =	sadd.s32 s4, s9;
	s12 =	sand.u32 $0x1FFFFFF0, s10;
	s13 =	spop (v2sf)  }
0x6a: {  	[tilespmem:s16], [sflag:$0x1] =	stream.linear.gather [hbm4b:s11+s19], $0x80, $0x38;
	[tilespmem:$0x10400] =	vst v63  }
0x6b: {  	s17 =	sadd.s32 s3, s12;
	s18 =	sand.u32 $0x1FFFFFF0, s13;
	s23 =	spop (v2sf)  }
0x6c: {  	[tilespmem:s24], [sflag:$0x1] =	stream.linear.gather [hbm4b:s17+s19], $0x80, $0x38;
	[tilespmem:$0x10400] =	vst v63  }
0x6d: {  	s25 =	sadd.s32 s4, s18;
	s26 =	sand.u32 $0x1FFFFFF0, s23;
	s28 =	spop (v2sf)  }
0x6e: {  	[tilespmem:s22], [sflag:$0x1] =	stream.linear.gather [hbm4b:s25+s19], $0x80, $0x38;
	[tilespmem:$0x10400] =	vst v63  }
0x6f: {  	s29 =	sadd.s32 $0xB80, s14;
	s1 =	sadd.s32 s3, s26;
	s5 =	sand.u32 $0x1FFFFFF0, s28  }
0x70: {  	[tilespmem:s29], [sflag:$0x1] =	stream.linear.gather [hbm4b:s1+s19], $0x80, $0x38;
	[tilespmem:$0x10400] =	vst v63  }
0x71: {  	s30 =	sadd.s32 $0x8B80, s14;
	s31 =	sadd.s32 s4, s5  }
0x72: {  	[tilespmem:s30], [sflag:$0x1] =	stream.linear.gather [hbm4b:s31+s19], $0x80, $0x38;
	[tilespmem:$0x10400] =	vst v63  }
0x73: {  	v0 =	vld [tilespmem:s20+$0x0]  }
0x74: {  	v2 =	vld [tilespmem:s21+$0x0];
	_ =	sdelay $0x3  }
0x75: {  	v1 =	vshll.u32 v0, $0x4  }
0x76: {  	s1 =	smov.u32 s15;
	v63 =	vshll.u32 v2, $0x4;
	(v2sf) =	vpush v1, $0x0  }
0x77: {  	p0 =	sne.s32 s15, $0xE000;
	s14 =	sshra.s32 s1, $0x2;
	(v2sf) =	vpush v63, $0x0  }
0x78: {  	s15 =	sadd.s32 $0x2000, s15;
	s19 =	simm.s32 $0x0;
	s28 =	sadd.s32 $0x8400, s14;
	(v2sf) =	vpush v1, $0x1  }
0x79: {  	s0 =	sadd.s32 $0x680, s14;
	s5 =	sadd.s32 $0x880, s14;
	s29 =	sadd.s32 $0x400, s14  }
0x7a: {  	s10 =	sadd.s32 $0x600, s14;
	s6 =	sadd.s32 $0x8900, s14;
	s16 =	sadd.s32 $0x580, s14;
	(v2sf) =	vpush v63, $0x1  }
0x7b: {  	s11 =	sadd.s32 $0x8580, s14;
	s26 =	sadd.s32 $0x500, s14;
	s13 =	sadd.s32 $0x8600, s14  }
0x7c: {  	s12 =	sadd.s32 $0xA80, s14;
	s17 =	sadd.s32 $0x8480, s14;
	[smem:$0x7F6] =	sst s0;
	(v2sf) =	vpush v1, $0x2  }
0x7d: {  	s25 =	sadd.s32 $0x8500, s14;
	s9 =	sadd.s32 $0x8680, s14;
	[dreg:$0xb] =	wrdreg s5  }
0x7e: {  	s8 =	sadd.s32 $0x700, s14;
	s7 =	sadd.s32 $0x8980, s14;
	[dreg:$0x3] =	wrdreg s6;
	(v2sf) =	vpush v63, $0x2  }
0x7f: {  	s1 =	sadd.s32 $0x8A80, s14;
	s18 =	sadd.s32 $0x8880, s14;
	[dreg:$0x7] =	wrdreg s7;
	(v2sf) =	vpush v1, $0x3  }
0x80: {  	s22 =	sadd.s32 $0x900, s14;
	s23 =	sadd.s32 $0x8800, s14;
	[dreg:$0x13] =	wrdreg s18  }
0x81: {  	s30 =	sadd.s32 $0x480, s14;
	s24 =	sadd.s32 $0x8780, s14;
	[dreg:$0xf] =	wrdreg s22;
	(v2sf) =	vpush v63, $0x3  }
0x82: {  	s31 =	sadd.s32 $0x800, s14;
	s5 =	sadd.s32 $0x8A00, s14;
	[dreg:$0x1b] =	wrdreg s23  }
0x83: {  	s7 =	sadd.s32 $0x8700, s14;
	s6 =	sadd.s32 $0x780, s14;
	[smem:$0x7F7] =	sst s24;
	(v2sf) =	vpush v1, $0x4  }
0x84: {  	s23 =	sadd.s32 $0xA00, s14;
	[dreg:$0x1f] =	wrdreg s31;
	s20 =	sadd.s32 $0x10, s20  }
0x85: {  	s21 =	sadd.s32 $0x10, s21;
	s18 =	sadd.s32 $0x980, s14;
	s31 =	spop (v2sf)  }
0x86: {  	[dreg:$0x17] =	wrdreg s18;
	s31 =	sand.u32 $0x1FFFFFF0, s31;
	s18 =	spop (v2sf)  }
0x87: {  	(v2sf) =	vpush v63, $0x4;
	s31 =	sadd.s32 s3, s31;
	s0 =	sand.u32 $0x1FFFFFF0, s18;
	s18 =	spop (v2sf)  }
0x88: {  	[tilespmem:s29], [sflag:$0x1] =	stream.linear.gather [hbm4b:s31+s19], $0x80, $0x38;
	[tilespmem:$0x10400] =	vst v63  }
0x89: {  	(v2sf) =	vpush v1, $0x5;
	s0 =	sadd.s32 s4, s0;
	s18 =	sand.u32 $0x1FFFFFF0, s18;
	s31 =	spop (v2sf)  }
0x8a: {  	[tilespmem:s28], [sflag:$0x1] =	stream.linear.gather [hbm4b:s0+s19], $0x80, $0x38;
	[tilespmem:$0x10400] =	vst v63  }
0x8b: {  	(v2sf) =	vpush v63, $0x5;
	s18 =	sadd.s32 s3, s18;
	s29 =	sand.u32 $0x1FFFFFF0, s31;
	s31 =	spop (v2sf)  }
0x8c: {  	[tilespmem:s30], [sflag:$0x1] =	stream.linear.gather [hbm4b:s18+s19], $0x80, $0x38;
	[tilespmem:$0x10400] =	vst v63  }
0x8d: {  	s24 =	sadd.s32 $0xB00, s14;
	(v2sf) =	vpush v1, $0x6;
	s30 =	sand.u32 $0x1FFFFFF0, s31;
	s31 =	spop (v2sf)  }
0x8e: {  	s22 =	sadd.s32 $0x8B00, s14;
	s29 =	sadd.s32 s4, s29;
	(v2sf) =	vpush v63, $0x6;
	s28 =	spop (v2sf)  }
0x8f: {  	[tilespmem:s17], [sflag:$0x1] =	stream.linear.gather [hbm4b:s29+s19], $0x80, $0x38;
	[tilespmem:$0x10400] =	vst v63  }
0x90: {  	s18 =	sand.u32 $0x1FFFFFF0, s31;
	(v2sf) =	vpush v1, $0x7;
	s17 =	sadd.s32 s3, s30;
	s31 =	spop (v2sf)  }
0x91: {  	(v2sf) =	vpush v63, $0x7;
	[tilespmem:s26], [sflag:$0x1] =	stream.linear.gather [hbm4b:s17+s19], $0x80, $0x38;
	[tilespmem:$0x10400] =	vst v63  }
0x92: {  	s29 =	sadd.s32 s4, s18;
	s30 =	sand.u32 $0x1FFFFFF0, s28;
	s28 =	spop (v2sf)  }
0x93: {  	[tilespmem:s25], [sflag:$0x1] =	stream.linear.gather [hbm4b:s29+s19], $0x80, $0x38;
	[tilespmem:$0x10400] =	vst v63  }
0x94: {  	s26 =	sand.u32 $0x1FFFFFF0, s31;
	s17 =	sld [smem:$0x7F6];
	s25 =	sadd.s32 s3, s30  }
0x95: {  	(v2sf) =	vpush v1, $0x8;
	[tilespmem:s16], [sflag:$0x1] =	stream.linear.gather [hbm4b:s25+s19], $0x80, $0x38;
	[tilespmem:$0x10400] =	vst v63  }
0x96: {  	s29 =	sadd.s32 s4, s26;
	s30 =	sand.u32 $0x1FFFFFF0, s28;
	s31 =	spop (v2sf)  }
0x97: {  	[tilespmem:s11], [sflag:$0x1] =	stream.linear.gather [hbm4b:s29+s19], $0x80, $0x38;
	[tilespmem:$0x10400] =	vst v63  }
0x98: {  	s16 =	sadd.s32 s3, s30;
	s18 =	sand.u32 $0x1FFFFFF0, s31;
	s25 =	spop (v2sf)  }
0x99: {  	(v2sf) =	vpush v63, $0x8;
	[tilespmem:s10], [sflag:$0x1] =	stream.linear.gather [hbm4b:s16+s19], $0x80, $0x38;
	[tilespmem:$0x10400] =	vst v63  }
0x9a: {  	(v2sf) =	vpush v1, $0x9;
	s26 =	sadd.s32 s4, s18;
	s28 =	sand.u32 $0x1FFFFFF0, s25;
	s29 =	spop (v2sf)  }
0x9b: {  	[tilespmem:s13], [sflag:$0x1] =	stream.linear.gather [hbm4b:s26+s19], $0x80, $0x38;
	[tilespmem:$0x10400] =	vst v63  }
0x9c: {  	(v2sf) =	vpush v63, $0x9;
	s16 =	smov.u32 s1;
	s13 =	smov.u32 s5;
	s5 =	spop (v2sf)  }
0x9d: {  	s30 =	sadd.s32 s3, s28;
	s31 =	sand.u32 $0x1FFFFFF0, s29;
	s26 =	spop (v2sf)  }
0x9e: {  	[tilespmem:s17], [sflag:$0x1] =	stream.linear.gather [hbm4b:s30+s19], $0x80, $0x38;
	[tilespmem:$0x10400] =	vst v63  }
0x9f: {  	s18 =	sadd.s32 s4, s31;
	s25 =	sand.u32 $0x1FFFFFF0, s5;
	s30 =	spop (v2sf)  }
0xa0: {  	(v2sf) =	vpush v1, $0xA;
	s28 =	sadd.s32 s3, s25;
	s29 =	sand.u32 $0x1FFFFFF0, s26;
	s5 =	spop (v2sf)  }
0xa1: {  	[tilespmem:s9], [sflag:$0x1] =	stream.linear.gather [hbm4b:s18+s19], $0x80, $0x38;
	[tilespmem:$0x10400] =	vst v63  }
0xa2: {  	(v2sf) =	vpush v63, $0xA;
	s31 =	sadd.s32 s4, s29;
	s1 =	sand.u32 $0x1FFFFFF0, s30;
	s11 =	sand.u32 $0x1FFFFFF0, s5  }
0xa3: {  	[tilespmem:s8], [sflag:$0x1] =	stream.linear.gather [hbm4b:s28+s19], $0x80, $0x38;
	[tilespmem:$0x10400] =	vst v63  }
0xa4: {  	(v2sf) =	vpush v1, $0xB;
	s17 =	spop (v2sf);
	s18 =	sadd.s32 s4, s11;
	s11 =	rddreg [dreg:$0x1b]  }
0xa5: {  	[tilespmem:s7], [sflag:$0x1] =	stream.linear.gather [hbm4b:s31+s19], $0x80, $0x38;
	[tilespmem:$0x10400] =	vst v63  }
0xa6: {  	(v2sf) =	vpush v63, $0xB;
	s10 =	sadd.s32 s3, s1;
	s25 =	sand.u32 $0x1FFFFFF0, s17;
	s28 =	sld [smem:$0x7F7]  }
0xa7: {  	[tilespmem:s6], [sflag:$0x1] =	stream.linear.gather [hbm4b:s10+s19], $0x80, $0x38;
	[tilespmem:$0x10400] =	vst v63  }
0xa8: {  	s29 =	sadd.s32 s3, s25;
	s7 =	rddreg [dreg:$0x1f];
	s26 =	spop (v2sf)  }
0xa9: {  	(v2sf) =	vpush v1, $0xC;
	s30 =	sand.u32 $0x1FFFFFF0, s26;
	s31 =	spop (v2sf);
	s26 =	rddreg [dreg:$0xb]  }
0xaa: {  	[tilespmem:s28], [sflag:$0x1] =	stream.linear.gather [hbm4b:s18+s19], $0x80, $0x38;
	[tilespmem:$0x10400] =	vst v63  }
0xab: {  	(v2sf) =	vpush v63, $0xC;
	s8 =	sadd.s32 s4, s30;
	s9 =	sand.u32 $0x1FFFFFF0, s31;
	s10 =	spop (v2sf)  }
0xac: {  	[tilespmem:s7], [sflag:$0x1] =	stream.linear.gather [hbm4b:s29+s19], $0x80, $0x38;
	[tilespmem:$0x10400] =	vst v63  }
0xad: {  	s31 =	rddreg [dreg:$0x13];
	s17 =	sadd.s32 s3, s9;
	s18 =	sand.u32 $0x1FFFFFF0, s10  }
0xae: {  	[tilespmem:s11], [sflag:$0x1] =	stream.linear.gather [hbm4b:s8+s19], $0x80, $0x38;
	[tilespmem:$0x10400] =	vst v63  }
0xaf: {  	s9 =	rddreg [dreg:$0xf];
	s28 =	sadd.s32 s4, s18;
	s25 =	spop (v2sf)  }
0xb0: {  	[tilespmem:s26], [sflag:$0x1] =	stream.linear.gather [hbm4b:s17+s19], $0x80, $0x38;
	[tilespmem:$0x10400] =	vst v63  }
0xb1: {  	s18 =	rddreg [dreg:$0x3];
	s29 =	sand.u32 $0x1FFFFFF0, s25;
	s30 =	spop (v2sf)  }
0xb2: {  	[tilespmem:s31], [sflag:$0x1] =	stream.linear.gather [hbm4b:s28+s19], $0x80, $0x38;
	[tilespmem:$0x10400] =	vst v63  }
0xb3: {  	s6 =	sadd.s32 s3, s29;
	s7 =	sand.u32 $0x1FFFFFF0, s30;
	s8 =	spop (v2sf)  }
0xb4: {  	[tilespmem:s9], [sflag:$0x1] =	stream.linear.gather [hbm4b:s6+s19], $0x80, $0x38;
	[tilespmem:$0x10400] =	vst v63  }
0xb5: {  	s29 =	rddreg [dreg:$0x17];
	s10 =	sadd.s32 s4, s7;
	s17 =	spop (v2sf)  }
0xb6: {  	(v2sf) =	vpush v1, $0xD;
	[tilespmem:s18], [sflag:$0x1] =	stream.linear.gather [hbm4b:s10+s19], $0x80, $0x38;
	[tilespmem:$0x10400] =	vst v63  }
.Ltmp0:
0xb7: {  	(v2sf) =	vpush v63, $0xD;
	s11 =	sand.u32 $0x1FFFFFF0, s8;
	s26 =	sand.u32 $0x1FFFFFF0, s17;
	(pc) =	sbr.rel @p0 .LBB2_2-.Ltmp0, $4  }
0xb8: {  	(v2sf) =	vpush v1, $0xE;
	s25 =	sadd.s32 s3, s11;
	s28 =	spop (v2sf);
	s30 =	sadd.s32 s4, s26  }
0xb9: {  	(v2sf) =	vpush v63, $0xE;
	[tilespmem:s29], [sflag:$0x1] =	stream.linear.gather [hbm4b:s25+s19], $0x80, $0x38;
	[tilespmem:$0x10400] =	vst v63  }
0xba: {  	(v2sf) =	vpush v1, $0xF;
	s31 =	rddreg [dreg:$0x7];
	s0 =	sand.u32 $0x1FFFFFF0, s28;
	s1 =	spop (v2sf)  }
0xbb: {  	(v2sf) =	vpush v63, $0xF;
	[tilespmem:s31], [sflag:$0x1] =	stream.linear.gather [hbm4b:s30+s19], $0x80, $0x38;
	[tilespmem:$0x10400] =	vst v63  }
0xbc: {  	_ =	sdelay $0x4  }
0xbd: {  	s0 =	sadd.s32 s3, s0;
	s1 =	sand.u32 $0x1FFFFFF0, s1  }
0xbe: {  	[tilespmem:s23], [sflag:$0x1] =	stream.linear.gather [hbm4b:s0+s19], $0x80, $0x38;
	[tilespmem:$0x10400] =	vst v63  }
0xbf: {  	s29 =	sadd.s32 s4, s1  }
0xc0: {  	[tilespmem:s13], [sflag:$0x1] =	stream.linear.gather [hbm4b:s29+s19], $0x80, $0x38;
	[tilespmem:$0x10400] =	vst v63  }
0xc1: {  	s5 =	spop (v2sf)  }
0xc2: {  	s30 =	sand.u32 $0x1FFFFFF0, s5;
	s31 =	spop (v2sf)  }
0xc3: {  	s6 =	sadd.s32 s3, s30;
	s7 =	sand.u32 $0x1FFFFFF0, s31;
	s8 =	spop (v2sf)  }
0xc4: {  	[tilespmem:s12], [sflag:$0x1] =	stream.linear.gather [hbm4b:s6+s19], $0x80, $0x38;
	[tilespmem:$0x10400] =	vst v63  }
0xc5: {  	s9 =	sadd.s32 s4, s7;
	s10 =	sand.u32 $0x1FFFFFF0, s8;
	s11 =	spop (v2sf)  }
0xc6: {  	[tilespmem:s16], [sflag:$0x1] =	stream.linear.gather [hbm4b:s9+s19], $0x80, $0x38;
	[tilespmem:$0x10400] =	vst v63  }
0xc7: {  	s12 =	sadd.s32 s3, s10;
	s13 =	sand.u32 $0x1FFFFFF0, s11;
	s15 =	spop (v2sf)  }
0xc8: {  	[tilespmem:s24], [sflag:$0x1] =	stream.linear.gather [hbm4b:s12+s19], $0x80, $0x38;
	[tilespmem:$0x10400] =	vst v63  }
0xc9: {  	s16 =	sadd.s32 s4, s13;
	s17 =	sand.u32 $0x1FFFFFF0, s15;
	s18 =	spop (v2sf)  }
0xca: {  	[tilespmem:s22], [sflag:$0x1] =	stream.linear.gather [hbm4b:s16+s19], $0x80, $0x38;
	[tilespmem:$0x10400] =	vst v63  }
0xcb: {  	s20 =	sadd.s32 $0xB80, s14;
	s1 =	sadd.s32 s3, s17;
	s5 =	sand.u32 $0x1FFFFFF0, s18  }
0xcc: {  	[tilespmem:s20], [sflag:$0x1] =	stream.linear.gather [hbm4b:s1+s19], $0x80, $0x38;
	[tilespmem:$0x10400] =	vst v63  }
0xcd: {  	s21 =	sadd.s32 $0x8B80, s14;
	s23 =	simm.s32 $0x80;
	s22 =	sadd.s32 s4, s5  }
0xce: {  	[tilespmem:s21], [sflag:$0x1] =	stream.linear.gather [hbm4b:s22+s19], $0x80, $0x38;
	[tilespmem:$0x10400] =	vst v63  }
0xcf: {  	s24 =	simm.s32 $0x280;
	v0 =	vld [tilespmem:s23+$0x0]  }
0xd0: {  	v2 =	vld [tilespmem:s24+$0x0];
	_ =	sdelay $0x3  }
0xd1: {  	v1 =	vshll.u32 v0, $0x4  }
0xd2: {  	v63 =	vshll.u32 v2, $0x4;
	(v2sf) =	vpush v1, $0x0  }
0xd3: {  	(v2sf) =	vpush v63, $0x0  }
0xd4: {  	(v2sf) =	vpush v1, $0x1;
	_ =	sdelay $0x1  }
0xd5: {  	(v2sf) =	vpush v63, $0x1;
	_ =	sdelay $0x3  }
0xd6: {  	(v2sf) =	vpush v1, $0x2;
	_ =	sdelay $0x1  }
0xd7: {  	(v2sf) =	vpush v63, $0x2  }
0xd8: {  	s14 =	simm.s32 $0x0;
	(v2sf) =	vpush v1, $0x3  }
0xd9: {  	s0 =	simm.s32 $0xC900;
	s29 =	simm.s32 $0x4480;
	s6 =	simm.s32 $0xC400  }
0xda: {  	s7 =	simm.s32 $0x4400;
	s10 =	simm.s32 $0x4580;
	s15 =	simm.s32 $0x2000;
	(v2sf) =	vpush v63, $0x3  }
0xdb: {  	s9 =	simm.s32 $0x4600;
	s13 =	simm.s32 $0x4500;
	s18 =	simm.s32 $0xC500  }
0xdc: {  	s5 =	simm.s32 $0x4680;
	s1 =	simm.s32 $0x4880;
	s8 =	spop (v2sf)  }
0xdd: {  	s23 =	simm.s32 $0xC600;
	s8 =	sand.u32 $0x1FFFFFF0, s8;
	s11 =	spop (v2sf)  }
0xde: {  	(v2sf) =	vpush v1, $0x4;
	s8 =	sadd.s32 s3, s8;
	s25 =	sand.u32 $0x1FFFFFF0, s11;
	s26 =	spop (v2sf)  }
0xdf: {  	(v2sf) =	vpush v63, $0x4;
	[tilespmem:s7], [sflag:$0x1] =	stream.linear.gather [hbm4b:s8+s2], $0x80, $0x38;
	[tilespmem:$0x10400] =	vst v63  }
0xe0: {  	s8 =	sadd.s32 s4, s25;
	s11 =	sand.u32 $0x1FFFFFF0, s26;
	s28 =	spop (v2sf)  }
0xe1: {  	(v2sf) =	vpush v1, $0x5;
	[tilespmem:s6], [sflag:$0x1] =	stream.linear.gather [hbm4b:s8+s2], $0x80, $0x38;
	[tilespmem:$0x10400] =	vst v63  }
0xe2: {  	s7 =	simm.s32 $0xC580;
	s30 =	sadd.s32 s3, s11;
	s31 =	sand.u32 $0x1FFFFFF0, s28  }
0xe3: {  	[tilespmem:s29], [sflag:$0x1] =	stream.linear.gather [hbm4b:s30+s2], $0x80, $0x38;
	[tilespmem:$0x10400] =	vst v63  }
0xe4: {  	s12 =	spop (v2sf);
	(v2sf) =	vpush v63, $0x5;
	s8 =	simm.s32 $0xC480;
	s11 =	sadd.s32 s4, s31  }
0xe5: {  	(v2sf) =	vpush v1, $0x6;
	[tilespmem:s8], [sflag:$0x1] =	stream.linear.gather [hbm4b:s11+s2], $0x80, $0x38;
	[tilespmem:$0x10400] =	vst v63  }
0xe6: {  	s16 =	spop (v2sf);
	s31 =	simm.s32 $0x4700;
	s8 =	sand.u32 $0x1FFFFFF0, s12  }
0xe7: {  	s17 =	spop (v2sf);
	(v2sf) =	vpush v63, $0x6;
	s11 =	sand.u32 $0x1FFFFFF0, s16;
	s8 =	sadd.s32 s3, s8  }
0xe8: {  	[tilespmem:s13], [sflag:$0x1] =	stream.linear.gather [hbm4b:s8+s2], $0x80, $0x38;
	[tilespmem:$0x10400] =	vst v63  }
0xe9: {  	s20 =	sand.u32 $0x1FFFFFF0, s17;
	s21 =	spop (v2sf);
	s19 =	sadd.s32 s4, s11  }
0xea: {  	[tilespmem:s18], [sflag:$0x1] =	stream.linear.gather [hbm4b:s19+s2], $0x80, $0x38;
	[tilespmem:$0x10400] =	vst v63  }
0xeb: {  	(v2sf) =	vpush v1, $0x7;
	s29 =	simm.s32 $0xC680;
	s22 =	sadd.s32 s3, s20;
	s6 =	sand.u32 $0x1FFFFFF0, s21  }
0xec: {  	[tilespmem:s10], [sflag:$0x1] =	stream.linear.gather [hbm4b:s22+s2], $0x80, $0x38;
	[tilespmem:$0x10400] =	vst v63  }
0xed: {  	(v2sf) =	vpush v63, $0x7;
	s20 =	simm.s32 $0xC700;
	s12 =	simm.s32 $0xCA00;
	s24 =	spop (v2sf)  }
0xee: {  	s6 =	sadd.s32 s4, s6;
	s10 =	sand.u32 $0x1FFFFFF0, s24;
	s25 =	spop (v2sf)  }
0xef: {  	(v2sf) =	vpush v1, $0x8;
	[tilespmem:s7], [sflag:$0x1] =	stream.linear.gather [hbm4b:s6+s2], $0x80, $0x38;
	[tilespmem:$0x10400] =	vst v63  }
0xf0: {  	s26 =	sadd.s32 s3, s10;
	s28 =	sand.u32 $0x1FFFFFF0, s25;
	s30 =	spop (v2sf)  }
0xf1: {  	(v2sf) =	vpush v63, $0x8;
	[tilespmem:s9], [sflag:$0x1] =	stream.linear.gather [hbm4b:s26+s2], $0x80, $0x38;
	[tilespmem:$0x10400] =	vst v63  }
0xf2: {  	s13 =	simm.s32 $0x4A80;
	s7 =	sadd.s32 s4, s28;
	s9 =	sand.u32 $0x1FFFFFF0, s30  }
0xf3: {  	(v2sf) =	vpush v1, $0x9;
	s10 =	spop (v2sf);
	s26 =	simm.s32 $0xC780;
	s8 =	sadd.s32 s3, s9  }
0xf4: {  	(v2sf) =	vpush v63, $0x9;
	s9 =	sand.u32 $0x1FFFFFF0, s10;
	s11 =	spop (v2sf);
	s10 =	simm.s32 $0xCA80  }
0xf5: {  	[tilespmem:s23], [sflag:$0x1] =	stream.linear.gather [hbm4b:s7+s2], $0x80, $0x38;
	[tilespmem:$0x10400] =	vst v63  }
0xf6: {  	(v2sf) =	vpush v1, $0xA;
	s16 =	sadd.s32 s4, s9;
	s17 =	sand.u32 $0x1FFFFFF0, s11;
	s18 =	spop (v2sf)  }
0xf7: {  	(v2sf) =	vpush v63, $0xA;
	[tilespmem:s5], [sflag:$0x1] =	stream.linear.gather [hbm4b:s8+s2], $0x80, $0x38;
	[tilespmem:$0x10400] =	vst v63  }
0xf8: {  	s23 =	simm.s32 $0x4780;
	s11 =	simm.s32 $0xC880;
	s19 =	sadd.s32 s3, s17  }
0xf9: {  	[tilespmem:s29], [sflag:$0x1] =	stream.linear.gather [hbm4b:s16+s2], $0x80, $0x38;
	[tilespmem:$0x10400] =	vst v63  }
0xfa: {  	s6 =	sand.u32 $0x1FFFFFF0, s18;
	s21 =	spop (v2sf);
	(v2sf) =	vpush v1, $0xB;
	s17 =	simm.s32 $0x4900  }
0xfb: {  	[tilespmem:s31], [sflag:$0x1] =	stream.linear.gather [hbm4b:s19+s2], $0x80, $0x38;
	[tilespmem:$0x10400] =	vst v63  }
0xfc: {  	s6 =	sadd.s32 s4, s6;
	s8 =	sand.u32 $0x1FFFFFF0, s21;
	s22 =	spop (v2sf)  }
0xfd: {  	[tilespmem:s20], [sflag:$0x1] =	stream.linear.gather [hbm4b:s6+s2], $0x80, $0x38;
	[tilespmem:$0x10400] =	vst v63  }
0xfe: {  	(v2sf) =	vpush v63, $0xB;
	s24 =	sadd.s32 s3, s8;
	s25 =	sand.u32 $0x1FFFFFF0, s22;
	s28 =	spop (v2sf)  }
0xff: {  	[tilespmem:s23], [sflag:$0x1] =	stream.linear.gather [hbm4b:s24+s2], $0x80, $0x38;
	[tilespmem:$0x10400] =	vst v63  }
0x100: {  	s5 =	simm.s32 $0xC980;
	s8 =	sadd.s32 s4, s25;
	s30 =	spop (v2sf)  }
0x101: {  	[tilespmem:s26], [sflag:$0x1] =	stream.linear.gather [hbm4b:s8+s2], $0x80, $0x38;
	[tilespmem:$0x10400] =	vst v63  }
0x102: {  	s29 =	simm.s32 $0x4800;
	s7 =	sand.u32 $0x1FFFFFF0, s28;
	(v2sf) =	vpush v1, $0xC;
	s31 =	spop (v2sf)  }
0x103: {  	s7 =	sadd.s32 s3, s7;
	s8 =	sand.u32 $0x1FFFFFF0, s30;
	s16 =	spop (v2sf)  }
0x104: {  	(v2sf) =	vpush v63, $0xC;
	[tilespmem:s29], [sflag:$0x1] =	stream.linear.gather [hbm4b:s7+s2], $0x80, $0x38;
	[tilespmem:$0x10400] =	vst v63  }
0x105: {  	s26 =	simm.s32 $0x4980;
	s8 =	sadd.s32 s4, s8;
	s18 =	spop (v2sf)  }
0x106: {  	s9 =	sand.u32 $0x1FFFFFF0, s31;
	s7 =	simm.s32 $0xC800;
	s19 =	spop (v2sf)  }
0x107: {  	[tilespmem:s7], [sflag:$0x1] =	stream.linear.gather [hbm4b:s8+s2], $0x80, $0x38;
	[tilespmem:$0x10400] =	vst v63  }
0x108: {  	s8 =	sadd.s32 s3, s9;
	s7 =	sand.u32 $0x1FFFFFF0, s16;
	s21 =	sand.u32 $0x1FFFFFF0, s19  }
0x109: {  	s22 =	spop (v2sf);
	s19 =	simm.s32 $0x290;
	s7 =	sadd.s32 s4, s7  }
0x10a: {  	[tilespmem:s1], [sflag:$0x1] =	stream.linear.gather [hbm4b:s8+s2], $0x80, $0x38;
	[tilespmem:$0x10400] =	vst v63  }
0x10b: {  	s23 =	sadd.s32 s4, s21;
	s24 =	sand.u32 $0x1FFFFFF0, s22;
	s8 =	sand.u32 $0x1FFFFFF0, s18  }
0x10c: {  	[tilespmem:s11], [sflag:$0x1] =	stream.linear.gather [hbm4b:s7+s2], $0x80, $0x38;
	[tilespmem:$0x10400] =	vst v63  }
0x10d: {  	s25 =	spop (v2sf);
	s22 =	simm.s32 $0x4B00;
	s20 =	sadd.s32 s3, s8  }
0x10e: {  	[tilespmem:s17], [sflag:$0x1] =	stream.linear.gather [hbm4b:s20+s2], $0x80, $0x38;
	[tilespmem:$0x10400] =	vst v63  }
0x10f: {  	(v2sf) =	vpush v1, $0xD;
	s21 =	simm.s32 $0xCB00;
	s28 =	sadd.s32 s3, s24;
	s29 =	sand.u32 $0x1FFFFFF0, s25  }
0x110: {  	(v2sf) =	vpush v63, $0xD;
	[tilespmem:s0], [sflag:$0x1] =	stream.linear.gather [hbm4b:s23+s2], $0x80, $0x38;
	[tilespmem:$0x10400] =	vst v63  }
0x111: {  	(v2sf) =	vpush v1, $0xE;
	s30 =	sadd.s32 s4, s29;
	s20 =	simm.s32 $0x90;
	s31 =	spop (v2sf)  }
0x112: {  	(v2sf) =	vpush v63, $0xE;
	[tilespmem:s26], [sflag:$0x1] =	stream.linear.gather [hbm4b:s28+s2], $0x80, $0x38;
	[tilespmem:$0x10400] =	vst v63  }
0x113: {  	(v2sf) =	vpush v1, $0xF;
	s23 =	simm.s32 $0x4A00;
	s0 =	sand.u32 $0x1FFFFFF0, s31;
	s1 =	spop (v2sf)  }
0x114: {  	(v2sf) =	vpush v63, $0xF;
	[tilespmem:s5], [sflag:$0x1] =	stream.linear.gather [hbm4b:s30+s2], $0x80, $0x38;
	[tilespmem:$0x10400] =	vst v63  }
.LBB2_4:
0x115: {  	_ =	sdelay $0x4  }
0x116: {  	s0 =	sadd.s32 s3, s0;
	s1 =	sand.u32 $0x1FFFFFF0, s1  }
0x117: {  	[tilespmem:s23], [sflag:$0x1] =	stream.linear.gather [hbm4b:s0+s2], $0x80, $0x38;
	[tilespmem:$0x10400] =	vst v63  }
0x118: {  	s18 =	sadd.s32 s4, s1  }
0x119: {  	[tilespmem:s12], [sflag:$0x1] =	stream.linear.gather [hbm4b:s18+s2], $0x80, $0x38;
	[tilespmem:$0x10400] =	vst v63  }
0x11a: {  	s5 =	spop (v2sf)  }
0x11b: {  	s23 =	sand.u32 $0x1FFFFFF0, s5;
	s24 =	spop (v2sf)  }
0x11c: {  	s25 =	sadd.s32 s3, s23;
	s26 =	sand.u32 $0x1FFFFFF0, s24;
	s28 =	spop (v2sf)  }
0x11d: {  	[tilespmem:s13], [sflag:$0x1] =	stream.linear.gather [hbm4b:s25+s2], $0x80, $0x38;
	[tilespmem:$0x10400] =	vst v63  }
0x11e: {  	s29 =	sadd.s32 s4, s26;
	s30 =	sand.u32 $0x1FFFFFF0, s28;
	s31 =	spop (v2sf)  }
0x11f: {  	[tilespmem:s10], [sflag:$0x1] =	stream.linear.gather [hbm4b:s29+s2], $0x80, $0x38;
	[tilespmem:$0x10400] =	vst v63  }
0x120: {  	s6 =	sadd.s32 s3, s30;
	s7 =	sand.u32 $0x1FFFFFF0, s31;
	s8 =	spop (v2sf)  }
0x121: {  	[tilespmem:s22], [sflag:$0x1] =	stream.linear.gather [hbm4b:s6+s2], $0x80, $0x38;
	[tilespmem:$0x10400] =	vst v63  }
0x122: {  	s9 =	sadd.s32 s4, s7;
	s10 =	sand.u32 $0x1FFFFFF0, s8;
	s11 =	spop (v2sf)  }
0x123: {  	[tilespmem:s21], [sflag:$0x1] =	stream.linear.gather [hbm4b:s9+s2], $0x80, $0x38;
	[tilespmem:$0x10400] =	vst v63  }
0x124: {  	s12 =	sadd.s32 $0x4B80, s14;
	s1 =	sadd.s32 s3, s10;
	s5 =	sand.u32 $0x1FFFFFF0, s11  }
0x125: {  	[tilespmem:s12], [sflag:$0x1] =	stream.linear.gather [hbm4b:s1+s2], $0x80, $0x38;
	[tilespmem:$0x10400] =	vst v63  }
0x126: {  	s13 =	sadd.s32 $0xCB80, s14;
	s14 =	sadd.s32 s4, s5  }
0x127: {  	[tilespmem:s13], [sflag:$0x1] =	stream.linear.gather [hbm4b:s14+s2], $0x80, $0x38;
	[tilespmem:$0x10400] =	vst v63  }
0x128: {  	v0 =	vld [tilespmem:s20+$0x0]  }
0x129: {  	v2 =	vld [tilespmem:s19+$0x0];
	_ =	sdelay $0x3  }
0x12a: {  	v1 =	vshll.u32 v0, $0x4  }
0x12b: {  	v63 =	vshll.u32 v2, $0x4;
	(v2sf) =	vpush v1, $0x0  }
0x12c: {  	s16 =	smov.u32 s15;
	(v2sf) =	vpush v63, $0x0  }
0x12d: {  	s14 =	sshra.s32 s16, $0x2;
	(v2sf) =	vpush v1, $0x1  }
0x12e: {  	p0 =	sne.s32 s15, $0xE000;
	s15 =	sadd.s32 $0x2000, s15;
	s25 =	sadd.s32 $0xC400, s14  }
0x12f: {  	s0 =	sadd.s32 $0x4680, s14;
	s17 =	sadd.s32 $0x4880, s14;
	s28 =	sadd.s32 $0x4400, s14;
	(v2sf) =	vpush v63, $0x1  }
0x130: {  	s10 =	sadd.s32 $0x4600, s14;
	s18 =	sadd.s32 $0xC900, s14;
	s31 =	sadd.s32 $0x4580, s14  }
0x131: {  	s11 =	sadd.s32 $0xC580, s14;
	s12 =	sadd.s32 $0xCA00, s14;
	s24 =	sadd.s32 $0x4500, s14;
	(v2sf) =	vpush v1, $0x2  }
0x132: {  	s1 =	sadd.s32 $0xC600, s14;
	s13 =	sadd.s32 $0x4A80, s14;
	s26 =	sadd.s32 $0xC480, s14  }
0x133: {  	s16 =	sadd.s32 $0xC500, s14;
	s9 =	sadd.s32 $0xC680, s14;
	[smem:$0x7F4] =	sst s0;
	(v2sf) =	vpush v63, $0x2  }
0x134: {  	s8 =	sadd.s32 $0x4700, s14;
	s21 =	sadd.s32 $0xC980, s14;
	[dreg:$0xc] =	wrdreg s17  }
0x135: {  	s5 =	sadd.s32 $0xCA80, s14;
	s7 =	sadd.s32 $0xC700, s14;
	[dreg:$0x4] =	wrdreg s18;
	(v2sf) =	vpush v1, $0x3  }
0x136: {  	s22 =	sadd.s32 $0xC880, s14;
	s23 =	sadd.s32 $0x4900, s14;
	[dreg:$0x8] =	wrdreg s21;
	(v2sf) =	vpush v63, $0x3  }
0x137: {  	s6 =	sadd.s32 $0x4780, s14;
	s29 =	sadd.s32 $0xC800, s14;
	[dreg:$0x14] =	wrdreg s22  }
0x138: {  	s30 =	sadd.s32 $0x4800, s14;
	s19 =	sadd.s32 $0x10, s19;
	[dreg:$0x10] =	wrdreg s23;
	(v2sf) =	vpush v1, $0x4  }
0x139: {  	s20 =	sadd.s32 $0x10, s20;
	[dreg:$0x1c] =	wrdreg s29;
	s29 =	sadd.s32 $0x4480, s14  }
0x13a: {  	[smem:$0x7F5] =	sst s30;
	s17 =	sadd.s32 $0x4980, s14;
	s30 =	spop (v2sf)  }
0x13b: {  	[dreg:$0x18] =	wrdreg s17;
	s30 =	sand.u32 $0x1FFFFFF0, s30;
	s17 =	spop (v2sf)  }
0x13c: {  	(v2sf) =	vpush v63, $0x4;
	s30 =	sadd.s32 s3, s30;
	s17 =	sand.u32 $0x1FFFFFF0, s17;
	s0 =	spop (v2sf)  }
0x13d: {  	[tilespmem:s28], [sflag:$0x1] =	stream.linear.gather [hbm4b:s30+s2], $0x80, $0x38;
	[tilespmem:$0x10400] =	vst v63  }
0x13e: {  	(v2sf) =	vpush v1, $0x5;
	s17 =	sadd.s32 s4, s17;
	s0 =	sand.u32 $0x1FFFFFF0, s0;
	s30 =	spop (v2sf)  }
0x13f: {  	(v2sf) =	vpush v63, $0x5;
	[tilespmem:s25], [sflag:$0x1] =	stream.linear.gather [hbm4b:s17+s2], $0x80, $0x38;
	[tilespmem:$0x10400] =	vst v63  }
0x140: {  	s0 =	sadd.s32 s3, s0;
	s28 =	sand.u32 $0x1FFFFFF0, s30;
	s30 =	spop (v2sf)  }
0x141: {  	(v2sf) =	vpush v1, $0x6;
	[tilespmem:s29], [sflag:$0x1] =	stream.linear.gather [hbm4b:s0+s2], $0x80, $0x38;
	[tilespmem:$0x10400] =	vst v63  }
0x142: {  	s28 =	sadd.s32 s4, s28;
	s29 =	sand.u32 $0x1FFFFFF0, s30;
	s30 =	spop (v2sf)  }
0x143: {  	(v2sf) =	vpush v63, $0x6;
	[tilespmem:s26], [sflag:$0x1] =	stream.linear.gather [hbm4b:s28+s2], $0x80, $0x38;
	[tilespmem:$0x10400] =	vst v63  }
0x144: {  	s23 =	sadd.s32 $0x4A00, s14;
	s18 =	sadd.s32 $0xC780, s14;
	s26 =	spop (v2sf)  }
0x145: {  	s17 =	sadd.s32 s3, s29;
	s25 =	sand.u32 $0x1FFFFFF0, s30;
	(v2sf) =	vpush v1, $0x7;
	s30 =	spop (v2sf)  }
0x146: {  	[tilespmem:s24], [sflag:$0x1] =	stream.linear.gather [hbm4b:s17+s2], $0x80, $0x38;
	[tilespmem:$0x10400] =	vst v63  }
0x147: {  	s28 =	sadd.s32 s4, s25;
	s29 =	sand.u32 $0x1FFFFFF0, s26;
	(v2sf) =	vpush v63, $0x7;
	s24 =	spop (v2sf)  }
0x148: {  	(v2sf) =	vpush v1, $0x8;
	[tilespmem:s16], [sflag:$0x1] =	stream.linear.gather [hbm4b:s28+s2], $0x80, $0x38;
	[tilespmem:$0x10400] =	vst v63  }
0x149: {  	s22 =	sadd.s32 $0x4B00, s14;
	s17 =	sand.u32 $0x1FFFFFF0, s30;
	s16 =	sadd.s32 s3, s29  }
0x14a: {  	[tilespmem:s31], [sflag:$0x1] =	stream.linear.gather [hbm4b:s16+s2], $0x80, $0x38;
	[tilespmem:$0x10400] =	vst v63  }
0x14b: {  	s21 =	sadd.s32 $0xCB00, s14;
	s25 =	sadd.s32 s4, s17;
	s28 =	spop (v2sf)  }
0x14c: {  	[tilespmem:s11], [sflag:$0x1] =	stream.linear.gather [hbm4b:s25+s2], $0x80, $0x38;
	[tilespmem:$0x10400] =	vst v63  }
0x14d: {  	s26 =	sand.u32 $0x1FFFFFF0, s24;
	s30 =	sand.u32 $0x1FFFFFF0, s28;
	s31 =	spop (v2sf)  }
0x14e: {  	s29 =	sadd.s32 s3, s26;
	(v2sf) =	vpush v63, $0x8;
	s11 =	sadd.s32 s4, s30;
	s24 =	spop (v2sf)  }
0x14f: {  	(v2sf) =	vpush v1, $0x9;
	[tilespmem:s10], [sflag:$0x1] =	stream.linear.gather [hbm4b:s29+s2], $0x80, $0x38;
	[tilespmem:$0x10400] =	vst v63  }
0x150: {  	s17 =	sand.u32 $0x1FFFFFF0, s31;
	s28 =	spop (v2sf);
	s29 =	sld [smem:$0x7F4]  }
0x151: {  	(v2sf) =	vpush v63, $0x9;
	[tilespmem:s1], [sflag:$0x1] =	stream.linear.gather [hbm4b:s11+s2], $0x80, $0x38;
	[tilespmem:$0x10400] =	vst v63  }
0x152: {  	s25 =	sadd.s32 s3, s17;
	s26 =	sand.u32 $0x1FFFFFF0, s24;
	s1 =	spop (v2sf)  }
0x153: {  	[tilespmem:s29], [sflag:$0x1] =	stream.linear.gather [hbm4b:s25+s2], $0x80, $0x38;
	[tilespmem:$0x10400] =	vst v63  }
0x154: {  	s30 =	sadd.s32 s4, s26;
	s31 =	sand.u32 $0x1FFFFFF0, s28;
	s16 =	spop (v2sf)  }
0x155: {  	(v2sf) =	vpush v1, $0xA;
	[tilespmem:s9], [sflag:$0x1] =	stream.linear.gather [hbm4b:s30+s2], $0x80, $0x38;
	[tilespmem:$0x10400] =	vst v63  }
0x156: {  	s10 =	sadd.s32 s3, s31;
	s11 =	sand.u32 $0x1FFFFFF0, s1;
	s25 =	spop (v2sf)  }
0x157: {  	(v2sf) =	vpush v63, $0xA;
	s17 =	sadd.s32 s4, s11;
	s24 =	sand.u32 $0x1FFFFFF0, s16;
	s29 =	spop (v2sf)  }
0x158: {  	[tilespmem:s8], [sflag:$0x1] =	stream.linear.gather [hbm4b:s10+s2], $0x80, $0x38;
	[tilespmem:$0x10400] =	vst v63  }
0x159: {  	(v2sf) =	vpush v1, $0xB;
	s26 =	sadd.s32 s3, s24;
	s31 =	sand.u32 $0x1FFFFFF0, s29;
	s8 =	sld [smem:$0x7F5]  }
0x15a: {  	[tilespmem:s7], [sflag:$0x1] =	stream.linear.gather [hbm4b:s17+s2], $0x80, $0x38;
	[tilespmem:$0x10400] =	vst v63  }
0x15b: {  	s10 =	smov.u32 s5;
	s5 =	sadd.s32 s3, s31;
	s31 =	rddreg [dreg:$0x14]  }
0x15c: {  	[tilespmem:s6], [sflag:$0x1] =	stream.linear.gather [hbm4b:s26+s2], $0x80, $0x38;
	[tilespmem:$0x10400] =	vst v63  }
0x15d: {  	(v2sf) =	vpush v63, $0xB;
	s28 =	sand.u32 $0x1FFFFFF0, s25;
	s17 =	rddreg [dreg:$0x1c];
	s1 =	spop (v2sf)  }
0x15e: {  	(v2sf) =	vpush v1, $0xC;
	s30 =	sadd.s32 s4, s28;
	s26 =	rddreg [dreg:$0xc];
	s7 =	spop (v2sf)  }
0x15f: {  	[tilespmem:s18], [sflag:$0x1] =	stream.linear.gather [hbm4b:s30+s2], $0x80, $0x38;
	[tilespmem:$0x10400] =	vst v63  }
0x160: {  	(v2sf) =	vpush v63, $0xC;
	s6 =	sand.u32 $0x1FFFFFF0, s1;
	s11 =	sand.u32 $0x1FFFFFF0, s7;
	s16 =	spop (v2sf)  }
0x161: {  	[tilespmem:s8], [sflag:$0x1] =	stream.linear.gather [hbm4b:s5+s2], $0x80, $0x38;
	[tilespmem:$0x10400] =	vst v63  }
0x162: {  	s9 =	sadd.s32 s4, s6;
	s18 =	sadd.s32 s3, s11;
	s24 =	sand.u32 $0x1FFFFFF0, s16  }
0x163: {  	[tilespmem:s17], [sflag:$0x1] =	stream.linear.gather [hbm4b:s9+s2], $0x80, $0x38;
	[tilespmem:$0x10400] =	vst v63  }
0x164: {  	s25 =	spop (v2sf);
	s11 =	rddreg [dreg:$0x10];
	s28 =	sadd.s32 s4, s24  }
0x165: {  	[tilespmem:s26], [sflag:$0x1] =	stream.linear.gather [hbm4b:s18+s2], $0x80, $0x38;
	[tilespmem:$0x10400] =	vst v63  }
0x166: {  	s29 =	sand.u32 $0x1FFFFFF0, s25;
	s24 =	rddreg [dreg:$0x4];
	s30 =	spop (v2sf)  }
0x167: {  	[tilespmem:s31], [sflag:$0x1] =	stream.linear.gather [hbm4b:s28+s2], $0x80, $0x38;
	[tilespmem:$0x10400] =	vst v63  }
0x168: {  	s7 =	sadd.s32 s3, s29;
	s8 =	sand.u32 $0x1FFFFFF0, s30;
	s9 =	spop (v2sf)  }
0x169: {  	[tilespmem:s11], [sflag:$0x1] =	stream.linear.gather [hbm4b:s7+s2], $0x80, $0x38;
	[tilespmem:$0x10400] =	vst v63  }
0x16a: {  	s29 =	rddreg [dreg:$0x18];
	s16 =	sadd.s32 s4, s8;
	s17 =	sand.u32 $0x1FFFFFF0, s9  }
0x16b: {  	(v2sf) =	vpush v1, $0xD;
	[tilespmem:s24], [sflag:$0x1] =	stream.linear.gather [hbm4b:s16+s2], $0x80, $0x38;
	[tilespmem:$0x10400] =	vst v63  }
.Ltmp1:
0x16c: {  	(v2sf) =	vpush v63, $0xD;
	s18 =	spop (v2sf);
	s25 =	sadd.s32 s3, s17;
	(pc) =	sbr.rel @p0 .LBB2_4-.Ltmp1, $4  }
0x16d: {  	(v2sf) =	vpush v1, $0xE;
	s26 =	sand.u32 $0x1FFFFFF0, s18;
	s28 =	spop (v2sf);
	s31 =	rddreg [dreg:$0x8]  }
0x16e: {  	(v2sf) =	vpush v63, $0xE;
	[tilespmem:s29], [sflag:$0x1] =	stream.linear.gather [hbm4b:s25+s2], $0x80, $0x38;
	[tilespmem:$0x10400] =	vst v63  }
0x16f: {  	(v2sf) =	vpush v1, $0xF;
	s30 =	sadd.s32 s4, s26;
	s0 =	sand.u32 $0x1FFFFFF0, s28;
	s1 =	spop (v2sf)  }
0x170: {  	(v2sf) =	vpush v63, $0xF;
	[tilespmem:s31], [sflag:$0x1] =	stream.linear.gather [hbm4b:s30+s2], $0x80, $0x38;
	[tilespmem:$0x10400] =	vst v63  }
0x171: {  	_ =	sdelay $0x4  }
0x172: {  	s0 =	sadd.s32 s3, s0;
	s1 =	sand.u32 $0x1FFFFFF0, s1  }
0x173: {  	[tilespmem:s23], [sflag:$0x1] =	stream.linear.gather [hbm4b:s0+s2], $0x80, $0x38;
	[tilespmem:$0x10400] =	vst v63  }
0x174: {  	s8 =	sadd.s32 s4, s1  }
0x175: {  	[tilespmem:s12], [sflag:$0x1] =	stream.linear.gather [hbm4b:s8+s2], $0x80, $0x38;
	[tilespmem:$0x10400] =	vst v63  }
0x176: {  	s5 =	spop (v2sf)  }
0x177: {  	s9 =	sand.u32 $0x1FFFFFF0, s5;
	s11 =	spop (v2sf)  }
0x178: {  	s12 =	sadd.s32 s3, s9;
	s15 =	sand.u32 $0x1FFFFFF0, s11;
	s16 =	spop (v2sf)  }
0x179: {  	[tilespmem:s13], [sflag:$0x1] =	stream.linear.gather [hbm4b:s12+s2], $0x80, $0x38;
	[tilespmem:$0x10400] =	vst v63  }
0x17a: {  	s17 =	sadd.s32 s4, s15;
	s18 =	sand.u32 $0x1FFFFFF0, s16;
	s19 =	spop (v2sf)  }
0x17b: {  	[tilespmem:s10], [sflag:$0x1] =	stream.linear.gather [hbm4b:s17+s2], $0x80, $0x38;
	[tilespmem:$0x10400] =	vst v63  }
0x17c: {  	s20 =	sadd.s32 s3, s18;
	s23 =	sand.u32 $0x1FFFFFF0, s19;
	s24 =	spop (v2sf)  }
0x17d: {  	[tilespmem:s22], [sflag:$0x1] =	stream.linear.gather [hbm4b:s20+s2], $0x80, $0x38;
	[tilespmem:$0x10400] =	vst v63  }
0x17e: {  	s25 =	sadd.s32 s4, s23;
	s26 =	sand.u32 $0x1FFFFFF0, s24;
	s28 =	spop (v2sf)  }
0x17f: {  	[tilespmem:s21], [sflag:$0x1] =	stream.linear.gather [hbm4b:s25+s2], $0x80, $0x38;
	[tilespmem:$0x10400] =	vst v63  }
0x180: {  	s29 =	sadd.s32 $0x4B80, s14;
	s1 =	sadd.s32 s3, s26;
	s5 =	sand.u32 $0x1FFFFFF0, s28  }
0x181: {  	[tilespmem:s29], [sflag:$0x1] =	stream.linear.gather [hbm4b:s1+s2], $0x80, $0x38;
	[tilespmem:$0x10400] =	vst v63  }
0x182: {  	s30 =	sadd.s32 $0xCB80, s14;
	s31 =	sadd.s32 s4, s5;
	s1 =	simm.s32 $0x1  }
0x183: {  	[tilespmem:s30], [sflag:$0x1] =	stream.linear.gather [hbm4b:s31+s2], $0x80, $0x38;
	[tilespmem:$0x10400] =	vst v63  }
0x184: {  	_ =	swait.ge [sflag:s1], $0x80  }
0x185: {  	[sflag:s1] =	ssyncset.done $0x0  }
0x186: {  	[sflag:s1] =	ssyncadd.s32 $0xFFFFFF80  }
0x187: {  	_ =	swait.ge [sflag:s1], $0x80  }
0x188: {  	s0 =	simm.s32 $0xFF;
	[sflag:s1] =	ssyncset.done $0x0  }
.LBB2_6:
0x189: {  	p0 =	sne.s32 s0, $0x1;
	s0 =	sadd.s32 $0xFFFFFFFF, s0;
	[sflag:s1] =	ssyncadd.s32 $0xFFFFFF80  }
.Ltmp2:
0x18a: {  	_ =	swait.ge [sflag:s1], $0x80;
	(pc) =	sbr.rel @p0 .LBB2_6-.Ltmp2, $4  }
0x18b: {  	[sflag:s1] =	ssyncset.done $0x0  }
0x18c: {  	[sflag:s1] =	ssyncadd.s32 $0xFFFFFF80  }
0x18d: {  	_ =	swait.ge [sflag:s1], $0x80  }
0x18e: {  	[sflag:s1] =	ssyncset.done $0x0  }
0x18f: {  	[sflag:s1] =	ssyncadd.s32 $0xFFFFFF80;
	s0 =	simm.s32 $0x0  }
0x190: {  	s1 =	simm.s32 $0x200;
	v0 =	vld [tilespmem:s0+$0x8400]  }
.LBB2_8:
0x191: {  	p0 =	sne.s32 s1, $0x1FE00;
	v1 =	vld [tilespmem:s0+$0x400];
	_ =	sdelay $0x2  }
.Ltmp3:
0x192: {  	(pc) =	sbr.rel @p0 .LBB2_8-.Ltmp3, $4  }
0x193: {  	_ = 	snop  }
0x194: {  	v1 =	vmul.f32 v0, v1  }
0x195: {  	s5 =	sshra.s32 s1, $0x2  }
0x196: {  	s1 =	sadd.s32 $0x200, s1;
	v0 =	vld [tilespmem:s5+$0x8400];
	[tilespmem:s0+$0x400] =	vst v1;
	s0 =	smov.u32 s5  }
0x197: {  	v1 =	vld [tilespmem:s0+$0x400];
	_ =	sdelay $0x4  }
0x198: {  	s12 =	sld [smem:$0x7FB];
	v0 =	vmul.f32 v0, v1;
	_ =	sdelay $0x1  }
0x199: {  	s14 =	simm.s32 $0x0;
	s1 =	simm.s32 $0x400;
	s13 =	simm.s32 $0x2;
	[tilespmem:s0+$0x400] =	vst v0  }
0x19a: {  	[hbm4b:s12+s14] =	stream.linear.scatter [tilespmem:s1], [sflag:$0x2], $0x8000, $0x38;
	[tilespmem:$0x10400] =	vst v63  }
0x19b: {  	_ =	swait.ge [sflag:s13], $0x8000  }
0x19c: {  	[sflag:s13] =	ssyncset.done $0x0  }
0x19d: {  	s15 =	simm.s32 $0x100;
	[sflag:s13] =	ssyncadd.s32 $0xFFFF8000  }
0x19e: {  	s16 =	simm.s32 $0x300;
	v61 =	vld [tilespmem:s15+$0x0]  }
0x19f: {  	v2 =	vld [tilespmem:s16+$0x0];
	_ =	sdelay $0x3  }
0x1a0: {  	v62 =	vshll.u32 v61, $0x4  }
0x1a1: {  	v63 =	vshll.u32 v2, $0x4;
	(v2sf) =	vpush v62, $0x0  }
0x1a2: {  	(v2sf) =	vpush v63, $0x0  }
0x1a3: {  	(v2sf) =	vpush v62, $0x1;
	_ =	sdelay $0x1  }
0x1a4: {  	(v2sf) =	vpush v63, $0x1  }
0x1a5: {  	(v2sf) =	vpush v62, $0x2;
	_ =	sdelay $0x1  }
0x1a6: {  	(v2sf) =	vpush v63, $0x2;
	_ =	sdelay $0x1  }
0x1a7: {  	(v2sf) =	vpush v62, $0x3;
	_ =	sdelay $0x1  }
0x1a8: {  	s6 =	simm.s32 $0x8400  }
0x1a9: {  	s5 =	simm.s32 $0x680;
	s7 =	simm.s32 $0x400;
	s9 =	simm.s32 $0x600  }
0x1aa: {  	s10 =	simm.s32 $0x580;
	s19 =	simm.s32 $0x480;
	s22 =	simm.s32 $0x8480  }
0x1ab: {  	s24 =	simm.s32 $0x500;
	s28 =	simm.s32 $0x8500;
	s0 =	simm.s32 $0x8900  }
0x1ac: {  	s1 =	simm.s32 $0x880;
	s16 =	simm.s32 $0x2000;
	s8 =	spop (v2sf);
	(v2sf) =	vpush v63, $0x3  }
0x1ad: {  	s15 =	simm.s32 $0x0;
	s8 =	sand.u32 $0x1FFFFFF0, s8;
	s11 =	spop (v2sf)  }
0x1ae: {  	(v2sf) =	vpush v62, $0x4;
	s8 =	sadd.s32 s3, s8;
	s17 =	sand.u32 $0x1FFFFFF0, s11;
	s18 =	spop (v2sf)  }
0x1af: {  	(v2sf) =	vpush v63, $0x4;
	[tilespmem:s7], [sflag:$0x1] =	stream.linear.gather [hbm4b:s8+s14], $0x80, $0x38;
	[tilespmem:$0x10400] =	vst v63  }
0x1b0: {  	s7 =	simm.s32 $0x8580;
	s8 =	sadd.s32 s4, s17;
	s12 =	spop (v2sf)  }
0x1b1: {  	s11 =	sand.u32 $0x1FFFFFF0, s18;
	(v2sf) =	vpush v62, $0x5;
	s17 =	simm.s32 $0x8600;
	s23 =	spop (v2sf)  }
0x1b2: {  	[tilespmem:s6], [sflag:$0x1] =	stream.linear.gather [hbm4b:s8+s14], $0x80, $0x38;
	[tilespmem:$0x10400] =	vst v63  }
0x1b3: {  	s20 =	sadd.s32 s3, s11;
	s21 =	sand.u32 $0x1FFFFFF0, s12;
	s25 =	spop (v2sf)  }
0x1b4: {  	(v2sf) =	vpush v63, $0x5;
	[tilespmem:s19], [sflag:$0x1] =	stream.linear.gather [hbm4b:s20+s14], $0x80, $0x38;
	[tilespmem:$0x10400] =	vst v63  }
0x1b5: {  	s11 =	sadd.s32 s4, s21;
	s8 =	sand.u32 $0x1FFFFFF0, s23;
	s26 =	spop (v2sf)  }
0x1b6: {  	(v2sf) =	vpush v62, $0x6;
	[tilespmem:s22], [sflag:$0x1] =	stream.linear.gather [hbm4b:s11+s14], $0x80, $0x38;
	[tilespmem:$0x10400] =	vst v63  }
0x1b7: {  	s8 =	sadd.s32 s3, s8;
	s30 =	sand.u32 $0x1FFFFFF0, s26;
	s11 =	sand.u32 $0x1FFFFFF0, s25  }
0x1b8: {  	(v2sf) =	vpush v63, $0x6;
	[tilespmem:s24], [sflag:$0x1] =	stream.linear.gather [hbm4b:s8+s14], $0x80, $0x38;
	[tilespmem:$0x10400] =	vst v63  }
0x1b9: {  	s12 =	simm.s32 $0x8A00;
	s13 =	sadd.s32 s3, s30;
	s29 =	sadd.s32 s4, s11  }
0x1ba: {  	[tilespmem:s28], [sflag:$0x1] =	stream.linear.gather [hbm4b:s29+s14], $0x80, $0x38;
	[tilespmem:$0x10400] =	vst v63  }
0x1bb: {  	s22 =	simm.s32 $0x8680;
	s24 =	simm.s32 $0x700;
	s31 =	spop (v2sf)  }
0x1bc: {  	(v2sf) =	vpush v62, $0x7;
	[tilespmem:s10], [sflag:$0x1] =	stream.linear.gather [hbm4b:s13+s14], $0x80, $0x38;
	[tilespmem:$0x10400] =	vst v63  }
0x1bd: {  	s13 =	simm.s32 $0xA80;
	s6 =	sand.u32 $0x1FFFFFF0, s31;
	s18 =	spop (v2sf)  }
0x1be: {  	(v2sf) =	vpush v63, $0x7;
	s6 =	sadd.s32 s4, s6;
	s10 =	sand.u32 $0x1FFFFFF0, s18;
	s19 =	spop (v2sf)  }
0x1bf: {  	(v2sf) =	vpush v62, $0x8;
	[tilespmem:s7], [sflag:$0x1] =	stream.linear.gather [hbm4b:s6+s14], $0x80, $0x38;
	[tilespmem:$0x10400] =	vst v63  }
0x1c0: {  	s20 =	sadd.s32 s3, s10;
	s21 =	sand.u32 $0x1FFFFFF0, s19;
	s23 =	spop (v2sf)  }
0x1c1: {  	(v2sf) =	vpush v63, $0x8;
	s10 =	simm.s32 $0x8A80;
	s7 =	sadd.s32 s4, s21;
	s25 =	sand.u32 $0x1FFFFFF0, s23  }
0x1c2: {  	(v2sf) =	vpush v62, $0x9;
	[tilespmem:s9], [sflag:$0x1] =	stream.linear.gather [hbm4b:s20+s14], $0x80, $0x38;
	[tilespmem:$0x10400] =	vst v63  }
0x1c3: {  	s26 =	spop (v2sf);
	s23 =	simm.s32 $0x8780;
	s8 =	sadd.s32 s3, s25  }
0x1c4: {  	(v2sf) =	vpush v63, $0x9;
	[tilespmem:s17], [sflag:$0x1] =	stream.linear.gather [hbm4b:s7+s14], $0x80, $0x38;
	[tilespmem:$0x10400] =	vst v63  }
0x1c5: {  	s9 =	sand.u32 $0x1FFFFFF0, s26;
	s28 =	spop (v2sf);
	s20 =	simm.s32 $0x780;
	(v2sf) =	vpush v62, $0xA  }
0x1c6: {  	[tilespmem:s5], [sflag:$0x1] =	stream.linear.gather [hbm4b:s8+s14], $0x80, $0x38;
	[tilespmem:$0x10400] =	vst v63  }
0x1c7: {  	s29 =	sadd.s32 s4, s9;
	s30 =	sand.u32 $0x1FFFFFF0, s28;
	s31 =	spop (v2sf);
	(v2sf) =	vpush v63, $0xA  }
0x1c8: {  	[tilespmem:s22], [sflag:$0x1] =	stream.linear.gather [hbm4b:s29+s14], $0x80, $0x38;
	[tilespmem:$0x10400] =	vst v63  }
0x1c9: {  	s25 =	simm.s32 $0x800;
	s11 =	sadd.s32 s3, s30;
	s6 =	sand.u32 $0x1FFFFFF0, s31  }
0x1ca: {  	[tilespmem:s24], [sflag:$0x1] =	stream.linear.gather [hbm4b:s11+s14], $0x80, $0x38;
	[tilespmem:$0x10400] =	vst v63  }
0x1cb: {  	s17 =	simm.s32 $0x8700;
	s6 =	sadd.s32 s4, s6;
	s18 =	spop (v2sf)  }
0x1cc: {  	[tilespmem:s17], [sflag:$0x1] =	stream.linear.gather [hbm4b:s6+s14], $0x80, $0x38;
	[tilespmem:$0x10400] =	vst v63  }
0x1cd: {  	s9 =	simm.s32 $0x8880;
	(v2sf) =	vpush v62, $0xB;
	s8 =	sand.u32 $0x1FFFFFF0, s18;
	s19 =	spop (v2sf)  }
0x1ce: {  	s5 =	simm.s32 $0x8980;
	s21 =	sadd.s32 s3, s8;
	s24 =	spop (v2sf)  }
0x1cf: {  	(v2sf) =	vpush v63, $0xB;
	[tilespmem:s20], [sflag:$0x1] =	stream.linear.gather [hbm4b:s21+s14], $0x80, $0x38;
	[tilespmem:$0x10400] =	vst v63  }
0x1d0: {  	s29 =	simm.s32 $0x8800;
	s22 =	sand.u32 $0x1FFFFFF0, s19;
	s26 =	spop (v2sf)  }
0x1d1: {  	s8 =	sadd.s32 s4, s22;
	s7 =	sand.u32 $0x1FFFFFF0, s24;
	s28 =	spop (v2sf)  }
0x1d2: {  	(v2sf) =	vpush v62, $0xC;
	[tilespmem:s23], [sflag:$0x1] =	stream.linear.gather [hbm4b:s8+s14], $0x80, $0x38;
	[tilespmem:$0x10400] =	vst v63  }
0x1d3: {  	s17 =	simm.s32 $0x900;
	s7 =	sadd.s32 s3, s7;
	s11 =	spop (v2sf)  }
0x1d4: {  	(v2sf) =	vpush v63, $0xC;
	s8 =	sand.u32 $0x1FFFFFF0, s26;
	s31 =	sand.u32 $0x1FFFFFF0, s28;
	s18 =	spop (v2sf)  }
0x1d5: {  	[tilespmem:s25], [sflag:$0x1] =	stream.linear.gather [hbm4b:s7+s14], $0x80, $0x38;
	[tilespmem:$0x10400] =	vst v63  }
0x1d6: {  	s26 =	simm.s32 $0x980;
	s30 =	sadd.s32 s4, s8;
	s19 =	spop (v2sf)  }
0x1d7: {  	[tilespmem:s29], [sflag:$0x1] =	stream.linear.gather [hbm4b:s30+s14], $0x80, $0x38;
	[tilespmem:$0x10400] =	vst v63  }
0x1d8: {  	s8 =	sadd.s32 s3, s31;
	s7 =	sand.u32 $0x1FFFFFF0, s11;
	s21 =	sand.u32 $0x1FFFFFF0, s19  }
0x1d9: {  	[tilespmem:s1], [sflag:$0x1] =	stream.linear.gather [hbm4b:s8+s14], $0x80, $0x38;
	[tilespmem:$0x10400] =	vst v63  }
0x1da: {  	s7 =	sadd.s32 s4, s7;
	s23 =	sadd.s32 s4, s21;
	s8 =	sand.u32 $0x1FFFFFF0, s18  }
0x1db: {  	[tilespmem:s9], [sflag:$0x1] =	stream.linear.gather [hbm4b:s7+s14], $0x80, $0x38;
	[tilespmem:$0x10400] =	vst v63  }
0x1dc: {  	s21 =	simm.s32 $0x110;
	s20 =	sadd.s32 s3, s8;
	s22 =	spop (v2sf)  }
0x1dd: {  	[tilespmem:s17], [sflag:$0x1] =	stream.linear.gather [hbm4b:s20+s14], $0x80, $0x38;
	[tilespmem:$0x10400] =	vst v63  }
0x1de: {  	s20 =	simm.s32 $0x310;
	s24 =	sand.u32 $0x1FFFFFF0, s22;
	s25 =	spop (v2sf)  }
0x1df: {  	(v2sf) =	vpush v62, $0xD;
	[tilespmem:s0], [sflag:$0x1] =	stream.linear.gather [hbm4b:s23+s14], $0x80, $0x38;
	[tilespmem:$0x10400] =	vst v63  }
0x1e0: {  	(v2sf) =	vpush v63, $0xD;
	s22 =	simm.s32 $0x8B00;
	s28 =	sadd.s32 s3, s24;
	s29 =	sand.u32 $0x1FFFFFF0, s25  }
0x1e1: {  	s24 =	simm.s32 $0xA00;
	(v2sf) =	vpush v62, $0xE;
	s23 =	simm.s32 $0xB00;
	s31 =	spop (v2sf)  }
0x1e2: {  	(v2sf) =	vpush v63, $0xE;
	[tilespmem:s26], [sflag:$0x1] =	stream.linear.gather [hbm4b:s28+s14], $0x80, $0x38;
	[tilespmem:$0x10400] =	vst v63  }
0x1e3: {  	s30 =	sadd.s32 s4, s29;
	(v2sf) =	vpush v62, $0xF;
	s0 =	sand.u32 $0x1FFFFFF0, s31;
	s1 =	spop (v2sf)  }
0x1e4: {  	(v2sf) =	vpush v63, $0xF;
	[tilespmem:s5], [sflag:$0x1] =	stream.linear.gather [hbm4b:s30+s14], $0x80, $0x38;
	[tilespmem:$0x10400] =	vst v63  }
.LBB2_10:
0x1e5: {  	_ =	sdelay $0x4  }
0x1e6: {  	s0 =	sadd.s32 s3, s0;
	s1 =	sand.u32 $0x1FFFFFF0, s1  }
0x1e7: {  	[tilespmem:s24], [sflag:$0x1] =	stream.linear.gather [hbm4b:s0+s14], $0x80, $0x38;
	[tilespmem:$0x10400] =	vst v63  }
0x1e8: {  	s1 =	sadd.s32 s4, s1  }
0x1e9: {  	[tilespmem:s12], [sflag:$0x1] =	stream.linear.gather [hbm4b:s1+s14], $0x80, $0x38;
	[tilespmem:$0x10400] =	vst v63  }
0x1ea: {  	s5 =	spop (v2sf)  }
0x1eb: {  	s6 =	sand.u32 $0x1FFFFFF0, s5;
	s7 =	spop (v2sf)  }
0x1ec: {  	s8 =	sadd.s32 s3, s6;
	s9 =	sand.u32 $0x1FFFFFF0, s7;
	s11 =	spop (v2sf)  }
0x1ed: {  	[tilespmem:s13], [sflag:$0x1] =	stream.linear.gather [hbm4b:s8+s14], $0x80, $0x38;
	[tilespmem:$0x10400] =	vst v63  }
0x1ee: {  	s12 =	sadd.s32 s4, s9;
	s13 =	sand.u32 $0x1FFFFFF0, s11;
	s17 =	spop (v2sf)  }
0x1ef: {  	[tilespmem:s10], [sflag:$0x1] =	stream.linear.gather [hbm4b:s12+s14], $0x80, $0x38;
	[tilespmem:$0x10400] =	vst v63  }
0x1f0: {  	s18 =	sadd.s32 s3, s13;
	s19 =	sand.u32 $0x1FFFFFF0, s17;
	s24 =	spop (v2sf)  }
0x1f1: {  	[tilespmem:s23], [sflag:$0x1] =	stream.linear.gather [hbm4b:s18+s14], $0x80, $0x38;
	[tilespmem:$0x10400] =	vst v63  }
0x1f2: {  	s25 =	sadd.s32 s4, s19;
	s26 =	sand.u32 $0x1FFFFFF0, s24;
	s28 =	spop (v2sf)  }
0x1f3: {  	[tilespmem:s22], [sflag:$0x1] =	stream.linear.gather [hbm4b:s25+s14], $0x80, $0x38;
	[tilespmem:$0x10400] =	vst v63  }
0x1f4: {  	s29 =	sadd.s32 $0xB80, s15;
	s1 =	sadd.s32 s3, s26;
	s5 =	sand.u32 $0x1FFFFFF0, s28  }
0x1f5: {  	[tilespmem:s29], [sflag:$0x1] =	stream.linear.gather [hbm4b:s1+s14], $0x80, $0x38;
	[tilespmem:$0x10400] =	vst v63  }
0x1f6: {  	s30 =	sadd.s32 $0x8B80, s15;
	s31 =	sadd.s32 s4, s5  }
0x1f7: {  	[tilespmem:s30], [sflag:$0x1] =	stream.linear.gather [hbm4b:s31+s14], $0x80, $0x38;
	[tilespmem:$0x10400] =	vst v63  }
0x1f8: {  	v0 =	vld [tilespmem:s21+$0x0]  }
0x1f9: {  	v2 =	vld [tilespmem:s20+$0x0];
	_ =	sdelay $0x3  }
0x1fa: {  	v1 =	vshll.u32 v0, $0x4  }
0x1fb: {  	v63 =	vshll.u32 v2, $0x4;
	(v2sf) =	vpush v1, $0x0  }
0x1fc: {  	s1 =	smov.u32 s16;
	(v2sf) =	vpush v63, $0x0  }
0x1fd: {  	p0 =	sne.s32 s16, $0xE000;
	s16 =	sadd.s32 $0x2000, s16;
	s15 =	sshra.s32 s1, $0x2;
	(v2sf) =	vpush v1, $0x1  }
0x1fe: {  	s28 =	sadd.s32 $0x8400, s15;
	s0 =	sadd.s32 $0x680, s15;
	s5 =	sadd.s32 $0x880, s15  }
0x1ff: {  	s30 =	sadd.s32 $0x400, s15;
	s10 =	sadd.s32 $0x600, s15;
	s6 =	sadd.s32 $0x8900, s15;
	(v2sf) =	vpush v63, $0x1  }
0x200: {  	s17 =	sadd.s32 $0x580, s15;
	s11 =	sadd.s32 $0x8580, s15;
	s12 =	sadd.s32 $0x8A00, s15  }
0x201: {  	s26 =	sadd.s32 $0x500, s15;
	s1 =	sadd.s32 $0x8600, s15;
	s13 =	sadd.s32 $0xA80, s15;
	(v2sf) =	vpush v1, $0x2  }
0x202: {  	s29 =	sadd.s32 $0x8480, s15;
	s25 =	sadd.s32 $0x8500, s15;
	[smem:$0x7F1] =	sst s0  }
0x203: {  	s9 =	sadd.s32 $0x8680, s15;
	s8 =	sadd.s32 $0x700, s15;
	[dreg:$0xd] =	wrdreg s5;
	(v2sf) =	vpush v63, $0x2  }
0x204: {  	s7 =	sadd.s32 $0x8980, s15;
	s18 =	sadd.s32 $0x8880, s15;
	[dreg:$0x5] =	wrdreg s6;
	(v2sf) =	vpush v1, $0x3  }
0x205: {  	s19 =	sadd.s32 $0x900, s15;
	s22 =	sadd.s32 $0x8800, s15;
	[dreg:$0x9] =	wrdreg s7  }
0x206: {  	s24 =	sadd.s32 $0xA00, s15;
	s31 =	sadd.s32 $0x480, s15;
	[dreg:$0x15] =	wrdreg s18;
	(v2sf) =	vpush v63, $0x3  }
0x207: {  	s23 =	sadd.s32 $0x8780, s15;
	s5 =	sadd.s32 $0x8A80, s15;
	[dreg:$0x11] =	wrdreg s19  }
0x208: {  	s7 =	sadd.s32 $0x8700, s15;
	s6 =	sadd.s32 $0x780, s15;
	[dreg:$0x1d] =	wrdreg s22  }
0x209: {  	[smem:$0x7F2] =	sst s23;
	s18 =	sadd.s32 $0x800, s15;
	s20 =	sadd.s32 $0x10, s20  }
0x20a: {  	s19 =	sadd.s32 $0x980, s15;
	[smem:$0x7F3] =	sst s18;
	(v2sf) =	vpush v1, $0x4;
	s18 =	spop (v2sf)  }
0x20b: {  	[dreg:$0x19] =	wrdreg s19;
	s18 =	sand.u32 $0x1FFFFFF0, s18;
	s19 =	spop (v2sf)  }
0x20c: {  	(v2sf) =	vpush v63, $0x4;
	s18 =	sadd.s32 s3, s18;
	s0 =	sand.u32 $0x1FFFFFF0, s19;
	s19 =	spop (v2sf)  }
0x20d: {  	[tilespmem:s30], [sflag:$0x1] =	stream.linear.gather [hbm4b:s18+s14], $0x80, $0x38;
	[tilespmem:$0x10400] =	vst v63  }
0x20e: {  	(v2sf) =	vpush v1, $0x5;
	s0 =	sadd.s32 s4, s0;
	s19 =	sand.u32 $0x1FFFFFF0, s19;
	s30 =	spop (v2sf)  }
0x20f: {  	(v2sf) =	vpush v63, $0x5;
	[tilespmem:s28], [sflag:$0x1] =	stream.linear.gather [hbm4b:s0+s14], $0x80, $0x38;
	[tilespmem:$0x10400] =	vst v63  }
0x210: {  	s18 =	sadd.s32 s3, s19;
	s28 =	sand.u32 $0x1FFFFFF0, s30;
	s30 =	spop (v2sf)  }
0x211: {  	(v2sf) =	vpush v1, $0x6;
	[tilespmem:s31], [sflag:$0x1] =	stream.linear.gather [hbm4b:s18+s14], $0x80, $0x38;
	[tilespmem:$0x10400] =	vst v63  }
0x212: {  	s21 =	sadd.s32 $0x10, s21;
	s18 =	sadd.s32 s4, s28;
	s28 =	spop (v2sf)  }
0x213: {  	s23 =	sadd.s32 $0xB00, s15;
	s19 =	sand.u32 $0x1FFFFFF0, s30;
	(v2sf) =	vpush v63, $0x6;
	s31 =	spop (v2sf)  }
0x214: {  	[tilespmem:s29], [sflag:$0x1] =	stream.linear.gather [hbm4b:s18+s14], $0x80, $0x38;
	[tilespmem:$0x10400] =	vst v63  }
0x215: {  	s30 =	sand.u32 $0x1FFFFFF0, s28;
	(v2sf) =	vpush v1, $0x7;
	s29 =	sadd.s32 s3, s19;
	s28 =	spop (v2sf)  }
0x216: {  	(v2sf) =	vpush v63, $0x7;
	[tilespmem:s26], [sflag:$0x1] =	stream.linear.gather [hbm4b:s29+s14], $0x80, $0x38;
	[tilespmem:$0x10400] =	vst v63  }
0x217: {  	s22 =	sadd.s32 $0x8B00, s15;
	s18 =	sadd.s32 s4, s30;
	s26 =	sand.u32 $0x1FFFFFF0, s31  }
0x218: {  	[tilespmem:s25], [sflag:$0x1] =	stream.linear.gather [hbm4b:s18+s14], $0x80, $0x38;
	[tilespmem:$0x10400] =	vst v63  }
0x219: {  	s30 =	sand.u32 $0x1FFFFFF0, s28;
	s31 =	spop (v2sf);
	s29 =	sadd.s32 s3, s26  }
0x21a: {  	(v2sf) =	vpush v1, $0x8;
	[tilespmem:s17], [sflag:$0x1] =	stream.linear.gather [hbm4b:s29+s14], $0x80, $0x38;
	[tilespmem:$0x10400] =	vst v63  }
0x21b: {  	s18 =	sand.u32 $0x1FFFFFF0, s31;
	s17 =	sadd.s32 s4, s30;
	s19 =	spop (v2sf)  }
0x21c: {  	[tilespmem:s11], [sflag:$0x1] =	stream.linear.gather [hbm4b:s17+s14], $0x80, $0x38;
	[tilespmem:$0x10400] =	vst v63  }
0x21d: {  	s25 =	sadd.s32 s3, s18;
	s18 =	sld [smem:$0x7F1];
	s28 =	spop (v2sf)  }
0x21e: {  	(v2sf) =	vpush v63, $0x8;
	s26 =	sand.u32 $0x1FFFFFF0, s19;
	s30 =	sand.u32 $0x1FFFFFF0, s28;
	s31 =	spop (v2sf)  }
0x21f: {  	(v2sf) =	vpush v1, $0x9;
	[tilespmem:s10], [sflag:$0x1] =	stream.linear.gather [hbm4b:s25+s14], $0x80, $0x38;
	[tilespmem:$0x10400] =	vst v63  }
0x220: {  	s29 =	sadd.s32 s4, s26;
	s10 =	sadd.s32 s3, s30;
	s17 =	spop (v2sf)  }
0x221: {  	(v2sf) =	vpush v63, $0x9;
	[tilespmem:s1], [sflag:$0x1] =	stream.linear.gather [hbm4b:s29+s14], $0x80, $0x38;
	[tilespmem:$0x10400] =	vst v63  }
0x222: {  	s11 =	sand.u32 $0x1FFFFFF0, s31;
	s25 =	sand.u32 $0x1FFFFFF0, s17;
	s26 =	spop (v2sf)  }
0x223: {  	[tilespmem:s18], [sflag:$0x1] =	stream.linear.gather [hbm4b:s10+s14], $0x80, $0x38;
	[tilespmem:$0x10400] =	vst v63  }
0x224: {  	s19 =	sadd.s32 s4, s11;
	s28 =	sadd.s32 s3, s25;
	s30 =	spop (v2sf)  }
0x225: {  	(v2sf) =	vpush v1, $0xA;
	s29 =	sand.u32 $0x1FFFFFF0, s26;
	s10 =	smov.u32 s5;
	s5 =	spop (v2sf)  }
0x226: {  	[tilespmem:s9], [sflag:$0x1] =	stream.linear.gather [hbm4b:s19+s14], $0x80, $0x38;
	[tilespmem:$0x10400] =	vst v63  }
0x227: {  	(v2sf) =	vpush v63, $0xA;
	s31 =	sadd.s32 s4, s29;
	s1 =	sand.u32 $0x1FFFFFF0, s30;
	s17 =	sand.u32 $0x1FFFFFF0, s5  }
0x228: {  	[tilespmem:s8], [sflag:$0x1] =	stream.linear.gather [hbm4b:s28+s14], $0x80, $0x38;
	[tilespmem:$0x10400] =	vst v63  }
0x229: {  	(v2sf) =	vpush v1, $0xB;
	s18 =	spop (v2sf);
	s19 =	sadd.s32 s4, s17;
	s17 =	rddreg [dreg:$0x1d]  }
0x22a: {  	[tilespmem:s7], [sflag:$0x1] =	stream.linear.gather [hbm4b:s31+s14], $0x80, $0x38;
	[tilespmem:$0x10400] =	vst v63  }
0x22b: {  	(v2sf) =	vpush v63, $0xB;
	s11 =	sadd.s32 s3, s1;
	s25 =	sand.u32 $0x1FFFFFF0, s18;
	s28 =	sld [smem:$0x7F2]  }
0x22c: {  	[tilespmem:s6], [sflag:$0x1] =	stream.linear.gather [hbm4b:s11+s14], $0x80, $0x38;
	[tilespmem:$0x10400] =	vst v63  }
0x22d: {  	s29 =	sadd.s32 s3, s25;
	s7 =	sld [smem:$0x7F3];
	s26 =	spop (v2sf)  }
0x22e: {  	(v2sf) =	vpush v1, $0xC;
	s30 =	sand.u32 $0x1FFFFFF0, s26;
	s31 =	spop (v2sf);
	s26 =	rddreg [dreg:$0xd]  }
0x22f: {  	[tilespmem:s28], [sflag:$0x1] =	stream.linear.gather [hbm4b:s19+s14], $0x80, $0x38;
	[tilespmem:$0x10400] =	vst v63  }
0x230: {  	(v2sf) =	vpush v63, $0xC;
	s8 =	sadd.s32 s4, s30;
	s9 =	sand.u32 $0x1FFFFFF0, s31;
	s11 =	spop (v2sf)  }
0x231: {  	[tilespmem:s7], [sflag:$0x1] =	stream.linear.gather [hbm4b:s29+s14], $0x80, $0x38;
	[tilespmem:$0x10400] =	vst v63  }
0x232: {  	s31 =	rddreg [dreg:$0x15];
	s18 =	sadd.s32 s3, s9;
	s19 =	sand.u32 $0x1FFFFFF0, s11  }
0x233: {  	[tilespmem:s17], [sflag:$0x1] =	stream.linear.gather [hbm4b:s8+s14], $0x80, $0x38;
	[tilespmem:$0x10400] =	vst v63  }
0x234: {  	s9 =	rddreg [dreg:$0x11];
	s25 =	spop (v2sf);
	s28 =	sadd.s32 s4, s19  }
0x235: {  	[tilespmem:s26], [sflag:$0x1] =	stream.linear.gather [hbm4b:s18+s14], $0x80, $0x38;
	[tilespmem:$0x10400] =	vst v63  }
0x236: {  	s19 =	rddreg [dreg:$0x5];
	s29 =	sand.u32 $0x1FFFFFF0, s25;
	s30 =	spop (v2sf)  }
0x237: {  	[tilespmem:s31], [sflag:$0x1] =	stream.linear.gather [hbm4b:s28+s14], $0x80, $0x38;
	[tilespmem:$0x10400] =	vst v63  }
0x238: {  	s6 =	sadd.s32 s3, s29;
	s7 =	sand.u32 $0x1FFFFFF0, s30;
	s8 =	spop (v2sf)  }
0x239: {  	[tilespmem:s9], [sflag:$0x1] =	stream.linear.gather [hbm4b:s6+s14], $0x80, $0x38;
	[tilespmem:$0x10400] =	vst v63  }
0x23a: {  	s29 =	rddreg [dreg:$0x19];
	s11 =	sadd.s32 s4, s7;
	s18 =	spop (v2sf)  }
0x23b: {  	(v2sf) =	vpush v1, $0xD;
	[tilespmem:s19], [sflag:$0x1] =	stream.linear.gather [hbm4b:s11+s14], $0x80, $0x38;
	[tilespmem:$0x10400] =	vst v63  }
.Ltmp4:
0x23c: {  	(v2sf) =	vpush v63, $0xD;
	s17 =	sand.u32 $0x1FFFFFF0, s8;
	s26 =	sand.u32 $0x1FFFFFF0, s18;
	(pc) =	sbr.rel @p0 .LBB2_10-.Ltmp4, $4  }
0x23d: {  	(v2sf) =	vpush v1, $0xE;
	s25 =	sadd.s32 s3, s17;
	s28 =	spop (v2sf);
	s30 =	sadd.s32 s4, s26  }
0x23e: {  	(v2sf) =	vpush v63, $0xE;
	[tilespmem:s29], [sflag:$0x1] =	stream.linear.gather [hbm4b:s25+s14], $0x80, $0x38;
	[tilespmem:$0x10400] =	vst v63  }
0x23f: {  	(v2sf) =	vpush v1, $0xF;
	s31 =	rddreg [dreg:$0x9];
	s0 =	sand.u32 $0x1FFFFFF0, s28;
	s1 =	spop (v2sf)  }
0x240: {  	(v2sf) =	vpush v63, $0xF;
	[tilespmem:s31], [sflag:$0x1] =	stream.linear.gather [hbm4b:s30+s14], $0x80, $0x38;
	[tilespmem:$0x10400] =	vst v63  }
0x241: {  	_ =	sdelay $0x4  }
0x242: {  	s0 =	sadd.s32 s3, s0;
	s1 =	sand.u32 $0x1FFFFFF0, s1  }
0x243: {  	[tilespmem:s24], [sflag:$0x1] =	stream.linear.gather [hbm4b:s0+s14], $0x80, $0x38;
	[tilespmem:$0x10400] =	vst v63  }
0x244: {  	s29 =	sadd.s32 s4, s1  }
0x245: {  	[tilespmem:s12], [sflag:$0x1] =	stream.linear.gather [hbm4b:s29+s14], $0x80, $0x38;
	[tilespmem:$0x10400] =	vst v63  }
0x246: {  	s5 =	spop (v2sf)  }
0x247: {  	s30 =	sand.u32 $0x1FFFFFF0, s5;
	s31 =	spop (v2sf)  }
0x248: {  	s1 =	sadd.s32 s3, s30;
	s5 =	sand.u32 $0x1FFFFFF0, s31;
	s6 =	spop (v2sf)  }
0x249: {  	[tilespmem:s13], [sflag:$0x1] =	stream.linear.gather [hbm4b:s1+s14], $0x80, $0x38;
	[tilespmem:$0x10400] =	vst v63  }
0x24a: {  	s7 =	sadd.s32 s4, s5;
	s8 =	sand.u32 $0x1FFFFFF0, s6;
	s9 =	spop (v2sf)  }
0x24b: {  	[tilespmem:s10], [sflag:$0x1] =	stream.linear.gather [hbm4b:s7+s14], $0x80, $0x38;
	[tilespmem:$0x10400] =	vst v63  }
0x24c: {  	s11 =	sadd.s32 s3, s8;
	s12 =	sand.u32 $0x1FFFFFF0, s9;
	s13 =	spop (v2sf)  }
0x24d: {  	[tilespmem:s23], [sflag:$0x1] =	stream.linear.gather [hbm4b:s11+s14], $0x80, $0x38;
	[tilespmem:$0x10400] =	vst v63  }
0x24e: {  	s16 =	sadd.s32 s4, s12;
	s17 =	sand.u32 $0x1FFFFFF0, s13;
	s18 =	spop (v2sf)  }
0x24f: {  	[tilespmem:s22], [sflag:$0x1] =	stream.linear.gather [hbm4b:s16+s14], $0x80, $0x38;
	[tilespmem:$0x10400] =	vst v63  }
0x250: {  	s19 =	sadd.s32 $0xB80, s15;
	s1 =	sadd.s32 s3, s17;
	s5 =	sand.u32 $0x1FFFFFF0, s18  }
0x251: {  	[tilespmem:s19], [sflag:$0x1] =	stream.linear.gather [hbm4b:s1+s14], $0x80, $0x38;
	[tilespmem:$0x10400] =	vst v63  }
0x252: {  	s20 =	sadd.s32 $0x8B80, s15;
	s21 =	sadd.s32 s4, s5;
	s22 =	simm.s32 $0x180  }
0x253: {  	[tilespmem:s20], [sflag:$0x1] =	stream.linear.gather [hbm4b:s21+s14], $0x80, $0x38;
	[tilespmem:$0x10400] =	vst v63  }
0x254: {  	s23 =	simm.s32 $0x380;
	v0 =	vld [tilespmem:s22+$0x0]  }
0x255: {  	v2 =	vld [tilespmem:s23+$0x0];
	_ =	sdelay $0x3  }
0x256: {  	v1 =	vshll.u32 v0, $0x4  }
0x257: {  	v63 =	vshll.u32 v2, $0x4;
	(v2sf) =	vpush v1, $0x0  }
0x258: {  	(v2sf) =	vpush v63, $0x0  }
0x259: {  	(v2sf) =	vpush v1, $0x1;
	_ =	sdelay $0x1  }
0x25a: {  	(v2sf) =	vpush v63, $0x1;
	_ =	sdelay $0x3  }
0x25b: {  	(v2sf) =	vpush v1, $0x2;
	_ =	sdelay $0x1  }
0x25c: {  	(v2sf) =	vpush v63, $0x2  }
0x25d: {  	s15 =	simm.s32 $0x2000;
	(v2sf) =	vpush v1, $0x3  }
0x25e: {  	s0 =	simm.s32 $0xC900;
	s24 =	simm.s32 $0x4580;
	s29 =	simm.s32 $0x4480  }
0x25f: {  	s6 =	simm.s32 $0xC400;
	s9 =	simm.s32 $0x4600;
	s7 =	simm.s32 $0x4400;
	(v2sf) =	vpush v63, $0x3  }
0x260: {  	s13 =	simm.s32 $0x4500;
	s18 =	simm.s32 $0xC500;
	s5 =	simm.s32 $0x4680  }
0x261: {  	s1 =	simm.s32 $0x4880;
	s14 =	simm.s32 $0x0;
	s8 =	spop (v2sf)  }
0x262: {  	s23 =	simm.s32 $0xC600;
	s8 =	sand.u32 $0x1FFFFFF0, s8;
	s11 =	spop (v2sf)  }
0x263: {  	(v2sf) =	vpush v1, $0x4;
	s8 =	sadd.s32 s3, s8;
	s25 =	sand.u32 $0x1FFFFFF0, s11;
	s26 =	spop (v2sf)  }
0x264: {  	(v2sf) =	vpush v63, $0x4;
	[tilespmem:s7], [sflag:$0x1] =	stream.linear.gather [hbm4b:s8+s2], $0x80, $0x38;
	[tilespmem:$0x10400] =	vst v63  }
0x265: {  	s8 =	sadd.s32 s4, s25;
	s11 =	sand.u32 $0x1FFFFFF0, s26;
	s28 =	spop (v2sf)  }
0x266: {  	(v2sf) =	vpush v1, $0x5;
	[tilespmem:s6], [sflag:$0x1] =	stream.linear.gather [hbm4b:s8+s2], $0x80, $0x38;
	[tilespmem:$0x10400] =	vst v63  }
0x267: {  	s7 =	simm.s32 $0xC580;
	s30 =	sadd.s32 s3, s11;
	s31 =	sand.u32 $0x1FFFFFF0, s28  }
0x268: {  	[tilespmem:s29], [sflag:$0x1] =	stream.linear.gather [hbm4b:s30+s2], $0x80, $0x38;
	[tilespmem:$0x10400] =	vst v63  }
0x269: {  	s12 =	spop (v2sf);
	(v2sf) =	vpush v63, $0x5;
	s8 =	simm.s32 $0xC480;
	s11 =	sadd.s32 s4, s31  }
0x26a: {  	(v2sf) =	vpush v1, $0x6;
	[tilespmem:s8], [sflag:$0x1] =	stream.linear.gather [hbm4b:s11+s2], $0x80, $0x38;
	[tilespmem:$0x10400] =	vst v63  }
0x26b: {  	s16 =	spop (v2sf);
	s31 =	simm.s32 $0x4700;
	s8 =	sand.u32 $0x1FFFFFF0, s12  }
0x26c: {  	s17 =	spop (v2sf);
	(v2sf) =	vpush v63, $0x6;
	s11 =	sand.u32 $0x1FFFFFF0, s16;
	s8 =	sadd.s32 s3, s8  }
0x26d: {  	[tilespmem:s13], [sflag:$0x1] =	stream.linear.gather [hbm4b:s8+s2], $0x80, $0x38;
	[tilespmem:$0x10400] =	vst v63  }
0x26e: {  	s20 =	sand.u32 $0x1FFFFFF0, s17;
	s21 =	spop (v2sf);
	s19 =	sadd.s32 s4, s11  }
0x26f: {  	[tilespmem:s18], [sflag:$0x1] =	stream.linear.gather [hbm4b:s19+s2], $0x80, $0x38;
	[tilespmem:$0x10400] =	vst v63  }
0x270: {  	(v2sf) =	vpush v1, $0x7;
	s29 =	simm.s32 $0xC680;
	s22 =	sadd.s32 s3, s20;
	s6 =	sand.u32 $0x1FFFFFF0, s21  }
0x271: {  	[tilespmem:s24], [sflag:$0x1] =	stream.linear.gather [hbm4b:s22+s2], $0x80, $0x38;
	[tilespmem:$0x10400] =	vst v63  }
0x272: {  	(v2sf) =	vpush v63, $0x7;
	s20 =	simm.s32 $0xC700;
	s12 =	simm.s32 $0xCA00;
	s24 =	spop (v2sf)  }
0x273: {  	s6 =	sadd.s32 s4, s6;
	s10 =	sand.u32 $0x1FFFFFF0, s24;
	s25 =	spop (v2sf)  }
0x274: {  	(v2sf) =	vpush v1, $0x8;
	[tilespmem:s7], [sflag:$0x1] =	stream.linear.gather [hbm4b:s6+s2], $0x80, $0x38;
	[tilespmem:$0x10400] =	vst v63  }
0x275: {  	s26 =	sadd.s32 s3, s10;
	s28 =	sand.u32 $0x1FFFFFF0, s25;
	s30 =	spop (v2sf)  }
0x276: {  	(v2sf) =	vpush v63, $0x8;
	[tilespmem:s9], [sflag:$0x1] =	stream.linear.gather [hbm4b:s26+s2], $0x80, $0x38;
	[tilespmem:$0x10400] =	vst v63  }
0x277: {  	s13 =	simm.s32 $0x4A80;
	s7 =	sadd.s32 s4, s28;
	s9 =	sand.u32 $0x1FFFFFF0, s30  }
0x278: {  	(v2sf) =	vpush v1, $0x9;
	s10 =	spop (v2sf);
	s26 =	simm.s32 $0xC780;
	s8 =	sadd.s32 s3, s9  }
0x279: {  	(v2sf) =	vpush v63, $0x9;
	s9 =	sand.u32 $0x1FFFFFF0, s10;
	s11 =	spop (v2sf);
	s10 =	simm.s32 $0xCA80  }
0x27a: {  	[tilespmem:s23], [sflag:$0x1] =	stream.linear.gather [hbm4b:s7+s2], $0x80, $0x38;
	[tilespmem:$0x10400] =	vst v63  }
0x27b: {  	(v2sf) =	vpush v1, $0xA;
	s16 =	sadd.s32 s4, s9;
	s17 =	sand.u32 $0x1FFFFFF0, s11;
	s18 =	spop (v2sf)  }
0x27c: {  	(v2sf) =	vpush v63, $0xA;
	[tilespmem:s5], [sflag:$0x1] =	stream.linear.gather [hbm4b:s8+s2], $0x80, $0x38;
	[tilespmem:$0x10400] =	vst v63  }
0x27d: {  	s23 =	simm.s32 $0x4780;
	s11 =	simm.s32 $0xC880;
	s19 =	sadd.s32 s3, s17  }
0x27e: {  	[tilespmem:s29], [sflag:$0x1] =	stream.linear.gather [hbm4b:s16+s2], $0x80, $0x38;
	[tilespmem:$0x10400] =	vst v63  }
0x27f: {  	s6 =	sand.u32 $0x1FFFFFF0, s18;
	s21 =	spop (v2sf);
	(v2sf) =	vpush v1, $0xB;
	s17 =	simm.s32 $0x4900  }
0x280: {  	[tilespmem:s31], [sflag:$0x1] =	stream.linear.gather [hbm4b:s19+s2], $0x80, $0x38;
	[tilespmem:$0x10400] =	vst v63  }
0x281: {  	s6 =	sadd.s32 s4, s6;
	s8 =	sand.u32 $0x1FFFFFF0, s21;
	s22 =	spop (v2sf)  }
0x282: {  	[tilespmem:s20], [sflag:$0x1] =	stream.linear.gather [hbm4b:s6+s2], $0x80, $0x38;
	[tilespmem:$0x10400] =	vst v63  }
0x283: {  	(v2sf) =	vpush v63, $0xB;
	s24 =	sadd.s32 s3, s8;
	s25 =	sand.u32 $0x1FFFFFF0, s22;
	s28 =	spop (v2sf)  }
0x284: {  	[tilespmem:s23], [sflag:$0x1] =	stream.linear.gather [hbm4b:s24+s2], $0x80, $0x38;
	[tilespmem:$0x10400] =	vst v63  }
0x285: {  	s5 =	simm.s32 $0xC980;
	s8 =	sadd.s32 s4, s25;
	s30 =	spop (v2sf)  }
0x286: {  	[tilespmem:s26], [sflag:$0x1] =	stream.linear.gather [hbm4b:s8+s2], $0x80, $0x38;
	[tilespmem:$0x10400] =	vst v63  }
0x287: {  	s29 =	simm.s32 $0x4800;
	s7 =	sand.u32 $0x1FFFFFF0, s28;
	(v2sf) =	vpush v1, $0xC;
	s31 =	spop (v2sf)  }
0x288: {  	s7 =	sadd.s32 s3, s7;
	s8 =	sand.u32 $0x1FFFFFF0, s30;
	s16 =	spop (v2sf)  }
0x289: {  	(v2sf) =	vpush v63, $0xC;
	[tilespmem:s29], [sflag:$0x1] =	stream.linear.gather [hbm4b:s7+s2], $0x80, $0x38;
	[tilespmem:$0x10400] =	vst v63  }
0x28a: {  	s26 =	simm.s32 $0x4980;
	s8 =	sadd.s32 s4, s8;
	s18 =	spop (v2sf)  }
0x28b: {  	s9 =	sand.u32 $0x1FFFFFF0, s31;
	s7 =	simm.s32 $0xC800;
	s19 =	spop (v2sf)  }
0x28c: {  	[tilespmem:s7], [sflag:$0x1] =	stream.linear.gather [hbm4b:s8+s2], $0x80, $0x38;
	[tilespmem:$0x10400] =	vst v63  }
0x28d: {  	s8 =	sadd.s32 s3, s9;
	s7 =	sand.u32 $0x1FFFFFF0, s16;
	s21 =	sand.u32 $0x1FFFFFF0, s19  }
0x28e: {  	s22 =	spop (v2sf);
	s19 =	simm.s32 $0x390;
	s7 =	sadd.s32 s4, s7  }
0x28f: {  	[tilespmem:s1], [sflag:$0x1] =	stream.linear.gather [hbm4b:s8+s2], $0x80, $0x38;
	[tilespmem:$0x10400] =	vst v63  }
0x290: {  	s23 =	sadd.s32 s4, s21;
	s24 =	sand.u32 $0x1FFFFFF0, s22;
	s8 =	sand.u32 $0x1FFFFFF0, s18  }
0x291: {  	[tilespmem:s11], [sflag:$0x1] =	stream.linear.gather [hbm4b:s7+s2], $0x80, $0x38;
	[tilespmem:$0x10400] =	vst v63  }
0x292: {  	s25 =	spop (v2sf);
	s22 =	simm.s32 $0x4B00;
	s20 =	sadd.s32 s3, s8  }
0x293: {  	[tilespmem:s17], [sflag:$0x1] =	stream.linear.gather [hbm4b:s20+s2], $0x80, $0x38;
	[tilespmem:$0x10400] =	vst v63  }
0x294: {  	(v2sf) =	vpush v1, $0xD;
	s21 =	simm.s32 $0xCB00;
	s28 =	sadd.s32 s3, s24;
	s29 =	sand.u32 $0x1FFFFFF0, s25  }
0x295: {  	(v2sf) =	vpush v63, $0xD;
	[tilespmem:s0], [sflag:$0x1] =	stream.linear.gather [hbm4b:s23+s2], $0x80, $0x38;
	[tilespmem:$0x10400] =	vst v63  }
0x296: {  	(v2sf) =	vpush v1, $0xE;
	s30 =	sadd.s32 s4, s29;
	s20 =	simm.s32 $0x190;
	s31 =	spop (v2sf)  }
0x297: {  	(v2sf) =	vpush v63, $0xE;
	[tilespmem:s26], [sflag:$0x1] =	stream.linear.gather [hbm4b:s28+s2], $0x80, $0x38;
	[tilespmem:$0x10400] =	vst v63  }
0x298: {  	(v2sf) =	vpush v1, $0xF;
	s23 =	simm.s32 $0x4A00;
	s0 =	sand.u32 $0x1FFFFFF0, s31;
	s1 =	spop (v2sf)  }
0x299: {  	(v2sf) =	vpush v63, $0xF;
	[tilespmem:s5], [sflag:$0x1] =	stream.linear.gather [hbm4b:s30+s2], $0x80, $0x38;
	[tilespmem:$0x10400] =	vst v63  }
.LBB2_12:
0x29a: {  	_ =	sdelay $0x4  }
0x29b: {  	s0 =	sadd.s32 s3, s0;
	s1 =	sand.u32 $0x1FFFFFF0, s1  }
0x29c: {  	[tilespmem:s23], [sflag:$0x1] =	stream.linear.gather [hbm4b:s0+s2], $0x80, $0x38;
	[tilespmem:$0x10400] =	vst v63  }
0x29d: {  	s18 =	sadd.s32 s4, s1  }
0x29e: {  	[tilespmem:s12], [sflag:$0x1] =	stream.linear.gather [hbm4b:s18+s2], $0x80, $0x38;
	[tilespmem:$0x10400] =	vst v63  }
0x29f: {  	s5 =	spop (v2sf)  }
0x2a0: {  	s23 =	sand.u32 $0x1FFFFFF0, s5;
	s24 =	spop (v2sf)  }
0x2a1: {  	s25 =	sadd.s32 s3, s23;
	s26 =	sand.u32 $0x1FFFFFF0, s24;
	s28 =	spop (v2sf)  }
0x2a2: {  	[tilespmem:s13], [sflag:$0x1] =	stream.linear.gather [hbm4b:s25+s2], $0x80, $0x38;
	[tilespmem:$0x10400] =	vst v63  }
0x2a3: {  	s29 =	sadd.s32 s4, s26;
	s30 =	sand.u32 $0x1FFFFFF0, s28;
	s31 =	spop (v2sf)  }
0x2a4: {  	[tilespmem:s10], [sflag:$0x1] =	stream.linear.gather [hbm4b:s29+s2], $0x80, $0x38;
	[tilespmem:$0x10400] =	vst v63  }
0x2a5: {  	s6 =	sadd.s32 s3, s30;
	s7 =	sand.u32 $0x1FFFFFF0, s31;
	s8 =	spop (v2sf)  }
0x2a6: {  	[tilespmem:s22], [sflag:$0x1] =	stream.linear.gather [hbm4b:s6+s2], $0x80, $0x38;
	[tilespmem:$0x10400] =	vst v63  }
0x2a7: {  	s9 =	sadd.s32 s4, s7;
	s10 =	sand.u32 $0x1FFFFFF0, s8;
	s11 =	spop (v2sf)  }
0x2a8: {  	[tilespmem:s21], [sflag:$0x1] =	stream.linear.gather [hbm4b:s9+s2], $0x80, $0x38;
	[tilespmem:$0x10400] =	vst v63  }
0x2a9: {  	s12 =	sadd.s32 $0x4B80, s14;
	s1 =	sadd.s32 s3, s10;
	s5 =	sand.u32 $0x1FFFFFF0, s11  }
0x2aa: {  	[tilespmem:s12], [sflag:$0x1] =	stream.linear.gather [hbm4b:s1+s2], $0x80, $0x38;
	[tilespmem:$0x10400] =	vst v63  }
0x2ab: {  	s13 =	sadd.s32 $0xCB80, s14;
	s14 =	sadd.s32 s4, s5  }
0x2ac: {  	[tilespmem:s13], [sflag:$0x1] =	stream.linear.gather [hbm4b:s14+s2], $0x80, $0x38;
	[tilespmem:$0x10400] =	vst v63  }
0x2ad: {  	v0 =	vld [tilespmem:s20+$0x0]  }
0x2ae: {  	v2 =	vld [tilespmem:s19+$0x0];
	_ =	sdelay $0x3  }
0x2af: {  	v1 =	vshll.u32 v0, $0x4  }
0x2b0: {  	v63 =	vshll.u32 v2, $0x4;
	(v2sf) =	vpush v1, $0x0  }
0x2b1: {  	s16 =	smov.u32 s15;
	(v2sf) =	vpush v63, $0x0  }
0x2b2: {  	s14 =	sshra.s32 s16, $0x2;
	(v2sf) =	vpush v1, $0x1  }
0x2b3: {  	p0 =	sne.s32 s15, $0xE000;
	s15 =	sadd.s32 $0x2000, s15;
	s25 =	sadd.s32 $0xC400, s14  }
0x2b4: {  	s0 =	sadd.s32 $0x4680, s14;
	s17 =	sadd.s32 $0x4880, s14;
	s28 =	sadd.s32 $0x4400, s14;
	(v2sf) =	vpush v63, $0x1  }
0x2b5: {  	s10 =	sadd.s32 $0x4600, s14;
	s18 =	sadd.s32 $0xC900, s14;
	s31 =	sadd.s32 $0x4580, s14  }
0x2b6: {  	s11 =	sadd.s32 $0xC580, s14;
	s12 =	sadd.s32 $0xCA00, s14;
	s24 =	sadd.s32 $0x4500, s14;
	(v2sf) =	vpush v1, $0x2  }
0x2b7: {  	s1 =	sadd.s32 $0xC600, s14;
	s13 =	sadd.s32 $0x4A80, s14;
	s26 =	sadd.s32 $0xC480, s14  }
0x2b8: {  	s16 =	sadd.s32 $0xC500, s14;
	s9 =	sadd.s32 $0xC680, s14;
	[smem:$0x7EF] =	sst s0;
	(v2sf) =	vpush v63, $0x2  }
0x2b9: {  	s8 =	sadd.s32 $0x4700, s14;
	s21 =	sadd.s32 $0xC980, s14;
	[dreg:$0xe] =	wrdreg s17  }
0x2ba: {  	s5 =	sadd.s32 $0xCA80, s14;
	s7 =	sadd.s32 $0xC700, s14;
	[dreg:$0x6] =	wrdreg s18;
	(v2sf) =	vpush v1, $0x3  }
0x2bb: {  	s22 =	sadd.s32 $0xC880, s14;
	s23 =	sadd.s32 $0x4900, s14;
	[dreg:$0xa] =	wrdreg s21;
	(v2sf) =	vpush v63, $0x3  }
0x2bc: {  	s6 =	sadd.s32 $0x4780, s14;
	s29 =	sadd.s32 $0xC800, s14;
	[dreg:$0x16] =	wrdreg s22  }
0x2bd: {  	s30 =	sadd.s32 $0x4800, s14;
	s19 =	sadd.s32 $0x10, s19;
	[dreg:$0x12] =	wrdreg s23;
	(v2sf) =	vpush v1, $0x4  }
0x2be: {  	s20 =	sadd.s32 $0x10, s20;
	[dreg:$0x1e] =	wrdreg s29;
	s29 =	sadd.s32 $0x4480, s14  }
0x2bf: {  	[smem:$0x7F0] =	sst s30;
	s17 =	sadd.s32 $0x4980, s14;
	s30 =	spop (v2sf)  }
0x2c0: {  	[dreg:$0x1a] =	wrdreg s17;
	s30 =	sand.u32 $0x1FFFFFF0, s30;
	s17 =	spop (v2sf)  }
0x2c1: {  	(v2sf) =	vpush v63, $0x4;
	s30 =	sadd.s32 s3, s30;
	s17 =	sand.u32 $0x1FFFFFF0, s17;
	s0 =	spop (v2sf)  }
0x2c2: {  	[tilespmem:s28], [sflag:$0x1] =	stream.linear.gather [hbm4b:s30+s2], $0x80, $0x38;
	[tilespmem:$0x10400] =	vst v63  }
0x2c3: {  	(v2sf) =	vpush v1, $0x5;
	s17 =	sadd.s32 s4, s17;
	s0 =	sand.u32 $0x1FFFFFF0, s0;
	s30 =	spop (v2sf)  }
0x2c4: {  	(v2sf) =	vpush v63, $0x5;
	[tilespmem:s25], [sflag:$0x1] =	stream.linear.gather [hbm4b:s17+s2], $0x80, $0x38;
	[tilespmem:$0x10400] =	vst v63  }
0x2c5: {  	s0 =	sadd.s32 s3, s0;
	s28 =	sand.u32 $0x1FFFFFF0, s30;
	s30 =	spop (v2sf)  }
0x2c6: {  	(v2sf) =	vpush v1, $0x6;
	[tilespmem:s29], [sflag:$0x1] =	stream.linear.gather [hbm4b:s0+s2], $0x80, $0x38;
	[tilespmem:$0x10400] =	vst v63  }
0x2c7: {  	s28 =	sadd.s32 s4, s28;
	s29 =	sand.u32 $0x1FFFFFF0, s30;
	s30 =	spop (v2sf)  }
0x2c8: {  	(v2sf) =	vpush v63, $0x6;
	[tilespmem:s26], [sflag:$0x1] =	stream.linear.gather [hbm4b:s28+s2], $0x80, $0x38;
	[tilespmem:$0x10400] =	vst v63  }
0x2c9: {  	s23 =	sadd.s32 $0x4A00, s14;
	s18 =	sadd.s32 $0xC780, s14;
	s26 =	spop (v2sf)  }
0x2ca: {  	s17 =	sadd.s32 s3, s29;
	s25 =	sand.u32 $0x1FFFFFF0, s30;
	(v2sf) =	vpush v1, $0x7;
	s30 =	spop (v2sf)  }
0x2cb: {  	[tilespmem:s24], [sflag:$0x1] =	stream.linear.gather [hbm4b:s17+s2], $0x80, $0x38;
	[tilespmem:$0x10400] =	vst v63  }
0x2cc: {  	s28 =	sadd.s32 s4, s25;
	s29 =	sand.u32 $0x1FFFFFF0, s26;
	(v2sf) =	vpush v63, $0x7;
	s24 =	spop (v2sf)  }
0x2cd: {  	(v2sf) =	vpush v1, $0x8;
	[tilespmem:s16], [sflag:$0x1] =	stream.linear.gather [hbm4b:s28+s2], $0x80, $0x38;
	[tilespmem:$0x10400] =	vst v63  }
0x2ce: {  	s22 =	sadd.s32 $0x4B00, s14;
	s17 =	sand.u32 $0x1FFFFFF0, s30;
	s16 =	sadd.s32 s3, s29  }
0x2cf: {  	[tilespmem:s31], [sflag:$0x1] =	stream.linear.gather [hbm4b:s16+s2], $0x80, $0x38;
	[tilespmem:$0x10400] =	vst v63  }
0x2d0: {  	s21 =	sadd.s32 $0xCB00, s14;
	s25 =	sadd.s32 s4, s17;
	s28 =	spop (v2sf)  }
0x2d1: {  	[tilespmem:s11], [sflag:$0x1] =	stream.linear.gather [hbm4b:s25+s2], $0x80, $0x38;
	[tilespmem:$0x10400] =	vst v63  }
0x2d2: {  	s26 =	sand.u32 $0x1FFFFFF0, s24;
	s30 =	sand.u32 $0x1FFFFFF0, s28;
	s31 =	spop (v2sf)  }
0x2d3: {  	s29 =	sadd.s32 s3, s26;
	(v2sf) =	vpush v63, $0x8;
	s11 =	sadd.s32 s4, s30;
	s24 =	spop (v2sf)  }
0x2d4: {  	(v2sf) =	vpush v1, $0x9;
	[tilespmem:s10], [sflag:$0x1] =	stream.linear.gather [hbm4b:s29+s2], $0x80, $0x38;
	[tilespmem:$0x10400] =	vst v63  }
0x2d5: {  	s17 =	sand.u32 $0x1FFFFFF0, s31;
	s28 =	spop (v2sf);
	s29 =	sld [smem:$0x7EF]  }
0x2d6: {  	(v2sf) =	vpush v63, $0x9;
	[tilespmem:s1], [sflag:$0x1] =	stream.linear.gather [hbm4b:s11+s2], $0x80, $0x38;
	[tilespmem:$0x10400] =	vst v63  }
0x2d7: {  	s25 =	sadd.s32 s3, s17;
	s26 =	sand.u32 $0x1FFFFFF0, s24;
	s1 =	spop (v2sf)  }
0x2d8: {  	[tilespmem:s29], [sflag:$0x1] =	stream.linear.gather [hbm4b:s25+s2], $0x80, $0x38;
	[tilespmem:$0x10400] =	vst v63  }
0x2d9: {  	s30 =	sadd.s32 s4, s26;
	s31 =	sand.u32 $0x1FFFFFF0, s28;
	s16 =	spop (v2sf)  }
0x2da: {  	(v2sf) =	vpush v1, $0xA;
	[tilespmem:s9], [sflag:$0x1] =	stream.linear.gather [hbm4b:s30+s2], $0x80, $0x38;
	[tilespmem:$0x10400] =	vst v63  }
0x2db: {  	s10 =	sadd.s32 s3, s31;
	s11 =	sand.u32 $0x1FFFFFF0, s1;
	s25 =	spop (v2sf)  }
0x2dc: {  	(v2sf) =	vpush v63, $0xA;
	s17 =	sadd.s32 s4, s11;
	s24 =	sand.u32 $0x1FFFFFF0, s16;
	s29 =	spop (v2sf)  }
0x2dd: {  	[tilespmem:s8], [sflag:$0x1] =	stream.linear.gather [hbm4b:s10+s2], $0x80, $0x38;
	[tilespmem:$0x10400] =	vst v63  }
0x2de: {  	(v2sf) =	vpush v1, $0xB;
	s26 =	sadd.s32 s3, s24;
	s31 =	sand.u32 $0x1FFFFFF0, s29;
	s8 =	sld [smem:$0x7F0]  }
0x2df: {  	[tilespmem:s7], [sflag:$0x1] =	stream.linear.gather [hbm4b:s17+s2], $0x80, $0x38;
	[tilespmem:$0x10400] =	vst v63  }
0x2e0: {  	s10 =	smov.u32 s5;
	s5 =	sadd.s32 s3, s31;
	s31 =	rddreg [dreg:$0x16]  }
0x2e1: {  	[tilespmem:s6], [sflag:$0x1] =	stream.linear.gather [hbm4b:s26+s2], $0x80, $0x38;
	[tilespmem:$0x10400] =	vst v63  }
0x2e2: {  	(v2sf) =	vpush v63, $0xB;
	s28 =	sand.u32 $0x1FFFFFF0, s25;
	s17 =	rddreg [dreg:$0x1e];
	s1 =	spop (v2sf)  }
0x2e3: {  	(v2sf) =	vpush v1, $0xC;
	s30 =	sadd.s32 s4, s28;
	s26 =	rddreg [dreg:$0xe];
	s7 =	spop (v2sf)  }
0x2e4: {  	[tilespmem:s18], [sflag:$0x1] =	stream.linear.gather [hbm4b:s30+s2], $0x80, $0x38;
	[tilespmem:$0x10400] =	vst v63  }
0x2e5: {  	(v2sf) =	vpush v63, $0xC;
	s6 =	sand.u32 $0x1FFFFFF0, s1;
	s11 =	sand.u32 $0x1FFFFFF0, s7;
	s16 =	spop (v2sf)  }
0x2e6: {  	[tilespmem:s8], [sflag:$0x1] =	stream.linear.gather [hbm4b:s5+s2], $0x80, $0x38;
	[tilespmem:$0x10400] =	vst v63  }
0x2e7: {  	s9 =	sadd.s32 s4, s6;
	s18 =	sadd.s32 s3, s11;
	s24 =	sand.u32 $0x1FFFFFF0, s16  }
0x2e8: {  	[tilespmem:s17], [sflag:$0x1] =	stream.linear.gather [hbm4b:s9+s2], $0x80, $0x38;
	[tilespmem:$0x10400] =	vst v63  }
0x2e9: {  	s25 =	spop (v2sf);
	s11 =	rddreg [dreg:$0x12];
	s28 =	sadd.s32 s4, s24  }
0x2ea: {  	[tilespmem:s26], [sflag:$0x1] =	stream.linear.gather [hbm4b:s18+s2], $0x80, $0x38;
	[tilespmem:$0x10400] =	vst v63  }
0x2eb: {  	s29 =	sand.u32 $0x1FFFFFF0, s25;
	s24 =	rddreg [dreg:$0x6];
	s30 =	spop (v2sf)  }
0x2ec: {  	[tilespmem:s31], [sflag:$0x1] =	stream.linear.gather [hbm4b:s28+s2], $0x80, $0x38;
	[tilespmem:$0x10400] =	vst v63  }
0x2ed: {  	s7 =	sadd.s32 s3, s29;
	s8 =	sand.u32 $0x1FFFFFF0, s30;
	s9 =	spop (v2sf)  }
0x2ee: {  	[tilespmem:s11], [sflag:$0x1] =	stream.linear.gather [hbm4b:s7+s2], $0x80, $0x38;
	[tilespmem:$0x10400] =	vst v63  }
0x2ef: {  	s29 =	rddreg [dreg:$0x1a];
	s16 =	sadd.s32 s4, s8;
	s17 =	sand.u32 $0x1FFFFFF0, s9  }
0x2f0: {  	(v2sf) =	vpush v1, $0xD;
	[tilespmem:s24], [sflag:$0x1] =	stream.linear.gather [hbm4b:s16+s2], $0x80, $0x38;
	[tilespmem:$0x10400] =	vst v63  }
.Ltmp5:
0x2f1: {  	(v2sf) =	vpush v63, $0xD;
	s18 =	spop (v2sf);
	s25 =	sadd.s32 s3, s17;
	(pc) =	sbr.rel @p0 .LBB2_12-.Ltmp5, $4  }
0x2f2: {  	(v2sf) =	vpush v1, $0xE;
	s26 =	sand.u32 $0x1FFFFFF0, s18;
	s28 =	spop (v2sf);
	s31 =	rddreg [dreg:$0xa]  }
0x2f3: {  	(v2sf) =	vpush v63, $0xE;
	[tilespmem:s29], [sflag:$0x1] =	stream.linear.gather [hbm4b:s25+s2], $0x80, $0x38;
	[tilespmem:$0x10400] =	vst v63  }
0x2f4: {  	(v2sf) =	vpush v1, $0xF;
	s30 =	sadd.s32 s4, s26;
	s0 =	sand.u32 $0x1FFFFFF0, s28;
	s1 =	spop (v2sf)  }
0x2f5: {  	(v2sf) =	vpush v63, $0xF;
	[tilespmem:s31], [sflag:$0x1] =	stream.linear.gather [hbm4b:s30+s2], $0x80, $0x38;
	[tilespmem:$0x10400] =	vst v63  }
0x2f6: {  	_ =	sdelay $0x4  }
0x2f7: {  	s0 =	sadd.s32 s3, s0;
	s1 =	sand.u32 $0x1FFFFFF0, s1  }
0x2f8: {  	[tilespmem:s23], [sflag:$0x1] =	stream.linear.gather [hbm4b:s0+s2], $0x80, $0x38;
	[tilespmem:$0x10400] =	vst v63  }
0x2f9: {  	s8 =	sadd.s32 s4, s1  }
0x2fa: {  	[tilespmem:s12], [sflag:$0x1] =	stream.linear.gather [hbm4b:s8+s2], $0x80, $0x38;
	[tilespmem:$0x10400] =	vst v63  }
0x2fb: {  	s5 =	spop (v2sf)  }
0x2fc: {  	s9 =	sand.u32 $0x1FFFFFF0, s5;
	s11 =	spop (v2sf)  }
0x2fd: {  	s12 =	sadd.s32 s3, s9;
	s15 =	sand.u32 $0x1FFFFFF0, s11;
	s16 =	spop (v2sf)  }
0x2fe: {  	[tilespmem:s13], [sflag:$0x1] =	stream.linear.gather [hbm4b:s12+s2], $0x80, $0x38;
	[tilespmem:$0x10400] =	vst v63  }
0x2ff: {  	s17 =	sadd.s32 s4, s15;
	s18 =	sand.u32 $0x1FFFFFF0, s16;
	s19 =	spop (v2sf)  }
0x300: {  	[tilespmem:s10], [sflag:$0x1] =	stream.linear.gather [hbm4b:s17+s2], $0x80, $0x38;
	[tilespmem:$0x10400] =	vst v63  }
0x301: {  	s20 =	sadd.s32 s3, s18;
	s23 =	sand.u32 $0x1FFFFFF0, s19;
	s24 =	spop (v2sf)  }
0x302: {  	[tilespmem:s22], [sflag:$0x1] =	stream.linear.gather [hbm4b:s20+s2], $0x80, $0x38;
	[tilespmem:$0x10400] =	vst v63  }
0x303: {  	s25 =	sadd.s32 s4, s23;
	s26 =	sand.u32 $0x1FFFFFF0, s24;
	s28 =	spop (v2sf)  }
0x304: {  	[tilespmem:s21], [sflag:$0x1] =	stream.linear.gather [hbm4b:s25+s2], $0x80, $0x38;
	[tilespmem:$0x10400] =	vst v63  }
0x305: {  	s29 =	sadd.s32 $0x4B80, s14;
	s1 =	sadd.s32 s3, s26;
	s5 =	sand.u32 $0x1FFFFFF0, s28  }
0x306: {  	[tilespmem:s29], [sflag:$0x1] =	stream.linear.gather [hbm4b:s1+s2], $0x80, $0x38;
	[tilespmem:$0x10400] =	vst v63  }
0x307: {  	s30 =	sadd.s32 $0xCB80, s14;
	s31 =	sadd.s32 s4, s5;
	s1 =	simm.s32 $0x1  }
0x308: {  	[tilespmem:s30], [sflag:$0x1] =	stream.linear.gather [hbm4b:s31+s2], $0x80, $0x38;
	[tilespmem:$0x10400] =	vst v63  }
0x309: {  	_ =	swait.ge [sflag:s1], $0x80  }
0x30a: {  	[sflag:s1] =	ssyncset.done $0x0  }
0x30b: {  	[sflag:s1] =	ssyncadd.s32 $0xFFFFFF80  }
0x30c: {  	_ =	swait.ge [sflag:s1], $0x80  }
0x30d: {  	s0 =	simm.s32 $0xFF;
	[sflag:s1] =	ssyncset.done $0x0  }
.LBB2_14:
0x30e: {  	p0 =	sne.s32 s0, $0x1;
	s0 =	sadd.s32 $0xFFFFFFFF, s0;
	[sflag:s1] =	ssyncadd.s32 $0xFFFFFF80  }
.Ltmp6:
0x30f: {  	_ =	swait.ge [sflag:s1], $0x80;
	(pc) =	sbr.rel @p0 .LBB2_14-.Ltmp6, $4  }
0x310: {  	[sflag:s1] =	ssyncset.done $0x0  }
0x311: {  	[sflag:s1] =	ssyncadd.s32 $0xFFFFFF80  }
0x312: {  	_ =	swait.ge [sflag:s1], $0x80  }
0x313: {  	[sflag:s1] =	ssyncset.done $0x0  }
0x314: {  	[sflag:s1] =	ssyncadd.s32 $0xFFFFFF80;
	s0 =	simm.s32 $0x0  }
0x315: {  	s1 =	simm.s32 $0x200;
	v0 =	vld [tilespmem:s0+$0x8400]  }
.LBB2_16:
0x316: {  	p0 =	sne.s32 s1, $0x1FE00;
	v1 =	vld [tilespmem:s0+$0x400];
	_ =	sdelay $0x2  }
.Ltmp7:
0x317: {  	(pc) =	sbr.rel @p0 .LBB2_16-.Ltmp7, $4  }
0x318: {  	_ = 	snop  }
0x319: {  	v1 =	vmul.f32 v0, v1  }
0x31a: {  	s5 =	sshra.s32 s1, $0x2  }
0x31b: {  	s1 =	sadd.s32 $0x200, s1;
	v0 =	vld [tilespmem:s5+$0x8400];
	[tilespmem:s0+$0x400] =	vst v1;
	s0 =	smov.u32 s5  }
0x31c: {  	v1 =	vld [tilespmem:s0+$0x400];
	_ =	sdelay $0x4  }
0x31d: {  	s29 =	sld [smem:$0x7FC];
	v0 =	vmul.f32 v0, v1;
	_ =	sdelay $0x1  }
0x31e: {  	s1 =	simm.s32 $0x400;
	s5 =	simm.s32 $0x2;
	[tilespmem:s0+$0x400] =	vst v0  }
0x31f: {  	[hbm4b:s29+s2] =	stream.linear.scatter [tilespmem:s1], [sflag:$0x2], $0x8000, $0x38;
	[tilespmem:$0x10400] =	vst v63  }
0x320: {  	_ =	swait.ge [sflag:s5], $0x8000  }
0x321: {  	s30 =	sld [smem:$0x7F8]  }
0x322: {  	s31 =	sld [smem:$0x7FD];
	_ =	sdelay $0x1  }
0x323: {  	s1 =	sadd.s32 $0x1, s30  }
0x324: {  	p0 =	sne.s32 s1, s31  }
.Ltmp8:
0x325: {  	_ = 	snop;
	(pc) =	sbr.rel @p0 .LBB2_1-.Ltmp8, $3  }
0x326: {  	_ =	sdelay $0x1  }
0x327: {  	[sflag:s5] =	ssyncset.done $0x0  }
0x328: {  	[sflag:s5] =	ssyncadd.s32 $0xFFFF8000  }
0x329: {  	_ =	sfence.sel $0x180000  }
0x32a: {  	[bflag:$0x0] =	sbarrier.arrive $0xFFFF  }
0x32b: {  	_ =	strace $0x90000047  }
0x32c: {  	s0 =	stileid.u32;
	[bflag:$0x2] =	sbarrier.arrive $0xFFFF  }
0x32d: {  	p0 =	sne.s32 s0, $0x0;
	s0 =	rddreg [dreg:$0x2]  }
0x32e: {  	s0 =	sadd.s32 @!p0 $0x100000, s0  }
0x32f: {  	[sflag:s0] =	ssyncadd.tile.s32 @!p0 $0x1;
	_ =	shalt  }
.Lfunc_end2:
_tile_overlayer_lowered:
.L_overlay_start_2:
0x330: {  	(tag) =	ssettag $0x2  }
0x331: {  	s0 =	rddreg [dreg:$0x0];
	s2 =	stileid.u32  }
0x332: {  	s1 =	rddreg [dreg:$0x1];
	p0 =	sne.s32 s2, $0x0  }
0x333: {  	s3 =	rddreg [dreg:$0x2];
	[bflag:$0x3] =	sbarrier.arrive $0xFFFF;
	s2 =	simm.s32 @!p0 $0x1C02  }
0x334: {  	[timem:s3], [sflag:s2] =	dma.local @!p0 [hbm:s0], s1  }
0x335: {  	s0 =	simm.s32 @!p0 $0x2  }
0x336: {  	_ =	swait.ge @!p0 [sflag:s0], s1  }
0x337: {  	s1 =	ssub.s32 @!p0 $0x0, s1;
	[sflag:s0] =	ssyncset.done @!p0 $0x0  }
0x338: {  	[sflag:s0] =	ssyncadd.s32 @!p0 s1  }
0x339: {  	[bflag:$0x3] =	sbarrier.arrive $0xFFFF  }
0x33a: {  	_ =	shalt  }

</sc_bundles>
